<compile_context>
chip_gen: v7x
topology: tpu7x:2x2x1
jax: 0.10.2.dev20260603
libtpu: 0.0.44.dev20260713+nightly
codegen_flags: <defaults>
</compile_context>

<pallas_src>
import functools

import jax
import jax.numpy as jnp
from jax import lax
from jax.experimental import pallas as pl
from jax.experimental.pallas import tpu as pltpu
from jax.experimental.pallas import tpu_sc as plsc

N = 10000
E = 320000
D = 128
NC = 2
NS = 16
NW = NC * NS
EPT = E // NW
C = 40
NCHUNK = EPT // C
RPT = 640
RPT_LAST = N - RPT * (NS - 1)

@functools.cache
def _sc_aggregate_kernel():
    mesh = plsc.VectorSubcoreMesh(core_axis_name="c", subcore_axis_name="s")
    return functools.partial(
        pl.kernel,
        out_type=jax.ShapeDtypeStruct((NC * N, D), jnp.float32),
        mesh=mesh,
        scratch_types=[
            pltpu.VMEM_SHARED((N, D), jnp.float32),
            pltpu.VMEM((EPT,), jnp.int32),
            pltpu.VMEM((5, C), jnp.int32),
            pltpu.VMEM((2, C, D), jnp.float32),
            pltpu.VMEM((4, C, D), jnp.float32),
            pltpu.SemaphoreType.DMA,
            pltpu.SemaphoreType.DMA((2,)),
            pltpu.SemaphoreType.DMA((4,)),
        ],
    )(_sc_aggregate_body)


def _sc_aggregate_body(xp_hbm, src_hbm, dst_hbm, ea_hbm, out_hbm,
                       acc, src_v, dst_v, xg, ea, isem, dsem, ssem):
    c = lax.axis_index("c")
    s = lax.axis_index("s")
    wid = c * NS + s
    ebase = wid * EPT

    pltpu.async_copy(src_hbm.at[pl.ds(ebase, EPT)], src_v, isem)
    ea0 = ea.at[0]

    @plsc.parallel_loop(0, C, 1, unroll=2)
    def _zrow(i):
        for j in range(D // 16):
            ea0[i, pl.ds(16 * j, 16)] = jnp.zeros((16,), jnp.float32)

    nz = jnp.where(s == NS - 1, RPT_LAST // C, RPT // C)

    def _zcopy(t, carry):
        pltpu.sync_copy(ea0, acc.at[pl.ds(s * RPT + t * C, C)])
        return carry

    lax.fori_loop(0, nz, _zcopy, 0, unroll=False)
    pltpu.make_async_copy(src_hbm.at[pl.ds(0, EPT)], src_v, isem).wait()
    plsc.subcore_barrier()

    def start_idx(k):
        pltpu.async_copy(dst_hbm.at[pl.ds(ebase + k * C, C)],
                         dst_v.at[lax.rem(k, 5)], isem)

    def wait_idx():
        pltpu.make_async_copy(dst_hbm.at[pl.ds(0, C)], dst_v.at[0],
                              isem).wait()

    def start_data(k):
        b = lax.rem(k, 2)
        pltpu.async_copy(xp_hbm.at[src_v.at[pl.ds(k * C, C)]], xg.at[b],
                         dsem.at[b])
        pltpu.async_copy(ea_hbm.at[pl.ds(ebase + k * C, C)],
                         ea.at[lax.rem(k, 4)], dsem.at[b])

    def wait_data(k):
        b = lax.rem(k, 2)
        pltpu.make_async_copy(xp_hbm.at[pl.ds(0, C)], xg.at[b],
                              dsem.at[b]).wait()
        pltpu.make_async_copy(ea_hbm.at[pl.ds(ebase, C)],
                              ea.at[lax.rem(k, 4)], dsem.at[b]).wait()

    def wait_scatter(k):
        pltpu.make_async_copy(ea_hbm.at[pl.ds(ebase, C)],
                              ea.at[lax.rem(k, 4)],
                              ssem.at[lax.rem(k, 4)]).wait()

    def compute(k):
        xgb = xg.at[lax.rem(k, 2)]
        eam = ea.at[lax.rem(k, 4)]

        @plsc.parallel_loop(0, C, 1, unroll=4)
        def _row_body(i):
            for j in range(D // 16):
                sl = pl.ds(16 * j, 16)
                eam[i, sl] = jnp.maximum(xgb[i, sl] + eam[i, sl], 0.0)

    def start_scatter(k):
        pltpu.async_copy(ea.at[lax.rem(k, 4)],
                         acc.at[dst_v.at[lax.rem(k, 5)]],
                         ssem.at[lax.rem(k, 4)], add=True)

    start_idx(0)
    start_idx(1)
    wait_idx()
    start_data(0)

    wait_idx()
    start_data(1)
    start_idx(2)
    wait_data(0)
    compute(0)
    start_scatter(0)

    wait_idx()
    start_data(2)
    start_idx(3)
    wait_data(1)
    compute(1)
    start_scatter(1)

    wait_idx()
    start_data(3)
    start_idx(4)
    wait_data(2)
    compute(2)
    start_scatter(2)

    def pipe_body(k, carry):
        wait_idx()
        wait_scatter(k - 3)
        start_data(k + 1)
        start_idx(k + 2)
        wait_data(k)
        compute(k)
        start_scatter(k)
        return carry

    lax.fori_loop(3, NCHUNK - 2, pipe_body, 0, unroll=False)

    wait_idx()
    wait_scatter(NCHUNK - 5)
    start_data(NCHUNK - 1)
    wait_data(NCHUNK - 2)
    compute(NCHUNK - 2)
    start_scatter(NCHUNK - 2)

    wait_scatter(NCHUNK - 4)
    wait_data(NCHUNK - 1)
    compute(NCHUNK - 1)
    start_scatter(NCHUNK - 1)
    wait_scatter(NCHUNK - 3)
    wait_scatter(NCHUNK - 2)
    wait_scatter(NCHUNK - 1)

    plsc.subcore_barrier()

    @pl.when(s < NS - 1)
    def _write_main():
        pltpu.sync_copy(acc.at[pl.ds(s * RPT, RPT)],
                        out_hbm.at[pl.ds(c * N + s * RPT, RPT)])

    @pl.when(s == NS - 1)
    def _write_last():
        pltpu.sync_copy(acc.at[pl.ds((NS - 1) * RPT, RPT_LAST)],
                        out_hbm.at[pl.ds(c * N + (NS - 1) * RPT, RPT_LAST)])


_BN = 2000


def _mlp_body(eps_ref, x_ref, p0_ref, p1_ref, w1_ref, b1_ref, w2_ref, b2_ref,
              o_ref):
    a = (1.0 + eps_ref[0]) * x_ref[...] + p0_ref[...] + p1_ref[...]
    h = jnp.dot(a, w1_ref[...], preferred_element_type=jnp.float32)
    h = jnp.maximum(h + b1_ref[...], 0.0)
    o_ref[...] = (jnp.dot(h, w2_ref[...], preferred_element_type=jnp.float32)
                  + b2_ref[...])


def _mlp(eps, x, parts, W1, b1, W2, b2):
    nb = N // _BN
    return pl.pallas_call(
        _mlp_body,
        grid=(nb,),
        in_specs=[
            pl.BlockSpec(memory_space=pltpu.SMEM),
            pl.BlockSpec((_BN, D), lambda i: (i, 0)),
            pl.BlockSpec((_BN, D), lambda i: (i, 0)),
            pl.BlockSpec((_BN, D), lambda i: (i + nb, 0)),
            pl.BlockSpec((D, D), lambda i: (0, 0)),
            pl.BlockSpec((1, D), lambda i: (0, 0)),
            pl.BlockSpec((D, D), lambda i: (0, 0)),
            pl.BlockSpec((1, D), lambda i: (0, 0)),
        ],
        out_specs=pl.BlockSpec((_BN, D), lambda i: (i, 0)),
        out_shape=jax.ShapeDtypeStruct((N, D), jnp.float32),
    )(eps, x, parts, parts, W1, b1, W2, b2)


def kernel(x, edge_index, edge_attr, W1, b1, W2, b2, eps):
    src = edge_index[0].astype(jnp.int32)
    dst = edge_index[1].astype(jnp.int32)
    parts = _sc_aggregate_kernel()(x, src, dst, edge_attr)
    return _mlp(eps.reshape(1), x, parts, W1, b1.reshape(1, D), W2,
                b2.reshape(1, D))

# --- scband reference (transcript-rebuilt; emitter-appended) ---
"""Pipeline reference for scband-gineconv-68049461837965 (READ-ONLY COPY).

The authoritative reference and input builder live on the scoring server;
editing this copy changes nothing except your own understanding.
"""

import jax, jax.numpy as jnp
import numpy as np

N = 10000
E = 320000
D = 128

def setup_inputs(seed: int = 0) -> dict:
    key = jax.random.key(seed)
    k1, k2, k3, k4, k5 = jax.random.split(key, 5)
    x = jax.random.normal(k1, (N, D), dtype=jnp.float32)
    edge_index = jax.random.randint(k2, (2, E), 0, N, dtype=jnp.int64)
    edge_attr = jax.random.normal(k3, (E, D), dtype=jnp.float32)
    # MLP(nin=128, nout=128, nlayer=2): Linear(128,128) -> ReLU -> Linear(128,128)
    W1 = jax.random.normal(k4, (D, D), dtype=jnp.float32) * (1.0 / np.sqrt(D))
    b1 = jnp.zeros((D,), dtype=jnp.float32)
    W2 = jax.random.normal(k5, (D, D), dtype=jnp.float32) * (1.0 / np.sqrt(D))
    b2 = jnp.zeros((D,), dtype=jnp.float32)
    eps = jnp.zeros((), dtype=jnp.float32)  # train_eps=True, initialized to 0
    return {"x": x, "edge_index": edge_index, "edge_attr": edge_attr,
            "W1": W1, "b1": b1, "W2": W2, "b2": b2, "eps": eps}

def reference(x, edge_index, edge_attr, W1, b1, W2, b2, eps):
    # PyG GINEConv: out = nn((1+eps)*x_i + sum_{j in N(i)} ReLU(x_j + e_ji))
    src = edge_index[0]
    dst = edge_index[1]
    msg = jax.nn.relu(jnp.take(x, src, axis=0) + edge_attr)
    aggr = jax.ops.segment_sum(msg, dst, num_segments=N)
    h = (1.0 + eps) * x + aggr
    h = jax.nn.relu(h @ W1 + b1)
    out = h @ W2 + b2
    return out

if __name__ == "__main__":
    import jax
    _d = setup_inputs()
    print(jax.jit(kernel)(*tuple(_d.values())))

</pallas_src>

<mosaic_0001>
#map = affine_map<(d0, d1) -> (0, 0)>
#map1 = affine_map<(d0, d1) -> (0)>
module attributes {stable_mosaic.version = 14 : i64} {
  func.func @_sc_aggregate_body(%arg0: i32, %arg1: i32, %arg2: memref<10000x128xf32, #tpu.memory_space<hbm>>, %arg3: memref<320000xi32, #tpu.memory_space<hbm>>, %arg4: memref<320000xi32, #tpu.memory_space<hbm>>, %arg5: memref<320000x128xf32, #tpu.memory_space<hbm>>, %arg6: memref<20000x128xf32, #tpu.memory_space<hbm>>, %arg7: memref<10000x128xf32, #tpu.memory_space<vmem_shared>>, %arg8: memref<10000xi32, #tpu.memory_space<vmem>>, %arg9: memref<5x40xi32, #tpu.memory_space<vmem>>, %arg10: memref<2x40x128xf32, #tpu.memory_space<vmem>>, %arg11: memref<4x40x128xf32, #tpu.memory_space<vmem>>, %arg12: memref<!tpu.dma_semaphore, #tpu.memory_space<semaphore_mem>>, %arg13: memref<2x!tpu.dma_semaphore, #tpu.memory_space<semaphore_mem>>, %arg14: memref<4x!tpu.dma_semaphore, #tpu.memory_space<semaphore_mem>>) attributes {dimension_semantics = [#tpu.dimension_semantics<core_parallel>, #tpu.dimension_semantics<subcore_parallel>], iteration_bounds = array<i64: 2, 16>, scalar_prefetch = 0 : i64, scratch_operands = 8 : i64, tpu.core_type = #tpu.core_type<sc_vector_subcore>, window_params = [{transform_indices = #map}, {transform_indices = #map1}, {transform_indices = #map1}, {transform_indices = #map}, {transform_indices = #map}]} {
    %mul3A = arith.constant 16 : i32
    %mul3A_0 = arith.muli %arg0, %mul3A : i32
    %add3A = arith.addi %mul3A_0, %arg1 : i32
    %mul3A_1 = arith.constant 10000 : i32
    %mul3A_2 = arith.muli %add3A, %mul3A_1 : i32
    %dma_start3A = tpu.memref_slice %arg3[%mul3A_2] : memref<320000xi32, #tpu.memory_space<hbm>> -> memref<10000xi32, #tpu.memory_space<hbm>>
    %dma_start3A_3 = tpu.memref_slice %arg3[%mul3A_2] : memref<320000xi32, #tpu.memory_space<hbm>> -> memref<10000xi32, #tpu.memory_space<hbm>>
    tpu.enqueue_dma source(%dma_start3A_3 : memref<10000xi32, #tpu.memory_space<hbm>>) target(%arg8 : memref<10000xi32, #tpu.memory_space<vmem>>) target_semaphore(%arg12 : memref<!tpu.dma_semaphore, #tpu.memory_space<semaphore_mem>>)
    %parallel_loop3A = arith.constant 0 : i32
    %parallel_loop3A_4 = arith.constant 40 : i32
    %parallel_loop3A_5 = arith.constant 1 : i32
    %parallel_loop3A_6 = arith.constant 0 : i32
    scf.for %parallel_loop3A_749 = %parallel_loop3A to %parallel_loop3A_4 step %parallel_loop3A_5  : i32 {
      %parallel_loop3A_750 = arith.constant 0.000000e+00 : f32
      %parallel_loop3A_751 = vector.broadcast %parallel_loop3A_750 : f32 to vector<16xf32>
      %parallel_loop3A_752 = arith.constant 0 : i32
      %parallel_loop3A_753 = arith.constant 0 : i32
      %parallel_loop3A_754 = tpu.memref_slice %arg11[%parallel_loop3A_6, %parallel_loop3A_752, %parallel_loop3A_753] : memref<4x40x128xf32, #tpu.memory_space<vmem>> -> memref<1x40x128xf32, #tpu.memory_space<vmem>>
      %parallel_loop3A_755 = tpu.memref_squeeze %parallel_loop3A_754 : memref<1x40x128xf32, #tpu.memory_space<vmem>> -> memref<40x128xf32, #tpu.memory_space<vmem>>
      %parallel_loop3A_756 = arith.index_cast %parallel_loop3A_749 : i32 to index
      %parallel_loop3A_757 = arith.constant 0 : index
      %parallel_loop3A_758 = tpu.vector_load %parallel_loop3A_755[%parallel_loop3A_756, %parallel_loop3A_757] {strides = array<i32>} : memref<40x128xf32, #tpu.memory_space<vmem>>, vector<1x16xf32>,
      %parallel_loop3A_759 = vector.shape_cast %parallel_loop3A_758 : vector<1x16xf32> to vector<16xf32>
      %parallel_loop3A_760 = vector.shape_cast %parallel_loop3A_751 : vector<16xf32> to vector<1x16xf32>
      tpu.vector_store %parallel_loop3A_755[%parallel_loop3A_756, %parallel_loop3A_757], %parallel_loop3A_760 {strides = array<i32>} : memref<40x128xf32, #tpu.memory_space<vmem>>, vector<1x16xf32>,
      %parallel_loop3A_761 = arith.constant 0.000000e+00 : f32
      %parallel_loop3A_762 = vector.broadcast %parallel_loop3A_761 : f32 to vector<16xf32>
      %parallel_loop3A_763 = arith.constant 0 : i32
      %parallel_loop3A_764 = arith.constant 0 : i32
      %parallel_loop3A_765 = tpu.memref_slice %arg11[%parallel_loop3A_6, %parallel_loop3A_763, %parallel_loop3A_764] : memref<4x40x128xf32, #tpu.memory_space<vmem>> -> memref<1x40x128xf32, #tpu.memory_space<vmem>>
      %parallel_loop3A_766 = tpu.memref_squeeze %parallel_loop3A_765 : memref<1x40x128xf32, #tpu.memory_space<vmem>> -> memref<40x128xf32, #tpu.memory_space<vmem>>
      %parallel_loop3A_767 = arith.index_cast %parallel_loop3A_749 : i32 to index
      %parallel_loop3A_768 = arith.constant 16 : index
      %parallel_loop3A_769 = tpu.vector_load %parallel_loop3A_766[%parallel_loop3A_767, %parallel_loop3A_768] {strides = array<i32>} : memref<40x128xf32, #tpu.memory_space<vmem>>, vector<1x16xf32>,
      %parallel_loop3A_770 = vector.shape_cast %parallel_loop3A_769 : vector<1x16xf32> to vector<16xf32>
      %parallel_loop3A_771 = vector.shape_cast %parallel_loop3A_762 : vector<16xf32> to vector<1x16xf32>
      tpu.vector_store %parallel_loop3A_766[%parallel_loop3A_767, %parallel_loop3A_768], %parallel_loop3A_771 {strides = array<i32>} : memref<40x128xf32, #tpu.memory_space<vmem>>, vector<1x16xf32>,
      %parallel_loop3A_772 = arith.constant 0.000000e+00 : f32
      %parallel_loop3A_773 = vector.broadcast %parallel_loop3A_772 : f32 to vector<16xf32>
      %parallel_loop3A_774 = arith.constant 0 : i32
      %parallel_loop3A_775 = arith.constant 0 : i32
      %parallel_loop3A_776 = tpu.memref_slice %arg11[%parallel_loop3A_6, %parallel_loop3A_774, %parallel_loop3A_775] : memref<4x40x128xf32, #tpu.memory_space<vmem>> -> memref<1x40x128xf32, #tpu.memory_space<vmem>>
      %parallel_loop3A_777 = tpu.memref_squeeze %parallel_loop3A_776 : memref<1x40x128xf32, #tpu.memory_space<vmem>> -> memref<40x128xf32, #tpu.memory_space<vmem>>
      %parallel_loop3A_778 = arith.index_cast %parallel_loop3A_749 : i32 to index
      %parallel_loop3A_779 = arith.constant 32 : index
      %parallel_loop3A_780 = tpu.vector_load %parallel_loop3A_777[%parallel_loop3A_778, %parallel_loop3A_779] {strides = array<i32>} : memref<40x128xf32, #tpu.memory_space<vmem>>, vector<1x16xf32>,
      %parallel_loop3A_781 = vector.shape_cast %parallel_loop3A_780 : vector<1x16xf32> to vector<16xf32>
      %parallel_loop3A_782 = vector.shape_cast %parallel_loop3A_773 : vector<16xf32> to vector<1x16xf32>
      tpu.vector_store %parallel_loop3A_777[%parallel_loop3A_778, %parallel_loop3A_779], %parallel_loop3A_782 {strides = array<i32>} : memref<40x128xf32, #tpu.memory_space<vmem>>, vector<1x16xf32>,
      %parallel_loop3A_783 = arith.constant 0.000000e+00 : f32
      %parallel_loop3A_784 = vector.broadcast %parallel_loop3A_783 : f32 to vector<16xf32>
      %parallel_loop3A_785 = arith.constant 0 : i32
      %parallel_loop3A_786 = arith.constant 0 : i32
      %parallel_loop3A_787 = tpu.memref_slice %arg11[%parallel_loop3A_6, %parallel_loop3A_785, %parallel_loop3A_786] : memref<4x40x128xf32, #tpu.memory_space<vmem>> -> memref<1x40x128xf32, #tpu.memory_space<vmem>>
      %parallel_loop3A_788 = tpu.memref_squeeze %parallel_loop3A_787 : memref<1x40x128xf32, #tpu.memory_space<vmem>> -> memref<40x128xf32, #tpu.memory_space<vmem>>
      %parallel_loop3A_789 = arith.index_cast %parallel_loop3A_749 : i32 to index
      %parallel_loop3A_790 = arith.constant 48 : index
      %parallel_loop3A_791 = tpu.vector_load %parallel_loop3A_788[%parallel_loop3A_789, %parallel_loop3A_790] {strides = array<i32>} : memref<40x128xf32, #tpu.memory_space<vmem>>, vector<1x16xf32>,
      %parallel_loop3A_792 = vector.shape_cast %parallel_loop3A_791 : vector<1x16xf32> to vector<16xf32>
      %parallel_loop3A_793 = vector.shape_cast %parallel_loop3A_784 : vector<16xf32> to vector<1x16xf32>
      tpu.vector_store %parallel_loop3A_788[%parallel_loop3A_789, %parallel_loop3A_790], %parallel_loop3A_793 {strides = array<i32>} : memref<40x128xf32, #tpu.memory_space<vmem>>, vector<1x16xf32>,
      %parallel_loop3A_794 = arith.constant 0.000000e+00 : f32
      %parallel_loop3A_795 = vector.broadcast %parallel_loop3A_794 : f32 to vector<16xf32>
      %parallel_loop3A_796 = arith.constant 0 : i32
      %parallel_loop3A_797 = arith.constant 0 : i32
      %parallel_loop3A_798 = tpu.memref_slice %arg11[%parallel_loop3A_6, %parallel_loop3A_796, %parallel_loop3A_797] : memref<4x40x128xf32, #tpu.memory_space<vmem>> -> memref<1x40x128xf32, #tpu.memory_space<vmem>>
      %parallel_loop3A_799 = tpu.memref_squeeze %parallel_loop3A_798 : memref<1x40x128xf32, #tpu.memory_space<vmem>> -> memref<40x128xf32, #tpu.memory_space<vmem>>
      %parallel_loop3A_800 = arith.index_cast %parallel_loop3A_749 : i32 to index
      %parallel_loop3A_801 = arith.constant 64 : index
      %parallel_loop3A_802 = tpu.vector_load %parallel_loop3A_799[%parallel_loop3A_800, %parallel_loop3A_801] {strides = array<i32>} : memref<40x128xf32, #tpu.memory_space<vmem>>, vector<1x16xf32>,
      %parallel_loop3A_803 = vector.shape_cast %parallel_loop3A_802 : vector<1x16xf32> to vector<16xf32>
      %parallel_loop3A_804 = vector.shape_cast %parallel_loop3A_795 : vector<16xf32> to vector<1x16xf32>
      tpu.vector_store %parallel_loop3A_799[%parallel_loop3A_800, %parallel_loop3A_801], %parallel_loop3A_804 {strides = array<i32>} : memref<40x128xf32, #tpu.memory_space<vmem>>, vector<1x16xf32>,
      %parallel_loop3A_805 = arith.constant 0.000000e+00 : f32
      %parallel_loop3A_806 = vector.broadcast %parallel_loop3A_805 : f32 to vector<16xf32>
      %parallel_loop3A_807 = arith.constant 0 : i32
      %parallel_loop3A_808 = arith.constant 0 : i32
      %parallel_loop3A_809 = tpu.memref_slice %arg11[%parallel_loop3A_6, %parallel_loop3A_807, %parallel_loop3A_808] : memref<4x40x128xf32, #tpu.memory_space<vmem>> -> memref<1x40x128xf32, #tpu.memory_space<vmem>>
      %parallel_loop3A_810 = tpu.memref_squeeze %parallel_loop3A_809 : memref<1x40x128xf32, #tpu.memory_space<vmem>> -> memref<40x128xf32, #tpu.memory_space<vmem>>
      %parallel_loop3A_811 = arith.index_cast %parallel_loop3A_749 : i32 to index
      %parallel_loop3A_812 = arith.constant 80 : index
      %parallel_loop3A_813 = tpu.vector_load %parallel_loop3A_810[%parallel_loop3A_811, %parallel_loop3A_812] {strides = array<i32>} : memref<40x128xf32, #tpu.memory_space<vmem>>, vector<1x16xf32>,
      %parallel_loop3A_814 = vector.shape_cast %parallel_loop3A_813 : vector<1x16xf32> to vector<16xf32>
      %parallel_loop3A_815 = vector.shape_cast %parallel_loop3A_806 : vector<16xf32> to vector<1x16xf32>
      tpu.vector_store %parallel_loop3A_810[%parallel_loop3A_811, %parallel_loop3A_812], %parallel_loop3A_815 {strides = array<i32>} : memref<40x128xf32, #tpu.memory_space<vmem>>, vector<1x16xf32>,
      %parallel_loop3A_816 = arith.constant 0.000000e+00 : f32
      %parallel_loop3A_817 = vector.broadcast %parallel_loop3A_816 : f32 to vector<16xf32>
      %parallel_loop3A_818 = arith.constant 0 : i32
      %parallel_loop3A_819 = arith.constant 0 : i32
      %parallel_loop3A_820 = tpu.memref_slice %arg11[%parallel_loop3A_6, %parallel_loop3A_818, %parallel_loop3A_819] : memref<4x40x128xf32, #tpu.memory_space<vmem>> -> memref<1x40x128xf32, #tpu.memory_space<vmem>>
      %parallel_loop3A_821 = tpu.memref_squeeze %parallel_loop3A_820 : memref<1x40x128xf32, #tpu.memory_space<vmem>> -> memref<40x128xf32, #tpu.memory_space<vmem>>
      %parallel_loop3A_822 = arith.index_cast %parallel_loop3A_749 : i32 to index
      %parallel_loop3A_823 = arith.constant 96 : index
      %parallel_loop3A_824 = tpu.vector_load %parallel_loop3A_821[%parallel_loop3A_822, %parallel_loop3A_823] {strides = array<i32>} : memref<40x128xf32, #tpu.memory_space<vmem>>, vector<1x16xf32>,
      %parallel_loop3A_825 = vector.shape_cast %parallel_loop3A_824 : vector<1x16xf32> to vector<16xf32>
      %parallel_loop3A_826 = vector.shape_cast %parallel_loop3A_817 : vector<16xf32> to vector<1x16xf32>
      tpu.vector_store %parallel_loop3A_821[%parallel_loop3A_822, %parallel_loop3A_823], %parallel_loop3A_826 {strides = array<i32>} : memref<40x128xf32, #tpu.memory_space<vmem>>, vector<1x16xf32>,
      %parallel_loop3A_827 = arith.constant 0.000000e+00 : f32
      %parallel_loop3A_828 = vector.broadcast %parallel_loop3A_827 : f32 to vector<16xf32>
      %parallel_loop3A_829 = arith.constant 0 : i32
      %parallel_loop3A_830 = arith.constant 0 : i32
      %parallel_loop3A_831 = tpu.memref_slice %arg11[%parallel_loop3A_6, %parallel_loop3A_829, %parallel_loop3A_830] : memref<4x40x128xf32, #tpu.memory_space<vmem>> -> memref<1x40x128xf32, #tpu.memory_space<vmem>>
      %parallel_loop3A_832 = tpu.memref_squeeze %parallel_loop3A_831 : memref<1x40x128xf32, #tpu.memory_space<vmem>> -> memref<40x128xf32, #tpu.memory_space<vmem>>
      %parallel_loop3A_833 = arith.index_cast %parallel_loop3A_749 : i32 to index
      %parallel_loop3A_834 = arith.constant 112 : index
      %parallel_loop3A_835 = tpu.vector_load %parallel_loop3A_832[%parallel_loop3A_833, %parallel_loop3A_834] {strides = array<i32>} : memref<40x128xf32, #tpu.memory_space<vmem>>, vector<1x16xf32>,
      %parallel_loop3A_836 = vector.shape_cast %parallel_loop3A_835 : vector<1x16xf32> to vector<16xf32>
      %parallel_loop3A_837 = vector.shape_cast %parallel_loop3A_828 : vector<16xf32> to vector<1x16xf32>
      tpu.vector_store %parallel_loop3A_832[%parallel_loop3A_833, %parallel_loop3A_834], %parallel_loop3A_837 {strides = array<i32>} : memref<40x128xf32, #tpu.memory_space<vmem>>, vector<1x16xf32>,
    } {sc.loop_unroll_factor = 2 : i64, sc.parallel_access}
    %eq3A = arith.constant 15 : i32
    %eq3A_7 = arith.cmpi eq, %arg1, %eq3A : i32
    %jit3A = arith.constant 10 : i32
    %jit3A_8 = arith.constant 16 : i32
    %select_n3A = arith.select %eq3A_7, %jit3A, %jit3A_8 : i32
    %while3A = arith.constant 0 : i32
    %while3A_9 = arith.constant 0 : i32
    %while3A_10 = arith.constant 0 : i32
    %while3A_11 = arith.subi %select_n3A, %while3A_10 : i32
    %while3A_12 = arith.addi %while3A_10, %while3A_11 : i32
    %while3A_13 = arith.constant 1 : i32
    %while3A_14 = arith.divsi %while3A_11, %while3A_13 : i32
    %while3A_15 = arith.muli %while3A_14, %while3A_13 : i32
    %while3A_16 = arith.addi %while3A_10, %while3A_15 : i32
    %while3A_17 = arith.constant 1 : i32
    scf.for %while3A_749 = %while3A_10 to %while3A_16 step %while3A_17  : i32 {
      %mul3A_750 = arith.constant 640 : i32
      %mul3A_751 = arith.muli %arg1, %mul3A_750 : i32
      %mul3A_752 = arith.constant 40 : i32
      %mul3A_753 = arith.muli %while3A_749, %mul3A_752 : i32
      %add3A_754 = arith.addi %mul3A_751, %mul3A_753 : i32
      "tpu.region"() ({
        %run_scoped3A = tpu.sem_alloc : memref<!tpu.dma_semaphore, #tpu.memory_space<semaphore_mem>>
        %dma_start3A_755 = arith.constant 0 : i32
        %dma_start3A_756 = arith.constant 0 : i32
        %dma_start3A_757 = tpu.memref_slice %arg11[%while3A_9, %dma_start3A_755, %dma_start3A_756] : memref<4x40x128xf32, #tpu.memory_space<vmem>> -> memref<1x40x128xf32, #tpu.memory_space<vmem>>
        %dma_start3A_758 = tpu.memref_squeeze %dma_start3A_757 : memref<1x40x128xf32, #tpu.memory_space<vmem>> -> memref<40x128xf32, #tpu.memory_space<vmem>>
        %dma_start3A_759 = arith.constant 0 : i32
        %dma_start3A_760 = tpu.memref_slice %arg7[%add3A_754, %dma_start3A_759] : memref<10000x128xf32, #tpu.memory_space<vmem_shared>> -> memref<40x128xf32, #tpu.memory_space<vmem_shared>>
        %dma_start3A_761 = arith.constant 0 : i32
        %dma_start3A_762 = tpu.memref_slice %arg7[%add3A_754, %dma_start3A_761] : memref<10000x128xf32, #tpu.memory_space<vmem_shared>> -> memref<40x128xf32, #tpu.memory_space<vmem_shared>>
        %dma_start3A_763 = arith.constant 0 : i32
        %dma_start3A_764 = arith.constant 0 : i32
        %dma_start3A_765 = tpu.memref_slice %arg11[%while3A_9, %dma_start3A_763, %dma_start3A_764] : memref<4x40x128xf32, #tpu.memory_space<vmem>> -> memref<1x40x128xf32, #tpu.memory_space<vmem>>
        %dma_start3A_766 = tpu.memref_squeeze %dma_start3A_765 : memref<1x40x128xf32, #tpu.memory_space<vmem>> -> memref<40x128xf32, #tpu.memory_space<vmem>>
        tpu.enqueue_dma source(%dma_start3A_766 : memref<40x128xf32, #tpu.memory_space<vmem>>) target(%dma_start3A_762 : memref<40x128xf32, #tpu.memory_space<vmem_shared>>) target_semaphore(%run_scoped3A : memref<!tpu.dma_semaphore, #tpu.memory_space<semaphore_mem>>)
        %dma_wait3A_767 = arith.constant 0 : i32
        %dma_wait3A_768 = arith.constant 0 : i32
        %dma_wait3A_769 = tpu.memref_slice %arg11[%while3A_9, %dma_wait3A_767, %dma_wait3A_768] : memref<4x40x128xf32, #tpu.memory_space<vmem>> -> memref<1x40x128xf32, #tpu.memory_space<vmem>>
        %dma_wait3A_770 = tpu.memref_squeeze %dma_wait3A_769 : memref<1x40x128xf32, #tpu.memory_space<vmem>> -> memref<40x128xf32, #tpu.memory_space<vmem>>
        %dma_wait3A_771 = arith.constant 0 : i32
        %dma_wait3A_772 = tpu.memref_slice %arg7[%add3A_754, %dma_wait3A_771] : memref<10000x128xf32, #tpu.memory_space<vmem_shared>> -> memref<40x128xf32, #tpu.memory_space<vmem_shared>>
        %dma_wait3A_773 = arith.constant 0 : i32
        %dma_wait3A_774 = tpu.memref_slice %arg7[%add3A_754, %dma_wait3A_773] : memref<10000x128xf32, #tpu.memory_space<vmem_shared>> -> memref<40x128xf32, #tpu.memory_space<vmem_shared>>
        %dma_wait3A_775 = arith.constant 0 : i32
        %dma_wait3A_776 = arith.constant 0 : i32
        %dma_wait3A_777 = tpu.memref_slice %arg11[%while3A_9, %dma_wait3A_775, %dma_wait3A_776] : memref<4x40x128xf32, #tpu.memory_space<vmem>> -> memref<1x40x128xf32, #tpu.memory_space<vmem>>
        %dma_wait3A_778 = tpu.memref_squeeze %dma_wait3A_777 : memref<1x40x128xf32, #tpu.memory_space<vmem>> -> memref<40x128xf32, #tpu.memory_space<vmem>>
        tpu.wait_dma2 semaphore(%run_scoped3A : memref<!tpu.dma_semaphore, #tpu.memory_space<semaphore_mem>>) src(%dma_wait3A_778 : memref<40x128xf32, #tpu.memory_space<vmem>>) dst(%dma_wait3A_774 : memref<40x128xf32, #tpu.memory_space<vmem_shared>>)
        tpu.yield
      }) : () -> ()
    }
    %while3A_18 = arith.constant 1 : i32
    scf.for %while3A_749 = %while3A_16 to %while3A_12 step %while3A_18  : i32 {
      %mul3A_750 = arith.constant 640 : i32
      %mul3A_751 = arith.muli %arg1, %mul3A_750 : i32
      %mul3A_752 = arith.constant 40 : i32
      %mul3A_753 = arith.muli %while3A_749, %mul3A_752 : i32
      %add3A_754 = arith.addi %mul3A_751, %mul3A_753 : i32
      "tpu.region"() ({
        %run_scoped3A = tpu.sem_alloc : memref<!tpu.dma_semaphore, #tpu.memory_space<semaphore_mem>>
        %dma_start3A_755 = arith.constant 0 : i32
        %dma_start3A_756 = arith.constant 0 : i32
        %dma_start3A_757 = tpu.memref_slice %arg11[%while3A_9, %dma_start3A_755, %dma_start3A_756] : memref<4x40x128xf32, #tpu.memory_space<vmem>> -> memref<1x40x128xf32, #tpu.memory_space<vmem>>
        %dma_start3A_758 = tpu.memref_squeeze %dma_start3A_757 : memref<1x40x128xf32, #tpu.memory_space<vmem>> -> memref<40x128xf32, #tpu.memory_space<vmem>>
        %dma_start3A_759 = arith.constant 0 : i32
        %dma_start3A_760 = tpu.memref_slice %arg7[%add3A_754, %dma_start3A_759] : memref<10000x128xf32, #tpu.memory_space<vmem_shared>> -> memref<40x128xf32, #tpu.memory_space<vmem_shared>>
        %dma_start3A_761 = arith.constant 0 : i32
        %dma_start3A_762 = tpu.memref_slice %arg7[%add3A_754, %dma_start3A_761] : memref<10000x128xf32, #tpu.memory_space<vmem_shared>> -> memref<40x128xf32, #tpu.memory_space<vmem_shared>>
        %dma_start3A_763 = arith.constant 0 : i32
        %dma_start3A_764 = arith.constant 0 : i32
        %dma_start3A_765 = tpu.memref_slice %arg11[%while3A_9, %dma_start3A_763, %dma_start3A_764] : memref<4x40x128xf32, #tpu.memory_space<vmem>> -> memref<1x40x128xf32, #tpu.memory_space<vmem>>
        %dma_start3A_766 = tpu.memref_squeeze %dma_start3A_765 : memref<1x40x128xf32, #tpu.memory_space<vmem>> -> memref<40x128xf32, #tpu.memory_space<vmem>>
        tpu.enqueue_dma source(%dma_start3A_766 : memref<40x128xf32, #tpu.memory_space<vmem>>) target(%dma_start3A_762 : memref<40x128xf32, #tpu.memory_space<vmem_shared>>) target_semaphore(%run_scoped3A : memref<!tpu.dma_semaphore, #tpu.memory_space<semaphore_mem>>)
        %dma_wait3A_767 = arith.constant 0 : i32
        %dma_wait3A_768 = arith.constant 0 : i32
        %dma_wait3A_769 = tpu.memref_slice %arg11[%while3A_9, %dma_wait3A_767, %dma_wait3A_768] : memref<4x40x128xf32, #tpu.memory_space<vmem>> -> memref<1x40x128xf32, #tpu.memory_space<vmem>>
        %dma_wait3A_770 = tpu.memref_squeeze %dma_wait3A_769 : memref<1x40x128xf32, #tpu.memory_space<vmem>> -> memref<40x128xf32, #tpu.memory_space<vmem>>
        %dma_wait3A_771 = arith.constant 0 : i32
        %dma_wait3A_772 = tpu.memref_slice %arg7[%add3A_754, %dma_wait3A_771] : memref<10000x128xf32, #tpu.memory_space<vmem_shared>> -> memref<40x128xf32, #tpu.memory_space<vmem_shared>>
        %dma_wait3A_773 = arith.constant 0 : i32
        %dma_wait3A_774 = tpu.memref_slice %arg7[%add3A_754, %dma_wait3A_773] : memref<10000x128xf32, #tpu.memory_space<vmem_shared>> -> memref<40x128xf32, #tpu.memory_space<vmem_shared>>
        %dma_wait3A_775 = arith.constant 0 : i32
        %dma_wait3A_776 = arith.constant 0 : i32
        %dma_wait3A_777 = tpu.memref_slice %arg11[%while3A_9, %dma_wait3A_775, %dma_wait3A_776] : memref<4x40x128xf32, #tpu.memory_space<vmem>> -> memref<1x40x128xf32, #tpu.memory_space<vmem>>
        %dma_wait3A_778 = tpu.memref_squeeze %dma_wait3A_777 : memref<1x40x128xf32, #tpu.memory_space<vmem>> -> memref<40x128xf32, #tpu.memory_space<vmem>>
        tpu.wait_dma2 semaphore(%run_scoped3A : memref<!tpu.dma_semaphore, #tpu.memory_space<semaphore_mem>>) src(%dma_wait3A_778 : memref<40x128xf32, #tpu.memory_space<vmem>>) dst(%dma_wait3A_774 : memref<40x128xf32, #tpu.memory_space<vmem_shared>>)
        tpu.yield
      }) : () -> ()
    }
    %dma_wait3A = arith.constant 0 : i32
    %dma_wait3A_19 = tpu.memref_slice %arg3[%dma_wait3A] : memref<320000xi32, #tpu.memory_space<hbm>> -> memref<10000xi32, #tpu.memory_space<hbm>>
    %dma_wait3A_20 = arith.constant 0 : i32
    %dma_wait3A_21 = tpu.memref_slice %arg3[%dma_wait3A_20] : memref<320000xi32, #tpu.memory_space<hbm>> -> memref<10000xi32, #tpu.memory_space<hbm>>
    tpu.wait_dma2 semaphore(%arg12 : memref<!tpu.dma_semaphore, #tpu.memory_space<semaphore_mem>>) src(%dma_wait3A_21 : memref<10000xi32, #tpu.memory_space<hbm>>) dst(%arg8 : memref<10000xi32, #tpu.memory_space<vmem>>)
    %barrier3A = arith.constant 0 : index
    tpu.barrier barrier_id(%barrier3A)
    %add3A_22 = arith.constant 0 : i32
    %add3A_23 = arith.addi %mul3A_2, %add3A_22 : i32
    %rem3A = arith.constant 0 : i32
    %rem3A_24 = arith.constant 5 : i32
    %rem3A_25 = arith.remsi %rem3A, %rem3A_24 : i32
    %dma_start3A_26 = arith.constant 0 : i32
    %dma_start3A_27 = tpu.memref_slice %arg9[%rem3A_25, %dma_start3A_26] : memref<5x40xi32, #tpu.memory_space<vmem>> -> memref<1x40xi32, #tpu.memory_space<vmem>>
    %dma_start3A_28 = tpu.memref_squeeze %dma_start3A_27 : memref<1x40xi32, #tpu.memory_space<vmem>> -> memref<40xi32, #tpu.memory_space<vmem>>
    %dma_start3A_29 = tpu.memref_slice %arg4[%add3A_23] : memref<320000xi32, #tpu.memory_space<hbm>> -> memref<40xi32, #tpu.memory_space<hbm>>
    %dma_start3A_30 = arith.constant 0 : i32
    %dma_start3A_31 = tpu.memref_slice %arg9[%rem3A_25, %dma_start3A_30] : memref<5x40xi32, #tpu.memory_space<vmem>> -> memref<1x40xi32, #tpu.memory_space<vmem>>
    %dma_start3A_32 = tpu.memref_squeeze %dma_start3A_31 : memref<1x40xi32, #tpu.memory_space<vmem>> -> memref<40xi32, #tpu.memory_space<vmem>>
    %dma_start3A_33 = tpu.memref_slice %arg4[%add3A_23] : memref<320000xi32, #tpu.memory_space<hbm>> -> memref<40xi32, #tpu.memory_space<hbm>>
    tpu.enqueue_dma source(%dma_start3A_33 : memref<40xi32, #tpu.memory_space<hbm>>) target(%dma_start3A_32 : memref<40xi32, #tpu.memory_space<vmem>>) target_semaphore(%arg12 : memref<!tpu.dma_semaphore, #tpu.memory_space<semaphore_mem>>)
    %add3A_34 = arith.constant 40 : i32
    %add3A_35 = arith.addi %mul3A_2, %add3A_34 : i32
    %rem3A_36 = arith.constant 1 : i32
    %rem3A_37 = arith.constant 5 : i32
    %rem3A_38 = arith.remsi %rem3A_36, %rem3A_37 : i32
    %dma_start3A_39 = arith.constant 0 : i32
    %dma_start3A_40 = tpu.memref_slice %arg9[%rem3A_38, %dma_start3A_39] : memref<5x40xi32, #tpu.memory_space<vmem>> -> memref<1x40xi32, #tpu.memory_space<vmem>>
    %dma_start3A_41 = tpu.memref_squeeze %dma_start3A_40 : memref<1x40xi32, #tpu.memory_space<vmem>> -> memref<40xi32, #tpu.memory_space<vmem>>
    %dma_start3A_42 = tpu.memref_slice %arg4[%add3A_35] : memref<320000xi32, #tpu.memory_space<hbm>> -> memref<40xi32, #tpu.memory_space<hbm>>
    %dma_start3A_43 = arith.constant 0 : i32
    %dma_start3A_44 = tpu.memref_slice %arg9[%rem3A_38, %dma_start3A_43] : memref<5x40xi32, #tpu.memory_space<vmem>> -> memref<1x40xi32, #tpu.memory_space<vmem>>
    %dma_start3A_45 = tpu.memref_squeeze %dma_start3A_44 : memref<1x40xi32, #tpu.memory_space<vmem>> -> memref<40xi32, #tpu.memory_space<vmem>>
    %dma_start3A_46 = tpu.memref_slice %arg4[%add3A_35] : memref<320000xi32, #tpu.memory_space<hbm>> -> memref<40xi32, #tpu.memory_space<hbm>>
    tpu.enqueue_dma source(%dma_start3A_46 : memref<40xi32, #tpu.memory_space<hbm>>) target(%dma_start3A_45 : memref<40xi32, #tpu.memory_space<vmem>>) target_semaphore(%arg12 : memref<!tpu.dma_semaphore, #tpu.memory_space<semaphore_mem>>)
    %dma_wait3A_47 = arith.constant 0 : i32
    %dma_wait3A_48 = arith.constant 0 : i32
    %dma_wait3A_49 = tpu.memref_slice %arg9[%dma_wait3A_47, %dma_wait3A_48] : memref<5x40xi32, #tpu.memory_space<vmem>> -> memref<1x40xi32, #tpu.memory_space<vmem>>
    %dma_wait3A_50 = tpu.memref_squeeze %dma_wait3A_49 : memref<1x40xi32, #tpu.memory_space<vmem>> -> memref<40xi32, #tpu.memory_space<vmem>>
    %dma_wait3A_51 = arith.constant 0 : i32
    %dma_wait3A_52 = tpu.memref_slice %arg4[%dma_wait3A_51] : memref<320000xi32, #tpu.memory_space<hbm>> -> memref<40xi32, #tpu.memory_space<hbm>>
    %dma_wait3A_53 = arith.constant 0 : i32
    %dma_wait3A_54 = tpu.memref_slice %arg9[%dma_wait3A_47, %dma_wait3A_53] : memref<5x40xi32, #tpu.memory_space<vmem>> -> memref<1x40xi32, #tpu.memory_space<vmem>>
    %dma_wait3A_55 = tpu.memref_squeeze %dma_wait3A_54 : memref<1x40xi32, #tpu.memory_space<vmem>> -> memref<40xi32, #tpu.memory_space<vmem>>
    %dma_wait3A_56 = arith.constant 0 : i32
    %dma_wait3A_57 = tpu.memref_slice %arg4[%dma_wait3A_56] : memref<320000xi32, #tpu.memory_space<hbm>> -> memref<40xi32, #tpu.memory_space<hbm>>
    tpu.wait_dma2 semaphore(%arg12 : memref<!tpu.dma_semaphore, #tpu.memory_space<semaphore_mem>>) src(%dma_wait3A_57 : memref<40xi32, #tpu.memory_space<hbm>>) dst(%dma_wait3A_55 : memref<40xi32, #tpu.memory_space<vmem>>)
    %rem3A_58 = arith.constant 0 : i32
    %rem3A_59 = arith.constant 2 : i32
    %rem3A_60 = arith.remsi %rem3A_58, %rem3A_59 : i32
    %dma_start3A_61 = arith.constant 0 : i32
    %dma_start3A_62 = arith.constant 0 : i32
    %dma_start3A_63 = tpu.memref_slice %arg10[%rem3A_60, %dma_start3A_61, %dma_start3A_62] : memref<2x40x128xf32, #tpu.memory_space<vmem>> -> memref<1x40x128xf32, #tpu.memory_space<vmem>>
    %dma_start3A_64 = tpu.memref_squeeze %dma_start3A_63 : memref<1x40x128xf32, #tpu.memory_space<vmem>> -> memref<40x128xf32, #tpu.memory_space<vmem>>
    %dma_start3A_65 = arith.constant 0 : i32
    %dma_start3A_66 = tpu.memref_slice %arg8[%dma_start3A_65] : memref<10000xi32, #tpu.memory_space<vmem>> -> memref<40xi32, #tpu.memory_space<vmem>>
    %dma_start3A_67 = arith.constant 0 : i32
    %dma_start3A_68 = arith.constant 0 : i32
    %dma_start3A_69 = tpu.memref_slice %arg2[%dma_start3A_67, %dma_start3A_68] : memref<10000x128xf32, #tpu.memory_space<hbm>> -> memref<10000x128xf32, #tpu.memory_space<hbm>>
    %dma_start3A_70 = tpu.memref_slice %arg13[%rem3A_60] : memref<2x!tpu.dma_semaphore, #tpu.memory_space<semaphore_mem>> -> memref<1x!tpu.dma_semaphore, #tpu.memory_space<semaphore_mem>>
    %dma_start3A_71 = tpu.memref_squeeze %dma_start3A_70 : memref<1x!tpu.dma_semaphore, #tpu.memory_space<semaphore_mem>> -> memref<!tpu.dma_semaphore, #tpu.memory_space<semaphore_mem>>
    tpu.enqueue_indirect_dma source(%dma_start3A_69 : memref<10000x128xf32, #tpu.memory_space<hbm>>) target(%dma_start3A_64 : memref<40x128xf32, #tpu.memory_space<vmem>>) offsets(%dma_start3A_66 : memref<40xi32, #tpu.memory_space<vmem>>) semaphore(%dma_start3A_71 : memref<!tpu.dma_semaphore, #tpu.memory_space<semaphore_mem>>)
    %add3A_72 = arith.constant 0 : i32
    %add3A_73 = arith.addi %mul3A_2, %add3A_72 : i32
    %rem3A_74 = arith.constant 0 : i32
    %rem3A_75 = arith.constant 4 : i32
    %rem3A_76 = arith.remsi %rem3A_74, %rem3A_75 : i32
    %dma_start3A_77 = arith.constant 0 : i32
    %dma_start3A_78 = arith.constant 0 : i32
    %dma_start3A_79 = tpu.memref_slice %arg11[%rem3A_76, %dma_start3A_77, %dma_start3A_78] : memref<4x40x128xf32, #tpu.memory_space<vmem>> -> memref<1x40x128xf32, #tpu.memory_space<vmem>>
    %dma_start3A_80 = tpu.memref_squeeze %dma_start3A_79 : memref<1x40x128xf32, #tpu.memory_space<vmem>> -> memref<40x128xf32, #tpu.memory_space<vmem>>
    %dma_start3A_81 = arith.constant 0 : i32
    %dma_start3A_82 = tpu.memref_slice %arg5[%add3A_73, %dma_start3A_81] : memref<320000x128xf32, #tpu.memory_space<hbm>> -> memref<40x128xf32, #tpu.memory_space<hbm>>
    %dma_start3A_83 = tpu.memref_slice %arg13[%rem3A_60] : memref<2x!tpu.dma_semaphore, #tpu.memory_space<semaphore_mem>> -> memref<1x!tpu.dma_semaphore, #tpu.memory_space<semaphore_mem>>
    %dma_start3A_84 = tpu.memref_squeeze %dma_start3A_83 : memref<1x!tpu.dma_semaphore, #tpu.memory_space<semaphore_mem>> -> memref<!tpu.dma_semaphore, #tpu.memory_space<semaphore_mem>>
    %dma_start3A_85 = arith.constant 0 : i32
    %dma_start3A_86 = arith.constant 0 : i32
    %dma_start3A_87 = tpu.memref_slice %arg11[%rem3A_76, %dma_start3A_85, %dma_start3A_86] : memref<4x40x128xf32, #tpu.memory_space<vmem>> -> memref<1x40x128xf32, #tpu.memory_space<vmem>>
    %dma_start3A_88 = tpu.memref_squeeze %dma_start3A_87 : memref<1x40x128xf32, #tpu.memory_space<vmem>> -> memref<40x128xf32, #tpu.memory_space<vmem>>
    %dma_start3A_89 = arith.constant 0 : i32
    %dma_start3A_90 = tpu.memref_slice %arg5[%add3A_73, %dma_start3A_89] : memref<320000x128xf32, #tpu.memory_space<hbm>> -> memref<40x128xf32, #tpu.memory_space<hbm>>
    tpu.enqueue_dma source(%dma_start3A_90 : memref<40x128xf32, #tpu.memory_space<hbm>>) target(%dma_start3A_88 : memref<40x128xf32, #tpu.memory_space<vmem>>) target_semaphore(%dma_start3A_84 : memref<!tpu.dma_semaphore, #tpu.memory_space<semaphore_mem>>)
    %dma_wait3A_91 = arith.constant 0 : i32
    %dma_wait3A_92 = arith.constant 0 : i32
    %dma_wait3A_93 = tpu.memref_slice %arg9[%dma_wait3A_91, %dma_wait3A_92] : memref<5x40xi32, #tpu.memory_space<vmem>> -> memref<1x40xi32, #tpu.memory_space<vmem>>
    %dma_wait3A_94 = tpu.memref_squeeze %dma_wait3A_93 : memref<1x40xi32, #tpu.memory_space<vmem>> -> memref<40xi32, #tpu.memory_space<vmem>>
    %dma_wait3A_95 = arith.constant 0 : i32
    %dma_wait3A_96 = tpu.memref_slice %arg4[%dma_wait3A_95] : memref<320000xi32, #tpu.memory_space<hbm>> -> memref<40xi32, #tpu.memory_space<hbm>>
    %dma_wait3A_97 = arith.constant 0 : i32
    %dma_wait3A_98 = tpu.memref_slice %arg9[%dma_wait3A_91, %dma_wait3A_97] : memref<5x40xi32, #tpu.memory_space<vmem>> -> memref<1x40xi32, #tpu.memory_space<vmem>>
    %dma_wait3A_99 = tpu.memref_squeeze %dma_wait3A_98 : memref<1x40xi32, #tpu.memory_space<vmem>> -> memref<40xi32, #tpu.memory_space<vmem>>
    %dma_wait3A_100 = arith.constant 0 : i32
    %dma_wait3A_101 = tpu.memref_slice %arg4[%dma_wait3A_100] : memref<320000xi32, #tpu.memory_space<hbm>> -> memref<40xi32, #tpu.memory_space<hbm>>
    tpu.wait_dma2 semaphore(%arg12 : memref<!tpu.dma_semaphore, #tpu.memory_space<semaphore_mem>>) src(%dma_wait3A_101 : memref<40xi32, #tpu.memory_space<hbm>>) dst(%dma_wait3A_99 : memref<40xi32, #tpu.memory_space<vmem>>)
    %rem3A_102 = arith.constant 1 : i32
    %rem3A_103 = arith.constant 2 : i32
    %rem3A_104 = arith.remsi %rem3A_102, %rem3A_103 : i32
    %dma_start3A_105 = arith.constant 0 : i32
    %dma_start3A_106 = arith.constant 0 : i32
    %dma_start3A_107 = tpu.memref_slice %arg10[%rem3A_104, %dma_start3A_105, %dma_start3A_106] : memref<2x40x128xf32, #tpu.memory_space<vmem>> -> memref<1x40x128xf32, #tpu.memory_space<vmem>>
    %dma_start3A_108 = tpu.memref_squeeze %dma_start3A_107 : memref<1x40x128xf32, #tpu.memory_space<vmem>> -> memref<40x128xf32, #tpu.memory_space<vmem>>
    %dma_start3A_109 = arith.constant 40 : i32
    %dma_start3A_110 = tpu.memref_slice %arg8[%dma_start3A_109] : memref<10000xi32, #tpu.memory_space<vmem>> -> memref<40xi32, #tpu.memory_space<vmem>>
    %dma_start3A_111 = arith.constant 0 : i32
    %dma_start3A_112 = arith.constant 0 : i32
    %dma_start3A_113 = tpu.memref_slice %arg2[%dma_start3A_111, %dma_start3A_112] : memref<10000x128xf32, #tpu.memory_space<hbm>> -> memref<10000x128xf32, #tpu.memory_space<hbm>>
    %dma_start3A_114 = tpu.memref_slice %arg13[%rem3A_104] : memref<2x!tpu.dma_semaphore, #tpu.memory_space<semaphore_mem>> -> memref<1x!tpu.dma_semaphore, #tpu.memory_space<semaphore_mem>>
    %dma_start3A_115 = tpu.memref_squeeze %dma_start3A_114 : memref<1x!tpu.dma_semaphore, #tpu.memory_space<semaphore_mem>> -> memref<!tpu.dma_semaphore, #tpu.memory_space<semaphore_mem>>
    tpu.enqueue_indirect_dma source(%dma_start3A_113 : memref<10000x128xf32, #tpu.memory_space<hbm>>) target(%dma_start3A_108 : memref<40x128xf32, #tpu.memory_space<vmem>>) offsets(%dma_start3A_110 : memref<40xi32, #tpu.memory_space<vmem>>) semaphore(%dma_start3A_115 : memref<!tpu.dma_semaphore, #tpu.memory_space<semaphore_mem>>)
    %add3A_116 = arith.constant 40 : i32
    %add3A_117 = arith.addi %mul3A_2, %add3A_116 : i32
    %rem3A_118 = arith.constant 1 : i32
    %rem3A_119 = arith.constant 4 : i32
    %rem3A_120 = arith.remsi %rem3A_118, %rem3A_119 : i32
    %dma_start3A_121 = arith.constant 0 : i32
    %dma_start3A_122 = arith.constant 0 : i32
    %dma_start3A_123 = tpu.memref_slice %arg11[%rem3A_120, %dma_start3A_121, %dma_start3A_122] : memref<4x40x128xf32, #tpu.memory_space<vmem>> -> memref<1x40x128xf32, #tpu.memory_space<vmem>>
    %dma_start3A_124 = tpu.memref_squeeze %dma_start3A_123 : memref<1x40x128xf32, #tpu.memory_space<vmem>> -> memref<40x128xf32, #tpu.memory_space<vmem>>
    %dma_start3A_125 = arith.constant 0 : i32
    %dma_start3A_126 = tpu.memref_slice %arg5[%add3A_117, %dma_start3A_125] : memref<320000x128xf32, #tpu.memory_space<hbm>> -> memref<40x128xf32, #tpu.memory_space<hbm>>
    %dma_start3A_127 = tpu.memref_slice %arg13[%rem3A_104] : memref<2x!tpu.dma_semaphore, #tpu.memory_space<semaphore_mem>> -> memref<1x!tpu.dma_semaphore, #tpu.memory_space<semaphore_mem>>
    %dma_start3A_128 = tpu.memref_squeeze %dma_start3A_127 : memref<1x!tpu.dma_semaphore, #tpu.memory_space<semaphore_mem>> -> memref<!tpu.dma_semaphore, #tpu.memory_space<semaphore_mem>>
    %dma_start3A_129 = arith.constant 0 : i32
    %dma_start3A_130 = arith.constant 0 : i32
    %dma_start3A_131 = tpu.memref_slice %arg11[%rem3A_120, %dma_start3A_129, %dma_start3A_130] : memref<4x40x128xf32, #tpu.memory_space<vmem>> -> memref<1x40x128xf32, #tpu.memory_space<vmem>>
    %dma_start3A_132 = tpu.memref_squeeze %dma_start3A_131 : memref<1x40x128xf32, #tpu.memory_space<vmem>> -> memref<40x128xf32, #tpu.memory_space<vmem>>
    %dma_start3A_133 = arith.constant 0 : i32
    %dma_start3A_134 = tpu.memref_slice %arg5[%add3A_117, %dma_start3A_133] : memref<320000x128xf32, #tpu.memory_space<hbm>> -> memref<40x128xf32, #tpu.memory_space<hbm>>
    tpu.enqueue_dma source(%dma_start3A_134 : memref<40x128xf32, #tpu.memory_space<hbm>>) target(%dma_start3A_132 : memref<40x128xf32, #tpu.memory_space<vmem>>) target_semaphore(%dma_start3A_128 : memref<!tpu.dma_semaphore, #tpu.memory_space<semaphore_mem>>)
    %add3A_135 = arith.constant 80 : i32
    %add3A_136 = arith.addi %mul3A_2, %add3A_135 : i32
    %rem3A_137 = arith.constant 2 : i32
    %rem3A_138 = arith.constant 5 : i32
    %rem3A_139 = arith.remsi %rem3A_137, %rem3A_138 : i32
    %dma_start3A_140 = arith.constant 0 : i32
    %dma_start3A_141 = tpu.memref_slice %arg9[%rem3A_139, %dma_start3A_140] : memref<5x40xi32, #tpu.memory_space<vmem>> -> memref<1x40xi32, #tpu.memory_space<vmem>>
    %dma_start3A_142 = tpu.memref_squeeze %dma_start3A_141 : memref<1x40xi32, #tpu.memory_space<vmem>> -> memref<40xi32, #tpu.memory_space<vmem>>
    %dma_start3A_143 = tpu.memref_slice %arg4[%add3A_136] : memref<320000xi32, #tpu.memory_space<hbm>> -> memref<40xi32, #tpu.memory_space<hbm>>
    %dma_start3A_144 = arith.constant 0 : i32
    %dma_start3A_145 = tpu.memref_slice %arg9[%rem3A_139, %dma_start3A_144] : memref<5x40xi32, #tpu.memory_space<vmem>> -> memref<1x40xi32, #tpu.memory_space<vmem>>
    %dma_start3A_146 = tpu.memref_squeeze %dma_start3A_145 : memref<1x40xi32, #tpu.memory_space<vmem>> -> memref<40xi32, #tpu.memory_space<vmem>>
    %dma_start3A_147 = tpu.memref_slice %arg4[%add3A_136] : memref<320000xi32, #tpu.memory_space<hbm>> -> memref<40xi32, #tpu.memory_space<hbm>>
    tpu.enqueue_dma source(%dma_start3A_147 : memref<40xi32, #tpu.memory_space<hbm>>) target(%dma_start3A_146 : memref<40xi32, #tpu.memory_space<vmem>>) target_semaphore(%arg12 : memref<!tpu.dma_semaphore, #tpu.memory_space<semaphore_mem>>)
    %rem3A_148 = arith.constant 0 : i32
    %rem3A_149 = arith.constant 2 : i32
    %rem3A_150 = arith.remsi %rem3A_148, %rem3A_149 : i32
    %dma_wait3A_151 = arith.constant 0 : i32
    %dma_wait3A_152 = arith.constant 0 : i32
    %dma_wait3A_153 = tpu.memref_slice %arg10[%rem3A_150, %dma_wait3A_151, %dma_wait3A_152] : memref<2x40x128xf32, #tpu.memory_space<vmem>> -> memref<1x40x128xf32, #tpu.memory_space<vmem>>
    %dma_wait3A_154 = tpu.memref_squeeze %dma_wait3A_153 : memref<1x40x128xf32, #tpu.memory_space<vmem>> -> memref<40x128xf32, #tpu.memory_space<vmem>>
    %dma_wait3A_155 = arith.constant 0 : i32
    %dma_wait3A_156 = arith.constant 0 : i32
    %dma_wait3A_157 = tpu.memref_slice %arg2[%dma_wait3A_155, %dma_wait3A_156] : memref<10000x128xf32, #tpu.memory_space<hbm>> -> memref<40x128xf32, #tpu.memory_space<hbm>>
    %dma_wait3A_158 = tpu.memref_slice %arg13[%rem3A_150] : memref<2x!tpu.dma_semaphore, #tpu.memory_space<semaphore_mem>> -> memref<1x!tpu.dma_semaphore, #tpu.memory_space<semaphore_mem>>
    %dma_wait3A_159 = tpu.memref_squeeze %dma_wait3A_158 : memref<1x!tpu.dma_semaphore, #tpu.memory_space<semaphore_mem>> -> memref<!tpu.dma_semaphore, #tpu.memory_space<semaphore_mem>>
    %dma_wait3A_160 = arith.constant 0 : i32
    %dma_wait3A_161 = arith.constant 0 : i32
    %dma_wait3A_162 = tpu.memref_slice %arg10[%rem3A_150, %dma_wait3A_160, %dma_wait3A_161] : memref<2x40x128xf32, #tpu.memory_space<vmem>> -> memref<1x40x128xf32, #tpu.memory_space<vmem>>
    %dma_wait3A_163 = tpu.memref_squeeze %dma_wait3A_162 : memref<1x40x128xf32, #tpu.memory_space<vmem>> -> memref<40x128xf32, #tpu.memory_space<vmem>>
    %dma_wait3A_164 = arith.constant 0 : i32
    %dma_wait3A_165 = arith.constant 0 : i32
    %dma_wait3A_166 = tpu.memref_slice %arg2[%dma_wait3A_164, %dma_wait3A_165] : memref<10000x128xf32, #tpu.memory_space<hbm>> -> memref<40x128xf32, #tpu.memory_space<hbm>>
    tpu.wait_dma2 semaphore(%dma_wait3A_159 : memref<!tpu.dma_semaphore, #tpu.memory_space<semaphore_mem>>) src(%dma_wait3A_166 : memref<40x128xf32, #tpu.memory_space<hbm>>) dst(%dma_wait3A_163 : memref<40x128xf32, #tpu.memory_space<vmem>>)
    %rem3A_167 = arith.constant 0 : i32
    %rem3A_168 = arith.constant 4 : i32
    %rem3A_169 = arith.remsi %rem3A_167, %rem3A_168 : i32
    %dma_wait3A_170 = arith.constant 0 : i32
    %dma_wait3A_171 = arith.constant 0 : i32
    %dma_wait3A_172 = tpu.memref_slice %arg11[%rem3A_169, %dma_wait3A_170, %dma_wait3A_171] : memref<4x40x128xf32, #tpu.memory_space<vmem>> -> memref<1x40x128xf32, #tpu.memory_space<vmem>>
    %dma_wait3A_173 = tpu.memref_squeeze %dma_wait3A_172 : memref<1x40x128xf32, #tpu.memory_space<vmem>> -> memref<40x128xf32, #tpu.memory_space<vmem>>
    %dma_wait3A_174 = arith.constant 0 : i32
    %dma_wait3A_175 = tpu.memref_slice %arg5[%mul3A_2, %dma_wait3A_174] : memref<320000x128xf32, #tpu.memory_space<hbm>> -> memref<40x128xf32, #tpu.memory_space<hbm>>
    %dma_wait3A_176 = tpu.memref_slice %arg13[%rem3A_150] : memref<2x!tpu.dma_semaphore, #tpu.memory_space<semaphore_mem>> -> memref<1x!tpu.dma_semaphore, #tpu.memory_space<semaphore_mem>>
    %dma_wait3A_177 = tpu.memref_squeeze %dma_wait3A_176 : memref<1x!tpu.dma_semaphore, #tpu.memory_space<semaphore_mem>> -> memref<!tpu.dma_semaphore, #tpu.memory_space<semaphore_mem>>
    %dma_wait3A_178 = arith.constant 0 : i32
    %dma_wait3A_179 = arith.constant 0 : i32
    %dma_wait3A_180 = tpu.memref_slice %arg11[%rem3A_169, %dma_wait3A_178, %dma_wait3A_179] : memref<4x40x128xf32, #tpu.memory_space<vmem>> -> memref<1x40x128xf32, #tpu.memory_space<vmem>>
    %dma_wait3A_181 = tpu.memref_squeeze %dma_wait3A_180 : memref<1x40x128xf32, #tpu.memory_space<vmem>> -> memref<40x128xf32, #tpu.memory_space<vmem>>
    %dma_wait3A_182 = arith.constant 0 : i32
    %dma_wait3A_183 = tpu.memref_slice %arg5[%mul3A_2, %dma_wait3A_182] : memref<320000x128xf32, #tpu.memory_space<hbm>> -> memref<40x128xf32, #tpu.memory_space<hbm>>
    tpu.wait_dma2 semaphore(%dma_wait3A_177 : memref<!tpu.dma_semaphore, #tpu.memory_space<semaphore_mem>>) src(%dma_wait3A_183 : memref<40x128xf32, #tpu.memory_space<hbm>>) dst(%dma_wait3A_181 : memref<40x128xf32, #tpu.memory_space<vmem>>)
    %rem3A_184 = arith.constant 0 : i32
    %rem3A_185 = arith.constant 2 : i32
    %rem3A_186 = arith.remsi %rem3A_184, %rem3A_185 : i32
    %rem3A_187 = arith.constant 0 : i32
    %rem3A_188 = arith.constant 4 : i32
    %rem3A_189 = arith.remsi %rem3A_187, %rem3A_188 : i32
    %parallel_loop3A_190 = arith.constant 0 : i32
    %parallel_loop3A_191 = arith.constant 40 : i32
    %parallel_loop3A_192 = arith.constant 1 : i32
    scf.for %parallel_loop3A_749 = %parallel_loop3A_190 to %parallel_loop3A_191 step %parallel_loop3A_192  : i32 {
      %parallel_loop3A_750 = arith.constant 0 : i32
      %parallel_loop3A_751 = arith.constant 0 : i32
      %parallel_loop3A_752 = tpu.memref_slice %arg10[%rem3A_186, %parallel_loop3A_750, %parallel_loop3A_751] : memref<2x40x128xf32, #tpu.memory_space<vmem>> -> memref<1x40x128xf32, #tpu.memory_space<vmem>>
      %parallel_loop3A_753 = tpu.memref_squeeze %parallel_loop3A_752 : memref<1x40x128xf32, #tpu.memory_space<vmem>> -> memref<40x128xf32, #tpu.memory_space<vmem>>
      %parallel_loop3A_754 = arith.index_cast %parallel_loop3A_749 : i32 to index
      %parallel_loop3A_755 = arith.constant 0 : index
      %parallel_loop3A_756 = tpu.vector_load %parallel_loop3A_753[%parallel_loop3A_754, %parallel_loop3A_755] {strides = array<i32>} : memref<40x128xf32, #tpu.memory_space<vmem>>, vector<1x16xf32>,
      %parallel_loop3A_757 = vector.shape_cast %parallel_loop3A_756 : vector<1x16xf32> to vector<16xf32>
      %parallel_loop3A_758 = arith.constant 0 : i32
      %parallel_loop3A_759 = arith.constant 0 : i32
      %parallel_loop3A_760 = tpu.memref_slice %arg11[%rem3A_189, %parallel_loop3A_758, %parallel_loop3A_759] : memref<4x40x128xf32, #tpu.memory_space<vmem>> -> memref<1x40x128xf32, #tpu.memory_space<vmem>>
      %parallel_loop3A_761 = tpu.memref_squeeze %parallel_loop3A_760 : memref<1x40x128xf32, #tpu.memory_space<vmem>> -> memref<40x128xf32, #tpu.memory_space<vmem>>
      %parallel_loop3A_762 = arith.index_cast %parallel_loop3A_749 : i32 to index
      %parallel_loop3A_763 = arith.constant 0 : index
      %parallel_loop3A_764 = tpu.vector_load %parallel_loop3A_761[%parallel_loop3A_762, %parallel_loop3A_763] {strides = array<i32>} : memref<40x128xf32, #tpu.memory_space<vmem>>, vector<1x16xf32>,
      %parallel_loop3A_765 = vector.shape_cast %parallel_loop3A_764 : vector<1x16xf32> to vector<16xf32>
      %parallel_loop3A_766 = arith.addf %parallel_loop3A_757, %parallel_loop3A_765 : vector<16xf32>
      %parallel_loop3A_767 = arith.constant 0.000000e+00 : f32
      %parallel_loop3A_768 = vector.broadcast %parallel_loop3A_767 : f32 to vector<16xf32>
      %parallel_loop3A_769 = arith.maximumf %parallel_loop3A_766, %parallel_loop3A_768 : vector<16xf32>
      %parallel_loop3A_770 = arith.constant 0 : i32
      %parallel_loop3A_771 = arith.constant 0 : i32
      %parallel_loop3A_772 = tpu.memref_slice %arg11[%rem3A_189, %parallel_loop3A_770, %parallel_loop3A_771] : memref<4x40x128xf32, #tpu.memory_space<vmem>> -> memref<1x40x128xf32, #tpu.memory_space<vmem>>
      %parallel_loop3A_773 = tpu.memref_squeeze %parallel_loop3A_772 : memref<1x40x128xf32, #tpu.memory_space<vmem>> -> memref<40x128xf32, #tpu.memory_space<vmem>>
      %parallel_loop3A_774 = arith.index_cast %parallel_loop3A_749 : i32 to index
      %parallel_loop3A_775 = arith.constant 0 : index
      %parallel_loop3A_776 = tpu.vector_load %parallel_loop3A_773[%parallel_loop3A_774, %parallel_loop3A_775] {strides = array<i32>} : memref<40x128xf32, #tpu.memory_space<vmem>>, vector<1x16xf32>,
      %parallel_loop3A_777 = vector.shape_cast %parallel_loop3A_776 : vector<1x16xf32> to vector<16xf32>
      %parallel_loop3A_778 = vector.shape_cast %parallel_loop3A_769 : vector<16xf32> to vector<1x16xf32>
      tpu.vector_store %parallel_loop3A_773[%parallel_loop3A_774, %parallel_loop3A_775], %parallel_loop3A_778 {strides = array<i32>} : memref<40x128xf32, #tpu.memory_space<vmem>>, vector<1x16xf32>,
      %parallel_loop3A_779 = arith.constant 0 : i32
      %parallel_loop3A_780 = arith.constant 0 : i32
      %parallel_loop3A_781 = tpu.memref_slice %arg10[%rem3A_186, %parallel_loop3A_779, %parallel_loop3A_780] : memref<2x40x128xf32, #tpu.memory_space<vmem>> -> memref<1x40x128xf32, #tpu.memory_space<vmem>>
      %parallel_loop3A_782 = tpu.memref_squeeze %parallel_loop3A_781 : memref<1x40x128xf32, #tpu.memory_space<vmem>> -> memref<40x128xf32, #tpu.memory_space<vmem>>
      %parallel_loop3A_783 = arith.index_cast %parallel_loop3A_749 : i32 to index
      %parallel_loop3A_784 = arith.constant 16 : index
      %parallel_loop3A_785 = tpu.vector_load %parallel_loop3A_782[%parallel_loop3A_783, %parallel_loop3A_784] {strides = array<i32>} : memref<40x128xf32, #tpu.memory_space<vmem>>, vector<1x16xf32>,
      %parallel_loop3A_786 = vector.shape_cast %parallel_loop3A_785 : vector<1x16xf32> to vector<16xf32>
      %parallel_loop3A_787 = arith.constant 0 : i32
      %parallel_loop3A_788 = arith.constant 0 : i32
      %parallel_loop3A_789 = tpu.memref_slice %arg11[%rem3A_189, %parallel_loop3A_787, %parallel_loop3A_788] : memref<4x40x128xf32, #tpu.memory_space<vmem>> -> memref<1x40x128xf32, #tpu.memory_space<vmem>>
      %parallel_loop3A_790 = tpu.memref_squeeze %parallel_loop3A_789 : memref<1x40x128xf32, #tpu.memory_space<vmem>> -> memref<40x128xf32, #tpu.memory_space<vmem>>
      %parallel_loop3A_791 = arith.index_cast %parallel_loop3A_749 : i32 to index
      %parallel_loop3A_792 = arith.constant 16 : index
      %parallel_loop3A_793 = tpu.vector_load %parallel_loop3A_790[%parallel_loop3A_791, %parallel_loop3A_792] {strides = array<i32>} : memref<40x128xf32, #tpu.memory_space<vmem>>, vector<1x16xf32>,
      %parallel_loop3A_794 = vector.shape_cast %parallel_loop3A_793 : vector<1x16xf32> to vector<16xf32>
      %parallel_loop3A_795 = arith.addf %parallel_loop3A_786, %parallel_loop3A_794 : vector<16xf32>
      %parallel_loop3A_796 = arith.constant 0.000000e+00 : f32
      %parallel_loop3A_797 = vector.broadcast %parallel_loop3A_796 : f32 to vector<16xf32>
      %parallel_loop3A_798 = arith.maximumf %parallel_loop3A_795, %parallel_loop3A_797 : vector<16xf32>
      %parallel_loop3A_799 = arith.constant 0 : i32
      %parallel_loop3A_800 = arith.constant 0 : i32
      %parallel_loop3A_801 = tpu.memref_slice %arg11[%rem3A_189, %parallel_loop3A_799, %parallel_loop3A_800] : memref<4x40x128xf32, #tpu.memory_space<vmem>> -> memref<1x40x128xf32, #tpu.memory_space<vmem>>
      %parallel_loop3A_802 = tpu.memref_squeeze %parallel_loop3A_801 : memref<1x40x128xf32, #tpu.memory_space<vmem>> -> memref<40x128xf32, #tpu.memory_space<vmem>>
      %parallel_loop3A_803 = arith.index_cast %parallel_loop3A_749 : i32 to index
      %parallel_loop3A_804 = arith.constant 16 : index
      %parallel_loop3A_805 = tpu.vector_load %parallel_loop3A_802[%parallel_loop3A_803, %parallel_loop3A_804] {strides = array<i32>} : memref<40x128xf32, #tpu.memory_space<vmem>>, vector<1x16xf32>,
      %parallel_loop3A_806 = vector.shape_cast %parallel_loop3A_805 : vector<1x16xf32> to vector<16xf32>
      %parallel_loop3A_807 = vector.shape_cast %parallel_loop3A_798 : vector<16xf32> to vector<1x16xf32>
      tpu.vector_store %parallel_loop3A_802[%parallel_loop3A_803, %parallel_loop3A_804], %parallel_loop3A_807 {strides = array<i32>} : memref<40x128xf32, #tpu.memory_space<vmem>>, vector<1x16xf32>,
      %parallel_loop3A_808 = arith.constant 0 : i32
      %parallel_loop3A_809 = arith.constant 0 : i32
      %parallel_loop3A_810 = tpu.memref_slice %arg10[%rem3A_186, %parallel_loop3A_808, %parallel_loop3A_809] : memref<2x40x128xf32, #tpu.memory_space<vmem>> -> memref<1x40x128xf32, #tpu.memory_space<vmem>>
      %parallel_loop3A_811 = tpu.memref_squeeze %parallel_loop3A_810 : memref<1x40x128xf32, #tpu.memory_space<vmem>> -> memref<40x128xf32, #tpu.memory_space<vmem>>
      %parallel_loop3A_812 = arith.index_cast %parallel_loop3A_749 : i32 to index
      %parallel_loop3A_813 = arith.constant 32 : index
      %parallel_loop3A_814 = tpu.vector_load %parallel_loop3A_811[%parallel_loop3A_812, %parallel_loop3A_813] {strides = array<i32>} : memref<40x128xf32, #tpu.memory_space<vmem>>, vector<1x16xf32>,
      %parallel_loop3A_815 = vector.shape_cast %parallel_loop3A_814 : vector<1x16xf32> to vector<16xf32>
      %parallel_loop3A_816 = arith.constant 0 : i32
      %parallel_loop3A_817 = arith.constant 0 : i32
      %parallel_loop3A_818 = tpu.memref_slice %arg11[%rem3A_189, %parallel_loop3A_816, %parallel_loop3A_817] : memref<4x40x128xf32, #tpu.memory_space<vmem>> -> memref<1x40x128xf32, #tpu.memory_space<vmem>>
      %parallel_loop3A_819 = tpu.memref_squeeze %parallel_loop3A_818 : memref<1x40x128xf32, #tpu.memory_space<vmem>> -> memref<40x128xf32, #tpu.memory_space<vmem>>
      %parallel_loop3A_820 = arith.index_cast %parallel_loop3A_749 : i32 to index
      %parallel_loop3A_821 = arith.constant 32 : index
      %parallel_loop3A_822 = tpu.vector_load %parallel_loop3A_819[%parallel_loop3A_820, %parallel_loop3A_821] {strides = array<i32>} : memref<40x128xf32, #tpu.memory_space<vmem>>, vector<1x16xf32>,
      %parallel_loop3A_823 = vector.shape_cast %parallel_loop3A_822 : vector<1x16xf32> to vector<16xf32>
      %parallel_loop3A_824 = arith.addf %parallel_loop3A_815, %parallel_loop3A_823 : vector<16xf32>
      %parallel_loop3A_825 = arith.constant 0.000000e+00 : f32
      %parallel_loop3A_826 = vector.broadcast %parallel_loop3A_825 : f32 to vector<16xf32>
      %parallel_loop3A_827 = arith.maximumf %parallel_loop3A_824, %parallel_loop3A_826 : vector<16xf32>
      %parallel_loop3A_828 = arith.constant 0 : i32
      %parallel_loop3A_829 = arith.constant 0 : i32
      %parallel_loop3A_830 = tpu.memref_slice %arg11[%rem3A_189, %parallel_loop3A_828, %parallel_loop3A_829] : memref<4x40x128xf32, #tpu.memory_space<vmem>> -> memref<1x40x128xf32, #tpu.memory_space<vmem>>
      %parallel_loop3A_831 = tpu.memref_squeeze %parallel_loop3A_830 : memref<1x40x128xf32, #tpu.memory_space<vmem>> -> memref<40x128xf32, #tpu.memory_space<vmem>>
      %parallel_loop3A_832 = arith.index_cast %parallel_loop3A_749 : i32 to index
      %parallel_loop3A_833 = arith.constant 32 : index
      %parallel_loop3A_834 = tpu.vector_load %parallel_loop3A_831[%parallel_loop3A_832, %parallel_loop3A_833] {strides = array<i32>} : memref<40x128xf32, #tpu.memory_space<vmem>>, vector<1x16xf32>,
      %parallel_loop3A_835 = vector.shape_cast %parallel_loop3A_834 : vector<1x16xf32> to vector<16xf32>
      %parallel_loop3A_836 = vector.shape_cast %parallel_loop3A_827 : vector<16xf32> to vector<1x16xf32>
      tpu.vector_store %parallel_loop3A_831[%parallel_loop3A_832, %parallel_loop3A_833], %parallel_loop3A_836 {strides = array<i32>} : memref<40x128xf32, #tpu.memory_space<vmem>>, vector<1x16xf32>,
      %parallel_loop3A_837 = arith.constant 0 : i32
      %parallel_loop3A_838 = arith.constant 0 : i32
      %parallel_loop3A_839 = tpu.memref_slice %arg10[%rem3A_186, %parallel_loop3A_837, %parallel_loop3A_838] : memref<2x40x128xf32, #tpu.memory_space<vmem>> -> memref<1x40x128xf32, #tpu.memory_space<vmem>>
      %parallel_loop3A_840 = tpu.memref_squeeze %parallel_loop3A_839 : memref<1x40x128xf32, #tpu.memory_space<vmem>> -> memref<40x128xf32, #tpu.memory_space<vmem>>
      %parallel_loop3A_841 = arith.index_cast %parallel_loop3A_749 : i32 to index
      %parallel_loop3A_842 = arith.constant 48 : index
      %parallel_loop3A_843 = tpu.vector_load %parallel_loop3A_840[%parallel_loop3A_841, %parallel_loop3A_842] {strides = array<i32>} : memref<40x128xf32, #tpu.memory_space<vmem>>, vector<1x16xf32>,
      %parallel_loop3A_844 = vector.shape_cast %parallel_loop3A_843 : vector<1x16xf32> to vector<16xf32>
      %parallel_loop3A_845 = arith.constant 0 : i32
      %parallel_loop3A_846 = arith.constant 0 : i32
      %parallel_loop3A_847 = tpu.memref_slice %arg11[%rem3A_189, %parallel_loop3A_845, %parallel_loop3A_846] : memref<4x40x128xf32, #tpu.memory_space<vmem>> -> memref<1x40x128xf32, #tpu.memory_space<vmem>>
      %parallel_loop3A_848 = tpu.memref_squeeze %parallel_loop3A_847 : memref<1x40x128xf32, #tpu.memory_space<vmem>> -> memref<40x128xf32, #tpu.memory_space<vmem>>
      %parallel_loop3A_849 = arith.index_cast %parallel_loop3A_749 : i32 to index
      %parallel_loop3A_850 = arith.constant 48 : index
      %parallel_loop3A_851 = tpu.vector_load %parallel_loop3A_848[%parallel_loop3A_849, %parallel_loop3A_850] {strides = array<i32>} : memref<40x128xf32, #tpu.memory_space<vmem>>, vector<1x16xf32>,
      %parallel_loop3A_852 = vector.shape_cast %parallel_loop3A_851 : vector<1x16xf32> to vector<16xf32>
      %parallel_loop3A_853 = arith.addf %parallel_loop3A_844, %parallel_loop3A_852 : vector<16xf32>
      %parallel_loop3A_854 = arith.constant 0.000000e+00 : f32
      %parallel_loop3A_855 = vector.broadcast %parallel_loop3A_854 : f32 to vector<16xf32>
      %parallel_loop3A_856 = arith.maximumf %parallel_loop3A_853, %parallel_loop3A_855 : vector<16xf32>
      %parallel_loop3A_857 = arith.constant 0 : i32
      %parallel_loop3A_858 = arith.constant 0 : i32
      %parallel_loop3A_859 = tpu.memref_slice %arg11[%rem3A_189, %parallel_loop3A_857, %parallel_loop3A_858] : memref<4x40x128xf32, #tpu.memory_space<vmem>> -> memref<1x40x128xf32, #tpu.memory_space<vmem>>
      %parallel_loop3A_860 = tpu.memref_squeeze %parallel_loop3A_859 : memref<1x40x128xf32, #tpu.memory_space<vmem>> -> memref<40x128xf32, #tpu.memory_space<vmem>>
      %parallel_loop3A_861 = arith.index_cast %parallel_loop3A_749 : i32 to index
      %parallel_loop3A_862 = arith.constant 48 : index
      %parallel_loop3A_863 = tpu.vector_load %parallel_loop3A_860[%parallel_loop3A_861, %parallel_loop3A_862] {strides = array<i32>} : memref<40x128xf32, #tpu.memory_space<vmem>>, vector<1x16xf32>,
      %parallel_loop3A_864 = vector.shape_cast %parallel_loop3A_863 : vector<1x16xf32> to vector<16xf32>
      %parallel_loop3A_865 = vector.shape_cast %parallel_loop3A_856 : vector<16xf32> to vector<1x16xf32>
      tpu.vector_store %parallel_loop3A_860[%parallel_loop3A_861, %parallel_loop3A_862], %parallel_loop3A_865 {strides = array<i32>} : memref<40x128xf32, #tpu.memory_space<vmem>>, vector<1x16xf32>,
      %parallel_loop3A_866 = arith.constant 0 : i32
      %parallel_loop3A_867 = arith.constant 0 : i32
      %parallel_loop3A_868 = tpu.memref_slice %arg10[%rem3A_186, %parallel_loop3A_866, %parallel_loop3A_867] : memref<2x40x128xf32, #tpu.memory_space<vmem>> -> memref<1x40x128xf32, #tpu.memory_space<vmem>>
      %parallel_loop3A_869 = tpu.memref_squeeze %parallel_loop3A_868 : memref<1x40x128xf32, #tpu.memory_space<vmem>> -> memref<40x128xf32, #tpu.memory_space<vmem>>
      %parallel_loop3A_870 = arith.index_cast %parallel_loop3A_749 : i32 to index
      %parallel_loop3A_871 = arith.constant 64 : index
      %parallel_loop3A_872 = tpu.vector_load %parallel_loop3A_869[%parallel_loop3A_870, %parallel_loop3A_871] {strides = array<i32>} : memref<40x128xf32, #tpu.memory_space<vmem>>, vector<1x16xf32>,
      %parallel_loop3A_873 = vector.shape_cast %parallel_loop3A_872 : vector<1x16xf32> to vector<16xf32>
      %parallel_loop3A_874 = arith.constant 0 : i32
      %parallel_loop3A_875 = arith.constant 0 : i32
      %parallel_loop3A_876 = tpu.memref_slice %arg11[%rem3A_189, %parallel_loop3A_874, %parallel_loop3A_875] : memref<4x40x128xf32, #tpu.memory_space<vmem>> -> memref<1x40x128xf32, #tpu.memory_space<vmem>>
      %parallel_loop3A_877 = tpu.memref_squeeze %parallel_loop3A_876 : memref<1x40x128xf32, #tpu.memory_space<vmem>> -> memref<40x128xf32, #tpu.memory_space<vmem>>
      %parallel_loop3A_878 = arith.index_cast %parallel_loop3A_749 : i32 to index
      %parallel_loop3A_879 = arith.constant 64 : index
      %parallel_loop3A_880 = tpu.vector_load %parallel_loop3A_877[%parallel_loop3A_878, %parallel_loop3A_879] {strides = array<i32>} : memref<40x128xf32, #tpu.memory_space<vmem>>, vector<1x16xf32>,
      %parallel_loop3A_881 = vector.shape_cast %parallel_loop3A_880 : vector<1x16xf32> to vector<16xf32>
      %parallel_loop3A_882 = arith.addf %parallel_loop3A_873, %parallel_loop3A_881 : vector<16xf32>
      %parallel_loop3A_883 = arith.constant 0.000000e+00 : f32
      %parallel_loop3A_884 = vector.broadcast %parallel_loop3A_883 : f32 to vector<16xf32>
      %parallel_loop3A_885 = arith.maximumf %parallel_loop3A_882, %parallel_loop3A_884 : vector<16xf32>
      %parallel_loop3A_886 = arith.constant 0 : i32
      %parallel_loop3A_887 = arith.constant 0 : i32
      %parallel_loop3A_888 = tpu.memref_slice %arg11[%rem3A_189, %parallel_loop3A_886, %parallel_loop3A_887] : memref<4x40x128xf32, #tpu.memory_space<vmem>> -> memref<1x40x128xf32, #tpu.memory_space<vmem>>
      %parallel_loop3A_889 = tpu.memref_squeeze %parallel_loop3A_888 : memref<1x40x128xf32, #tpu.memory_space<vmem>> -> memref<40x128xf32, #tpu.memory_space<vmem>>
      %parallel_loop3A_890 = arith.index_cast %parallel_loop3A_749 : i32 to index
      %parallel_loop3A_891 = arith.constant 64 : index
      %parallel_loop3A_892 = tpu.vector_load %parallel_loop3A_889[%parallel_loop3A_890, %parallel_loop3A_891] {strides = array<i32>} : memref<40x128xf32, #tpu.memory_space<vmem>>, vector<1x16xf32>,
      %parallel_loop3A_893 = vector.shape_cast %parallel_loop3A_892 : vector<1x16xf32> to vector<16xf32>
      %parallel_loop3A_894 = vector.shape_cast %parallel_loop3A_885 : vector<16xf32> to vector<1x16xf32>
      tpu.vector_store %parallel_loop3A_889[%parallel_loop3A_890, %parallel_loop3A_891], %parallel_loop3A_894 {strides = array<i32>} : memref<40x128xf32, #tpu.memory_space<vmem>>, vector<1x16xf32>,
      %parallel_loop3A_895 = arith.constant 0 : i32
      %parallel_loop3A_896 = arith.constant 0 : i32
      %parallel_loop3A_897 = tpu.memref_slice %arg10[%rem3A_186, %parallel_loop3A_895, %parallel_loop3A_896] : memref<2x40x128xf32, #tpu.memory_space<vmem>> -> memref<1x40x128xf32, #tpu.memory_space<vmem>>
      %parallel_loop3A_898 = tpu.memref_squeeze %parallel_loop3A_897 : memref<1x40x128xf32, #tpu.memory_space<vmem>> -> memref<40x128xf32, #tpu.memory_space<vmem>>
      %parallel_loop3A_899 = arith.index_cast %parallel_loop3A_749 : i32 to index
      %parallel_loop3A_900 = arith.constant 80 : index
      %parallel_loop3A_901 = tpu.vector_load %parallel_loop3A_898[%parallel_loop3A_899, %parallel_loop3A_900] {strides = array<i32>} : memref<40x128xf32, #tpu.memory_space<vmem>>, vector<1x16xf32>,
      %parallel_loop3A_902 = vector.shape_cast %parallel_loop3A_901 : vector<1x16xf32> to vector<16xf32>
      %parallel_loop3A_903 = arith.constant 0 : i32
      %parallel_loop3A_904 = arith.constant 0 : i32
      %parallel_loop3A_905 = tpu.memref_slice %arg11[%rem3A_189, %parallel_loop3A_903, %parallel_loop3A_904] : memref<4x40x128xf32, #tpu.memory_space<vmem>> -> memref<1x40x128xf32, #tpu.memory_space<vmem>>
      %parallel_loop3A_906 = tpu.memref_squeeze %parallel_loop3A_905 : memref<1x40x128xf32, #tpu.memory_space<vmem>> -> memref<40x128xf32, #tpu.memory_space<vmem>>
      %parallel_loop3A_907 = arith.index_cast %parallel_loop3A_749 : i32 to index
      %parallel_loop3A_908 = arith.constant 80 : index
      %parallel_loop3A_909 = tpu.vector_load %parallel_loop3A_906[%parallel_loop3A_907, %parallel_loop3A_908] {strides = array<i32>} : memref<40x128xf32, #tpu.memory_space<vmem>>, vector<1x16xf32>,
      %parallel_loop3A_910 = vector.shape_cast %parallel_loop3A_909 : vector<1x16xf32> to vector<16xf32>
      %parallel_loop3A_911 = arith.addf %parallel_loop3A_902, %parallel_loop3A_910 : vector<16xf32>
      %parallel_loop3A_912 = arith.constant 0.000000e+00 : f32
      %parallel_loop3A_913 = vector.broadcast %parallel_loop3A_912 : f32 to vector<16xf32>
      %parallel_loop3A_914 = arith.maximumf %parallel_loop3A_911, %parallel_loop3A_913 : vector<16xf32>
      %parallel_loop3A_915 = arith.constant 0 : i32
      %parallel_loop3A_916 = arith.constant 0 : i32
      %parallel_loop3A_917 = tpu.memref_slice %arg11[%rem3A_189, %parallel_loop3A_915, %parallel_loop3A_916] : memref<4x40x128xf32, #tpu.memory_space<vmem>> -> memref<1x40x128xf32, #tpu.memory_space<vmem>>
      %parallel_loop3A_918 = tpu.memref_squeeze %parallel_loop3A_917 : memref<1x40x128xf32, #tpu.memory_space<vmem>> -> memref<40x128xf32, #tpu.memory_space<vmem>>
      %parallel_loop3A_919 = arith.index_cast %parallel_loop3A_749 : i32 to index
      %parallel_loop3A_920 = arith.constant 80 : index
      %parallel_loop3A_921 = tpu.vector_load %parallel_loop3A_918[%parallel_loop3A_919, %parallel_loop3A_920] {strides = array<i32>} : memref<40x128xf32, #tpu.memory_space<vmem>>, vector<1x16xf32>,
      %parallel_loop3A_922 = vector.shape_cast %parallel_loop3A_921 : vector<1x16xf32> to vector<16xf32>
      %parallel_loop3A_923 = vector.shape_cast %parallel_loop3A_914 : vector<16xf32> to vector<1x16xf32>
      tpu.vector_store %parallel_loop3A_918[%parallel_loop3A_919, %parallel_loop3A_920], %parallel_loop3A_923 {strides = array<i32>} : memref<40x128xf32, #tpu.memory_space<vmem>>, vector<1x16xf32>,
      %parallel_loop3A_924 = arith.constant 0 : i32
      %parallel_loop3A_925 = arith.constant 0 : i32
      %parallel_loop3A_926 = tpu.memref_slice %arg10[%rem3A_186, %parallel_loop3A_924, %parallel_loop3A_925] : memref<2x40x128xf32, #tpu.memory_space<vmem>> -> memref<1x40x128xf32, #tpu.memory_space<vmem>>
      %parallel_loop3A_927 = tpu.memref_squeeze %parallel_loop3A_926 : memref<1x40x128xf32, #tpu.memory_space<vmem>> -> memref<40x128xf32, #tpu.memory_space<vmem>>
      %parallel_loop3A_928 = arith.index_cast %parallel_loop3A_749 : i32 to index
      %parallel_loop3A_929 = arith.constant 96 : index
      %parallel_loop3A_930 = tpu.vector_load %parallel_loop3A_927[%parallel_loop3A_928, %parallel_loop3A_929] {strides = array<i32>} : memref<40x128xf32, #tpu.memory_space<vmem>>, vector<1x16xf32>,
      %parallel_loop3A_931 = vector.shape_cast %parallel_loop3A_930 : vector<1x16xf32> to vector<16xf32>
      %parallel_loop3A_932 = arith.constant 0 : i32
      %parallel_loop3A_933 = arith.constant 0 : i32
      %parallel_loop3A_934 = tpu.memref_slice %arg11[%rem3A_189, %parallel_loop3A_932, %parallel_loop3A_933] : memref<4x40x128xf32, #tpu.memory_space<vmem>> -> memref<1x40x128xf32, #tpu.memory_space<vmem>>
      %parallel_loop3A_935 = tpu.memref_squeeze %parallel_loop3A_934 : memref<1x40x128xf32, #tpu.memory_space<vmem>> -> memref<40x128xf32, #tpu.memory_space<vmem>>
      %parallel_loop3A_936 = arith.index_cast %parallel_loop3A_749 : i32 to index
      %parallel_loop3A_937 = arith.constant 96 : index
      %parallel_loop3A_938 = tpu.vector_load %parallel_loop3A_935[%parallel_loop3A_936, %parallel_loop3A_937] {strides = array<i32>} : memref<40x128xf32, #tpu.memory_space<vmem>>, vector<1x16xf32>,
      %parallel_loop3A_939 = vector.shape_cast %parallel_loop3A_938 : vector<1x16xf32> to vector<16xf32>
      %parallel_loop3A_940 = arith.addf %parallel_loop3A_931, %parallel_loop3A_939 : vector<16xf32>
      %parallel_loop3A_941 = arith.constant 0.000000e+00 : f32
      %parallel_loop3A_942 = vector.broadcast %parallel_loop3A_941 : f32 to vector<16xf32>
      %parallel_loop3A_943 = arith.maximumf %parallel_loop3A_940, %parallel_loop3A_942 : vector<16xf32>
      %parallel_loop3A_944 = arith.constant 0 : i32
      %parallel_loop3A_945 = arith.constant 0 : i32
      %parallel_loop3A_946 = tpu.memref_slice %arg11[%rem3A_189, %parallel_loop3A_944, %parallel_loop3A_945] : memref<4x40x128xf32, #tpu.memory_space<vmem>> -> memref<1x40x128xf32, #tpu.memory_space<vmem>>
      %parallel_loop3A_947 = tpu.memref_squeeze %parallel_loop3A_946 : memref<1x40x128xf32, #tpu.memory_space<vmem>> -> memref<40x128xf32, #tpu.memory_space<vmem>>
      %parallel_loop3A_948 = arith.index_cast %parallel_loop3A_749 : i32 to index
      %parallel_loop3A_949 = arith.constant 96 : index
      %parallel_loop3A_950 = tpu.vector_load %parallel_loop3A_947[%parallel_loop3A_948, %parallel_loop3A_949] {strides = array<i32>} : memref<40x128xf32, #tpu.memory_space<vmem>>, vector<1x16xf32>,
      %parallel_loop3A_951 = vector.shape_cast %parallel_loop3A_950 : vector<1x16xf32> to vector<16xf32>
      %parallel_loop3A_952 = vector.shape_cast %parallel_loop3A_943 : vector<16xf32> to vector<1x16xf32>
      tpu.vector_store %parallel_loop3A_947[%parallel_loop3A_948, %parallel_loop3A_949], %parallel_loop3A_952 {strides = array<i32>} : memref<40x128xf32, #tpu.memory_space<vmem>>, vector<1x16xf32>,
      %parallel_loop3A_953 = arith.constant 0 : i32
      %parallel_loop3A_954 = arith.constant 0 : i32
      %parallel_loop3A_955 = tpu.memref_slice %arg10[%rem3A_186, %parallel_loop3A_953, %parallel_loop3A_954] : memref<2x40x128xf32, #tpu.memory_space<vmem>> -> memref<1x40x128xf32, #tpu.memory_space<vmem>>
      %parallel_loop3A_956 = tpu.memref_squeeze %parallel_loop3A_955 : memref<1x40x128xf32, #tpu.memory_space<vmem>> -> memref<40x128xf32, #tpu.memory_space<vmem>>
      %parallel_loop3A_957 = arith.index_cast %parallel_loop3A_749 : i32 to index
      %parallel_loop3A_958 = arith.constant 112 : index
      %parallel_loop3A_959 = tpu.vector_load %parallel_loop3A_956[%parallel_loop3A_957, %parallel_loop3A_958] {strides = array<i32>} : memref<40x128xf32, #tpu.memory_space<vmem>>, vector<1x16xf32>,
      %parallel_loop3A_960 = vector.shape_cast %parallel_loop3A_959 : vector<1x16xf32> to vector<16xf32>
      %parallel_loop3A_961 = arith.constant 0 : i32
      %parallel_loop3A_962 = arith.constant 0 : i32
      %parallel_loop3A_963 = tpu.memref_slice %arg11[%rem3A_189, %parallel_loop3A_961, %parallel_loop3A_962] : memref<4x40x128xf32, #tpu.memory_space<vmem>> -> memref<1x40x128xf32, #tpu.memory_space<vmem>>
      %parallel_loop3A_964 = tpu.memref_squeeze %parallel_loop3A_963 : memref<1x40x128xf32, #tpu.memory_space<vmem>> -> memref<40x128xf32, #tpu.memory_space<vmem>>
      %parallel_loop3A_965 = arith.index_cast %parallel_loop3A_749 : i32 to index
      %parallel_loop3A_966 = arith.constant 112 : index
      %parallel_loop3A_967 = tpu.vector_load %parallel_loop3A_964[%parallel_loop3A_965, %parallel_loop3A_966] {strides = array<i32>} : memref<40x128xf32, #tpu.memory_space<vmem>>, vector<1x16xf32>,
      %parallel_loop3A_968 = vector.shape_cast %parallel_loop3A_967 : vector<1x16xf32> to vector<16xf32>
      %parallel_loop3A_969 = arith.addf %parallel_loop3A_960, %parallel_loop3A_968 : vector<16xf32>
      %parallel_loop3A_970 = arith.constant 0.000000e+00 : f32
      %parallel_loop3A_971 = vector.broadcast %parallel_loop3A_970 : f32 to vector<16xf32>
      %parallel_loop3A_972 = arith.maximumf %parallel_loop3A_969, %parallel_loop3A_971 : vector<16xf32>
      %parallel_loop3A_973 = arith.constant 0 : i32
      %parallel_loop3A_974 = arith.constant 0 : i32
      %parallel_loop3A_975 = tpu.memref_slice %arg11[%rem3A_189, %parallel_loop3A_973, %parallel_loop3A_974] : memref<4x40x128xf32, #tpu.memory_space<vmem>> -> memref<1x40x128xf32, #tpu.memory_space<vmem>>
      %parallel_loop3A_976 = tpu.memref_squeeze %parallel_loop3A_975 : memref<1x40x128xf32, #tpu.memory_space<vmem>> -> memref<40x128xf32, #tpu.memory_space<vmem>>
      %parallel_loop3A_977 = arith.index_cast %parallel_loop3A_749 : i32 to index
      %parallel_loop3A_978 = arith.constant 112 : index
      %parallel_loop3A_979 = tpu.vector_load %parallel_loop3A_976[%parallel_loop3A_977, %parallel_loop3A_978] {strides = array<i32>} : memref<40x128xf32, #tpu.memory_space<vmem>>, vector<1x16xf32>,
      %parallel_loop3A_980 = vector.shape_cast %parallel_loop3A_979 : vector<1x16xf32> to vector<16xf32>
      %parallel_loop3A_981 = vector.shape_cast %parallel_loop3A_972 : vector<16xf32> to vector<1x16xf32>
      tpu.vector_store %parallel_loop3A_976[%parallel_loop3A_977, %parallel_loop3A_978], %parallel_loop3A_981 {strides = array<i32>} : memref<40x128xf32, #tpu.memory_space<vmem>>, vector<1x16xf32>,
    } {sc.loop_unroll_factor = 4 : i64, sc.parallel_access}
    %rem3A_193 = arith.constant 0 : i32
    %rem3A_194 = arith.constant 4 : i32
    %rem3A_195 = arith.remsi %rem3A_193, %rem3A_194 : i32
    %rem3A_196 = arith.constant 0 : i32
    %rem3A_197 = arith.constant 5 : i32
    %rem3A_198 = arith.remsi %rem3A_196, %rem3A_197 : i32
    %rem3A_199 = arith.constant 0 : i32
    %rem3A_200 = arith.constant 4 : i32
    %rem3A_201 = arith.remsi %rem3A_199, %rem3A_200 : i32
    %dma_start3A_202 = arith.constant 0 : i32
    %dma_start3A_203 = arith.constant 0 : i32
    %dma_start3A_204 = tpu.memref_slice %arg11[%rem3A_195, %dma_start3A_202, %dma_start3A_203] : memref<4x40x128xf32, #tpu.memory_space<vmem>> -> memref<1x40x128xf32, #tpu.memory_space<vmem>>
    %dma_start3A_205 = tpu.memref_squeeze %dma_start3A_204 : memref<1x40x128xf32, #tpu.memory_space<vmem>> -> memref<40x128xf32, #tpu.memory_space<vmem>>
    %dma_start3A_206 = arith.constant 0 : i32
    %dma_start3A_207 = tpu.memref_slice %arg9[%rem3A_198, %dma_start3A_206] : memref<5x40xi32, #tpu.memory_space<vmem>> -> memref<1x40xi32, #tpu.memory_space<vmem>>
    %dma_start3A_208 = tpu.memref_squeeze %dma_start3A_207 : memref<1x40xi32, #tpu.memory_space<vmem>> -> memref<40xi32, #tpu.memory_space<vmem>>
    %dma_start3A_209 = arith.constant 0 : i32
    %dma_start3A_210 = arith.constant 0 : i32
    %dma_start3A_211 = tpu.memref_slice %arg7[%dma_start3A_209, %dma_start3A_210] : memref<10000x128xf32, #tpu.memory_space<vmem_shared>> -> memref<10000x128xf32, #tpu.memory_space<vmem_shared>>
    %dma_start3A_212 = tpu.memref_slice %arg14[%rem3A_201] : memref<4x!tpu.dma_semaphore, #tpu.memory_space<semaphore_mem>> -> memref<1x!tpu.dma_semaphore, #tpu.memory_space<semaphore_mem>>
    %dma_start3A_213 = tpu.memref_squeeze %dma_start3A_212 : memref<1x!tpu.dma_semaphore, #tpu.memory_space<semaphore_mem>> -> memref<!tpu.dma_semaphore, #tpu.memory_space<semaphore_mem>>
    tpu.enqueue_indirect_dma source(%dma_start3A_205 : memref<40x128xf32, #tpu.memory_space<vmem>>) target(%dma_start3A_211 : memref<10000x128xf32, #tpu.memory_space<vmem_shared>>) offsets(%dma_start3A_208 : memref<40xi32, #tpu.memory_space<vmem>>) semaphore(%dma_start3A_213 : memref<!tpu.dma_semaphore, #tpu.memory_space<semaphore_mem>>) {add = true}
    %dma_wait3A_214 = arith.constant 0 : i32
    %dma_wait3A_215 = arith.constant 0 : i32
    %dma_wait3A_216 = tpu.memref_slice %arg9[%dma_wait3A_214, %dma_wait3A_215] : memref<5x40xi32, #tpu.memory_space<vmem>> -> memref<1x40xi32, #tpu.memory_space<vmem>>
    %dma_wait3A_217 = tpu.memref_squeeze %dma_wait3A_216 : memref<1x40xi32, #tpu.memory_space<vmem>> -> memref<40xi32, #tpu.memory_space<vmem>>
    %dma_wait3A_218 = arith.constant 0 : i32
    %dma_wait3A_219 = tpu.memref_slice %arg4[%dma_wait3A_218] : memref<320000xi32, #tpu.memory_space<hbm>> -> memref<40xi32, #tpu.memory_space<hbm>>
    %dma_wait3A_220 = arith.constant 0 : i32
    %dma_wait3A_221 = tpu.memref_slice %arg9[%dma_wait3A_214, %dma_wait3A_220] : memref<5x40xi32, #tpu.memory_space<vmem>> -> memref<1x40xi32, #tpu.memory_space<vmem>>
    %dma_wait3A_222 = tpu.memref_squeeze %dma_wait3A_221 : memref<1x40xi32, #tpu.memory_space<vmem>> -> memref<40xi32, #tpu.memory_space<vmem>>
    %dma_wait3A_223 = arith.constant 0 : i32
    %dma_wait3A_224 = tpu.memref_slice %arg4[%dma_wait3A_223] : memref<320000xi32, #tpu.memory_space<hbm>> -> memref<40xi32, #tpu.memory_space<hbm>>
    tpu.wait_dma2 semaphore(%arg12 : memref<!tpu.dma_semaphore, #tpu.memory_space<semaphore_mem>>) src(%dma_wait3A_224 : memref<40xi32, #tpu.memory_space<hbm>>) dst(%dma_wait3A_222 : memref<40xi32, #tpu.memory_space<vmem>>)
    %rem3A_225 = arith.constant 2 : i32
    %rem3A_226 = arith.constant 2 : i32
    %rem3A_227 = arith.remsi %rem3A_225, %rem3A_226 : i32
    %dma_start3A_228 = arith.constant 0 : i32
    %dma_start3A_229 = arith.constant 0 : i32
    %dma_start3A_230 = tpu.memref_slice %arg10[%rem3A_227, %dma_start3A_228, %dma_start3A_229] : memref<2x40x128xf32, #tpu.memory_space<vmem>> -> memref<1x40x128xf32, #tpu.memory_space<vmem>>
    %dma_start3A_231 = tpu.memref_squeeze %dma_start3A_230 : memref<1x40x128xf32, #tpu.memory_space<vmem>> -> memref<40x128xf32, #tpu.memory_space<vmem>>
    %dma_start3A_232 = arith.constant 80 : i32
    %dma_start3A_233 = tpu.memref_slice %arg8[%dma_start3A_232] : memref<10000xi32, #tpu.memory_space<vmem>> -> memref<40xi32, #tpu.memory_space<vmem>>
    %dma_start3A_234 = arith.constant 0 : i32
    %dma_start3A_235 = arith.constant 0 : i32
    %dma_start3A_236 = tpu.memref_slice %arg2[%dma_start3A_234, %dma_start3A_235] : memref<10000x128xf32, #tpu.memory_space<hbm>> -> memref<10000x128xf32, #tpu.memory_space<hbm>>
    %dma_start3A_237 = tpu.memref_slice %arg13[%rem3A_227] : memref<2x!tpu.dma_semaphore, #tpu.memory_space<semaphore_mem>> -> memref<1x!tpu.dma_semaphore, #tpu.memory_space<semaphore_mem>>
    %dma_start3A_238 = tpu.memref_squeeze %dma_start3A_237 : memref<1x!tpu.dma_semaphore, #tpu.memory_space<semaphore_mem>> -> memref<!tpu.dma_semaphore, #tpu.memory_space<semaphore_mem>>
    tpu.enqueue_indirect_dma source(%dma_start3A_236 : memref<10000x128xf32, #tpu.memory_space<hbm>>) target(%dma_start3A_231 : memref<40x128xf32, #tpu.memory_space<vmem>>) offsets(%dma_start3A_233 : memref<40xi32, #tpu.memory_space<vmem>>) semaphore(%dma_start3A_238 : memref<!tpu.dma_semaphore, #tpu.memory_space<semaphore_mem>>)
    %add3A_239 = arith.constant 80 : i32
    %add3A_240 = arith.addi %mul3A_2, %add3A_239 : i32
    %rem3A_241 = arith.constant 2 : i32
    %rem3A_242 = arith.constant 4 : i32
    %rem3A_243 = arith.remsi %rem3A_241, %rem3A_242 : i32
    %dma_start3A_244 = arith.constant 0 : i32
    %dma_start3A_245 = arith.constant 0 : i32
    %dma_start3A_246 = tpu.memref_slice %arg11[%rem3A_243, %dma_start3A_244, %dma_start3A_245] : memref<4x40x128xf32, #tpu.memory_space<vmem>> -> memref<1x40x128xf32, #tpu.memory_space<vmem>>
    %dma_start3A_247 = tpu.memref_squeeze %dma_start3A_246 : memref<1x40x128xf32, #tpu.memory_space<vmem>> -> memref<40x128xf32, #tpu.memory_space<vmem>>
    %dma_start3A_248 = arith.constant 0 : i32
    %dma_start3A_249 = tpu.memref_slice %arg5[%add3A_240, %dma_start3A_248] : memref<320000x128xf32, #tpu.memory_space<hbm>> -> memref<40x128xf32, #tpu.memory_space<hbm>>
    %dma_start3A_250 = tpu.memref_slice %arg13[%rem3A_227] : memref<2x!tpu.dma_semaphore, #tpu.memory_space<semaphore_mem>> -> memref<1x!tpu.dma_semaphore, #tpu.memory_space<semaphore_mem>>
    %dma_start3A_251 = tpu.memref_squeeze %dma_start3A_250 : memref<1x!tpu.dma_semaphore, #tpu.memory_space<semaphore_mem>> -> memref<!tpu.dma_semaphore, #tpu.memory_space<semaphore_mem>>
    %dma_start3A_252 = arith.constant 0 : i32
    %dma_start3A_253 = arith.constant 0 : i32
    %dma_start3A_254 = tpu.memref_slice %arg11[%rem3A_243, %dma_start3A_252, %dma_start3A_253] : memref<4x40x128xf32, #tpu.memory_space<vmem>> -> memref<1x40x128xf32, #tpu.memory_space<vmem>>
    %dma_start3A_255 = tpu.memref_squeeze %dma_start3A_254 : memref<1x40x128xf32, #tpu.memory_space<vmem>> -> memref<40x128xf32, #tpu.memory_space<vmem>>
    %dma_start3A_256 = arith.constant 0 : i32
    %dma_start3A_257 = tpu.memref_slice %arg5[%add3A_240, %dma_start3A_256] : memref<320000x128xf32, #tpu.memory_space<hbm>> -> memref<40x128xf32, #tpu.memory_space<hbm>>
    tpu.enqueue_dma source(%dma_start3A_257 : memref<40x128xf32, #tpu.memory_space<hbm>>) target(%dma_start3A_255 : memref<40x128xf32, #tpu.memory_space<vmem>>) target_semaphore(%dma_start3A_251 : memref<!tpu.dma_semaphore, #tpu.memory_space<semaphore_mem>>)
    %add3A_258 = arith.constant 120 : i32
    %add3A_259 = arith.addi %mul3A_2, %add3A_258 : i32
    %rem3A_260 = arith.constant 3 : i32
    %rem3A_261 = arith.constant 5 : i32
    %rem3A_262 = arith.remsi %rem3A_260, %rem3A_261 : i32
    %dma_start3A_263 = arith.constant 0 : i32
    %dma_start3A_264 = tpu.memref_slice %arg9[%rem3A_262, %dma_start3A_263] : memref<5x40xi32, #tpu.memory_space<vmem>> -> memref<1x40xi32, #tpu.memory_space<vmem>>
    %dma_start3A_265 = tpu.memref_squeeze %dma_start3A_264 : memref<1x40xi32, #tpu.memory_space<vmem>> -> memref<40xi32, #tpu.memory_space<vmem>>
    %dma_start3A_266 = tpu.memref_slice %arg4[%add3A_259] : memref<320000xi32, #tpu.memory_space<hbm>> -> memref<40xi32, #tpu.memory_space<hbm>>
    %dma_start3A_267 = arith.constant 0 : i32
    %dma_start3A_268 = tpu.memref_slice %arg9[%rem3A_262, %dma_start3A_267] : memref<5x40xi32, #tpu.memory_space<vmem>> -> memref<1x40xi32, #tpu.memory_space<vmem>>
    %dma_start3A_269 = tpu.memref_squeeze %dma_start3A_268 : memref<1x40xi32, #tpu.memory_space<vmem>> -> memref<40xi32, #tpu.memory_space<vmem>>
    %dma_start3A_270 = tpu.memref_slice %arg4[%add3A_259] : memref<320000xi32, #tpu.memory_space<hbm>> -> memref<40xi32, #tpu.memory_space<hbm>>
    tpu.enqueue_dma source(%dma_start3A_270 : memref<40xi32, #tpu.memory_space<hbm>>) target(%dma_start3A_269 : memref<40xi32, #tpu.memory_space<vmem>>) target_semaphore(%arg12 : memref<!tpu.dma_semaphore, #tpu.memory_space<semaphore_mem>>)
    %rem3A_271 = arith.constant 1 : i32
    %rem3A_272 = arith.constant 2 : i32
    %rem3A_273 = arith.remsi %rem3A_271, %rem3A_272 : i32
    %dma_wait3A_274 = arith.constant 0 : i32
    %dma_wait3A_275 = arith.constant 0 : i32
    %dma_wait3A_276 = tpu.memref_slice %arg10[%rem3A_273, %dma_wait3A_274, %dma_wait3A_275] : memref<2x40x128xf32, #tpu.memory_space<vmem>> -> memref<1x40x128xf32, #tpu.memory_space<vmem>>
    %dma_wait3A_277 = tpu.memref_squeeze %dma_wait3A_276 : memref<1x40x128xf32, #tpu.memory_space<vmem>> -> memref<40x128xf32, #tpu.memory_space<vmem>>
    %dma_wait3A_278 = arith.constant 0 : i32
    %dma_wait3A_279 = arith.constant 0 : i32
    %dma_wait3A_280 = tpu.memref_slice %arg2[%dma_wait3A_278, %dma_wait3A_279] : memref<10000x128xf32, #tpu.memory_space<hbm>> -> memref<40x128xf32, #tpu.memory_space<hbm>>
    %dma_wait3A_281 = tpu.memref_slice %arg13[%rem3A_273] : memref<2x!tpu.dma_semaphore, #tpu.memory_space<semaphore_mem>> -> memref<1x!tpu.dma_semaphore, #tpu.memory_space<semaphore_mem>>
    %dma_wait3A_282 = tpu.memref_squeeze %dma_wait3A_281 : memref<1x!tpu.dma_semaphore, #tpu.memory_space<semaphore_mem>> -> memref<!tpu.dma_semaphore, #tpu.memory_space<semaphore_mem>>
    %dma_wait3A_283 = arith.constant 0 : i32
    %dma_wait3A_284 = arith.constant 0 : i32
    %dma_wait3A_285 = tpu.memref_slice %arg10[%rem3A_273, %dma_wait3A_283, %dma_wait3A_284] : memref<2x40x128xf32, #tpu.memory_space<vmem>> -> memref<1x40x128xf32, #tpu.memory_space<vmem>>
    %dma_wait3A_286 = tpu.memref_squeeze %dma_wait3A_285 : memref<1x40x128xf32, #tpu.memory_space<vmem>> -> memref<40x128xf32, #tpu.memory_space<vmem>>
    %dma_wait3A_287 = arith.constant 0 : i32
    %dma_wait3A_288 = arith.constant 0 : i32
    %dma_wait3A_289 = tpu.memref_slice %arg2[%dma_wait3A_287, %dma_wait3A_288] : memref<10000x128xf32, #tpu.memory_space<hbm>> -> memref<40x128xf32, #tpu.memory_space<hbm>>
    tpu.wait_dma2 semaphore(%dma_wait3A_282 : memref<!tpu.dma_semaphore, #tpu.memory_space<semaphore_mem>>) src(%dma_wait3A_289 : memref<40x128xf32, #tpu.memory_space<hbm>>) dst(%dma_wait3A_286 : memref<40x128xf32, #tpu.memory_space<vmem>>)
    %rem3A_290 = arith.constant 1 : i32
    %rem3A_291 = arith.constant 4 : i32
    %rem3A_292 = arith.remsi %rem3A_290, %rem3A_291 : i32
    %dma_wait3A_293 = arith.constant 0 : i32
    %dma_wait3A_294 = arith.constant 0 : i32
    %dma_wait3A_295 = tpu.memref_slice %arg11[%rem3A_292, %dma_wait3A_293, %dma_wait3A_294] : memref<4x40x128xf32, #tpu.memory_space<vmem>> -> memref<1x40x128xf32, #tpu.memory_space<vmem>>
    %dma_wait3A_296 = tpu.memref_squeeze %dma_wait3A_295 : memref<1x40x128xf32, #tpu.memory_space<vmem>> -> memref<40x128xf32, #tpu.memory_space<vmem>>
    %dma_wait3A_297 = arith.constant 0 : i32
    %dma_wait3A_298 = tpu.memref_slice %arg5[%mul3A_2, %dma_wait3A_297] : memref<320000x128xf32, #tpu.memory_space<hbm>> -> memref<40x128xf32, #tpu.memory_space<hbm>>
    %dma_wait3A_299 = tpu.memref_slice %arg13[%rem3A_273] : memref<2x!tpu.dma_semaphore, #tpu.memory_space<semaphore_mem>> -> memref<1x!tpu.dma_semaphore, #tpu.memory_space<semaphore_mem>>
    %dma_wait3A_300 = tpu.memref_squeeze %dma_wait3A_299 : memref<1x!tpu.dma_semaphore, #tpu.memory_space<semaphore_mem>> -> memref<!tpu.dma_semaphore, #tpu.memory_space<semaphore_mem>>
    %dma_wait3A_301 = arith.constant 0 : i32
    %dma_wait3A_302 = arith.constant 0 : i32
    %dma_wait3A_303 = tpu.memref_slice %arg11[%rem3A_292, %dma_wait3A_301, %dma_wait3A_302] : memref<4x40x128xf32, #tpu.memory_space<vmem>> -> memref<1x40x128xf32, #tpu.memory_space<vmem>>
    %dma_wait3A_304 = tpu.memref_squeeze %dma_wait3A_303 : memref<1x40x128xf32, #tpu.memory_space<vmem>> -> memref<40x128xf32, #tpu.memory_space<vmem>>
    %dma_wait3A_305 = arith.constant 0 : i32
    %dma_wait3A_306 = tpu.memref_slice %arg5[%mul3A_2, %dma_wait3A_305] : memref<320000x128xf32, #tpu.memory_space<hbm>> -> memref<40x128xf32, #tpu.memory_space<hbm>>
    tpu.wait_dma2 semaphore(%dma_wait3A_300 : memref<!tpu.dma_semaphore, #tpu.memory_space<semaphore_mem>>) src(%dma_wait3A_306 : memref<40x128xf32, #tpu.memory_space<hbm>>) dst(%dma_wait3A_304 : memref<40x128xf32, #tpu.memory_space<vmem>>)
    %rem3A_307 = arith.constant 1 : i32
    %rem3A_308 = arith.constant 2 : i32
    %rem3A_309 = arith.remsi %rem3A_307, %rem3A_308 : i32
    %rem3A_310 = arith.constant 1 : i32
    %rem3A_311 = arith.constant 4 : i32
    %rem3A_312 = arith.remsi %rem3A_310, %rem3A_311 : i32
    %parallel_loop3A_313 = arith.constant 0 : i32
    %parallel_loop3A_314 = arith.constant 40 : i32
    %parallel_loop3A_315 = arith.constant 1 : i32
    scf.for %parallel_loop3A_749 = %parallel_loop3A_313 to %parallel_loop3A_314 step %parallel_loop3A_315  : i32 {
      %parallel_loop3A_750 = arith.constant 0 : i32
      %parallel_loop3A_751 = arith.constant 0 : i32
      %parallel_loop3A_752 = tpu.memref_slice %arg10[%rem3A_309, %parallel_loop3A_750, %parallel_loop3A_751] : memref<2x40x128xf32, #tpu.memory_space<vmem>> -> memref<1x40x128xf32, #tpu.memory_space<vmem>>
      %parallel_loop3A_753 = tpu.memref_squeeze %parallel_loop3A_752 : memref<1x40x128xf32, #tpu.memory_space<vmem>> -> memref<40x128xf32, #tpu.memory_space<vmem>>
      %parallel_loop3A_754 = arith.index_cast %parallel_loop3A_749 : i32 to index
      %parallel_loop3A_755 = arith.constant 0 : index
      %parallel_loop3A_756 = tpu.vector_load %parallel_loop3A_753[%parallel_loop3A_754, %parallel_loop3A_755] {strides = array<i32>} : memref<40x128xf32, #tpu.memory_space<vmem>>, vector<1x16xf32>,
      %parallel_loop3A_757 = vector.shape_cast %parallel_loop3A_756 : vector<1x16xf32> to vector<16xf32>
      %parallel_loop3A_758 = arith.constant 0 : i32
      %parallel_loop3A_759 = arith.constant 0 : i32
      %parallel_loop3A_760 = tpu.memref_slice %arg11[%rem3A_312, %parallel_loop3A_758, %parallel_loop3A_759] : memref<4x40x128xf32, #tpu.memory_space<vmem>> -> memref<1x40x128xf32, #tpu.memory_space<vmem>>
      %parallel_loop3A_761 = tpu.memref_squeeze %parallel_loop3A_760 : memref<1x40x128xf32, #tpu.memory_space<vmem>> -> memref<40x128xf32, #tpu.memory_space<vmem>>
      %parallel_loop3A_762 = arith.index_cast %parallel_loop3A_749 : i32 to index
      %parallel_loop3A_763 = arith.constant 0 : index
      %parallel_loop3A_764 = tpu.vector_load %parallel_loop3A_761[%parallel_loop3A_762, %parallel_loop3A_763] {strides = array<i32>} : memref<40x128xf32, #tpu.memory_space<vmem>>, vector<1x16xf32>,
      %parallel_loop3A_765 = vector.shape_cast %parallel_loop3A_764 : vector<1x16xf32> to vector<16xf32>
      %parallel_loop3A_766 = arith.addf %parallel_loop3A_757, %parallel_loop3A_765 : vector<16xf32>
      %parallel_loop3A_767 = arith.constant 0.000000e+00 : f32
      %parallel_loop3A_768 = vector.broadcast %parallel_loop3A_767 : f32 to vector<16xf32>
      %parallel_loop3A_769 = arith.maximumf %parallel_loop3A_766, %parallel_loop3A_768 : vector<16xf32>
      %parallel_loop3A_770 = arith.constant 0 : i32
      %parallel_loop3A_771 = arith.constant 0 : i32
      %parallel_loop3A_772 = tpu.memref_slice %arg11[%rem3A_312, %parallel_loop3A_770, %parallel_loop3A_771] : memref<4x40x128xf32, #tpu.memory_space<vmem>> -> memref<1x40x128xf32, #tpu.memory_space<vmem>>
      %parallel_loop3A_773 = tpu.memref_squeeze %parallel_loop3A_772 : memref<1x40x128xf32, #tpu.memory_space<vmem>> -> memref<40x128xf32, #tpu.memory_space<vmem>>
      %parallel_loop3A_774 = arith.index_cast %parallel_loop3A_749 : i32 to index
      %parallel_loop3A_775 = arith.constant 0 : index
      %parallel_loop3A_776 = tpu.vector_load %parallel_loop3A_773[%parallel_loop3A_774, %parallel_loop3A_775] {strides = array<i32>} : memref<40x128xf32, #tpu.memory_space<vmem>>, vector<1x16xf32>,
      %parallel_loop3A_777 = vector.shape_cast %parallel_loop3A_776 : vector<1x16xf32> to vector<16xf32>
      %parallel_loop3A_778 = vector.shape_cast %parallel_loop3A_769 : vector<16xf32> to vector<1x16xf32>
      tpu.vector_store %parallel_loop3A_773[%parallel_loop3A_774, %parallel_loop3A_775], %parallel_loop3A_778 {strides = array<i32>} : memref<40x128xf32, #tpu.memory_space<vmem>>, vector<1x16xf32>,
      %parallel_loop3A_779 = arith.constant 0 : i32
      %parallel_loop3A_780 = arith.constant 0 : i32
      %parallel_loop3A_781 = tpu.memref_slice %arg10[%rem3A_309, %parallel_loop3A_779, %parallel_loop3A_780] : memref<2x40x128xf32, #tpu.memory_space<vmem>> -> memref<1x40x128xf32, #tpu.memory_space<vmem>>
      %parallel_loop3A_782 = tpu.memref_squeeze %parallel_loop3A_781 : memref<1x40x128xf32, #tpu.memory_space<vmem>> -> memref<40x128xf32, #tpu.memory_space<vmem>>
      %parallel_loop3A_783 = arith.index_cast %parallel_loop3A_749 : i32 to index
      %parallel_loop3A_784 = arith.constant 16 : index
      %parallel_loop3A_785 = tpu.vector_load %parallel_loop3A_782[%parallel_loop3A_783, %parallel_loop3A_784] {strides = array<i32>} : memref<40x128xf32, #tpu.memory_space<vmem>>, vector<1x16xf32>,
      %parallel_loop3A_786 = vector.shape_cast %parallel_loop3A_785 : vector<1x16xf32> to vector<16xf32>
      %parallel_loop3A_787 = arith.constant 0 : i32
      %parallel_loop3A_788 = arith.constant 0 : i32
      %parallel_loop3A_789 = tpu.memref_slice %arg11[%rem3A_312, %parallel_loop3A_787, %parallel_loop3A_788] : memref<4x40x128xf32, #tpu.memory_space<vmem>> -> memref<1x40x128xf32, #tpu.memory_space<vmem>>
      %parallel_loop3A_790 = tpu.memref_squeeze %parallel_loop3A_789 : memref<1x40x128xf32, #tpu.memory_space<vmem>> -> memref<40x128xf32, #tpu.memory_space<vmem>>
      %parallel_loop3A_791 = arith.index_cast %parallel_loop3A_749 : i32 to index
      %parallel_loop3A_792 = arith.constant 16 : index
      %parallel_loop3A_793 = tpu.vector_load %parallel_loop3A_790[%parallel_loop3A_791, %parallel_loop3A_792] {strides = array<i32>} : memref<40x128xf32, #tpu.memory_space<vmem>>, vector<1x16xf32>,
      %parallel_loop3A_794 = vector.shape_cast %parallel_loop3A_793 : vector<1x16xf32> to vector<16xf32>
      %parallel_loop3A_795 = arith.addf %parallel_loop3A_786, %parallel_loop3A_794 : vector<16xf32>
      %parallel_loop3A_796 = arith.constant 0.000000e+00 : f32
      %parallel_loop3A_797 = vector.broadcast %parallel_loop3A_796 : f32 to vector<16xf32>
      %parallel_loop3A_798 = arith.maximumf %parallel_loop3A_795, %parallel_loop3A_797 : vector<16xf32>
      %parallel_loop3A_799 = arith.constant 0 : i32
      %parallel_loop3A_800 = arith.constant 0 : i32
      %parallel_loop3A_801 = tpu.memref_slice %arg11[%rem3A_312, %parallel_loop3A_799, %parallel_loop3A_800] : memref<4x40x128xf32, #tpu.memory_space<vmem>> -> memref<1x40x128xf32, #tpu.memory_space<vmem>>
      %parallel_loop3A_802 = tpu.memref_squeeze %parallel_loop3A_801 : memref<1x40x128xf32, #tpu.memory_space<vmem>> -> memref<40x128xf32, #tpu.memory_space<vmem>>
      %parallel_loop3A_803 = arith.index_cast %parallel_loop3A_749 : i32 to index
      %parallel_loop3A_804 = arith.constant 16 : index
      %parallel_loop3A_805 = tpu.vector_load %parallel_loop3A_802[%parallel_loop3A_803, %parallel_loop3A_804] {strides = array<i32>} : memref<40x128xf32, #tpu.memory_space<vmem>>, vector<1x16xf32>,
      %parallel_loop3A_806 = vector.shape_cast %parallel_loop3A_805 : vector<1x16xf32> to vector<16xf32>
      %parallel_loop3A_807 = vector.shape_cast %parallel_loop3A_798 : vector<16xf32> to vector<1x16xf32>
      tpu.vector_store %parallel_loop3A_802[%parallel_loop3A_803, %parallel_loop3A_804], %parallel_loop3A_807 {strides = array<i32>} : memref<40x128xf32, #tpu.memory_space<vmem>>, vector<1x16xf32>,
      %parallel_loop3A_808 = arith.constant 0 : i32
      %parallel_loop3A_809 = arith.constant 0 : i32
      %parallel_loop3A_810 = tpu.memref_slice %arg10[%rem3A_309, %parallel_loop3A_808, %parallel_loop3A_809] : memref<2x40x128xf32, #tpu.memory_space<vmem>> -> memref<1x40x128xf32, #tpu.memory_space<vmem>>
      %parallel_loop3A_811 = tpu.memref_squeeze %parallel_loop3A_810 : memref<1x40x128xf32, #tpu.memory_space<vmem>> -> memref<40x128xf32, #tpu.memory_space<vmem>>
      %parallel_loop3A_812 = arith.index_cast %parallel_loop3A_749 : i32 to index
      %parallel_loop3A_813 = arith.constant 32 : index
      %parallel_loop3A_814 = tpu.vector_load %parallel_loop3A_811[%parallel_loop3A_812, %parallel_loop3A_813] {strides = array<i32>} : memref<40x128xf32, #tpu.memory_space<vmem>>, vector<1x16xf32>,
      %parallel_loop3A_815 = vector.shape_cast %parallel_loop3A_814 : vector<1x16xf32> to vector<16xf32>
      %parallel_loop3A_816 = arith.constant 0 : i32
      %parallel_loop3A_817 = arith.constant 0 : i32
      %parallel_loop3A_818 = tpu.memref_slice %arg11[%rem3A_312, %parallel_loop3A_816, %parallel_loop3A_817] : memref<4x40x128xf32, #tpu.memory_space<vmem>> -> memref<1x40x128xf32, #tpu.memory_space<vmem>>
      %parallel_loop3A_819 = tpu.memref_squeeze %parallel_loop3A_818 : memref<1x40x128xf32, #tpu.memory_space<vmem>> -> memref<40x128xf32, #tpu.memory_space<vmem>>
      %parallel_loop3A_820 = arith.index_cast %parallel_loop3A_749 : i32 to index
      %parallel_loop3A_821 = arith.constant 32 : index
      %parallel_loop3A_822 = tpu.vector_load %parallel_loop3A_819[%parallel_loop3A_820, %parallel_loop3A_821] {strides = array<i32>} : memref<40x128xf32, #tpu.memory_space<vmem>>, vector<1x16xf32>,
      %parallel_loop3A_823 = vector.shape_cast %parallel_loop3A_822 : vector<1x16xf32> to vector<16xf32>
      %parallel_loop3A_824 = arith.addf %parallel_loop3A_815, %parallel_loop3A_823 : vector<16xf32>
      %parallel_loop3A_825 = arith.constant 0.000000e+00 : f32
      %parallel_loop3A_826 = vector.broadcast %parallel_loop3A_825 : f32 to vector<16xf32>
      %parallel_loop3A_827 = arith.maximumf %parallel_loop3A_824, %parallel_loop3A_826 : vector<16xf32>
      %parallel_loop3A_828 = arith.constant 0 : i32
      %parallel_loop3A_829 = arith.constant 0 : i32
      %parallel_loop3A_830 = tpu.memref_slice %arg11[%rem3A_312, %parallel_loop3A_828, %parallel_loop3A_829] : memref<4x40x128xf32, #tpu.memory_space<vmem>> -> memref<1x40x128xf32, #tpu.memory_space<vmem>>
      %parallel_loop3A_831 = tpu.memref_squeeze %parallel_loop3A_830 : memref<1x40x128xf32, #tpu.memory_space<vmem>> -> memref<40x128xf32, #tpu.memory_space<vmem>>
      %parallel_loop3A_832 = arith.index_cast %parallel_loop3A_749 : i32 to index
      %parallel_loop3A_833 = arith.constant 32 : index
      %parallel_loop3A_834 = tpu.vector_load %parallel_loop3A_831[%parallel_loop3A_832, %parallel_loop3A_833] {strides = array<i32>} : memref<40x128xf32, #tpu.memory_space<vmem>>, vector<1x16xf32>,
      %parallel_loop3A_835 = vector.shape_cast %parallel_loop3A_834 : vector<1x16xf32> to vector<16xf32>
      %parallel_loop3A_836 = vector.shape_cast %parallel_loop3A_827 : vector<16xf32> to vector<1x16xf32>
      tpu.vector_store %parallel_loop3A_831[%parallel_loop3A_832, %parallel_loop3A_833], %parallel_loop3A_836 {strides = array<i32>} : memref<40x128xf32, #tpu.memory_space<vmem>>, vector<1x16xf32>,
      %parallel_loop3A_837 = arith.constant 0 : i32
      %parallel_loop3A_838 = arith.constant 0 : i32
      %parallel_loop3A_839 = tpu.memref_slice %arg10[%rem3A_309, %parallel_loop3A_837, %parallel_loop3A_838] : memref<2x40x128xf32, #tpu.memory_space<vmem>> -> memref<1x40x128xf32, #tpu.memory_space<vmem>>
      %parallel_loop3A_840 = tpu.memref_squeeze %parallel_loop3A_839 : memref<1x40x128xf32, #tpu.memory_space<vmem>> -> memref<40x128xf32, #tpu.memory_space<vmem>>
      %parallel_loop3A_841 = arith.index_cast %parallel_loop3A_749 : i32 to index
      %parallel_loop3A_842 = arith.constant 48 : index
      %parallel_loop3A_843 = tpu.vector_load %parallel_loop3A_840[%parallel_loop3A_841, %parallel_loop3A_842] {strides = array<i32>} : memref<40x128xf32, #tpu.memory_space<vmem>>, vector<1x16xf32>,
      %parallel_loop3A_844 = vector.shape_cast %parallel_loop3A_843 : vector<1x16xf32> to vector<16xf32>
      %parallel_loop3A_845 = arith.constant 0 : i32
      %parallel_loop3A_846 = arith.constant 0 : i32
      %parallel_loop3A_847 = tpu.memref_slice %arg11[%rem3A_312, %parallel_loop3A_845, %parallel_loop3A_846] : memref<4x40x128xf32, #tpu.memory_space<vmem>> -> memref<1x40x128xf32, #tpu.memory_space<vmem>>
      %parallel_loop3A_848 = tpu.memref_squeeze %parallel_loop3A_847 : memref<1x40x128xf32, #tpu.memory_space<vmem>> -> memref<40x128xf32, #tpu.memory_space<vmem>>
      %parallel_loop3A_849 = arith.index_cast %parallel_loop3A_749 : i32 to index
      %parallel_loop3A_850 = arith.constant 48 : index
      %parallel_loop3A_851 = tpu.vector_load %parallel_loop3A_848[%parallel_loop3A_849, %parallel_loop3A_850] {strides = array<i32>} : memref<40x128xf32, #tpu.memory_space<vmem>>, vector<1x16xf32>,
      %parallel_loop3A_852 = vector.shape_cast %parallel_loop3A_851 : vector<1x16xf32> to vector<16xf32>
      %parallel_loop3A_853 = arith.addf %parallel_loop3A_844, %parallel_loop3A_852 : vector<16xf32>
      %parallel_loop3A_854 = arith.constant 0.000000e+00 : f32
      %parallel_loop3A_855 = vector.broadcast %parallel_loop3A_854 : f32 to vector<16xf32>
      %parallel_loop3A_856 = arith.maximumf %parallel_loop3A_853, %parallel_loop3A_855 : vector<16xf32>
      %parallel_loop3A_857 = arith.constant 0 : i32
      %parallel_loop3A_858 = arith.constant 0 : i32
      %parallel_loop3A_859 = tpu.memref_slice %arg11[%rem3A_312, %parallel_loop3A_857, %parallel_loop3A_858] : memref<4x40x128xf32, #tpu.memory_space<vmem>> -> memref<1x40x128xf32, #tpu.memory_space<vmem>>
      %parallel_loop3A_860 = tpu.memref_squeeze %parallel_loop3A_859 : memref<1x40x128xf32, #tpu.memory_space<vmem>> -> memref<40x128xf32, #tpu.memory_space<vmem>>
      %parallel_loop3A_861 = arith.index_cast %parallel_loop3A_749 : i32 to index
      %parallel_loop3A_862 = arith.constant 48 : index
      %parallel_loop3A_863 = tpu.vector_load %parallel_loop3A_860[%parallel_loop3A_861, %parallel_loop3A_862] {strides = array<i32>} : memref<40x128xf32, #tpu.memory_space<vmem>>, vector<1x16xf32>,
      %parallel_loop3A_864 = vector.shape_cast %parallel_loop3A_863 : vector<1x16xf32> to vector<16xf32>
      %parallel_loop3A_865 = vector.shape_cast %parallel_loop3A_856 : vector<16xf32> to vector<1x16xf32>
      tpu.vector_store %parallel_loop3A_860[%parallel_loop3A_861, %parallel_loop3A_862], %parallel_loop3A_865 {strides = array<i32>} : memref<40x128xf32, #tpu.memory_space<vmem>>, vector<1x16xf32>,
      %parallel_loop3A_866 = arith.constant 0 : i32
      %parallel_loop3A_867 = arith.constant 0 : i32
      %parallel_loop3A_868 = tpu.memref_slice %arg10[%rem3A_309, %parallel_loop3A_866, %parallel_loop3A_867] : memref<2x40x128xf32, #tpu.memory_space<vmem>> -> memref<1x40x128xf32, #tpu.memory_space<vmem>>
      %parallel_loop3A_869 = tpu.memref_squeeze %parallel_loop3A_868 : memref<1x40x128xf32, #tpu.memory_space<vmem>> -> memref<40x128xf32, #tpu.memory_space<vmem>>
      %parallel_loop3A_870 = arith.index_cast %parallel_loop3A_749 : i32 to index
      %parallel_loop3A_871 = arith.constant 64 : index
      %parallel_loop3A_872 = tpu.vector_load %parallel_loop3A_869[%parallel_loop3A_870, %parallel_loop3A_871] {strides = array<i32>} : memref<40x128xf32, #tpu.memory_space<vmem>>, vector<1x16xf32>,
      %parallel_loop3A_873 = vector.shape_cast %parallel_loop3A_872 : vector<1x16xf32> to vector<16xf32>
      %parallel_loop3A_874 = arith.constant 0 : i32
      %parallel_loop3A_875 = arith.constant 0 : i32
      %parallel_loop3A_876 = tpu.memref_slice %arg11[%rem3A_312, %parallel_loop3A_874, %parallel_loop3A_875] : memref<4x40x128xf32, #tpu.memory_space<vmem>> -> memref<1x40x128xf32, #tpu.memory_space<vmem>>
      %parallel_loop3A_877 = tpu.memref_squeeze %parallel_loop3A_876 : memref<1x40x128xf32, #tpu.memory_space<vmem>> -> memref<40x128xf32, #tpu.memory_space<vmem>>
      %parallel_loop3A_878 = arith.index_cast %parallel_loop3A_749 : i32 to index
      %parallel_loop3A_879 = arith.constant 64 : index
      %parallel_loop3A_880 = tpu.vector_load %parallel_loop3A_877[%parallel_loop3A_878, %parallel_loop3A_879] {strides = array<i32>} : memref<40x128xf32, #tpu.memory_space<vmem>>, vector<1x16xf32>,
      %parallel_loop3A_881 = vector.shape_cast %parallel_loop3A_880 : vector<1x16xf32> to vector<16xf32>
      %parallel_loop3A_882 = arith.addf %parallel_loop3A_873, %parallel_loop3A_881 : vector<16xf32>
      %parallel_loop3A_883 = arith.constant 0.000000e+00 : f32
      %parallel_loop3A_884 = vector.broadcast %parallel_loop3A_883 : f32 to vector<16xf32>
      %parallel_loop3A_885 = arith.maximumf %parallel_loop3A_882, %parallel_loop3A_884 : vector<16xf32>
      %parallel_loop3A_886 = arith.constant 0 : i32
      %parallel_loop3A_887 = arith.constant 0 : i32
      %parallel_loop3A_888 = tpu.memref_slice %arg11[%rem3A_312, %parallel_loop3A_886, %parallel_loop3A_887] : memref<4x40x128xf32, #tpu.memory_space<vmem>> -> memref<1x40x128xf32, #tpu.memory_space<vmem>>
      %parallel_loop3A_889 = tpu.memref_squeeze %parallel_loop3A_888 : memref<1x40x128xf32, #tpu.memory_space<vmem>> -> memref<40x128xf32, #tpu.memory_space<vmem>>
      %parallel_loop3A_890 = arith.index_cast %parallel_loop3A_749 : i32 to index
      %parallel_loop3A_891 = arith.constant 64 : index
      %parallel_loop3A_892 = tpu.vector_load %parallel_loop3A_889[%parallel_loop3A_890, %parallel_loop3A_891] {strides = array<i32>} : memref<40x128xf32, #tpu.memory_space<vmem>>, vector<1x16xf32>,
      %parallel_loop3A_893 = vector.shape_cast %parallel_loop3A_892 : vector<1x16xf32> to vector<16xf32>
      %parallel_loop3A_894 = vector.shape_cast %parallel_loop3A_885 : vector<16xf32> to vector<1x16xf32>
      tpu.vector_store %parallel_loop3A_889[%parallel_loop3A_890, %parallel_loop3A_891], %parallel_loop3A_894 {strides = array<i32>} : memref<40x128xf32, #tpu.memory_space<vmem>>, vector<1x16xf32>,
      %parallel_loop3A_895 = arith.constant 0 : i32
      %parallel_loop3A_896 = arith.constant 0 : i32
      %parallel_loop3A_897 = tpu.memref_slice %arg10[%rem3A_309, %parallel_loop3A_895, %parallel_loop3A_896] : memref<2x40x128xf32, #tpu.memory_space<vmem>> -> memref<1x40x128xf32, #tpu.memory_space<vmem>>
      %parallel_loop3A_898 = tpu.memref_squeeze %parallel_loop3A_897 : memref<1x40x128xf32, #tpu.memory_space<vmem>> -> memref<40x128xf32, #tpu.memory_space<vmem>>
      %parallel_loop3A_899 = arith.index_cast %parallel_loop3A_749 : i32 to index
      %parallel_loop3A_900 = arith.constant 80 : index
      %parallel_loop3A_901 = tpu.vector_load %parallel_loop3A_898[%parallel_loop3A_899, %parallel_loop3A_900] {strides = array<i32>} : memref<40x128xf32, #tpu.memory_space<vmem>>, vector<1x16xf32>,
      %parallel_loop3A_902 = vector.shape_cast %parallel_loop3A_901 : vector<1x16xf32> to vector<16xf32>
      %parallel_loop3A_903 = arith.constant 0 : i32
      %parallel_loop3A_904 = arith.constant 0 : i32
      %parallel_loop3A_905 = tpu.memref_slice %arg11[%rem3A_312, %parallel_loop3A_903, %parallel_loop3A_904] : memref<4x40x128xf32, #tpu.memory_space<vmem>> -> memref<1x40x128xf32, #tpu.memory_space<vmem>>
      %parallel_loop3A_906 = tpu.memref_squeeze %parallel_loop3A_905 : memref<1x40x128xf32, #tpu.memory_space<vmem>> -> memref<40x128xf32, #tpu.memory_space<vmem>>
      %parallel_loop3A_907 = arith.index_cast %parallel_loop3A_749 : i32 to index
      %parallel_loop3A_908 = arith.constant 80 : index
      %parallel_loop3A_909 = tpu.vector_load %parallel_loop3A_906[%parallel_loop3A_907, %parallel_loop3A_908] {strides = array<i32>} : memref<40x128xf32, #tpu.memory_space<vmem>>, vector<1x16xf32>,
      %parallel_loop3A_910 = vector.shape_cast %parallel_loop3A_909 : vector<1x16xf32> to vector<16xf32>
      %parallel_loop3A_911 = arith.addf %parallel_loop3A_902, %parallel_loop3A_910 : vector<16xf32>
      %parallel_loop3A_912 = arith.constant 0.000000e+00 : f32
      %parallel_loop3A_913 = vector.broadcast %parallel_loop3A_912 : f32 to vector<16xf32>
      %parallel_loop3A_914 = arith.maximumf %parallel_loop3A_911, %parallel_loop3A_913 : vector<16xf32>
      %parallel_loop3A_915 = arith.constant 0 : i32
      %parallel_loop3A_916 = arith.constant 0 : i32
      %parallel_loop3A_917 = tpu.memref_slice %arg11[%rem3A_312, %parallel_loop3A_915, %parallel_loop3A_916] : memref<4x40x128xf32, #tpu.memory_space<vmem>> -> memref<1x40x128xf32, #tpu.memory_space<vmem>>
      %parallel_loop3A_918 = tpu.memref_squeeze %parallel_loop3A_917 : memref<1x40x128xf32, #tpu.memory_space<vmem>> -> memref<40x128xf32, #tpu.memory_space<vmem>>
      %parallel_loop3A_919 = arith.index_cast %parallel_loop3A_749 : i32 to index
      %parallel_loop3A_920 = arith.constant 80 : index
      %parallel_loop3A_921 = tpu.vector_load %parallel_loop3A_918[%parallel_loop3A_919, %parallel_loop3A_920] {strides = array<i32>} : memref<40x128xf32, #tpu.memory_space<vmem>>, vector<1x16xf32>,
      %parallel_loop3A_922 = vector.shape_cast %parallel_loop3A_921 : vector<1x16xf32> to vector<16xf32>
      %parallel_loop3A_923 = vector.shape_cast %parallel_loop3A_914 : vector<16xf32> to vector<1x16xf32>
      tpu.vector_store %parallel_loop3A_918[%parallel_loop3A_919, %parallel_loop3A_920], %parallel_loop3A_923 {strides = array<i32>} : memref<40x128xf32, #tpu.memory_space<vmem>>, vector<1x16xf32>,
      %parallel_loop3A_924 = arith.constant 0 : i32
      %parallel_loop3A_925 = arith.constant 0 : i32
      %parallel_loop3A_926 = tpu.memref_slice %arg10[%rem3A_309, %parallel_loop3A_924, %parallel_loop3A_925] : memref<2x40x128xf32, #tpu.memory_space<vmem>> -> memref<1x40x128xf32, #tpu.memory_space<vmem>>
      %parallel_loop3A_927 = tpu.memref_squeeze %parallel_loop3A_926 : memref<1x40x128xf32, #tpu.memory_space<vmem>> -> memref<40x128xf32, #tpu.memory_space<vmem>>
      %parallel_loop3A_928 = arith.index_cast %parallel_loop3A_749 : i32 to index
      %parallel_loop3A_929 = arith.constant 96 : index
      %parallel_loop3A_930 = tpu.vector_load %parallel_loop3A_927[%parallel_loop3A_928, %parallel_loop3A_929] {strides = array<i32>} : memref<40x128xf32, #tpu.memory_space<vmem>>, vector<1x16xf32>,
      %parallel_loop3A_931 = vector.shape_cast %parallel_loop3A_930 : vector<1x16xf32> to vector<16xf32>
      %parallel_loop3A_932 = arith.constant 0 : i32
      %parallel_loop3A_933 = arith.constant 0 : i32
      %parallel_loop3A_934 = tpu.memref_slice %arg11[%rem3A_312, %parallel_loop3A_932, %parallel_loop3A_933] : memref<4x40x128xf32, #tpu.memory_space<vmem>> -> memref<1x40x128xf32, #tpu.memory_space<vmem>>
      %parallel_loop3A_935 = tpu.memref_squeeze %parallel_loop3A_934 : memref<1x40x128xf32, #tpu.memory_space<vmem>> -> memref<40x128xf32, #tpu.memory_space<vmem>>
      %parallel_loop3A_936 = arith.index_cast %parallel_loop3A_749 : i32 to index
      %parallel_loop3A_937 = arith.constant 96 : index
      %parallel_loop3A_938 = tpu.vector_load %parallel_loop3A_935[%parallel_loop3A_936, %parallel_loop3A_937] {strides = array<i32>} : memref<40x128xf32, #tpu.memory_space<vmem>>, vector<1x16xf32>,
      %parallel_loop3A_939 = vector.shape_cast %parallel_loop3A_938 : vector<1x16xf32> to vector<16xf32>
      %parallel_loop3A_940 = arith.addf %parallel_loop3A_931, %parallel_loop3A_939 : vector<16xf32>
      %parallel_loop3A_941 = arith.constant 0.000000e+00 : f32
      %parallel_loop3A_942 = vector.broadcast %parallel_loop3A_941 : f32 to vector<16xf32>
      %parallel_loop3A_943 = arith.maximumf %parallel_loop3A_940, %parallel_loop3A_942 : vector<16xf32>
      %parallel_loop3A_944 = arith.constant 0 : i32
      %parallel_loop3A_945 = arith.constant 0 : i32
      %parallel_loop3A_946 = tpu.memref_slice %arg11[%rem3A_312, %parallel_loop3A_944, %parallel_loop3A_945] : memref<4x40x128xf32, #tpu.memory_space<vmem>> -> memref<1x40x128xf32, #tpu.memory_space<vmem>>
      %parallel_loop3A_947 = tpu.memref_squeeze %parallel_loop3A_946 : memref<1x40x128xf32, #tpu.memory_space<vmem>> -> memref<40x128xf32, #tpu.memory_space<vmem>>
      %parallel_loop3A_948 = arith.index_cast %parallel_loop3A_749 : i32 to index
      %parallel_loop3A_949 = arith.constant 96 : index
      %parallel_loop3A_950 = tpu.vector_load %parallel_loop3A_947[%parallel_loop3A_948, %parallel_loop3A_949] {strides = array<i32>} : memref<40x128xf32, #tpu.memory_space<vmem>>, vector<1x16xf32>,
      %parallel_loop3A_951 = vector.shape_cast %parallel_loop3A_950 : vector<1x16xf32> to vector<16xf32>
      %parallel_loop3A_952 = vector.shape_cast %parallel_loop3A_943 : vector<16xf32> to vector<1x16xf32>
      tpu.vector_store %parallel_loop3A_947[%parallel_loop3A_948, %parallel_loop3A_949], %parallel_loop3A_952 {strides = array<i32>} : memref<40x128xf32, #tpu.memory_space<vmem>>, vector<1x16xf32>,
      %parallel_loop3A_953 = arith.constant 0 : i32
      %parallel_loop3A_954 = arith.constant 0 : i32
      %parallel_loop3A_955 = tpu.memref_slice %arg10[%rem3A_309, %parallel_loop3A_953, %parallel_loop3A_954] : memref<2x40x128xf32, #tpu.memory_space<vmem>> -> memref<1x40x128xf32, #tpu.memory_space<vmem>>
      %parallel_loop3A_956 = tpu.memref_squeeze %parallel_loop3A_955 : memref<1x40x128xf32, #tpu.memory_space<vmem>> -> memref<40x128xf32, #tpu.memory_space<vmem>>
      %parallel_loop3A_957 = arith.index_cast %parallel_loop3A_749 : i32 to index
      %parallel_loop3A_958 = arith.constant 112 : index
      %parallel_loop3A_959 = tpu.vector_load %parallel_loop3A_956[%parallel_loop3A_957, %parallel_loop3A_958] {strides = array<i32>} : memref<40x128xf32, #tpu.memory_space<vmem>>, vector<1x16xf32>,
      %parallel_loop3A_960 = vector.shape_cast %parallel_loop3A_959 : vector<1x16xf32> to vector<16xf32>
      %parallel_loop3A_961 = arith.constant 0 : i32
      %parallel_loop3A_962 = arith.constant 0 : i32
      %parallel_loop3A_963 = tpu.memref_slice %arg11[%rem3A_312, %parallel_loop3A_961, %parallel_loop3A_962] : memref<4x40x128xf32, #tpu.memory_space<vmem>> -> memref<1x40x128xf32, #tpu.memory_space<vmem>>
      %parallel_loop3A_964 = tpu.memref_squeeze %parallel_loop3A_963 : memref<1x40x128xf32, #tpu.memory_space<vmem>> -> memref<40x128xf32, #tpu.memory_space<vmem>>
      %parallel_loop3A_965 = arith.index_cast %parallel_loop3A_749 : i32 to index
      %parallel_loop3A_966 = arith.constant 112 : index
      %parallel_loop3A_967 = tpu.vector_load %parallel_loop3A_964[%parallel_loop3A_965, %parallel_loop3A_966] {strides = array<i32>} : memref<40x128xf32, #tpu.memory_space<vmem>>, vector<1x16xf32>,
      %parallel_loop3A_968 = vector.shape_cast %parallel_loop3A_967 : vector<1x16xf32> to vector<16xf32>
      %parallel_loop3A_969 = arith.addf %parallel_loop3A_960, %parallel_loop3A_968 : vector<16xf32>
      %parallel_loop3A_970 = arith.constant 0.000000e+00 : f32
      %parallel_loop3A_971 = vector.broadcast %parallel_loop3A_970 : f32 to vector<16xf32>
      %parallel_loop3A_972 = arith.maximumf %parallel_loop3A_969, %parallel_loop3A_971 : vector<16xf32>
      %parallel_loop3A_973 = arith.constant 0 : i32
      %parallel_loop3A_974 = arith.constant 0 : i32
      %parallel_loop3A_975 = tpu.memref_slice %arg11[%rem3A_312, %parallel_loop3A_973, %parallel_loop3A_974] : memref<4x40x128xf32, #tpu.memory_space<vmem>> -> memref<1x40x128xf32, #tpu.memory_space<vmem>>
      %parallel_loop3A_976 = tpu.memref_squeeze %parallel_loop3A_975 : memref<1x40x128xf32, #tpu.memory_space<vmem>> -> memref<40x128xf32, #tpu.memory_space<vmem>>
      %parallel_loop3A_977 = arith.index_cast %parallel_loop3A_749 : i32 to index
      %parallel_loop3A_978 = arith.constant 112 : index
      %parallel_loop3A_979 = tpu.vector_load %parallel_loop3A_976[%parallel_loop3A_977, %parallel_loop3A_978] {strides = array<i32>} : memref<40x128xf32, #tpu.memory_space<vmem>>, vector<1x16xf32>,
      %parallel_loop3A_980 = vector.shape_cast %parallel_loop3A_979 : vector<1x16xf32> to vector<16xf32>
      %parallel_loop3A_981 = vector.shape_cast %parallel_loop3A_972 : vector<16xf32> to vector<1x16xf32>
      tpu.vector_store %parallel_loop3A_976[%parallel_loop3A_977, %parallel_loop3A_978], %parallel_loop3A_981 {strides = array<i32>} : memref<40x128xf32, #tpu.memory_space<vmem>>, vector<1x16xf32>,
    } {sc.loop_unroll_factor = 4 : i64, sc.parallel_access}
    %rem3A_316 = arith.constant 1 : i32
    %rem3A_317 = arith.constant 4 : i32
    %rem3A_318 = arith.remsi %rem3A_316, %rem3A_317 : i32
    %rem3A_319 = arith.constant 1 : i32
    %rem3A_320 = arith.constant 5 : i32
    %rem3A_321 = arith.remsi %rem3A_319, %rem3A_320 : i32
    %rem3A_322 = arith.constant 1 : i32
    %rem3A_323 = arith.constant 4 : i32
    %rem3A_324 = arith.remsi %rem3A_322, %rem3A_323 : i32
    %dma_start3A_325 = arith.constant 0 : i32
    %dma_start3A_326 = arith.constant 0 : i32
    %dma_start3A_327 = tpu.memref_slice %arg11[%rem3A_318, %dma_start3A_325, %dma_start3A_326] : memref<4x40x128xf32, #tpu.memory_space<vmem>> -> memref<1x40x128xf32, #tpu.memory_space<vmem>>
    %dma_start3A_328 = tpu.memref_squeeze %dma_start3A_327 : memref<1x40x128xf32, #tpu.memory_space<vmem>> -> memref<40x128xf32, #tpu.memory_space<vmem>>
    %dma_start3A_329 = arith.constant 0 : i32
    %dma_start3A_330 = tpu.memref_slice %arg9[%rem3A_321, %dma_start3A_329] : memref<5x40xi32, #tpu.memory_space<vmem>> -> memref<1x40xi32, #tpu.memory_space<vmem>>
    %dma_start3A_331 = tpu.memref_squeeze %dma_start3A_330 : memref<1x40xi32, #tpu.memory_space<vmem>> -> memref<40xi32, #tpu.memory_space<vmem>>
    %dma_start3A_332 = arith.constant 0 : i32
    %dma_start3A_333 = arith.constant 0 : i32
    %dma_start3A_334 = tpu.memref_slice %arg7[%dma_start3A_332, %dma_start3A_333] : memref<10000x128xf32, #tpu.memory_space<vmem_shared>> -> memref<10000x128xf32, #tpu.memory_space<vmem_shared>>
    %dma_start3A_335 = tpu.memref_slice %arg14[%rem3A_324] : memref<4x!tpu.dma_semaphore, #tpu.memory_space<semaphore_mem>> -> memref<1x!tpu.dma_semaphore, #tpu.memory_space<semaphore_mem>>
    %dma_start3A_336 = tpu.memref_squeeze %dma_start3A_335 : memref<1x!tpu.dma_semaphore, #tpu.memory_space<semaphore_mem>> -> memref<!tpu.dma_semaphore, #tpu.memory_space<semaphore_mem>>
    tpu.enqueue_indirect_dma source(%dma_start3A_328 : memref<40x128xf32, #tpu.memory_space<vmem>>) target(%dma_start3A_334 : memref<10000x128xf32, #tpu.memory_space<vmem_shared>>) offsets(%dma_start3A_331 : memref<40xi32, #tpu.memory_space<vmem>>) semaphore(%dma_start3A_336 : memref<!tpu.dma_semaphore, #tpu.memory_space<semaphore_mem>>) {add = true}
    %dma_wait3A_337 = arith.constant 0 : i32
    %dma_wait3A_338 = arith.constant 0 : i32
    %dma_wait3A_339 = tpu.memref_slice %arg9[%dma_wait3A_337, %dma_wait3A_338] : memref<5x40xi32, #tpu.memory_space<vmem>> -> memref<1x40xi32, #tpu.memory_space<vmem>>
    %dma_wait3A_340 = tpu.memref_squeeze %dma_wait3A_339 : memref<1x40xi32, #tpu.memory_space<vmem>> -> memref<40xi32, #tpu.memory_space<vmem>>
    %dma_wait3A_341 = arith.constant 0 : i32
    %dma_wait3A_342 = tpu.memref_slice %arg4[%dma_wait3A_341] : memref<320000xi32, #tpu.memory_space<hbm>> -> memref<40xi32, #tpu.memory_space<hbm>>
    %dma_wait3A_343 = arith.constant 0 : i32
    %dma_wait3A_344 = tpu.memref_slice %arg9[%dma_wait3A_337, %dma_wait3A_343] : memref<5x40xi32, #tpu.memory_space<vmem>> -> memref<1x40xi32, #tpu.memory_space<vmem>>
    %dma_wait3A_345 = tpu.memref_squeeze %dma_wait3A_344 : memref<1x40xi32, #tpu.memory_space<vmem>> -> memref<40xi32, #tpu.memory_space<vmem>>
    %dma_wait3A_346 = arith.constant 0 : i32
    %dma_wait3A_347 = tpu.memref_slice %arg4[%dma_wait3A_346] : memref<320000xi32, #tpu.memory_space<hbm>> -> memref<40xi32, #tpu.memory_space<hbm>>
    tpu.wait_dma2 semaphore(%arg12 : memref<!tpu.dma_semaphore, #tpu.memory_space<semaphore_mem>>) src(%dma_wait3A_347 : memref<40xi32, #tpu.memory_space<hbm>>) dst(%dma_wait3A_345 : memref<40xi32, #tpu.memory_space<vmem>>)
    %rem3A_348 = arith.constant 3 : i32
    %rem3A_349 = arith.constant 2 : i32
    %rem3A_350 = arith.remsi %rem3A_348, %rem3A_349 : i32
    %dma_start3A_351 = arith.constant 0 : i32
    %dma_start3A_352 = arith.constant 0 : i32
    %dma_start3A_353 = tpu.memref_slice %arg10[%rem3A_350, %dma_start3A_351, %dma_start3A_352] : memref<2x40x128xf32, #tpu.memory_space<vmem>> -> memref<1x40x128xf32, #tpu.memory_space<vmem>>
    %dma_start3A_354 = tpu.memref_squeeze %dma_start3A_353 : memref<1x40x128xf32, #tpu.memory_space<vmem>> -> memref<40x128xf32, #tpu.memory_space<vmem>>
    %dma_start3A_355 = arith.constant 120 : i32
    %dma_start3A_356 = tpu.memref_slice %arg8[%dma_start3A_355] : memref<10000xi32, #tpu.memory_space<vmem>> -> memref<40xi32, #tpu.memory_space<vmem>>
    %dma_start3A_357 = arith.constant 0 : i32
    %dma_start3A_358 = arith.constant 0 : i32
    %dma_start3A_359 = tpu.memref_slice %arg2[%dma_start3A_357, %dma_start3A_358] : memref<10000x128xf32, #tpu.memory_space<hbm>> -> memref<10000x128xf32, #tpu.memory_space<hbm>>
    %dma_start3A_360 = tpu.memref_slice %arg13[%rem3A_350] : memref<2x!tpu.dma_semaphore, #tpu.memory_space<semaphore_mem>> -> memref<1x!tpu.dma_semaphore, #tpu.memory_space<semaphore_mem>>
    %dma_start3A_361 = tpu.memref_squeeze %dma_start3A_360 : memref<1x!tpu.dma_semaphore, #tpu.memory_space<semaphore_mem>> -> memref<!tpu.dma_semaphore, #tpu.memory_space<semaphore_mem>>
    tpu.enqueue_indirect_dma source(%dma_start3A_359 : memref<10000x128xf32, #tpu.memory_space<hbm>>) target(%dma_start3A_354 : memref<40x128xf32, #tpu.memory_space<vmem>>) offsets(%dma_start3A_356 : memref<40xi32, #tpu.memory_space<vmem>>) semaphore(%dma_start3A_361 : memref<!tpu.dma_semaphore, #tpu.memory_space<semaphore_mem>>)
    %add3A_362 = arith.constant 120 : i32
    %add3A_363 = arith.addi %mul3A_2, %add3A_362 : i32
    %rem3A_364 = arith.constant 3 : i32
    %rem3A_365 = arith.constant 4 : i32
    %rem3A_366 = arith.remsi %rem3A_364, %rem3A_365 : i32
    %dma_start3A_367 = arith.constant 0 : i32
    %dma_start3A_368 = arith.constant 0 : i32
    %dma_start3A_369 = tpu.memref_slice %arg11[%rem3A_366, %dma_start3A_367, %dma_start3A_368] : memref<4x40x128xf32, #tpu.memory_space<vmem>> -> memref<1x40x128xf32, #tpu.memory_space<vmem>>
    %dma_start3A_370 = tpu.memref_squeeze %dma_start3A_369 : memref<1x40x128xf32, #tpu.memory_space<vmem>> -> memref<40x128xf32, #tpu.memory_space<vmem>>
    %dma_start3A_371 = arith.constant 0 : i32
    %dma_start3A_372 = tpu.memref_slice %arg5[%add3A_363, %dma_start3A_371] : memref<320000x128xf32, #tpu.memory_space<hbm>> -> memref<40x128xf32, #tpu.memory_space<hbm>>
    %dma_start3A_373 = tpu.memref_slice %arg13[%rem3A_350] : memref<2x!tpu.dma_semaphore, #tpu.memory_space<semaphore_mem>> -> memref<1x!tpu.dma_semaphore, #tpu.memory_space<semaphore_mem>>
    %dma_start3A_374 = tpu.memref_squeeze %dma_start3A_373 : memref<1x!tpu.dma_semaphore, #tpu.memory_space<semaphore_mem>> -> memref<!tpu.dma_semaphore, #tpu.memory_space<semaphore_mem>>
    %dma_start3A_375 = arith.constant 0 : i32
    %dma_start3A_376 = arith.constant 0 : i32
    %dma_start3A_377 = tpu.memref_slice %arg11[%rem3A_366, %dma_start3A_375, %dma_start3A_376] : memref<4x40x128xf32, #tpu.memory_space<vmem>> -> memref<1x40x128xf32, #tpu.memory_space<vmem>>
    %dma_start3A_378 = tpu.memref_squeeze %dma_start3A_377 : memref<1x40x128xf32, #tpu.memory_space<vmem>> -> memref<40x128xf32, #tpu.memory_space<vmem>>
    %dma_start3A_379 = arith.constant 0 : i32
    %dma_start3A_380 = tpu.memref_slice %arg5[%add3A_363, %dma_start3A_379] : memref<320000x128xf32, #tpu.memory_space<hbm>> -> memref<40x128xf32, #tpu.memory_space<hbm>>
    tpu.enqueue_dma source(%dma_start3A_380 : memref<40x128xf32, #tpu.memory_space<hbm>>) target(%dma_start3A_378 : memref<40x128xf32, #tpu.memory_space<vmem>>) target_semaphore(%dma_start3A_374 : memref<!tpu.dma_semaphore, #tpu.memory_space<semaphore_mem>>)
    %add3A_381 = arith.constant 160 : i32
    %add3A_382 = arith.addi %mul3A_2, %add3A_381 : i32
    %rem3A_383 = arith.constant 4 : i32
    %rem3A_384 = arith.constant 5 : i32
    %rem3A_385 = arith.remsi %rem3A_383, %rem3A_384 : i32
    %dma_start3A_386 = arith.constant 0 : i32
    %dma_start3A_387 = tpu.memref_slice %arg9[%rem3A_385, %dma_start3A_386] : memref<5x40xi32, #tpu.memory_space<vmem>> -> memref<1x40xi32, #tpu.memory_space<vmem>>
    %dma_start3A_388 = tpu.memref_squeeze %dma_start3A_387 : memref<1x40xi32, #tpu.memory_space<vmem>> -> memref<40xi32, #tpu.memory_space<vmem>>
    %dma_start3A_389 = tpu.memref_slice %arg4[%add3A_382] : memref<320000xi32, #tpu.memory_space<hbm>> -> memref<40xi32, #tpu.memory_space<hbm>>
    %dma_start3A_390 = arith.constant 0 : i32
    %dma_start3A_391 = tpu.memref_slice %arg9[%rem3A_385, %dma_start3A_390] : memref<5x40xi32, #tpu.memory_space<vmem>> -> memref<1x40xi32, #tpu.memory_space<vmem>>
    %dma_start3A_392 = tpu.memref_squeeze %dma_start3A_391 : memref<1x40xi32, #tpu.memory_space<vmem>> -> memref<40xi32, #tpu.memory_space<vmem>>
    %dma_start3A_393 = tpu.memref_slice %arg4[%add3A_382] : memref<320000xi32, #tpu.memory_space<hbm>> -> memref<40xi32, #tpu.memory_space<hbm>>
    tpu.enqueue_dma source(%dma_start3A_393 : memref<40xi32, #tpu.memory_space<hbm>>) target(%dma_start3A_392 : memref<40xi32, #tpu.memory_space<vmem>>) target_semaphore(%arg12 : memref<!tpu.dma_semaphore, #tpu.memory_space<semaphore_mem>>)
    %rem3A_394 = arith.constant 2 : i32
    %rem3A_395 = arith.constant 2 : i32
    %rem3A_396 = arith.remsi %rem3A_394, %rem3A_395 : i32
    %dma_wait3A_397 = arith.constant 0 : i32
    %dma_wait3A_398 = arith.constant 0 : i32
    %dma_wait3A_399 = tpu.memref_slice %arg10[%rem3A_396, %dma_wait3A_397, %dma_wait3A_398] : memref<2x40x128xf32, #tpu.memory_space<vmem>> -> memref<1x40x128xf32, #tpu.memory_space<vmem>>
    %dma_wait3A_400 = tpu.memref_squeeze %dma_wait3A_399 : memref<1x40x128xf32, #tpu.memory_space<vmem>> -> memref<40x128xf32, #tpu.memory_space<vmem>>
    %dma_wait3A_401 = arith.constant 0 : i32
    %dma_wait3A_402 = arith.constant 0 : i32
    %dma_wait3A_403 = tpu.memref_slice %arg2[%dma_wait3A_401, %dma_wait3A_402] : memref<10000x128xf32, #tpu.memory_space<hbm>> -> memref<40x128xf32, #tpu.memory_space<hbm>>
    %dma_wait3A_404 = tpu.memref_slice %arg13[%rem3A_396] : memref<2x!tpu.dma_semaphore, #tpu.memory_space<semaphore_mem>> -> memref<1x!tpu.dma_semaphore, #tpu.memory_space<semaphore_mem>>
    %dma_wait3A_405 = tpu.memref_squeeze %dma_wait3A_404 : memref<1x!tpu.dma_semaphore, #tpu.memory_space<semaphore_mem>> -> memref<!tpu.dma_semaphore, #tpu.memory_space<semaphore_mem>>
    %dma_wait3A_406 = arith.constant 0 : i32
    %dma_wait3A_407 = arith.constant 0 : i32
    %dma_wait3A_408 = tpu.memref_slice %arg10[%rem3A_396, %dma_wait3A_406, %dma_wait3A_407] : memref<2x40x128xf32, #tpu.memory_space<vmem>> -> memref<1x40x128xf32, #tpu.memory_space<vmem>>
    %dma_wait3A_409 = tpu.memref_squeeze %dma_wait3A_408 : memref<1x40x128xf32, #tpu.memory_space<vmem>> -> memref<40x128xf32, #tpu.memory_space<vmem>>
    %dma_wait3A_410 = arith.constant 0 : i32
    %dma_wait3A_411 = arith.constant 0 : i32
    %dma_wait3A_412 = tpu.memref_slice %arg2[%dma_wait3A_410, %dma_wait3A_411] : memref<10000x128xf32, #tpu.memory_space<hbm>> -> memref<40x128xf32, #tpu.memory_space<hbm>>
    tpu.wait_dma2 semaphore(%dma_wait3A_405 : memref<!tpu.dma_semaphore, #tpu.memory_space<semaphore_mem>>) src(%dma_wait3A_412 : memref<40x128xf32, #tpu.memory_space<hbm>>) dst(%dma_wait3A_409 : memref<40x128xf32, #tpu.memory_space<vmem>>)
    %rem3A_413 = arith.constant 2 : i32
    %rem3A_414 = arith.constant 4 : i32
    %rem3A_415 = arith.remsi %rem3A_413, %rem3A_414 : i32
    %dma_wait3A_416 = arith.constant 0 : i32
    %dma_wait3A_417 = arith.constant 0 : i32
    %dma_wait3A_418 = tpu.memref_slice %arg11[%rem3A_415, %dma_wait3A_416, %dma_wait3A_417] : memref<4x40x128xf32, #tpu.memory_space<vmem>> -> memref<1x40x128xf32, #tpu.memory_space<vmem>>
    %dma_wait3A_419 = tpu.memref_squeeze %dma_wait3A_418 : memref<1x40x128xf32, #tpu.memory_space<vmem>> -> memref<40x128xf32, #tpu.memory_space<vmem>>
    %dma_wait3A_420 = arith.constant 0 : i32
    %dma_wait3A_421 = tpu.memref_slice %arg5[%mul3A_2, %dma_wait3A_420] : memref<320000x128xf32, #tpu.memory_space<hbm>> -> memref<40x128xf32, #tpu.memory_space<hbm>>
    %dma_wait3A_422 = tpu.memref_slice %arg13[%rem3A_396] : memref<2x!tpu.dma_semaphore, #tpu.memory_space<semaphore_mem>> -> memref<1x!tpu.dma_semaphore, #tpu.memory_space<semaphore_mem>>
    %dma_wait3A_423 = tpu.memref_squeeze %dma_wait3A_422 : memref<1x!tpu.dma_semaphore, #tpu.memory_space<semaphore_mem>> -> memref<!tpu.dma_semaphore, #tpu.memory_space<semaphore_mem>>
    %dma_wait3A_424 = arith.constant 0 : i32
    %dma_wait3A_425 = arith.constant 0 : i32
    %dma_wait3A_426 = tpu.memref_slice %arg11[%rem3A_415, %dma_wait3A_424, %dma_wait3A_425] : memref<4x40x128xf32, #tpu.memory_space<vmem>> -> memref<1x40x128xf32, #tpu.memory_space<vmem>>
    %dma_wait3A_427 = tpu.memref_squeeze %dma_wait3A_426 : memref<1x40x128xf32, #tpu.memory_space<vmem>> -> memref<40x128xf32, #tpu.memory_space<vmem>>
    %dma_wait3A_428 = arith.constant 0 : i32
    %dma_wait3A_429 = tpu.memref_slice %arg5[%mul3A_2, %dma_wait3A_428] : memref<320000x128xf32, #tpu.memory_space<hbm>> -> memref<40x128xf32, #tpu.memory_space<hbm>>
    tpu.wait_dma2 semaphore(%dma_wait3A_423 : memref<!tpu.dma_semaphore, #tpu.memory_space<semaphore_mem>>) src(%dma_wait3A_429 : memref<40x128xf32, #tpu.memory_space<hbm>>) dst(%dma_wait3A_427 : memref<40x128xf32, #tpu.memory_space<vmem>>)
    %rem3A_430 = arith.constant 2 : i32
    %rem3A_431 = arith.constant 2 : i32
    %rem3A_432 = arith.remsi %rem3A_430, %rem3A_431 : i32
    %rem3A_433 = arith.constant 2 : i32
    %rem3A_434 = arith.constant 4 : i32
    %rem3A_435 = arith.remsi %rem3A_433, %rem3A_434 : i32
    %parallel_loop3A_436 = arith.constant 0 : i32
    %parallel_loop3A_437 = arith.constant 40 : i32
    %parallel_loop3A_438 = arith.constant 1 : i32
    scf.for %parallel_loop3A_749 = %parallel_loop3A_436 to %parallel_loop3A_437 step %parallel_loop3A_438  : i32 {
      %parallel_loop3A_750 = arith.constant 0 : i32
      %parallel_loop3A_751 = arith.constant 0 : i32
      %parallel_loop3A_752 = tpu.memref_slice %arg10[%rem3A_432, %parallel_loop3A_750, %parallel_loop3A_751] : memref<2x40x128xf32, #tpu.memory_space<vmem>> -> memref<1x40x128xf32, #tpu.memory_space<vmem>>
      %parallel_loop3A_753 = tpu.memref_squeeze %parallel_loop3A_752 : memref<1x40x128xf32, #tpu.memory_space<vmem>> -> memref<40x128xf32, #tpu.memory_space<vmem>>
      %parallel_loop3A_754 = arith.index_cast %parallel_loop3A_749 : i32 to index
      %parallel_loop3A_755 = arith.constant 0 : index
      %parallel_loop3A_756 = tpu.vector_load %parallel_loop3A_753[%parallel_loop3A_754, %parallel_loop3A_755] {strides = array<i32>} : memref<40x128xf32, #tpu.memory_space<vmem>>, vector<1x16xf32>,
      %parallel_loop3A_757 = vector.shape_cast %parallel_loop3A_756 : vector<1x16xf32> to vector<16xf32>
      %parallel_loop3A_758 = arith.constant 0 : i32
      %parallel_loop3A_759 = arith.constant 0 : i32
      %parallel_loop3A_760 = tpu.memref_slice %arg11[%rem3A_435, %parallel_loop3A_758, %parallel_loop3A_759] : memref<4x40x128xf32, #tpu.memory_space<vmem>> -> memref<1x40x128xf32, #tpu.memory_space<vmem>>
      %parallel_loop3A_761 = tpu.memref_squeeze %parallel_loop3A_760 : memref<1x40x128xf32, #tpu.memory_space<vmem>> -> memref<40x128xf32, #tpu.memory_space<vmem>>
      %parallel_loop3A_762 = arith.index_cast %parallel_loop3A_749 : i32 to index
      %parallel_loop3A_763 = arith.constant 0 : index
      %parallel_loop3A_764 = tpu.vector_load %parallel_loop3A_761[%parallel_loop3A_762, %parallel_loop3A_763] {strides = array<i32>} : memref<40x128xf32, #tpu.memory_space<vmem>>, vector<1x16xf32>,
      %parallel_loop3A_765 = vector.shape_cast %parallel_loop3A_764 : vector<1x16xf32> to vector<16xf32>
      %parallel_loop3A_766 = arith.addf %parallel_loop3A_757, %parallel_loop3A_765 : vector<16xf32>
      %parallel_loop3A_767 = arith.constant 0.000000e+00 : f32
      %parallel_loop3A_768 = vector.broadcast %parallel_loop3A_767 : f32 to vector<16xf32>
      %parallel_loop3A_769 = arith.maximumf %parallel_loop3A_766, %parallel_loop3A_768 : vector<16xf32>
      %parallel_loop3A_770 = arith.constant 0 : i32
      %parallel_loop3A_771 = arith.constant 0 : i32
      %parallel_loop3A_772 = tpu.memref_slice %arg11[%rem3A_435, %parallel_loop3A_770, %parallel_loop3A_771] : memref<4x40x128xf32, #tpu.memory_space<vmem>> -> memref<1x40x128xf32, #tpu.memory_space<vmem>>
      %parallel_loop3A_773 = tpu.memref_squeeze %parallel_loop3A_772 : memref<1x40x128xf32, #tpu.memory_space<vmem>> -> memref<40x128xf32, #tpu.memory_space<vmem>>
      %parallel_loop3A_774 = arith.index_cast %parallel_loop3A_749 : i32 to index
      %parallel_loop3A_775 = arith.constant 0 : index
      %parallel_loop3A_776 = tpu.vector_load %parallel_loop3A_773[%parallel_loop3A_774, %parallel_loop3A_775] {strides = array<i32>} : memref<40x128xf32, #tpu.memory_space<vmem>>, vector<1x16xf32>,
      %parallel_loop3A_777 = vector.shape_cast %parallel_loop3A_776 : vector<1x16xf32> to vector<16xf32>
      %parallel_loop3A_778 = vector.shape_cast %parallel_loop3A_769 : vector<16xf32> to vector<1x16xf32>
      tpu.vector_store %parallel_loop3A_773[%parallel_loop3A_774, %parallel_loop3A_775], %parallel_loop3A_778 {strides = array<i32>} : memref<40x128xf32, #tpu.memory_space<vmem>>, vector<1x16xf32>,
      %parallel_loop3A_779 = arith.constant 0 : i32
      %parallel_loop3A_780 = arith.constant 0 : i32
      %parallel_loop3A_781 = tpu.memref_slice %arg10[%rem3A_432, %parallel_loop3A_779, %parallel_loop3A_780] : memref<2x40x128xf32, #tpu.memory_space<vmem>> -> memref<1x40x128xf32, #tpu.memory_space<vmem>>
      %parallel_loop3A_782 = tpu.memref_squeeze %parallel_loop3A_781 : memref<1x40x128xf32, #tpu.memory_space<vmem>> -> memref<40x128xf32, #tpu.memory_space<vmem>>
      %parallel_loop3A_783 = arith.index_cast %parallel_loop3A_749 : i32 to index
      %parallel_loop3A_784 = arith.constant 16 : index
      %parallel_loop3A_785 = tpu.vector_load %parallel_loop3A_782[%parallel_loop3A_783, %parallel_loop3A_784] {strides = array<i32>} : memref<40x128xf32, #tpu.memory_space<vmem>>, vector<1x16xf32>,
      %parallel_loop3A_786 = vector.shape_cast %parallel_loop3A_785 : vector<1x16xf32> to vector<16xf32>
      %parallel_loop3A_787 = arith.constant 0 : i32
      %parallel_loop3A_788 = arith.constant 0 : i32
      %parallel_loop3A_789 = tpu.memref_slice %arg11[%rem3A_435, %parallel_loop3A_787, %parallel_loop3A_788] : memref<4x40x128xf32, #tpu.memory_space<vmem>> -> memref<1x40x128xf32, #tpu.memory_space<vmem>>
      %parallel_loop3A_790 = tpu.memref_squeeze %parallel_loop3A_789 : memref<1x40x128xf32, #tpu.memory_space<vmem>> -> memref<40x128xf32, #tpu.memory_space<vmem>>
      %parallel_loop3A_791 = arith.index_cast %parallel_loop3A_749 : i32 to index
      %parallel_loop3A_792 = arith.constant 16 : index
      %parallel_loop3A_793 = tpu.vector_load %parallel_loop3A_790[%parallel_loop3A_791, %parallel_loop3A_792] {strides = array<i32>} : memref<40x128xf32, #tpu.memory_space<vmem>>, vector<1x16xf32>,
      %parallel_loop3A_794 = vector.shape_cast %parallel_loop3A_793 : vector<1x16xf32> to vector<16xf32>
      %parallel_loop3A_795 = arith.addf %parallel_loop3A_786, %parallel_loop3A_794 : vector<16xf32>
      %parallel_loop3A_796 = arith.constant 0.000000e+00 : f32
      %parallel_loop3A_797 = vector.broadcast %parallel_loop3A_796 : f32 to vector<16xf32>
      %parallel_loop3A_798 = arith.maximumf %parallel_loop3A_795, %parallel_loop3A_797 : vector<16xf32>
      %parallel_loop3A_799 = arith.constant 0 : i32
      %parallel_loop3A_800 = arith.constant 0 : i32
      %parallel_loop3A_801 = tpu.memref_slice %arg11[%rem3A_435, %parallel_loop3A_799, %parallel_loop3A_800] : memref<4x40x128xf32, #tpu.memory_space<vmem>> -> memref<1x40x128xf32, #tpu.memory_space<vmem>>
      %parallel_loop3A_802 = tpu.memref_squeeze %parallel_loop3A_801 : memref<1x40x128xf32, #tpu.memory_space<vmem>> -> memref<40x128xf32, #tpu.memory_space<vmem>>
      %parallel_loop3A_803 = arith.index_cast %parallel_loop3A_749 : i32 to index
      %parallel_loop3A_804 = arith.constant 16 : index
      %parallel_loop3A_805 = tpu.vector_load %parallel_loop3A_802[%parallel_loop3A_803, %parallel_loop3A_804] {strides = array<i32>} : memref<40x128xf32, #tpu.memory_space<vmem>>, vector<1x16xf32>,
      %parallel_loop3A_806 = vector.shape_cast %parallel_loop3A_805 : vector<1x16xf32> to vector<16xf32>
      %parallel_loop3A_807 = vector.shape_cast %parallel_loop3A_798 : vector<16xf32> to vector<1x16xf32>
      tpu.vector_store %parallel_loop3A_802[%parallel_loop3A_803, %parallel_loop3A_804], %parallel_loop3A_807 {strides = array<i32>} : memref<40x128xf32, #tpu.memory_space<vmem>>, vector<1x16xf32>,
      %parallel_loop3A_808 = arith.constant 0 : i32
      %parallel_loop3A_809 = arith.constant 0 : i32
      %parallel_loop3A_810 = tpu.memref_slice %arg10[%rem3A_432, %parallel_loop3A_808, %parallel_loop3A_809] : memref<2x40x128xf32, #tpu.memory_space<vmem>> -> memref<1x40x128xf32, #tpu.memory_space<vmem>>
      %parallel_loop3A_811 = tpu.memref_squeeze %parallel_loop3A_810 : memref<1x40x128xf32, #tpu.memory_space<vmem>> -> memref<40x128xf32, #tpu.memory_space<vmem>>
      %parallel_loop3A_812 = arith.index_cast %parallel_loop3A_749 : i32 to index
      %parallel_loop3A_813 = arith.constant 32 : index
      %parallel_loop3A_814 = tpu.vector_load %parallel_loop3A_811[%parallel_loop3A_812, %parallel_loop3A_813] {strides = array<i32>} : memref<40x128xf32, #tpu.memory_space<vmem>>, vector<1x16xf32>,
      %parallel_loop3A_815 = vector.shape_cast %parallel_loop3A_814 : vector<1x16xf32> to vector<16xf32>
      %parallel_loop3A_816 = arith.constant 0 : i32
      %parallel_loop3A_817 = arith.constant 0 : i32
      %parallel_loop3A_818 = tpu.memref_slice %arg11[%rem3A_435, %parallel_loop3A_816, %parallel_loop3A_817] : memref<4x40x128xf32, #tpu.memory_space<vmem>> -> memref<1x40x128xf32, #tpu.memory_space<vmem>>
      %parallel_loop3A_819 = tpu.memref_squeeze %parallel_loop3A_818 : memref<1x40x128xf32, #tpu.memory_space<vmem>> -> memref<40x128xf32, #tpu.memory_space<vmem>>
      %parallel_loop3A_820 = arith.index_cast %parallel_loop3A_749 : i32 to index
      %parallel_loop3A_821 = arith.constant 32 : index
      %parallel_loop3A_822 = tpu.vector_load %parallel_loop3A_819[%parallel_loop3A_820, %parallel_loop3A_821] {strides = array<i32>} : memref<40x128xf32, #tpu.memory_space<vmem>>, vector<1x16xf32>,
      %parallel_loop3A_823 = vector.shape_cast %parallel_loop3A_822 : vector<1x16xf32> to vector<16xf32>
      %parallel_loop3A_824 = arith.addf %parallel_loop3A_815, %parallel_loop3A_823 : vector<16xf32>
      %parallel_loop3A_825 = arith.constant 0.000000e+00 : f32
      %parallel_loop3A_826 = vector.broadcast %parallel_loop3A_825 : f32 to vector<16xf32>
      %parallel_loop3A_827 = arith.maximumf %parallel_loop3A_824, %parallel_loop3A_826 : vector<16xf32>
      %parallel_loop3A_828 = arith.constant 0 : i32
      %parallel_loop3A_829 = arith.constant 0 : i32
      %parallel_loop3A_830 = tpu.memref_slice %arg11[%rem3A_435, %parallel_loop3A_828, %parallel_loop3A_829] : memref<4x40x128xf32, #tpu.memory_space<vmem>> -> memref<1x40x128xf32, #tpu.memory_space<vmem>>
      %parallel_loop3A_831 = tpu.memref_squeeze %parallel_loop3A_830 : memref<1x40x128xf32, #tpu.memory_space<vmem>> -> memref<40x128xf32, #tpu.memory_space<vmem>>
      %parallel_loop3A_832 = arith.index_cast %parallel_loop3A_749 : i32 to index
      %parallel_loop3A_833 = arith.constant 32 : index
      %parallel_loop3A_834 = tpu.vector_load %parallel_loop3A_831[%parallel_loop3A_832, %parallel_loop3A_833] {strides = array<i32>} : memref<40x128xf32, #tpu.memory_space<vmem>>, vector<1x16xf32>,
      %parallel_loop3A_835 = vector.shape_cast %parallel_loop3A_834 : vector<1x16xf32> to vector<16xf32>
      %parallel_loop3A_836 = vector.shape_cast %parallel_loop3A_827 : vector<16xf32> to vector<1x16xf32>
      tpu.vector_store %parallel_loop3A_831[%parallel_loop3A_832, %parallel_loop3A_833], %parallel_loop3A_836 {strides = array<i32>} : memref<40x128xf32, #tpu.memory_space<vmem>>, vector<1x16xf32>,
      %parallel_loop3A_837 = arith.constant 0 : i32
      %parallel_loop3A_838 = arith.constant 0 : i32
      %parallel_loop3A_839 = tpu.memref_slice %arg10[%rem3A_432, %parallel_loop3A_837, %parallel_loop3A_838] : memref<2x40x128xf32, #tpu.memory_space<vmem>> -> memref<1x40x128xf32, #tpu.memory_space<vmem>>
      %parallel_loop3A_840 = tpu.memref_squeeze %parallel_loop3A_839 : memref<1x40x128xf32, #tpu.memory_space<vmem>> -> memref<40x128xf32, #tpu.memory_space<vmem>>
      %parallel_loop3A_841 = arith.index_cast %parallel_loop3A_749 : i32 to index
      %parallel_loop3A_842 = arith.constant 48 : index
      %parallel_loop3A_843 = tpu.vector_load %parallel_loop3A_840[%parallel_loop3A_841, %parallel_loop3A_842] {strides = array<i32>} : memref<40x128xf32, #tpu.memory_space<vmem>>, vector<1x16xf32>,
      %parallel_loop3A_844 = vector.shape_cast %parallel_loop3A_843 : vector<1x16xf32> to vector<16xf32>
      %parallel_loop3A_845 = arith.constant 0 : i32
      %parallel_loop3A_846 = arith.constant 0 : i32
      %parallel_loop3A_847 = tpu.memref_slice %arg11[%rem3A_435, %parallel_loop3A_845, %parallel_loop3A_846] : memref<4x40x128xf32, #tpu.memory_space<vmem>> -> memref<1x40x128xf32, #tpu.memory_space<vmem>>
      %parallel_loop3A_848 = tpu.memref_squeeze %parallel_loop3A_847 : memref<1x40x128xf32, #tpu.memory_space<vmem>> -> memref<40x128xf32, #tpu.memory_space<vmem>>
      %parallel_loop3A_849 = arith.index_cast %parallel_loop3A_749 : i32 to index
      %parallel_loop3A_850 = arith.constant 48 : index
      %parallel_loop3A_851 = tpu.vector_load %parallel_loop3A_848[%parallel_loop3A_849, %parallel_loop3A_850] {strides = array<i32>} : memref<40x128xf32, #tpu.memory_space<vmem>>, vector<1x16xf32>,
      %parallel_loop3A_852 = vector.shape_cast %parallel_loop3A_851 : vector<1x16xf32> to vector<16xf32>
      %parallel_loop3A_853 = arith.addf %parallel_loop3A_844, %parallel_loop3A_852 : vector<16xf32>
      %parallel_loop3A_854 = arith.constant 0.000000e+00 : f32
      %parallel_loop3A_855 = vector.broadcast %parallel_loop3A_854 : f32 to vector<16xf32>
      %parallel_loop3A_856 = arith.maximumf %parallel_loop3A_853, %parallel_loop3A_855 : vector<16xf32>
      %parallel_loop3A_857 = arith.constant 0 : i32
      %parallel_loop3A_858 = arith.constant 0 : i32
      %parallel_loop3A_859 = tpu.memref_slice %arg11[%rem3A_435, %parallel_loop3A_857, %parallel_loop3A_858] : memref<4x40x128xf32, #tpu.memory_space<vmem>> -> memref<1x40x128xf32, #tpu.memory_space<vmem>>
      %parallel_loop3A_860 = tpu.memref_squeeze %parallel_loop3A_859 : memref<1x40x128xf32, #tpu.memory_space<vmem>> -> memref<40x128xf32, #tpu.memory_space<vmem>>
      %parallel_loop3A_861 = arith.index_cast %parallel_loop3A_749 : i32 to index
      %parallel_loop3A_862 = arith.constant 48 : index
      %parallel_loop3A_863 = tpu.vector_load %parallel_loop3A_860[%parallel_loop3A_861, %parallel_loop3A_862] {strides = array<i32>} : memref<40x128xf32, #tpu.memory_space<vmem>>, vector<1x16xf32>,
      %parallel_loop3A_864 = vector.shape_cast %parallel_loop3A_863 : vector<1x16xf32> to vector<16xf32>
      %parallel_loop3A_865 = vector.shape_cast %parallel_loop3A_856 : vector<16xf32> to vector<1x16xf32>
      tpu.vector_store %parallel_loop3A_860[%parallel_loop3A_861, %parallel_loop3A_862], %parallel_loop3A_865 {strides = array<i32>} : memref<40x128xf32, #tpu.memory_space<vmem>>, vector<1x16xf32>,
      %parallel_loop3A_866 = arith.constant 0 : i32
      %parallel_loop3A_867 = arith.constant 0 : i32
      %parallel_loop3A_868 = tpu.memref_slice %arg10[%rem3A_432, %parallel_loop3A_866, %parallel_loop3A_867] : memref<2x40x128xf32, #tpu.memory_space<vmem>> -> memref<1x40x128xf32, #tpu.memory_space<vmem>>
      %parallel_loop3A_869 = tpu.memref_squeeze %parallel_loop3A_868 : memref<1x40x128xf32, #tpu.memory_space<vmem>> -> memref<40x128xf32, #tpu.memory_space<vmem>>
      %parallel_loop3A_870 = arith.index_cast %parallel_loop3A_749 : i32 to index
      %parallel_loop3A_871 = arith.constant 64 : index
      %parallel_loop3A_872 = tpu.vector_load %parallel_loop3A_869[%parallel_loop3A_870, %parallel_loop3A_871] {strides = array<i32>} : memref<40x128xf32, #tpu.memory_space<vmem>>, vector<1x16xf32>,
      %parallel_loop3A_873 = vector.shape_cast %parallel_loop3A_872 : vector<1x16xf32> to vector<16xf32>
      %parallel_loop3A_874 = arith.constant 0 : i32
      %parallel_loop3A_875 = arith.constant 0 : i32
      %parallel_loop3A_876 = tpu.memref_slice %arg11[%rem3A_435, %parallel_loop3A_874, %parallel_loop3A_875] : memref<4x40x128xf32, #tpu.memory_space<vmem>> -> memref<1x40x128xf32, #tpu.memory_space<vmem>>
      %parallel_loop3A_877 = tpu.memref_squeeze %parallel_loop3A_876 : memref<1x40x128xf32, #tpu.memory_space<vmem>> -> memref<40x128xf32, #tpu.memory_space<vmem>>
      %parallel_loop3A_878 = arith.index_cast %parallel_loop3A_749 : i32 to index
      %parallel_loop3A_879 = arith.constant 64 : index
      %parallel_loop3A_880 = tpu.vector_load %parallel_loop3A_877[%parallel_loop3A_878, %parallel_loop3A_879] {strides = array<i32>} : memref<40x128xf32, #tpu.memory_space<vmem>>, vector<1x16xf32>,
      %parallel_loop3A_881 = vector.shape_cast %parallel_loop3A_880 : vector<1x16xf32> to vector<16xf32>
      %parallel_loop3A_882 = arith.addf %parallel_loop3A_873, %parallel_loop3A_881 : vector<16xf32>
      %parallel_loop3A_883 = arith.constant 0.000000e+00 : f32
      %parallel_loop3A_884 = vector.broadcast %parallel_loop3A_883 : f32 to vector<16xf32>
      %parallel_loop3A_885 = arith.maximumf %parallel_loop3A_882, %parallel_loop3A_884 : vector<16xf32>
      %parallel_loop3A_886 = arith.constant 0 : i32
      %parallel_loop3A_887 = arith.constant 0 : i32
      %parallel_loop3A_888 = tpu.memref_slice %arg11[%rem3A_435, %parallel_loop3A_886, %parallel_loop3A_887] : memref<4x40x128xf32, #tpu.memory_space<vmem>> -> memref<1x40x128xf32, #tpu.memory_space<vmem>>
      %parallel_loop3A_889 = tpu.memref_squeeze %parallel_loop3A_888 : memref<1x40x128xf32, #tpu.memory_space<vmem>> -> memref<40x128xf32, #tpu.memory_space<vmem>>
      %parallel_loop3A_890 = arith.index_cast %parallel_loop3A_749 : i32 to index
      %parallel_loop3A_891 = arith.constant 64 : index
      %parallel_loop3A_892 = tpu.vector_load %parallel_loop3A_889[%parallel_loop3A_890, %parallel_loop3A_891] {strides = array<i32>} : memref<40x128xf32, #tpu.memory_space<vmem>>, vector<1x16xf32>,
      %parallel_loop3A_893 = vector.shape_cast %parallel_loop3A_892 : vector<1x16xf32> to vector<16xf32>
      %parallel_loop3A_894 = vector.shape_cast %parallel_loop3A_885 : vector<16xf32> to vector<1x16xf32>
      tpu.vector_store %parallel_loop3A_889[%parallel_loop3A_890, %parallel_loop3A_891], %parallel_loop3A_894 {strides = array<i32>} : memref<40x128xf32, #tpu.memory_space<vmem>>, vector<1x16xf32>,
      %parallel_loop3A_895 = arith.constant 0 : i32
      %parallel_loop3A_896 = arith.constant 0 : i32
      %parallel_loop3A_897 = tpu.memref_slice %arg10[%rem3A_432, %parallel_loop3A_895, %parallel_loop3A_896] : memref<2x40x128xf32, #tpu.memory_space<vmem>> -> memref<1x40x128xf32, #tpu.memory_space<vmem>>
      %parallel_loop3A_898 = tpu.memref_squeeze %parallel_loop3A_897 : memref<1x40x128xf32, #tpu.memory_space<vmem>> -> memref<40x128xf32, #tpu.memory_space<vmem>>
      %parallel_loop3A_899 = arith.index_cast %parallel_loop3A_749 : i32 to index
      %parallel_loop3A_900 = arith.constant 80 : index
      %parallel_loop3A_901 = tpu.vector_load %parallel_loop3A_898[%parallel_loop3A_899, %parallel_loop3A_900] {strides = array<i32>} : memref<40x128xf32, #tpu.memory_space<vmem>>, vector<1x16xf32>,
      %parallel_loop3A_902 = vector.shape_cast %parallel_loop3A_901 : vector<1x16xf32> to vector<16xf32>
      %parallel_loop3A_903 = arith.constant 0 : i32
      %parallel_loop3A_904 = arith.constant 0 : i32
      %parallel_loop3A_905 = tpu.memref_slice %arg11[%rem3A_435, %parallel_loop3A_903, %parallel_loop3A_904] : memref<4x40x128xf32, #tpu.memory_space<vmem>> -> memref<1x40x128xf32, #tpu.memory_space<vmem>>
      %parallel_loop3A_906 = tpu.memref_squeeze %parallel_loop3A_905 : memref<1x40x128xf32, #tpu.memory_space<vmem>> -> memref<40x128xf32, #tpu.memory_space<vmem>>
      %parallel_loop3A_907 = arith.index_cast %parallel_loop3A_749 : i32 to index
      %parallel_loop3A_908 = arith.constant 80 : index
      %parallel_loop3A_909 = tpu.vector_load %parallel_loop3A_906[%parallel_loop3A_907, %parallel_loop3A_908] {strides = array<i32>} : memref<40x128xf32, #tpu.memory_space<vmem>>, vector<1x16xf32>,
      %parallel_loop3A_910 = vector.shape_cast %parallel_loop3A_909 : vector<1x16xf32> to vector<16xf32>
      %parallel_loop3A_911 = arith.addf %parallel_loop3A_902, %parallel_loop3A_910 : vector<16xf32>
      %parallel_loop3A_912 = arith.constant 0.000000e+00 : f32
      %parallel_loop3A_913 = vector.broadcast %parallel_loop3A_912 : f32 to vector<16xf32>
      %parallel_loop3A_914 = arith.maximumf %parallel_loop3A_911, %parallel_loop3A_913 : vector<16xf32>
      %parallel_loop3A_915 = arith.constant 0 : i32
      %parallel_loop3A_916 = arith.constant 0 : i32
      %parallel_loop3A_917 = tpu.memref_slice %arg11[%rem3A_435, %parallel_loop3A_915, %parallel_loop3A_916] : memref<4x40x128xf32, #tpu.memory_space<vmem>> -> memref<1x40x128xf32, #tpu.memory_space<vmem>>
      %parallel_loop3A_918 = tpu.memref_squeeze %parallel_loop3A_917 : memref<1x40x128xf32, #tpu.memory_space<vmem>> -> memref<40x128xf32, #tpu.memory_space<vmem>>
      %parallel_loop3A_919 = arith.index_cast %parallel_loop3A_749 : i32 to index
      %parallel_loop3A_920 = arith.constant 80 : index
      %parallel_loop3A_921 = tpu.vector_load %parallel_loop3A_918[%parallel_loop3A_919, %parallel_loop3A_920] {strides = array<i32>} : memref<40x128xf32, #tpu.memory_space<vmem>>, vector<1x16xf32>,
      %parallel_loop3A_922 = vector.shape_cast %parallel_loop3A_921 : vector<1x16xf32> to vector<16xf32>
      %parallel_loop3A_923 = vector.shape_cast %parallel_loop3A_914 : vector<16xf32> to vector<1x16xf32>
      tpu.vector_store %parallel_loop3A_918[%parallel_loop3A_919, %parallel_loop3A_920], %parallel_loop3A_923 {strides = array<i32>} : memref<40x128xf32, #tpu.memory_space<vmem>>, vector<1x16xf32>,
      %parallel_loop3A_924 = arith.constant 0 : i32
      %parallel_loop3A_925 = arith.constant 0 : i32
      %parallel_loop3A_926 = tpu.memref_slice %arg10[%rem3A_432, %parallel_loop3A_924, %parallel_loop3A_925] : memref<2x40x128xf32, #tpu.memory_space<vmem>> -> memref<1x40x128xf32, #tpu.memory_space<vmem>>
      %parallel_loop3A_927 = tpu.memref_squeeze %parallel_loop3A_926 : memref<1x40x128xf32, #tpu.memory_space<vmem>> -> memref<40x128xf32, #tpu.memory_space<vmem>>
      %parallel_loop3A_928 = arith.index_cast %parallel_loop3A_749 : i32 to index
      %parallel_loop3A_929 = arith.constant 96 : index
      %parallel_loop3A_930 = tpu.vector_load %parallel_loop3A_927[%parallel_loop3A_928, %parallel_loop3A_929] {strides = array<i32>} : memref<40x128xf32, #tpu.memory_space<vmem>>, vector<1x16xf32>,
      %parallel_loop3A_931 = vector.shape_cast %parallel_loop3A_930 : vector<1x16xf32> to vector<16xf32>
      %parallel_loop3A_932 = arith.constant 0 : i32
      %parallel_loop3A_933 = arith.constant 0 : i32
      %parallel_loop3A_934 = tpu.memref_slice %arg11[%rem3A_435, %parallel_loop3A_932, %parallel_loop3A_933] : memref<4x40x128xf32, #tpu.memory_space<vmem>> -> memref<1x40x128xf32, #tpu.memory_space<vmem>>
      %parallel_loop3A_935 = tpu.memref_squeeze %parallel_loop3A_934 : memref<1x40x128xf32, #tpu.memory_space<vmem>> -> memref<40x128xf32, #tpu.memory_space<vmem>>
      %parallel_loop3A_936 = arith.index_cast %parallel_loop3A_749 : i32 to index
      %parallel_loop3A_937 = arith.constant 96 : index
      %parallel_loop3A_938 = tpu.vector_load %parallel_loop3A_935[%parallel_loop3A_936, %parallel_loop3A_937] {strides = array<i32>} : memref<40x128xf32, #tpu.memory_space<vmem>>, vector<1x16xf32>,
      %parallel_loop3A_939 = vector.shape_cast %parallel_loop3A_938 : vector<1x16xf32> to vector<16xf32>
      %parallel_loop3A_940 = arith.addf %parallel_loop3A_931, %parallel_loop3A_939 : vector<16xf32>
      %parallel_loop3A_941 = arith.constant 0.000000e+00 : f32
      %parallel_loop3A_942 = vector.broadcast %parallel_loop3A_941 : f32 to vector<16xf32>
      %parallel_loop3A_943 = arith.maximumf %parallel_loop3A_940, %parallel_loop3A_942 : vector<16xf32>
      %parallel_loop3A_944 = arith.constant 0 : i32
      %parallel_loop3A_945 = arith.constant 0 : i32
      %parallel_loop3A_946 = tpu.memref_slice %arg11[%rem3A_435, %parallel_loop3A_944, %parallel_loop3A_945] : memref<4x40x128xf32, #tpu.memory_space<vmem>> -> memref<1x40x128xf32, #tpu.memory_space<vmem>>
      %parallel_loop3A_947 = tpu.memref_squeeze %parallel_loop3A_946 : memref<1x40x128xf32, #tpu.memory_space<vmem>> -> memref<40x128xf32, #tpu.memory_space<vmem>>
      %parallel_loop3A_948 = arith.index_cast %parallel_loop3A_749 : i32 to index
      %parallel_loop3A_949 = arith.constant 96 : index
      %parallel_loop3A_950 = tpu.vector_load %parallel_loop3A_947[%parallel_loop3A_948, %parallel_loop3A_949] {strides = array<i32>} : memref<40x128xf32, #tpu.memory_space<vmem>>, vector<1x16xf32>,
      %parallel_loop3A_951 = vector.shape_cast %parallel_loop3A_950 : vector<1x16xf32> to vector<16xf32>
      %parallel_loop3A_952 = vector.shape_cast %parallel_loop3A_943 : vector<16xf32> to vector<1x16xf32>
      tpu.vector_store %parallel_loop3A_947[%parallel_loop3A_948, %parallel_loop3A_949], %parallel_loop3A_952 {strides = array<i32>} : memref<40x128xf32, #tpu.memory_space<vmem>>, vector<1x16xf32>,
      %parallel_loop3A_953 = arith.constant 0 : i32
      %parallel_loop3A_954 = arith.constant 0 : i32
      %parallel_loop3A_955 = tpu.memref_slice %arg10[%rem3A_432, %parallel_loop3A_953, %parallel_loop3A_954] : memref<2x40x128xf32, #tpu.memory_space<vmem>> -> memref<1x40x128xf32, #tpu.memory_space<vmem>>
      %parallel_loop3A_956 = tpu.memref_squeeze %parallel_loop3A_955 : memref<1x40x128xf32, #tpu.memory_space<vmem>> -> memref<40x128xf32, #tpu.memory_space<vmem>>
      %parallel_loop3A_957 = arith.index_cast %parallel_loop3A_749 : i32 to index
      %parallel_loop3A_958 = arith.constant 112 : index
      %parallel_loop3A_959 = tpu.vector_load %parallel_loop3A_956[%parallel_loop3A_957, %parallel_loop3A_958] {strides = array<i32>} : memref<40x128xf32, #tpu.memory_space<vmem>>, vector<1x16xf32>,
      %parallel_loop3A_960 = vector.shape_cast %parallel_loop3A_959 : vector<1x16xf32> to vector<16xf32>
      %parallel_loop3A_961 = arith.constant 0 : i32
      %parallel_loop3A_962 = arith.constant 0 : i32
      %parallel_loop3A_963 = tpu.memref_slice %arg11[%rem3A_435, %parallel_loop3A_961, %parallel_loop3A_962] : memref<4x40x128xf32, #tpu.memory_space<vmem>> -> memref<1x40x128xf32, #tpu.memory_space<vmem>>
      %parallel_loop3A_964 = tpu.memref_squeeze %parallel_loop3A_963 : memref<1x40x128xf32, #tpu.memory_space<vmem>> -> memref<40x128xf32, #tpu.memory_space<vmem>>
      %parallel_loop3A_965 = arith.index_cast %parallel_loop3A_749 : i32 to index
      %parallel_loop3A_966 = arith.constant 112 : index
      %parallel_loop3A_967 = tpu.vector_load %parallel_loop3A_964[%parallel_loop3A_965, %parallel_loop3A_966] {strides = array<i32>} : memref<40x128xf32, #tpu.memory_space<vmem>>, vector<1x16xf32>,
      %parallel_loop3A_968 = vector.shape_cast %parallel_loop3A_967 : vector<1x16xf32> to vector<16xf32>
      %parallel_loop3A_969 = arith.addf %parallel_loop3A_960, %parallel_loop3A_968 : vector<16xf32>
      %parallel_loop3A_970 = arith.constant 0.000000e+00 : f32
      %parallel_loop3A_971 = vector.broadcast %parallel_loop3A_970 : f32 to vector<16xf32>
      %parallel_loop3A_972 = arith.maximumf %parallel_loop3A_969, %parallel_loop3A_971 : vector<16xf32>
      %parallel_loop3A_973 = arith.constant 0 : i32
      %parallel_loop3A_974 = arith.constant 0 : i32
      %parallel_loop3A_975 = tpu.memref_slice %arg11[%rem3A_435, %parallel_loop3A_973, %parallel_loop3A_974] : memref<4x40x128xf32, #tpu.memory_space<vmem>> -> memref<1x40x128xf32, #tpu.memory_space<vmem>>
      %parallel_loop3A_976 = tpu.memref_squeeze %parallel_loop3A_975 : memref<1x40x128xf32, #tpu.memory_space<vmem>> -> memref<40x128xf32, #tpu.memory_space<vmem>>
      %parallel_loop3A_977 = arith.index_cast %parallel_loop3A_749 : i32 to index
      %parallel_loop3A_978 = arith.constant 112 : index
      %parallel_loop3A_979 = tpu.vector_load %parallel_loop3A_976[%parallel_loop3A_977, %parallel_loop3A_978] {strides = array<i32>} : memref<40x128xf32, #tpu.memory_space<vmem>>, vector<1x16xf32>,
      %parallel_loop3A_980 = vector.shape_cast %parallel_loop3A_979 : vector<1x16xf32> to vector<16xf32>
      %parallel_loop3A_981 = vector.shape_cast %parallel_loop3A_972 : vector<16xf32> to vector<1x16xf32>
      tpu.vector_store %parallel_loop3A_976[%parallel_loop3A_977, %parallel_loop3A_978], %parallel_loop3A_981 {strides = array<i32>} : memref<40x128xf32, #tpu.memory_space<vmem>>, vector<1x16xf32>,
    } {sc.loop_unroll_factor = 4 : i64, sc.parallel_access}
    %rem3A_439 = arith.constant 2 : i32
    %rem3A_440 = arith.constant 4 : i32
    %rem3A_441 = arith.remsi %rem3A_439, %rem3A_440 : i32
    %rem3A_442 = arith.constant 2 : i32
    %rem3A_443 = arith.constant 5 : i32
    %rem3A_444 = arith.remsi %rem3A_442, %rem3A_443 : i32
    %rem3A_445 = arith.constant 2 : i32
    %rem3A_446 = arith.constant 4 : i32
    %rem3A_447 = arith.remsi %rem3A_445, %rem3A_446 : i32
    %dma_start3A_448 = arith.constant 0 : i32
    %dma_start3A_449 = arith.constant 0 : i32
    %dma_start3A_450 = tpu.memref_slice %arg11[%rem3A_441, %dma_start3A_448, %dma_start3A_449] : memref<4x40x128xf32, #tpu.memory_space<vmem>> -> memref<1x40x128xf32, #tpu.memory_space<vmem>>
    %dma_start3A_451 = tpu.memref_squeeze %dma_start3A_450 : memref<1x40x128xf32, #tpu.memory_space<vmem>> -> memref<40x128xf32, #tpu.memory_space<vmem>>
    %dma_start3A_452 = arith.constant 0 : i32
    %dma_start3A_453 = tpu.memref_slice %arg9[%rem3A_444, %dma_start3A_452] : memref<5x40xi32, #tpu.memory_space<vmem>> -> memref<1x40xi32, #tpu.memory_space<vmem>>
    %dma_start3A_454 = tpu.memref_squeeze %dma_start3A_453 : memref<1x40xi32, #tpu.memory_space<vmem>> -> memref<40xi32, #tpu.memory_space<vmem>>
    %dma_start3A_455 = arith.constant 0 : i32
    %dma_start3A_456 = arith.constant 0 : i32
    %dma_start3A_457 = tpu.memref_slice %arg7[%dma_start3A_455, %dma_start3A_456] : memref<10000x128xf32, #tpu.memory_space<vmem_shared>> -> memref<10000x128xf32, #tpu.memory_space<vmem_shared>>
    %dma_start3A_458 = tpu.memref_slice %arg14[%rem3A_447] : memref<4x!tpu.dma_semaphore, #tpu.memory_space<semaphore_mem>> -> memref<1x!tpu.dma_semaphore, #tpu.memory_space<semaphore_mem>>
    %dma_start3A_459 = tpu.memref_squeeze %dma_start3A_458 : memref<1x!tpu.dma_semaphore, #tpu.memory_space<semaphore_mem>> -> memref<!tpu.dma_semaphore, #tpu.memory_space<semaphore_mem>>
    tpu.enqueue_indirect_dma source(%dma_start3A_451 : memref<40x128xf32, #tpu.memory_space<vmem>>) target(%dma_start3A_457 : memref<10000x128xf32, #tpu.memory_space<vmem_shared>>) offsets(%dma_start3A_454 : memref<40xi32, #tpu.memory_space<vmem>>) semaphore(%dma_start3A_459 : memref<!tpu.dma_semaphore, #tpu.memory_space<semaphore_mem>>) {add = true}
    %scan3A = arith.constant 0 : i32
    %scan3A_460 = arith.constant 3 : i32
    %scan3A_461 = arith.constant 245 : i32
    %scan3A_462 = arith.addi %scan3A_460, %scan3A_461 : i32
    %scan3A_463 = arith.constant 1 : i32
    scf.for %scan3A_749 = %scan3A_460 to %scan3A_462 step %scan3A_463  : i32 {
      %dma_wait3A_750 = arith.constant 0 : i32
      %dma_wait3A_751 = arith.constant 0 : i32
      %dma_wait3A_752 = tpu.memref_slice %arg9[%dma_wait3A_750, %dma_wait3A_751] : memref<5x40xi32, #tpu.memory_space<vmem>> -> memref<1x40xi32, #tpu.memory_space<vmem>>
      %dma_wait3A_753 = tpu.memref_squeeze %dma_wait3A_752 : memref<1x40xi32, #tpu.memory_space<vmem>> -> memref<40xi32, #tpu.memory_space<vmem>>
      %dma_wait3A_754 = arith.constant 0 : i32
      %dma_wait3A_755 = tpu.memref_slice %arg4[%dma_wait3A_754] : memref<320000xi32, #tpu.memory_space<hbm>> -> memref<40xi32, #tpu.memory_space<hbm>>
      %dma_wait3A_756 = arith.constant 0 : i32
      %dma_wait3A_757 = tpu.memref_slice %arg9[%dma_wait3A_750, %dma_wait3A_756] : memref<5x40xi32, #tpu.memory_space<vmem>> -> memref<1x40xi32, #tpu.memory_space<vmem>>
      %dma_wait3A_758 = tpu.memref_squeeze %dma_wait3A_757 : memref<1x40xi32, #tpu.memory_space<vmem>> -> memref<40xi32, #tpu.memory_space<vmem>>
      %dma_wait3A_759 = arith.constant 0 : i32
      %dma_wait3A_760 = tpu.memref_slice %arg4[%dma_wait3A_759] : memref<320000xi32, #tpu.memory_space<hbm>> -> memref<40xi32, #tpu.memory_space<hbm>>
      tpu.wait_dma2 semaphore(%arg12 : memref<!tpu.dma_semaphore, #tpu.memory_space<semaphore_mem>>) src(%dma_wait3A_760 : memref<40xi32, #tpu.memory_space<hbm>>) dst(%dma_wait3A_758 : memref<40xi32, #tpu.memory_space<vmem>>)
      %sub3A = arith.constant 3 : i32
      %sub3A_761 = arith.subi %scan3A_749, %sub3A : i32
      %rem3A_762 = arith.constant 4 : i32
      %rem3A_763 = arith.remsi %sub3A_761, %rem3A_762 : i32
      %rem3A_764 = arith.constant 4 : i32
      %rem3A_765 = arith.remsi %sub3A_761, %rem3A_764 : i32
      %dma_wait3A_766 = arith.constant 0 : i32
      %dma_wait3A_767 = arith.constant 0 : i32
      %dma_wait3A_768 = tpu.memref_slice %arg11[%rem3A_763, %dma_wait3A_766, %dma_wait3A_767] : memref<4x40x128xf32, #tpu.memory_space<vmem>> -> memref<1x40x128xf32, #tpu.memory_space<vmem>>
      %dma_wait3A_769 = tpu.memref_squeeze %dma_wait3A_768 : memref<1x40x128xf32, #tpu.memory_space<vmem>> -> memref<40x128xf32, #tpu.memory_space<vmem>>
      %dma_wait3A_770 = arith.constant 0 : i32
      %dma_wait3A_771 = tpu.memref_slice %arg5[%mul3A_2, %dma_wait3A_770] : memref<320000x128xf32, #tpu.memory_space<hbm>> -> memref<40x128xf32, #tpu.memory_space<hbm>>
      %dma_wait3A_772 = tpu.memref_slice %arg14[%rem3A_765] : memref<4x!tpu.dma_semaphore, #tpu.memory_space<semaphore_mem>> -> memref<1x!tpu.dma_semaphore, #tpu.memory_space<semaphore_mem>>
      %dma_wait3A_773 = tpu.memref_squeeze %dma_wait3A_772 : memref<1x!tpu.dma_semaphore, #tpu.memory_space<semaphore_mem>> -> memref<!tpu.dma_semaphore, #tpu.memory_space<semaphore_mem>>
      %dma_wait3A_774 = arith.constant 0 : i32
      %dma_wait3A_775 = arith.constant 0 : i32
      %dma_wait3A_776 = tpu.memref_slice %arg11[%rem3A_763, %dma_wait3A_774, %dma_wait3A_775] : memref<4x40x128xf32, #tpu.memory_space<vmem>> -> memref<1x40x128xf32, #tpu.memory_space<vmem>>
      %dma_wait3A_777 = tpu.memref_squeeze %dma_wait3A_776 : memref<1x40x128xf32, #tpu.memory_space<vmem>> -> memref<40x128xf32, #tpu.memory_space<vmem>>
      %dma_wait3A_778 = arith.constant 0 : i32
      %dma_wait3A_779 = tpu.memref_slice %arg5[%mul3A_2, %dma_wait3A_778] : memref<320000x128xf32, #tpu.memory_space<hbm>> -> memref<40x128xf32, #tpu.memory_space<hbm>>
      tpu.wait_dma2 semaphore(%dma_wait3A_773 : memref<!tpu.dma_semaphore, #tpu.memory_space<semaphore_mem>>) src(%dma_wait3A_779 : memref<40x128xf32, #tpu.memory_space<hbm>>) dst(%dma_wait3A_777 : memref<40x128xf32, #tpu.memory_space<vmem>>)
      %add3A_780 = arith.constant 1 : i32
      %add3A_781 = arith.addi %scan3A_749, %add3A_780 : i32
      %rem3A_782 = arith.constant 2 : i32
      %rem3A_783 = arith.remsi %add3A_781, %rem3A_782 : i32
      %mul3A_784 = arith.constant 40 : i32
      %mul3A_785 = arith.muli %add3A_781, %mul3A_784 : i32
      %dma_start3A_786 = arith.constant 0 : i32
      %dma_start3A_787 = arith.constant 0 : i32
      %dma_start3A_788 = tpu.memref_slice %arg10[%rem3A_783, %dma_start3A_786, %dma_start3A_787] : memref<2x40x128xf32, #tpu.memory_space<vmem>> -> memref<1x40x128xf32, #tpu.memory_space<vmem>>
      %dma_start3A_789 = tpu.memref_squeeze %dma_start3A_788 : memref<1x40x128xf32, #tpu.memory_space<vmem>> -> memref<40x128xf32, #tpu.memory_space<vmem>>
      %dma_start3A_790 = tpu.memref_slice %arg8[%mul3A_785] : memref<10000xi32, #tpu.memory_space<vmem>> -> memref<40xi32, #tpu.memory_space<vmem>>
      %dma_start3A_791 = arith.constant 0 : i32
      %dma_start3A_792 = arith.constant 0 : i32
      %dma_start3A_793 = tpu.memref_slice %arg2[%dma_start3A_791, %dma_start3A_792] : memref<10000x128xf32, #tpu.memory_space<hbm>> -> memref<10000x128xf32, #tpu.memory_space<hbm>>
      %dma_start3A_794 = tpu.memref_slice %arg13[%rem3A_783] : memref<2x!tpu.dma_semaphore, #tpu.memory_space<semaphore_mem>> -> memref<1x!tpu.dma_semaphore, #tpu.memory_space<semaphore_mem>>
      %dma_start3A_795 = tpu.memref_squeeze %dma_start3A_794 : memref<1x!tpu.dma_semaphore, #tpu.memory_space<semaphore_mem>> -> memref<!tpu.dma_semaphore, #tpu.memory_space<semaphore_mem>>
      tpu.enqueue_indirect_dma source(%dma_start3A_793 : memref<10000x128xf32, #tpu.memory_space<hbm>>) target(%dma_start3A_789 : memref<40x128xf32, #tpu.memory_space<vmem>>) offsets(%dma_start3A_790 : memref<40xi32, #tpu.memory_space<vmem>>) semaphore(%dma_start3A_795 : memref<!tpu.dma_semaphore, #tpu.memory_space<semaphore_mem>>)
      %mul3A_796 = arith.constant 40 : i32
      %mul3A_797 = arith.muli %add3A_781, %mul3A_796 : i32
      %add3A_798 = arith.addi %mul3A_2, %mul3A_797 : i32
      %rem3A_799 = arith.constant 4 : i32
      %rem3A_800 = arith.remsi %add3A_781, %rem3A_799 : i32
      %dma_start3A_801 = arith.constant 0 : i32
      %dma_start3A_802 = arith.constant 0 : i32
      %dma_start3A_803 = tpu.memref_slice %arg11[%rem3A_800, %dma_start3A_801, %dma_start3A_802] : memref<4x40x128xf32, #tpu.memory_space<vmem>> -> memref<1x40x128xf32, #tpu.memory_space<vmem>>
      %dma_start3A_804 = tpu.memref_squeeze %dma_start3A_803 : memref<1x40x128xf32, #tpu.memory_space<vmem>> -> memref<40x128xf32, #tpu.memory_space<vmem>>
      %dma_start3A_805 = arith.constant 0 : i32
      %dma_start3A_806 = tpu.memref_slice %arg5[%add3A_798, %dma_start3A_805] : memref<320000x128xf32, #tpu.memory_space<hbm>> -> memref<40x128xf32, #tpu.memory_space<hbm>>
      %dma_start3A_807 = tpu.memref_slice %arg13[%rem3A_783] : memref<2x!tpu.dma_semaphore, #tpu.memory_space<semaphore_mem>> -> memref<1x!tpu.dma_semaphore, #tpu.memory_space<semaphore_mem>>
      %dma_start3A_808 = tpu.memref_squeeze %dma_start3A_807 : memref<1x!tpu.dma_semaphore, #tpu.memory_space<semaphore_mem>> -> memref<!tpu.dma_semaphore, #tpu.memory_space<semaphore_mem>>
      %dma_start3A_809 = arith.constant 0 : i32
      %dma_start3A_810 = arith.constant 0 : i32
      %dma_start3A_811 = tpu.memref_slice %arg11[%rem3A_800, %dma_start3A_809, %dma_start3A_810] : memref<4x40x128xf32, #tpu.memory_space<vmem>> -> memref<1x40x128xf32, #tpu.memory_space<vmem>>
      %dma_start3A_812 = tpu.memref_squeeze %dma_start3A_811 : memref<1x40x128xf32, #tpu.memory_space<vmem>> -> memref<40x128xf32, #tpu.memory_space<vmem>>
      %dma_start3A_813 = arith.constant 0 : i32
      %dma_start3A_814 = tpu.memref_slice %arg5[%add3A_798, %dma_start3A_813] : memref<320000x128xf32, #tpu.memory_space<hbm>> -> memref<40x128xf32, #tpu.memory_space<hbm>>
      tpu.enqueue_dma source(%dma_start3A_814 : memref<40x128xf32, #tpu.memory_space<hbm>>) target(%dma_start3A_812 : memref<40x128xf32, #tpu.memory_space<vmem>>) target_semaphore(%dma_start3A_808 : memref<!tpu.dma_semaphore, #tpu.memory_space<semaphore_mem>>)
      %add3A_815 = arith.constant 2 : i32
      %add3A_816 = arith.addi %scan3A_749, %add3A_815 : i32
      %mul3A_817 = arith.constant 40 : i32
      %mul3A_818 = arith.muli %add3A_816, %mul3A_817 : i32
      %add3A_819 = arith.addi %mul3A_2, %mul3A_818 : i32
      %rem3A_820 = arith.constant 5 : i32
      %rem3A_821 = arith.remsi %add3A_816, %rem3A_820 : i32
      %dma_start3A_822 = arith.constant 0 : i32
      %dma_start3A_823 = tpu.memref_slice %arg9[%rem3A_821, %dma_start3A_822] : memref<5x40xi32, #tpu.memory_space<vmem>> -> memref<1x40xi32, #tpu.memory_space<vmem>>
      %dma_start3A_824 = tpu.memref_squeeze %dma_start3A_823 : memref<1x40xi32, #tpu.memory_space<vmem>> -> memref<40xi32, #tpu.memory_space<vmem>>
      %dma_start3A_825 = tpu.memref_slice %arg4[%add3A_819] : memref<320000xi32, #tpu.memory_space<hbm>> -> memref<40xi32, #tpu.memory_space<hbm>>
      %dma_start3A_826 = arith.constant 0 : i32
      %dma_start3A_827 = tpu.memref_slice %arg9[%rem3A_821, %dma_start3A_826] : memref<5x40xi32, #tpu.memory_space<vmem>> -> memref<1x40xi32, #tpu.memory_space<vmem>>
      %dma_start3A_828 = tpu.memref_squeeze %dma_start3A_827 : memref<1x40xi32, #tpu.memory_space<vmem>> -> memref<40xi32, #tpu.memory_space<vmem>>
      %dma_start3A_829 = tpu.memref_slice %arg4[%add3A_819] : memref<320000xi32, #tpu.memory_space<hbm>> -> memref<40xi32, #tpu.memory_space<hbm>>
      tpu.enqueue_dma source(%dma_start3A_829 : memref<40xi32, #tpu.memory_space<hbm>>) target(%dma_start3A_828 : memref<40xi32, #tpu.memory_space<vmem>>) target_semaphore(%arg12 : memref<!tpu.dma_semaphore, #tpu.memory_space<semaphore_mem>>)
      %rem3A_830 = arith.constant 2 : i32
      %rem3A_831 = arith.remsi %scan3A_749, %rem3A_830 : i32
      %dma_wait3A_832 = arith.constant 0 : i32
      %dma_wait3A_833 = arith.constant 0 : i32
      %dma_wait3A_834 = tpu.memref_slice %arg10[%rem3A_831, %dma_wait3A_832, %dma_wait3A_833] : memref<2x40x128xf32, #tpu.memory_space<vmem>> -> memref<1x40x128xf32, #tpu.memory_space<vmem>>
      %dma_wait3A_835 = tpu.memref_squeeze %dma_wait3A_834 : memref<1x40x128xf32, #tpu.memory_space<vmem>> -> memref<40x128xf32, #tpu.memory_space<vmem>>
      %dma_wait3A_836 = arith.constant 0 : i32
      %dma_wait3A_837 = arith.constant 0 : i32
      %dma_wait3A_838 = tpu.memref_slice %arg2[%dma_wait3A_836, %dma_wait3A_837] : memref<10000x128xf32, #tpu.memory_space<hbm>> -> memref<40x128xf32, #tpu.memory_space<hbm>>
      %dma_wait3A_839 = tpu.memref_slice %arg13[%rem3A_831] : memref<2x!tpu.dma_semaphore, #tpu.memory_space<semaphore_mem>> -> memref<1x!tpu.dma_semaphore, #tpu.memory_space<semaphore_mem>>
      %dma_wait3A_840 = tpu.memref_squeeze %dma_wait3A_839 : memref<1x!tpu.dma_semaphore, #tpu.memory_space<semaphore_mem>> -> memref<!tpu.dma_semaphore, #tpu.memory_space<semaphore_mem>>
      %dma_wait3A_841 = arith.constant 0 : i32
      %dma_wait3A_842 = arith.constant 0 : i32
      %dma_wait3A_843 = tpu.memref_slice %arg10[%rem3A_831, %dma_wait3A_841, %dma_wait3A_842] : memref<2x40x128xf32, #tpu.memory_space<vmem>> -> memref<1x40x128xf32, #tpu.memory_space<vmem>>
      %dma_wait3A_844 = tpu.memref_squeeze %dma_wait3A_843 : memref<1x40x128xf32, #tpu.memory_space<vmem>> -> memref<40x128xf32, #tpu.memory_space<vmem>>
      %dma_wait3A_845 = arith.constant 0 : i32
      %dma_wait3A_846 = arith.constant 0 : i32
      %dma_wait3A_847 = tpu.memref_slice %arg2[%dma_wait3A_845, %dma_wait3A_846] : memref<10000x128xf32, #tpu.memory_space<hbm>> -> memref<40x128xf32, #tpu.memory_space<hbm>>
      tpu.wait_dma2 semaphore(%dma_wait3A_840 : memref<!tpu.dma_semaphore, #tpu.memory_space<semaphore_mem>>) src(%dma_wait3A_847 : memref<40x128xf32, #tpu.memory_space<hbm>>) dst(%dma_wait3A_844 : memref<40x128xf32, #tpu.memory_space<vmem>>)
      %rem3A_848 = arith.constant 4 : i32
      %rem3A_849 = arith.remsi %scan3A_749, %rem3A_848 : i32
      %dma_wait3A_850 = arith.constant 0 : i32
      %dma_wait3A_851 = arith.constant 0 : i32
      %dma_wait3A_852 = tpu.memref_slice %arg11[%rem3A_849, %dma_wait3A_850, %dma_wait3A_851] : memref<4x40x128xf32, #tpu.memory_space<vmem>> -> memref<1x40x128xf32, #tpu.memory_space<vmem>>
      %dma_wait3A_853 = tpu.memref_squeeze %dma_wait3A_852 : memref<1x40x128xf32, #tpu.memory_space<vmem>> -> memref<40x128xf32, #tpu.memory_space<vmem>>
      %dma_wait3A_854 = arith.constant 0 : i32
      %dma_wait3A_855 = tpu.memref_slice %arg5[%mul3A_2, %dma_wait3A_854] : memref<320000x128xf32, #tpu.memory_space<hbm>> -> memref<40x128xf32, #tpu.memory_space<hbm>>
      %dma_wait3A_856 = tpu.memref_slice %arg13[%rem3A_831] : memref<2x!tpu.dma_semaphore, #tpu.memory_space<semaphore_mem>> -> memref<1x!tpu.dma_semaphore, #tpu.memory_space<semaphore_mem>>
      %dma_wait3A_857 = tpu.memref_squeeze %dma_wait3A_856 : memref<1x!tpu.dma_semaphore, #tpu.memory_space<semaphore_mem>> -> memref<!tpu.dma_semaphore, #tpu.memory_space<semaphore_mem>>
      %dma_wait3A_858 = arith.constant 0 : i32
      %dma_wait3A_859 = arith.constant 0 : i32
      %dma_wait3A_860 = tpu.memref_slice %arg11[%rem3A_849, %dma_wait3A_858, %dma_wait3A_859] : memref<4x40x128xf32, #tpu.memory_space<vmem>> -> memref<1x40x128xf32, #tpu.memory_space<vmem>>
      %dma_wait3A_861 = tpu.memref_squeeze %dma_wait3A_860 : memref<1x40x128xf32, #tpu.memory_space<vmem>> -> memref<40x128xf32, #tpu.memory_space<vmem>>
      %dma_wait3A_862 = arith.constant 0 : i32
      %dma_wait3A_863 = tpu.memref_slice %arg5[%mul3A_2, %dma_wait3A_862] : memref<320000x128xf32, #tpu.memory_space<hbm>> -> memref<40x128xf32, #tpu.memory_space<hbm>>
      tpu.wait_dma2 semaphore(%dma_wait3A_857 : memref<!tpu.dma_semaphore, #tpu.memory_space<semaphore_mem>>) src(%dma_wait3A_863 : memref<40x128xf32, #tpu.memory_space<hbm>>) dst(%dma_wait3A_861 : memref<40x128xf32, #tpu.memory_space<vmem>>)
      %rem3A_864 = arith.constant 2 : i32
      %rem3A_865 = arith.remsi %scan3A_749, %rem3A_864 : i32
      %rem3A_866 = arith.constant 4 : i32
      %rem3A_867 = arith.remsi %scan3A_749, %rem3A_866 : i32
      %parallel_loop3A_868 = arith.constant 0 : i32
      %parallel_loop3A_869 = arith.constant 40 : i32
      %parallel_loop3A_870 = arith.constant 1 : i32
      scf.for %parallel_loop3A_889 = %parallel_loop3A_868 to %parallel_loop3A_869 step %parallel_loop3A_870  : i32 {
        %parallel_loop3A_890 = arith.constant 0 : i32
        %parallel_loop3A_891 = arith.constant 0 : i32
        %parallel_loop3A_892 = tpu.memref_slice %arg10[%rem3A_865, %parallel_loop3A_890, %parallel_loop3A_891] : memref<2x40x128xf32, #tpu.memory_space<vmem>> -> memref<1x40x128xf32, #tpu.memory_space<vmem>>
        %parallel_loop3A_893 = tpu.memref_squeeze %parallel_loop3A_892 : memref<1x40x128xf32, #tpu.memory_space<vmem>> -> memref<40x128xf32, #tpu.memory_space<vmem>>
        %parallel_loop3A_894 = arith.index_cast %parallel_loop3A_889 : i32 to index
        %parallel_loop3A_895 = arith.constant 0 : index
        %parallel_loop3A_896 = tpu.vector_load %parallel_loop3A_893[%parallel_loop3A_894, %parallel_loop3A_895] {strides = array<i32>} : memref<40x128xf32, #tpu.memory_space<vmem>>, vector<1x16xf32>,
        %parallel_loop3A_897 = vector.shape_cast %parallel_loop3A_896 : vector<1x16xf32> to vector<16xf32>
        %parallel_loop3A_898 = arith.constant 0 : i32
        %parallel_loop3A_899 = arith.constant 0 : i32
        %parallel_loop3A_900 = tpu.memref_slice %arg11[%rem3A_867, %parallel_loop3A_898, %parallel_loop3A_899] : memref<4x40x128xf32, #tpu.memory_space<vmem>> -> memref<1x40x128xf32, #tpu.memory_space<vmem>>
        %parallel_loop3A_901 = tpu.memref_squeeze %parallel_loop3A_900 : memref<1x40x128xf32, #tpu.memory_space<vmem>> -> memref<40x128xf32, #tpu.memory_space<vmem>>
        %parallel_loop3A_902 = arith.index_cast %parallel_loop3A_889 : i32 to index
        %parallel_loop3A_903 = arith.constant 0 : index
        %parallel_loop3A_904 = tpu.vector_load %parallel_loop3A_901[%parallel_loop3A_902, %parallel_loop3A_903] {strides = array<i32>} : memref<40x128xf32, #tpu.memory_space<vmem>>, vector<1x16xf32>,
        %parallel_loop3A_905 = vector.shape_cast %parallel_loop3A_904 : vector<1x16xf32> to vector<16xf32>
        %parallel_loop3A_906 = arith.addf %parallel_loop3A_897, %parallel_loop3A_905 : vector<16xf32>
        %parallel_loop3A_907 = arith.constant 0.000000e+00 : f32
        %parallel_loop3A_908 = vector.broadcast %parallel_loop3A_907 : f32 to vector<16xf32>
        %parallel_loop3A_909 = arith.maximumf %parallel_loop3A_906, %parallel_loop3A_908 : vector<16xf32>
        %parallel_loop3A_910 = arith.constant 0 : i32
        %parallel_loop3A_911 = arith.constant 0 : i32
        %parallel_loop3A_912 = tpu.memref_slice %arg11[%rem3A_867, %parallel_loop3A_910, %parallel_loop3A_911] : memref<4x40x128xf32, #tpu.memory_space<vmem>> -> memref<1x40x128xf32, #tpu.memory_space<vmem>>
        %parallel_loop3A_913 = tpu.memref_squeeze %parallel_loop3A_912 : memref<1x40x128xf32, #tpu.memory_space<vmem>> -> memref<40x128xf32, #tpu.memory_space<vmem>>
        %parallel_loop3A_914 = arith.index_cast %parallel_loop3A_889 : i32 to index
        %parallel_loop3A_915 = arith.constant 0 : index
        %parallel_loop3A_916 = tpu.vector_load %parallel_loop3A_913[%parallel_loop3A_914, %parallel_loop3A_915] {strides = array<i32>} : memref<40x128xf32, #tpu.memory_space<vmem>>, vector<1x16xf32>,
        %parallel_loop3A_917 = vector.shape_cast %parallel_loop3A_916 : vector<1x16xf32> to vector<16xf32>
        %parallel_loop3A_918 = vector.shape_cast %parallel_loop3A_909 : vector<16xf32> to vector<1x16xf32>
        tpu.vector_store %parallel_loop3A_913[%parallel_loop3A_914, %parallel_loop3A_915], %parallel_loop3A_918 {strides = array<i32>} : memref<40x128xf32, #tpu.memory_space<vmem>>, vector<1x16xf32>,
        %parallel_loop3A_919 = arith.constant 0 : i32
        %parallel_loop3A_920 = arith.constant 0 : i32
        %parallel_loop3A_921 = tpu.memref_slice %arg10[%rem3A_865, %parallel_loop3A_919, %parallel_loop3A_920] : memref<2x40x128xf32, #tpu.memory_space<vmem>> -> memref<1x40x128xf32, #tpu.memory_space<vmem>>
        %parallel_loop3A_922 = tpu.memref_squeeze %parallel_loop3A_921 : memref<1x40x128xf32, #tpu.memory_space<vmem>> -> memref<40x128xf32, #tpu.memory_space<vmem>>
        %parallel_loop3A_923 = arith.index_cast %parallel_loop3A_889 : i32 to index
        %parallel_loop3A_924 = arith.constant 16 : index
        %parallel_loop3A_925 = tpu.vector_load %parallel_loop3A_922[%parallel_loop3A_923, %parallel_loop3A_924] {strides = array<i32>} : memref<40x128xf32, #tpu.memory_space<vmem>>, vector<1x16xf32>,
        %parallel_loop3A_926 = vector.shape_cast %parallel_loop3A_925 : vector<1x16xf32> to vector<16xf32>
        %parallel_loop3A_927 = arith.constant 0 : i32
        %parallel_loop3A_928 = arith.constant 0 : i32
        %parallel_loop3A_929 = tpu.memref_slice %arg11[%rem3A_867, %parallel_loop3A_927, %parallel_loop3A_928] : memref<4x40x128xf32, #tpu.memory_space<vmem>> -> memref<1x40x128xf32, #tpu.memory_space<vmem>>
        %parallel_loop3A_930 = tpu.memref_squeeze %parallel_loop3A_929 : memref<1x40x128xf32, #tpu.memory_space<vmem>> -> memref<40x128xf32, #tpu.memory_space<vmem>>
        %parallel_loop3A_931 = arith.index_cast %parallel_loop3A_889 : i32 to index
        %parallel_loop3A_932 = arith.constant 16 : index
        %parallel_loop3A_933 = tpu.vector_load %parallel_loop3A_930[%parallel_loop3A_931, %parallel_loop3A_932] {strides = array<i32>} : memref<40x128xf32, #tpu.memory_space<vmem>>, vector<1x16xf32>,
        %parallel_loop3A_934 = vector.shape_cast %parallel_loop3A_933 : vector<1x16xf32> to vector<16xf32>
        %parallel_loop3A_935 = arith.addf %parallel_loop3A_926, %parallel_loop3A_934 : vector<16xf32>
        %parallel_loop3A_936 = arith.constant 0.000000e+00 : f32
        %parallel_loop3A_937 = vector.broadcast %parallel_loop3A_936 : f32 to vector<16xf32>
        %parallel_loop3A_938 = arith.maximumf %parallel_loop3A_935, %parallel_loop3A_937 : vector<16xf32>
        %parallel_loop3A_939 = arith.constant 0 : i32
        %parallel_loop3A_940 = arith.constant 0 : i32
        %parallel_loop3A_941 = tpu.memref_slice %arg11[%rem3A_867, %parallel_loop3A_939, %parallel_loop3A_940] : memref<4x40x128xf32, #tpu.memory_space<vmem>> -> memref<1x40x128xf32, #tpu.memory_space<vmem>>
        %parallel_loop3A_942 = tpu.memref_squeeze %parallel_loop3A_941 : memref<1x40x128xf32, #tpu.memory_space<vmem>> -> memref<40x128xf32, #tpu.memory_space<vmem>>
        %parallel_loop3A_943 = arith.index_cast %parallel_loop3A_889 : i32 to index
        %parallel_loop3A_944 = arith.constant 16 : index
        %parallel_loop3A_945 = tpu.vector_load %parallel_loop3A_942[%parallel_loop3A_943, %parallel_loop3A_944] {strides = array<i32>} : memref<40x128xf32, #tpu.memory_space<vmem>>, vector<1x16xf32>,
        %parallel_loop3A_946 = vector.shape_cast %parallel_loop3A_945 : vector<1x16xf32> to vector<16xf32>
        %parallel_loop3A_947 = vector.shape_cast %parallel_loop3A_938 : vector<16xf32> to vector<1x16xf32>
        tpu.vector_store %parallel_loop3A_942[%parallel_loop3A_943, %parallel_loop3A_944], %parallel_loop3A_947 {strides = array<i32>} : memref<40x128xf32, #tpu.memory_space<vmem>>, vector<1x16xf32>,
        %parallel_loop3A_948 = arith.constant 0 : i32
        %parallel_loop3A_949 = arith.constant 0 : i32
        %parallel_loop3A_950 = tpu.memref_slice %arg10[%rem3A_865, %parallel_loop3A_948, %parallel_loop3A_949] : memref<2x40x128xf32, #tpu.memory_space<vmem>> -> memref<1x40x128xf32, #tpu.memory_space<vmem>>
        %parallel_loop3A_951 = tpu.memref_squeeze %parallel_loop3A_950 : memref<1x40x128xf32, #tpu.memory_space<vmem>> -> memref<40x128xf32, #tpu.memory_space<vmem>>
        %parallel_loop3A_952 = arith.index_cast %parallel_loop3A_889 : i32 to index
        %parallel_loop3A_953 = arith.constant 32 : index
        %parallel_loop3A_954 = tpu.vector_load %parallel_loop3A_951[%parallel_loop3A_952, %parallel_loop3A_953] {strides = array<i32>} : memref<40x128xf32, #tpu.memory_space<vmem>>, vector<1x16xf32>,
        %parallel_loop3A_955 = vector.shape_cast %parallel_loop3A_954 : vector<1x16xf32> to vector<16xf32>
        %parallel_loop3A_956 = arith.constant 0 : i32
        %parallel_loop3A_957 = arith.constant 0 : i32
        %parallel_loop3A_958 = tpu.memref_slice %arg11[%rem3A_867, %parallel_loop3A_956, %parallel_loop3A_957] : memref<4x40x128xf32, #tpu.memory_space<vmem>> -> memref<1x40x128xf32, #tpu.memory_space<vmem>>
        %parallel_loop3A_959 = tpu.memref_squeeze %parallel_loop3A_958 : memref<1x40x128xf32, #tpu.memory_space<vmem>> -> memref<40x128xf32, #tpu.memory_space<vmem>>
        %parallel_loop3A_960 = arith.index_cast %parallel_loop3A_889 : i32 to index
        %parallel_loop3A_961 = arith.constant 32 : index
        %parallel_loop3A_962 = tpu.vector_load %parallel_loop3A_959[%parallel_loop3A_960, %parallel_loop3A_961] {strides = array<i32>} : memref<40x128xf32, #tpu.memory_space<vmem>>, vector<1x16xf32>,
        %parallel_loop3A_963 = vector.shape_cast %parallel_loop3A_962 : vector<1x16xf32> to vector<16xf32>
        %parallel_loop3A_964 = arith.addf %parallel_loop3A_955, %parallel_loop3A_963 : vector<16xf32>
        %parallel_loop3A_965 = arith.constant 0.000000e+00 : f32
        %parallel_loop3A_966 = vector.broadcast %parallel_loop3A_965 : f32 to vector<16xf32>
        %parallel_loop3A_967 = arith.maximumf %parallel_loop3A_964, %parallel_loop3A_966 : vector<16xf32>
        %parallel_loop3A_968 = arith.constant 0 : i32
        %parallel_loop3A_969 = arith.constant 0 : i32
        %parallel_loop3A_970 = tpu.memref_slice %arg11[%rem3A_867, %parallel_loop3A_968, %parallel_loop3A_969] : memref<4x40x128xf32, #tpu.memory_space<vmem>> -> memref<1x40x128xf32, #tpu.memory_space<vmem>>
        %parallel_loop3A_971 = tpu.memref_squeeze %parallel_loop3A_970 : memref<1x40x128xf32, #tpu.memory_space<vmem>> -> memref<40x128xf32, #tpu.memory_space<vmem>>
        %parallel_loop3A_972 = arith.index_cast %parallel_loop3A_889 : i32 to index
        %parallel_loop3A_973 = arith.constant 32 : index
        %parallel_loop3A_974 = tpu.vector_load %parallel_loop3A_971[%parallel_loop3A_972, %parallel_loop3A_973] {strides = array<i32>} : memref<40x128xf32, #tpu.memory_space<vmem>>, vector<1x16xf32>,
        %parallel_loop3A_975 = vector.shape_cast %parallel_loop3A_974 : vector<1x16xf32> to vector<16xf32>
        %parallel_loop3A_976 = vector.shape_cast %parallel_loop3A_967 : vector<16xf32> to vector<1x16xf32>
        tpu.vector_store %parallel_loop3A_971[%parallel_loop3A_972, %parallel_loop3A_973], %parallel_loop3A_976 {strides = array<i32>} : memref<40x128xf32, #tpu.memory_space<vmem>>, vector<1x16xf32>,
        %parallel_loop3A_977 = arith.constant 0 : i32
        %parallel_loop3A_978 = arith.constant 0 : i32
        %parallel_loop3A_979 = tpu.memref_slice %arg10[%rem3A_865, %parallel_loop3A_977, %parallel_loop3A_978] : memref<2x40x128xf32, #tpu.memory_space<vmem>> -> memref<1x40x128xf32, #tpu.memory_space<vmem>>
        %parallel_loop3A_980 = tpu.memref_squeeze %parallel_loop3A_979 : memref<1x40x128xf32, #tpu.memory_space<vmem>> -> memref<40x128xf32, #tpu.memory_space<vmem>>
        %parallel_loop3A_981 = arith.index_cast %parallel_loop3A_889 : i32 to index
        %parallel_loop3A_982 = arith.constant 48 : index
        %parallel_loop3A_983 = tpu.vector_load %parallel_loop3A_980[%parallel_loop3A_981, %parallel_loop3A_982] {strides = array<i32>} : memref<40x128xf32, #tpu.memory_space<vmem>>, vector<1x16xf32>,
        %parallel_loop3A_984 = vector.shape_cast %parallel_loop3A_983 : vector<1x16xf32> to vector<16xf32>
        %parallel_loop3A_985 = arith.constant 0 : i32
        %parallel_loop3A_986 = arith.constant 0 : i32
        %parallel_loop3A_987 = tpu.memref_slice %arg11[%rem3A_867, %parallel_loop3A_985, %parallel_loop3A_986] : memref<4x40x128xf32, #tpu.memory_space<vmem>> -> memref<1x40x128xf32, #tpu.memory_space<vmem>>
        %parallel_loop3A_988 = tpu.memref_squeeze %parallel_loop3A_987 : memref<1x40x128xf32, #tpu.memory_space<vmem>> -> memref<40x128xf32, #tpu.memory_space<vmem>>
        %parallel_loop3A_989 = arith.index_cast %parallel_loop3A_889 : i32 to index
        %parallel_loop3A_990 = arith.constant 48 : index
        %parallel_loop3A_991 = tpu.vector_load %parallel_loop3A_988[%parallel_loop3A_989, %parallel_loop3A_990] {strides = array<i32>} : memref<40x128xf32, #tpu.memory_space<vmem>>, vector<1x16xf32>,
        %parallel_loop3A_992 = vector.shape_cast %parallel_loop3A_991 : vector<1x16xf32> to vector<16xf32>
        %parallel_loop3A_993 = arith.addf %parallel_loop3A_984, %parallel_loop3A_992 : vector<16xf32>
        %parallel_loop3A_994 = arith.constant 0.000000e+00 : f32
        %parallel_loop3A_995 = vector.broadcast %parallel_loop3A_994 : f32 to vector<16xf32>
        %parallel_loop3A_996 = arith.maximumf %parallel_loop3A_993, %parallel_loop3A_995 : vector<16xf32>
        %parallel_loop3A_997 = arith.constant 0 : i32
        %parallel_loop3A_998 = arith.constant 0 : i32
        %parallel_loop3A_999 = tpu.memref_slice %arg11[%rem3A_867, %parallel_loop3A_997, %parallel_loop3A_998] : memref<4x40x128xf32, #tpu.memory_space<vmem>> -> memref<1x40x128xf32, #tpu.memory_space<vmem>>
        %parallel_loop3A_1000 = tpu.memref_squeeze %parallel_loop3A_999 : memref<1x40x128xf32, #tpu.memory_space<vmem>> -> memref<40x128xf32, #tpu.memory_space<vmem>>
        %parallel_loop3A_1001 = arith.index_cast %parallel_loop3A_889 : i32 to index
        %parallel_loop3A_1002 = arith.constant 48 : index
        %parallel_loop3A_1003 = tpu.vector_load %parallel_loop3A_1000[%parallel_loop3A_1001, %parallel_loop3A_1002] {strides = array<i32>} : memref<40x128xf32, #tpu.memory_space<vmem>>, vector<1x16xf32>,
        %parallel_loop3A_1004 = vector.shape_cast %parallel_loop3A_1003 : vector<1x16xf32> to vector<16xf32>
        %parallel_loop3A_1005 = vector.shape_cast %parallel_loop3A_996 : vector<16xf32> to vector<1x16xf32>
        tpu.vector_store %parallel_loop3A_1000[%parallel_loop3A_1001, %parallel_loop3A_1002], %parallel_loop3A_1005 {strides = array<i32>} : memref<40x128xf32, #tpu.memory_space<vmem>>, vector<1x16xf32>,
        %parallel_loop3A_1006 = arith.constant 0 : i32
        %parallel_loop3A_1007 = arith.constant 0 : i32
        %parallel_loop3A_1008 = tpu.memref_slice %arg10[%rem3A_865, %parallel_loop3A_1006, %parallel_loop3A_1007] : memref<2x40x128xf32, #tpu.memory_space<vmem>> -> memref<1x40x128xf32, #tpu.memory_space<vmem>>
        %parallel_loop3A_1009 = tpu.memref_squeeze %parallel_loop3A_1008 : memref<1x40x128xf32, #tpu.memory_space<vmem>> -> memref<40x128xf32, #tpu.memory_space<vmem>>
        %parallel_loop3A_1010 = arith.index_cast %parallel_loop3A_889 : i32 to index
        %parallel_loop3A_1011 = arith.constant 64 : index
        %parallel_loop3A_1012 = tpu.vector_load %parallel_loop3A_1009[%parallel_loop3A_1010, %parallel_loop3A_1011] {strides = array<i32>} : memref<40x128xf32, #tpu.memory_space<vmem>>, vector<1x16xf32>,
        %parallel_loop3A_1013 = vector.shape_cast %parallel_loop3A_1012 : vector<1x16xf32> to vector<16xf32>
        %parallel_loop3A_1014 = arith.constant 0 : i32
        %parallel_loop3A_1015 = arith.constant 0 : i32
        %parallel_loop3A_1016 = tpu.memref_slice %arg11[%rem3A_867, %parallel_loop3A_1014, %parallel_loop3A_1015] : memref<4x40x128xf32, #tpu.memory_space<vmem>> -> memref<1x40x128xf32, #tpu.memory_space<vmem>>
        %parallel_loop3A_1017 = tpu.memref_squeeze %parallel_loop3A_1016 : memref<1x40x128xf32, #tpu.memory_space<vmem>> -> memref<40x128xf32, #tpu.memory_space<vmem>>
        %parallel_loop3A_1018 = arith.index_cast %parallel_loop3A_889 : i32 to index
        %parallel_loop3A_1019 = arith.constant 64 : index
        %parallel_loop3A_1020 = tpu.vector_load %parallel_loop3A_1017[%parallel_loop3A_1018, %parallel_loop3A_1019] {strides = array<i32>} : memref<40x128xf32, #tpu.memory_space<vmem>>, vector<1x16xf32>,
        %parallel_loop3A_1021 = vector.shape_cast %parallel_loop3A_1020 : vector<1x16xf32> to vector<16xf32>
        %parallel_loop3A_1022 = arith.addf %parallel_loop3A_1013, %parallel_loop3A_1021 : vector<16xf32>
        %parallel_loop3A_1023 = arith.constant 0.000000e+00 : f32
        %parallel_loop3A_1024 = vector.broadcast %parallel_loop3A_1023 : f32 to vector<16xf32>
        %parallel_loop3A_1025 = arith.maximumf %parallel_loop3A_1022, %parallel_loop3A_1024 : vector<16xf32>
        %parallel_loop3A_1026 = arith.constant 0 : i32
        %parallel_loop3A_1027 = arith.constant 0 : i32
        %parallel_loop3A_1028 = tpu.memref_slice %arg11[%rem3A_867, %parallel_loop3A_1026, %parallel_loop3A_1027] : memref<4x40x128xf32, #tpu.memory_space<vmem>> -> memref<1x40x128xf32, #tpu.memory_space<vmem>>
        %parallel_loop3A_1029 = tpu.memref_squeeze %parallel_loop3A_1028 : memref<1x40x128xf32, #tpu.memory_space<vmem>> -> memref<40x128xf32, #tpu.memory_space<vmem>>
        %parallel_loop3A_1030 = arith.index_cast %parallel_loop3A_889 : i32 to index
        %parallel_loop3A_1031 = arith.constant 64 : index
        %parallel_loop3A_1032 = tpu.vector_load %parallel_loop3A_1029[%parallel_loop3A_1030, %parallel_loop3A_1031] {strides = array<i32>} : memref<40x128xf32, #tpu.memory_space<vmem>>, vector<1x16xf32>,
        %parallel_loop3A_1033 = vector.shape_cast %parallel_loop3A_1032 : vector<1x16xf32> to vector<16xf32>
        %parallel_loop3A_1034 = vector.shape_cast %parallel_loop3A_1025 : vector<16xf32> to vector<1x16xf32>
        tpu.vector_store %parallel_loop3A_1029[%parallel_loop3A_1030, %parallel_loop3A_1031], %parallel_loop3A_1034 {strides = array<i32>} : memref<40x128xf32, #tpu.memory_space<vmem>>, vector<1x16xf32>,
        %parallel_loop3A_1035 = arith.constant 0 : i32
        %parallel_loop3A_1036 = arith.constant 0 : i32
        %parallel_loop3A_1037 = tpu.memref_slice %arg10[%rem3A_865, %parallel_loop3A_1035, %parallel_loop3A_1036] : memref<2x40x128xf32, #tpu.memory_space<vmem>> -> memref<1x40x128xf32, #tpu.memory_space<vmem>>
        %parallel_loop3A_1038 = tpu.memref_squeeze %parallel_loop3A_1037 : memref<1x40x128xf32, #tpu.memory_space<vmem>> -> memref<40x128xf32, #tpu.memory_space<vmem>>
        %parallel_loop3A_1039 = arith.index_cast %parallel_loop3A_889 : i32 to index
        %parallel_loop3A_1040 = arith.constant 80 : index
        %parallel_loop3A_1041 = tpu.vector_load %parallel_loop3A_1038[%parallel_loop3A_1039, %parallel_loop3A_1040] {strides = array<i32>} : memref<40x128xf32, #tpu.memory_space<vmem>>, vector<1x16xf32>,
        %parallel_loop3A_1042 = vector.shape_cast %parallel_loop3A_1041 : vector<1x16xf32> to vector<16xf32>
        %parallel_loop3A_1043 = arith.constant 0 : i32
        %parallel_loop3A_1044 = arith.constant 0 : i32
        %parallel_loop3A_1045 = tpu.memref_slice %arg11[%rem3A_867, %parallel_loop3A_1043, %parallel_loop3A_1044] : memref<4x40x128xf32, #tpu.memory_space<vmem>> -> memref<1x40x128xf32, #tpu.memory_space<vmem>>
        %parallel_loop3A_1046 = tpu.memref_squeeze %parallel_loop3A_1045 : memref<1x40x128xf32, #tpu.memory_space<vmem>> -> memref<40x128xf32, #tpu.memory_space<vmem>>
        %parallel_loop3A_1047 = arith.index_cast %parallel_loop3A_889 : i32 to index
        %parallel_loop3A_1048 = arith.constant 80 : index
        %parallel_loop3A_1049 = tpu.vector_load %parallel_loop3A_1046[%parallel_loop3A_1047, %parallel_loop3A_1048] {strides = array<i32>} : memref<40x128xf32, #tpu.memory_space<vmem>>, vector<1x16xf32>,
        %parallel_loop3A_1050 = vector.shape_cast %parallel_loop3A_1049 : vector<1x16xf32> to vector<16xf32>
        %parallel_loop3A_1051 = arith.addf %parallel_loop3A_1042, %parallel_loop3A_1050 : vector<16xf32>
        %parallel_loop3A_1052 = arith.constant 0.000000e+00 : f32
        %parallel_loop3A_1053 = vector.broadcast %parallel_loop3A_1052 : f32 to vector<16xf32>
        %parallel_loop3A_1054 = arith.maximumf %parallel_loop3A_1051, %parallel_loop3A_1053 : vector<16xf32>
        %parallel_loop3A_1055 = arith.constant 0 : i32
        %parallel_loop3A_1056 = arith.constant 0 : i32
        %parallel_loop3A_1057 = tpu.memref_slice %arg11[%rem3A_867, %parallel_loop3A_1055, %parallel_loop3A_1056] : memref<4x40x128xf32, #tpu.memory_space<vmem>> -> memref<1x40x128xf32, #tpu.memory_space<vmem>>
        %parallel_loop3A_1058 = tpu.memref_squeeze %parallel_loop3A_1057 : memref<1x40x128xf32, #tpu.memory_space<vmem>> -> memref<40x128xf32, #tpu.memory_space<vmem>>
        %parallel_loop3A_1059 = arith.index_cast %parallel_loop3A_889 : i32 to index
        %parallel_loop3A_1060 = arith.constant 80 : index
        %parallel_loop3A_1061 = tpu.vector_load %parallel_loop3A_1058[%parallel_loop3A_1059, %parallel_loop3A_1060] {strides = array<i32>} : memref<40x128xf32, #tpu.memory_space<vmem>>, vector<1x16xf32>,
        %parallel_loop3A_1062 = vector.shape_cast %parallel_loop3A_1061 : vector<1x16xf32> to vector<16xf32>
        %parallel_loop3A_1063 = vector.shape_cast %parallel_loop3A_1054 : vector<16xf32> to vector<1x16xf32>
        tpu.vector_store %parallel_loop3A_1058[%parallel_loop3A_1059, %parallel_loop3A_1060], %parallel_loop3A_1063 {strides = array<i32>} : memref<40x128xf32, #tpu.memory_space<vmem>>, vector<1x16xf32>,
        %parallel_loop3A_1064 = arith.constant 0 : i32
        %parallel_loop3A_1065 = arith.constant 0 : i32
        %parallel_loop3A_1066 = tpu.memref_slice %arg10[%rem3A_865, %parallel_loop3A_1064, %parallel_loop3A_1065] : memref<2x40x128xf32, #tpu.memory_space<vmem>> -> memref<1x40x128xf32, #tpu.memory_space<vmem>>
        %parallel_loop3A_1067 = tpu.memref_squeeze %parallel_loop3A_1066 : memref<1x40x128xf32, #tpu.memory_space<vmem>> -> memref<40x128xf32, #tpu.memory_space<vmem>>
        %parallel_loop3A_1068 = arith.index_cast %parallel_loop3A_889 : i32 to index
        %parallel_loop3A_1069 = arith.constant 96 : index
        %parallel_loop3A_1070 = tpu.vector_load %parallel_loop3A_1067[%parallel_loop3A_1068, %parallel_loop3A_1069] {strides = array<i32>} : memref<40x128xf32, #tpu.memory_space<vmem>>, vector<1x16xf32>,
        %parallel_loop3A_1071 = vector.shape_cast %parallel_loop3A_1070 : vector<1x16xf32> to vector<16xf32>
        %parallel_loop3A_1072 = arith.constant 0 : i32
        %parallel_loop3A_1073 = arith.constant 0 : i32
        %parallel_loop3A_1074 = tpu.memref_slice %arg11[%rem3A_867, %parallel_loop3A_1072, %parallel_loop3A_1073] : memref<4x40x128xf32, #tpu.memory_space<vmem>> -> memref<1x40x128xf32, #tpu.memory_space<vmem>>
        %parallel_loop3A_1075 = tpu.memref_squeeze %parallel_loop3A_1074 : memref<1x40x128xf32, #tpu.memory_space<vmem>> -> memref<40x128xf32, #tpu.memory_space<vmem>>
        %parallel_loop3A_1076 = arith.index_cast %parallel_loop3A_889 : i32 to index
        %parallel_loop3A_1077 = arith.constant 96 : index
        %parallel_loop3A_1078 = tpu.vector_load %parallel_loop3A_1075[%parallel_loop3A_1076, %parallel_loop3A_1077] {strides = array<i32>} : memref<40x128xf32, #tpu.memory_space<vmem>>, vector<1x16xf32>,
        %parallel_loop3A_1079 = vector.shape_cast %parallel_loop3A_1078 : vector<1x16xf32> to vector<16xf32>
        %parallel_loop3A_1080 = arith.addf %parallel_loop3A_1071, %parallel_loop3A_1079 : vector<16xf32>
        %parallel_loop3A_1081 = arith.constant 0.000000e+00 : f32
        %parallel_loop3A_1082 = vector.broadcast %parallel_loop3A_1081 : f32 to vector<16xf32>
        %parallel_loop3A_1083 = arith.maximumf %parallel_loop3A_1080, %parallel_loop3A_1082 : vector<16xf32>
        %parallel_loop3A_1084 = arith.constant 0 : i32
        %parallel_loop3A_1085 = arith.constant 0 : i32
        %parallel_loop3A_1086 = tpu.memref_slice %arg11[%rem3A_867, %parallel_loop3A_1084, %parallel_loop3A_1085] : memref<4x40x128xf32, #tpu.memory_space<vmem>> -> memref<1x40x128xf32, #tpu.memory_space<vmem>>
        %parallel_loop3A_1087 = tpu.memref_squeeze %parallel_loop3A_1086 : memref<1x40x128xf32, #tpu.memory_space<vmem>> -> memref<40x128xf32, #tpu.memory_space<vmem>>
        %parallel_loop3A_1088 = arith.index_cast %parallel_loop3A_889 : i32 to index
        %parallel_loop3A_1089 = arith.constant 96 : index
        %parallel_loop3A_1090 = tpu.vector_load %parallel_loop3A_1087[%parallel_loop3A_1088, %parallel_loop3A_1089] {strides = array<i32>} : memref<40x128xf32, #tpu.memory_space<vmem>>, vector<1x16xf32>,
        %parallel_loop3A_1091 = vector.shape_cast %parallel_loop3A_1090 : vector<1x16xf32> to vector<16xf32>
        %parallel_loop3A_1092 = vector.shape_cast %parallel_loop3A_1083 : vector<16xf32> to vector<1x16xf32>
        tpu.vector_store %parallel_loop3A_1087[%parallel_loop3A_1088, %parallel_loop3A_1089], %parallel_loop3A_1092 {strides = array<i32>} : memref<40x128xf32, #tpu.memory_space<vmem>>, vector<1x16xf32>,
        %parallel_loop3A_1093 = arith.constant 0 : i32
        %parallel_loop3A_1094 = arith.constant 0 : i32
        %parallel_loop3A_1095 = tpu.memref_slice %arg10[%rem3A_865, %parallel_loop3A_1093, %parallel_loop3A_1094] : memref<2x40x128xf32, #tpu.memory_space<vmem>> -> memref<1x40x128xf32, #tpu.memory_space<vmem>>
        %parallel_loop3A_1096 = tpu.memref_squeeze %parallel_loop3A_1095 : memref<1x40x128xf32, #tpu.memory_space<vmem>> -> memref<40x128xf32, #tpu.memory_space<vmem>>
        %parallel_loop3A_1097 = arith.index_cast %parallel_loop3A_889 : i32 to index
        %parallel_loop3A_1098 = arith.constant 112 : index
        %parallel_loop3A_1099 = tpu.vector_load %parallel_loop3A_1096[%parallel_loop3A_1097, %parallel_loop3A_1098] {strides = array<i32>} : memref<40x128xf32, #tpu.memory_space<vmem>>, vector<1x16xf32>,
        %parallel_loop3A_1100 = vector.shape_cast %parallel_loop3A_1099 : vector<1x16xf32> to vector<16xf32>
        %parallel_loop3A_1101 = arith.constant 0 : i32
        %parallel_loop3A_1102 = arith.constant 0 : i32
        %parallel_loop3A_1103 = tpu.memref_slice %arg11[%rem3A_867, %parallel_loop3A_1101, %parallel_loop3A_1102] : memref<4x40x128xf32, #tpu.memory_space<vmem>> -> memref<1x40x128xf32, #tpu.memory_space<vmem>>
        %parallel_loop3A_1104 = tpu.memref_squeeze %parallel_loop3A_1103 : memref<1x40x128xf32, #tpu.memory_space<vmem>> -> memref<40x128xf32, #tpu.memory_space<vmem>>
        %parallel_loop3A_1105 = arith.index_cast %parallel_loop3A_889 : i32 to index
        %parallel_loop3A_1106 = arith.constant 112 : index
        %parallel_loop3A_1107 = tpu.vector_load %parallel_loop3A_1104[%parallel_loop3A_1105, %parallel_loop3A_1106] {strides = array<i32>} : memref<40x128xf32, #tpu.memory_space<vmem>>, vector<1x16xf32>,
        %parallel_loop3A_1108 = vector.shape_cast %parallel_loop3A_1107 : vector<1x16xf32> to vector<16xf32>
        %parallel_loop3A_1109 = arith.addf %parallel_loop3A_1100, %parallel_loop3A_1108 : vector<16xf32>
        %parallel_loop3A_1110 = arith.constant 0.000000e+00 : f32
        %parallel_loop3A_1111 = vector.broadcast %parallel_loop3A_1110 : f32 to vector<16xf32>
        %parallel_loop3A_1112 = arith.maximumf %parallel_loop3A_1109, %parallel_loop3A_1111 : vector<16xf32>
        %parallel_loop3A_1113 = arith.constant 0 : i32
        %parallel_loop3A_1114 = arith.constant 0 : i32
        %parallel_loop3A_1115 = tpu.memref_slice %arg11[%rem3A_867, %parallel_loop3A_1113, %parallel_loop3A_1114] : memref<4x40x128xf32, #tpu.memory_space<vmem>> -> memref<1x40x128xf32, #tpu.memory_space<vmem>>
        %parallel_loop3A_1116 = tpu.memref_squeeze %parallel_loop3A_1115 : memref<1x40x128xf32, #tpu.memory_space<vmem>> -> memref<40x128xf32, #tpu.memory_space<vmem>>
        %parallel_loop3A_1117 = arith.index_cast %parallel_loop3A_889 : i32 to index
        %parallel_loop3A_1118 = arith.constant 112 : index
        %parallel_loop3A_1119 = tpu.vector_load %parallel_loop3A_1116[%parallel_loop3A_1117, %parallel_loop3A_1118] {strides = array<i32>} : memref<40x128xf32, #tpu.memory_space<vmem>>, vector<1x16xf32>,
        %parallel_loop3A_1120 = vector.shape_cast %parallel_loop3A_1119 : vector<1x16xf32> to vector<16xf32>
        %parallel_loop3A_1121 = vector.shape_cast %parallel_loop3A_1112 : vector<16xf32> to vector<1x16xf32>
        tpu.vector_store %parallel_loop3A_1116[%parallel_loop3A_1117, %parallel_loop3A_1118], %parallel_loop3A_1121 {strides = array<i32>} : memref<40x128xf32, #tpu.memory_space<vmem>>, vector<1x16xf32>,
      } {sc.loop_unroll_factor = 4 : i64, sc.parallel_access}
      %rem3A_871 = arith.constant 4 : i32
      %rem3A_872 = arith.remsi %scan3A_749, %rem3A_871 : i32
      %rem3A_873 = arith.constant 5 : i32
      %rem3A_874 = arith.remsi %scan3A_749, %rem3A_873 : i32
      %rem3A_875 = arith.constant 4 : i32
      %rem3A_876 = arith.remsi %scan3A_749, %rem3A_875 : i32
      %dma_start3A_877 = arith.constant 0 : i32
      %dma_start3A_878 = arith.constant 0 : i32
      %dma_start3A_879 = tpu.memref_slice %arg11[%rem3A_872, %dma_start3A_877, %dma_start3A_878] : memref<4x40x128xf32, #tpu.memory_space<vmem>> -> memref<1x40x128xf32, #tpu.memory_space<vmem>>
      %dma_start3A_880 = tpu.memref_squeeze %dma_start3A_879 : memref<1x40x128xf32, #tpu.memory_space<vmem>> -> memref<40x128xf32, #tpu.memory_space<vmem>>
      %dma_start3A_881 = arith.constant 0 : i32
      %dma_start3A_882 = tpu.memref_slice %arg9[%rem3A_874, %dma_start3A_881] : memref<5x40xi32, #tpu.memory_space<vmem>> -> memref<1x40xi32, #tpu.memory_space<vmem>>
      %dma_start3A_883 = tpu.memref_squeeze %dma_start3A_882 : memref<1x40xi32, #tpu.memory_space<vmem>> -> memref<40xi32, #tpu.memory_space<vmem>>
      %dma_start3A_884 = arith.constant 0 : i32
      %dma_start3A_885 = arith.constant 0 : i32
      %dma_start3A_886 = tpu.memref_slice %arg7[%dma_start3A_884, %dma_start3A_885] : memref<10000x128xf32, #tpu.memory_space<vmem_shared>> -> memref<10000x128xf32, #tpu.memory_space<vmem_shared>>
      %dma_start3A_887 = tpu.memref_slice %arg14[%rem3A_876] : memref<4x!tpu.dma_semaphore, #tpu.memory_space<semaphore_mem>> -> memref<1x!tpu.dma_semaphore, #tpu.memory_space<semaphore_mem>>
      %dma_start3A_888 = tpu.memref_squeeze %dma_start3A_887 : memref<1x!tpu.dma_semaphore, #tpu.memory_space<semaphore_mem>> -> memref<!tpu.dma_semaphore, #tpu.memory_space<semaphore_mem>>
      tpu.enqueue_indirect_dma source(%dma_start3A_880 : memref<40x128xf32, #tpu.memory_space<vmem>>) target(%dma_start3A_886 : memref<10000x128xf32, #tpu.memory_space<vmem_shared>>) offsets(%dma_start3A_883 : memref<40xi32, #tpu.memory_space<vmem>>) semaphore(%dma_start3A_888 : memref<!tpu.dma_semaphore, #tpu.memory_space<semaphore_mem>>) {add = true}
    }
    %scan3A_464 = arith.constant 245 : i32
    %dma_wait3A_465 = arith.constant 0 : i32
    %dma_wait3A_466 = arith.constant 0 : i32
    %dma_wait3A_467 = tpu.memref_slice %arg9[%dma_wait3A_465, %dma_wait3A_466] : memref<5x40xi32, #tpu.memory_space<vmem>> -> memref<1x40xi32, #tpu.memory_space<vmem>>
    %dma_wait3A_468 = tpu.memref_squeeze %dma_wait3A_467 : memref<1x40xi32, #tpu.memory_space<vmem>> -> memref<40xi32, #tpu.memory_space<vmem>>
    %dma_wait3A_469 = arith.constant 0 : i32
    %dma_wait3A_470 = tpu.memref_slice %arg4[%dma_wait3A_469] : memref<320000xi32, #tpu.memory_space<hbm>> -> memref<40xi32, #tpu.memory_space<hbm>>
    %dma_wait3A_471 = arith.constant 0 : i32
    %dma_wait3A_472 = tpu.memref_slice %arg9[%dma_wait3A_465, %dma_wait3A_471] : memref<5x40xi32, #tpu.memory_space<vmem>> -> memref<1x40xi32, #tpu.memory_space<vmem>>
    %dma_wait3A_473 = tpu.memref_squeeze %dma_wait3A_472 : memref<1x40xi32, #tpu.memory_space<vmem>> -> memref<40xi32, #tpu.memory_space<vmem>>
    %dma_wait3A_474 = arith.constant 0 : i32
    %dma_wait3A_475 = tpu.memref_slice %arg4[%dma_wait3A_474] : memref<320000xi32, #tpu.memory_space<hbm>> -> memref<40xi32, #tpu.memory_space<hbm>>
    tpu.wait_dma2 semaphore(%arg12 : memref<!tpu.dma_semaphore, #tpu.memory_space<semaphore_mem>>) src(%dma_wait3A_475 : memref<40xi32, #tpu.memory_space<hbm>>) dst(%dma_wait3A_473 : memref<40xi32, #tpu.memory_space<vmem>>)
    %rem3A_476 = arith.constant 245 : i32
    %rem3A_477 = arith.constant 4 : i32
    %rem3A_478 = arith.remsi %rem3A_476, %rem3A_477 : i32
    %rem3A_479 = arith.constant 245 : i32
    %rem3A_480 = arith.constant 4 : i32
    %rem3A_481 = arith.remsi %rem3A_479, %rem3A_480 : i32
    %dma_wait3A_482 = arith.constant 0 : i32
    %dma_wait3A_483 = arith.constant 0 : i32
    %dma_wait3A_484 = tpu.memref_slice %arg11[%rem3A_478, %dma_wait3A_482, %dma_wait3A_483] : memref<4x40x128xf32, #tpu.memory_space<vmem>> -> memref<1x40x128xf32, #tpu.memory_space<vmem>>
    %dma_wait3A_485 = tpu.memref_squeeze %dma_wait3A_484 : memref<1x40x128xf32, #tpu.memory_space<vmem>> -> memref<40x128xf32, #tpu.memory_space<vmem>>
    %dma_wait3A_486 = arith.constant 0 : i32
    %dma_wait3A_487 = tpu.memref_slice %arg5[%mul3A_2, %dma_wait3A_486] : memref<320000x128xf32, #tpu.memory_space<hbm>> -> memref<40x128xf32, #tpu.memory_space<hbm>>
    %dma_wait3A_488 = tpu.memref_slice %arg14[%rem3A_481] : memref<4x!tpu.dma_semaphore, #tpu.memory_space<semaphore_mem>> -> memref<1x!tpu.dma_semaphore, #tpu.memory_space<semaphore_mem>>
    %dma_wait3A_489 = tpu.memref_squeeze %dma_wait3A_488 : memref<1x!tpu.dma_semaphore, #tpu.memory_space<semaphore_mem>> -> memref<!tpu.dma_semaphore, #tpu.memory_space<semaphore_mem>>
    %dma_wait3A_490 = arith.constant 0 : i32
    %dma_wait3A_491 = arith.constant 0 : i32
    %dma_wait3A_492 = tpu.memref_slice %arg11[%rem3A_478, %dma_wait3A_490, %dma_wait3A_491] : memref<4x40x128xf32, #tpu.memory_space<vmem>> -> memref<1x40x128xf32, #tpu.memory_space<vmem>>
    %dma_wait3A_493 = tpu.memref_squeeze %dma_wait3A_492 : memref<1x40x128xf32, #tpu.memory_space<vmem>> -> memref<40x128xf32, #tpu.memory_space<vmem>>
    %dma_wait3A_494 = arith.constant 0 : i32
    %dma_wait3A_495 = tpu.memref_slice %arg5[%mul3A_2, %dma_wait3A_494] : memref<320000x128xf32, #tpu.memory_space<hbm>> -> memref<40x128xf32, #tpu.memory_space<hbm>>
    tpu.wait_dma2 semaphore(%dma_wait3A_489 : memref<!tpu.dma_semaphore, #tpu.memory_space<semaphore_mem>>) src(%dma_wait3A_495 : memref<40x128xf32, #tpu.memory_space<hbm>>) dst(%dma_wait3A_493 : memref<40x128xf32, #tpu.memory_space<vmem>>)
    %rem3A_496 = arith.constant 249 : i32
    %rem3A_497 = arith.constant 2 : i32
    %rem3A_498 = arith.remsi %rem3A_496, %rem3A_497 : i32
    %dma_start3A_499 = arith.constant 0 : i32
    %dma_start3A_500 = arith.constant 0 : i32
    %dma_start3A_501 = tpu.memref_slice %arg10[%rem3A_498, %dma_start3A_499, %dma_start3A_500] : memref<2x40x128xf32, #tpu.memory_space<vmem>> -> memref<1x40x128xf32, #tpu.memory_space<vmem>>
    %dma_start3A_502 = tpu.memref_squeeze %dma_start3A_501 : memref<1x40x128xf32, #tpu.memory_space<vmem>> -> memref<40x128xf32, #tpu.memory_space<vmem>>
    %dma_start3A_503 = arith.constant 9960 : i32
    %dma_start3A_504 = tpu.memref_slice %arg8[%dma_start3A_503] : memref<10000xi32, #tpu.memory_space<vmem>> -> memref<40xi32, #tpu.memory_space<vmem>>
    %dma_start3A_505 = arith.constant 0 : i32
    %dma_start3A_506 = arith.constant 0 : i32
    %dma_start3A_507 = tpu.memref_slice %arg2[%dma_start3A_505, %dma_start3A_506] : memref<10000x128xf32, #tpu.memory_space<hbm>> -> memref<10000x128xf32, #tpu.memory_space<hbm>>
    %dma_start3A_508 = tpu.memref_slice %arg13[%rem3A_498] : memref<2x!tpu.dma_semaphore, #tpu.memory_space<semaphore_mem>> -> memref<1x!tpu.dma_semaphore, #tpu.memory_space<semaphore_mem>>
    %dma_start3A_509 = tpu.memref_squeeze %dma_start3A_508 : memref<1x!tpu.dma_semaphore, #tpu.memory_space<semaphore_mem>> -> memref<!tpu.dma_semaphore, #tpu.memory_space<semaphore_mem>>
    tpu.enqueue_indirect_dma source(%dma_start3A_507 : memref<10000x128xf32, #tpu.memory_space<hbm>>) target(%dma_start3A_502 : memref<40x128xf32, #tpu.memory_space<vmem>>) offsets(%dma_start3A_504 : memref<40xi32, #tpu.memory_space<vmem>>) semaphore(%dma_start3A_509 : memref<!tpu.dma_semaphore, #tpu.memory_space<semaphore_mem>>)
    %add3A_510 = arith.constant 9960 : i32
    %add3A_511 = arith.addi %mul3A_2, %add3A_510 : i32
    %rem3A_512 = arith.constant 249 : i32
    %rem3A_513 = arith.constant 4 : i32
    %rem3A_514 = arith.remsi %rem3A_512, %rem3A_513 : i32
    %dma_start3A_515 = arith.constant 0 : i32
    %dma_start3A_516 = arith.constant 0 : i32
    %dma_start3A_517 = tpu.memref_slice %arg11[%rem3A_514, %dma_start3A_515, %dma_start3A_516] : memref<4x40x128xf32, #tpu.memory_space<vmem>> -> memref<1x40x128xf32, #tpu.memory_space<vmem>>
    %dma_start3A_518 = tpu.memref_squeeze %dma_start3A_517 : memref<1x40x128xf32, #tpu.memory_space<vmem>> -> memref<40x128xf32, #tpu.memory_space<vmem>>
    %dma_start3A_519 = arith.constant 0 : i32
    %dma_start3A_520 = tpu.memref_slice %arg5[%add3A_511, %dma_start3A_519] : memref<320000x128xf32, #tpu.memory_space<hbm>> -> memref<40x128xf32, #tpu.memory_space<hbm>>
    %dma_start3A_521 = tpu.memref_slice %arg13[%rem3A_498] : memref<2x!tpu.dma_semaphore, #tpu.memory_space<semaphore_mem>> -> memref<1x!tpu.dma_semaphore, #tpu.memory_space<semaphore_mem>>
    %dma_start3A_522 = tpu.memref_squeeze %dma_start3A_521 : memref<1x!tpu.dma_semaphore, #tpu.memory_space<semaphore_mem>> -> memref<!tpu.dma_semaphore, #tpu.memory_space<semaphore_mem>>
    %dma_start3A_523 = arith.constant 0 : i32
    %dma_start3A_524 = arith.constant 0 : i32
    %dma_start3A_525 = tpu.memref_slice %arg11[%rem3A_514, %dma_start3A_523, %dma_start3A_524] : memref<4x40x128xf32, #tpu.memory_space<vmem>> -> memref<1x40x128xf32, #tpu.memory_space<vmem>>
    %dma_start3A_526 = tpu.memref_squeeze %dma_start3A_525 : memref<1x40x128xf32, #tpu.memory_space<vmem>> -> memref<40x128xf32, #tpu.memory_space<vmem>>
    %dma_start3A_527 = arith.constant 0 : i32
    %dma_start3A_528 = tpu.memref_slice %arg5[%add3A_511, %dma_start3A_527] : memref<320000x128xf32, #tpu.memory_space<hbm>> -> memref<40x128xf32, #tpu.memory_space<hbm>>
    tpu.enqueue_dma source(%dma_start3A_528 : memref<40x128xf32, #tpu.memory_space<hbm>>) target(%dma_start3A_526 : memref<40x128xf32, #tpu.memory_space<vmem>>) target_semaphore(%dma_start3A_522 : memref<!tpu.dma_semaphore, #tpu.memory_space<semaphore_mem>>)
    %rem3A_529 = arith.constant 248 : i32
    %rem3A_530 = arith.constant 2 : i32
    %rem3A_531 = arith.remsi %rem3A_529, %rem3A_530 : i32
    %dma_wait3A_532 = arith.constant 0 : i32
    %dma_wait3A_533 = arith.constant 0 : i32
    %dma_wait3A_534 = tpu.memref_slice %arg10[%rem3A_531, %dma_wait3A_532, %dma_wait3A_533] : memref<2x40x128xf32, #tpu.memory_space<vmem>> -> memref<1x40x128xf32, #tpu.memory_space<vmem>>
    %dma_wait3A_535 = tpu.memref_squeeze %dma_wait3A_534 : memref<1x40x128xf32, #tpu.memory_space<vmem>> -> memref<40x128xf32, #tpu.memory_space<vmem>>
    %dma_wait3A_536 = arith.constant 0 : i32
    %dma_wait3A_537 = arith.constant 0 : i32
    %dma_wait3A_538 = tpu.memref_slice %arg2[%dma_wait3A_536, %dma_wait3A_537] : memref<10000x128xf32, #tpu.memory_space<hbm>> -> memref<40x128xf32, #tpu.memory_space<hbm>>
    %dma_wait3A_539 = tpu.memref_slice %arg13[%rem3A_531] : memref<2x!tpu.dma_semaphore, #tpu.memory_space<semaphore_mem>> -> memref<1x!tpu.dma_semaphore, #tpu.memory_space<semaphore_mem>>
    %dma_wait3A_540 = tpu.memref_squeeze %dma_wait3A_539 : memref<1x!tpu.dma_semaphore, #tpu.memory_space<semaphore_mem>> -> memref<!tpu.dma_semaphore, #tpu.memory_space<semaphore_mem>>
    %dma_wait3A_541 = arith.constant 0 : i32
    %dma_wait3A_542 = arith.constant 0 : i32
    %dma_wait3A_543 = tpu.memref_slice %arg10[%rem3A_531, %dma_wait3A_541, %dma_wait3A_542] : memref<2x40x128xf32, #tpu.memory_space<vmem>> -> memref<1x40x128xf32, #tpu.memory_space<vmem>>
    %dma_wait3A_544 = tpu.memref_squeeze %dma_wait3A_543 : memref<1x40x128xf32, #tpu.memory_space<vmem>> -> memref<40x128xf32, #tpu.memory_space<vmem>>
    %dma_wait3A_545 = arith.constant 0 : i32
    %dma_wait3A_546 = arith.constant 0 : i32
    %dma_wait3A_547 = tpu.memref_slice %arg2[%dma_wait3A_545, %dma_wait3A_546] : memref<10000x128xf32, #tpu.memory_space<hbm>> -> memref<40x128xf32, #tpu.memory_space<hbm>>
    tpu.wait_dma2 semaphore(%dma_wait3A_540 : memref<!tpu.dma_semaphore, #tpu.memory_space<semaphore_mem>>) src(%dma_wait3A_547 : memref<40x128xf32, #tpu.memory_space<hbm>>) dst(%dma_wait3A_544 : memref<40x128xf32, #tpu.memory_space<vmem>>)
    %rem3A_548 = arith.constant 248 : i32
    %rem3A_549 = arith.constant 4 : i32
    %rem3A_550 = arith.remsi %rem3A_548, %rem3A_549 : i32
    %dma_wait3A_551 = arith.constant 0 : i32
    %dma_wait3A_552 = arith.constant 0 : i32
    %dma_wait3A_553 = tpu.memref_slice %arg11[%rem3A_550, %dma_wait3A_551, %dma_wait3A_552] : memref<4x40x128xf32, #tpu.memory_space<vmem>> -> memref<1x40x128xf32, #tpu.memory_space<vmem>>
    %dma_wait3A_554 = tpu.memref_squeeze %dma_wait3A_553 : memref<1x40x128xf32, #tpu.memory_space<vmem>> -> memref<40x128xf32, #tpu.memory_space<vmem>>
    %dma_wait3A_555 = arith.constant 0 : i32
    %dma_wait3A_556 = tpu.memref_slice %arg5[%mul3A_2, %dma_wait3A_555] : memref<320000x128xf32, #tpu.memory_space<hbm>> -> memref<40x128xf32, #tpu.memory_space<hbm>>
    %dma_wait3A_557 = tpu.memref_slice %arg13[%rem3A_531] : memref<2x!tpu.dma_semaphore, #tpu.memory_space<semaphore_mem>> -> memref<1x!tpu.dma_semaphore, #tpu.memory_space<semaphore_mem>>
    %dma_wait3A_558 = tpu.memref_squeeze %dma_wait3A_557 : memref<1x!tpu.dma_semaphore, #tpu.memory_space<semaphore_mem>> -> memref<!tpu.dma_semaphore, #tpu.memory_space<semaphore_mem>>
    %dma_wait3A_559 = arith.constant 0 : i32
    %dma_wait3A_560 = arith.constant 0 : i32
    %dma_wait3A_561 = tpu.memref_slice %arg11[%rem3A_550, %dma_wait3A_559, %dma_wait3A_560] : memref<4x40x128xf32, #tpu.memory_space<vmem>> -> memref<1x40x128xf32, #tpu.memory_space<vmem>>
    %dma_wait3A_562 = tpu.memref_squeeze %dma_wait3A_561 : memref<1x40x128xf32, #tpu.memory_space<vmem>> -> memref<40x128xf32, #tpu.memory_space<vmem>>
    %dma_wait3A_563 = arith.constant 0 : i32
    %dma_wait3A_564 = tpu.memref_slice %arg5[%mul3A_2, %dma_wait3A_563] : memref<320000x128xf32, #tpu.memory_space<hbm>> -> memref<40x128xf32, #tpu.memory_space<hbm>>
    tpu.wait_dma2 semaphore(%dma_wait3A_558 : memref<!tpu.dma_semaphore, #tpu.memory_space<semaphore_mem>>) src(%dma_wait3A_564 : memref<40x128xf32, #tpu.memory_space<hbm>>) dst(%dma_wait3A_562 : memref<40x128xf32, #tpu.memory_space<vmem>>)
    %rem3A_565 = arith.constant 248 : i32
    %rem3A_566 = arith.constant 2 : i32
    %rem3A_567 = arith.remsi %rem3A_565, %rem3A_566 : i32
    %rem3A_568 = arith.constant 248 : i32
    %rem3A_569 = arith.constant 4 : i32
    %rem3A_570 = arith.remsi %rem3A_568, %rem3A_569 : i32
    %parallel_loop3A_571 = arith.constant 0 : i32
    %parallel_loop3A_572 = arith.constant 40 : i32
    %parallel_loop3A_573 = arith.constant 1 : i32
    scf.for %parallel_loop3A_749 = %parallel_loop3A_571 to %parallel_loop3A_572 step %parallel_loop3A_573  : i32 {
      %parallel_loop3A_750 = arith.constant 0 : i32
      %parallel_loop3A_751 = arith.constant 0 : i32
      %parallel_loop3A_752 = tpu.memref_slice %arg10[%rem3A_567, %parallel_loop3A_750, %parallel_loop3A_751] : memref<2x40x128xf32, #tpu.memory_space<vmem>> -> memref<1x40x128xf32, #tpu.memory_space<vmem>>
      %parallel_loop3A_753 = tpu.memref_squeeze %parallel_loop3A_752 : memref<1x40x128xf32, #tpu.memory_space<vmem>> -> memref<40x128xf32, #tpu.memory_space<vmem>>
      %parallel_loop3A_754 = arith.index_cast %parallel_loop3A_749 : i32 to index
      %parallel_loop3A_755 = arith.constant 0 : index
      %parallel_loop3A_756 = tpu.vector_load %parallel_loop3A_753[%parallel_loop3A_754, %parallel_loop3A_755] {strides = array<i32>} : memref<40x128xf32, #tpu.memory_space<vmem>>, vector<1x16xf32>,
      %parallel_loop3A_757 = vector.shape_cast %parallel_loop3A_756 : vector<1x16xf32> to vector<16xf32>
      %parallel_loop3A_758 = arith.constant 0 : i32
      %parallel_loop3A_759 = arith.constant 0 : i32
      %parallel_loop3A_760 = tpu.memref_slice %arg11[%rem3A_570, %parallel_loop3A_758, %parallel_loop3A_759] : memref<4x40x128xf32, #tpu.memory_space<vmem>> -> memref<1x40x128xf32, #tpu.memory_space<vmem>>
      %parallel_loop3A_761 = tpu.memref_squeeze %parallel_loop3A_760 : memref<1x40x128xf32, #tpu.memory_space<vmem>> -> memref<40x128xf32, #tpu.memory_space<vmem>>
      %parallel_loop3A_762 = arith.index_cast %parallel_loop3A_749 : i32 to index
      %parallel_loop3A_763 = arith.constant 0 : index
      %parallel_loop3A_764 = tpu.vector_load %parallel_loop3A_761[%parallel_loop3A_762, %parallel_loop3A_763] {strides = array<i32>} : memref<40x128xf32, #tpu.memory_space<vmem>>, vector<1x16xf32>,
      %parallel_loop3A_765 = vector.shape_cast %parallel_loop3A_764 : vector<1x16xf32> to vector<16xf32>
      %parallel_loop3A_766 = arith.addf %parallel_loop3A_757, %parallel_loop3A_765 : vector<16xf32>
      %parallel_loop3A_767 = arith.constant 0.000000e+00 : f32
      %parallel_loop3A_768 = vector.broadcast %parallel_loop3A_767 : f32 to vector<16xf32>
      %parallel_loop3A_769 = arith.maximumf %parallel_loop3A_766, %parallel_loop3A_768 : vector<16xf32>
      %parallel_loop3A_770 = arith.constant 0 : i32
      %parallel_loop3A_771 = arith.constant 0 : i32
      %parallel_loop3A_772 = tpu.memref_slice %arg11[%rem3A_570, %parallel_loop3A_770, %parallel_loop3A_771] : memref<4x40x128xf32, #tpu.memory_space<vmem>> -> memref<1x40x128xf32, #tpu.memory_space<vmem>>
      %parallel_loop3A_773 = tpu.memref_squeeze %parallel_loop3A_772 : memref<1x40x128xf32, #tpu.memory_space<vmem>> -> memref<40x128xf32, #tpu.memory_space<vmem>>
      %parallel_loop3A_774 = arith.index_cast %parallel_loop3A_749 : i32 to index
      %parallel_loop3A_775 = arith.constant 0 : index
      %parallel_loop3A_776 = tpu.vector_load %parallel_loop3A_773[%parallel_loop3A_774, %parallel_loop3A_775] {strides = array<i32>} : memref<40x128xf32, #tpu.memory_space<vmem>>, vector<1x16xf32>,
      %parallel_loop3A_777 = vector.shape_cast %parallel_loop3A_776 : vector<1x16xf32> to vector<16xf32>
      %parallel_loop3A_778 = vector.shape_cast %parallel_loop3A_769 : vector<16xf32> to vector<1x16xf32>
      tpu.vector_store %parallel_loop3A_773[%parallel_loop3A_774, %parallel_loop3A_775], %parallel_loop3A_778 {strides = array<i32>} : memref<40x128xf32, #tpu.memory_space<vmem>>, vector<1x16xf32>,
      %parallel_loop3A_779 = arith.constant 0 : i32
      %parallel_loop3A_780 = arith.constant 0 : i32
      %parallel_loop3A_781 = tpu.memref_slice %arg10[%rem3A_567, %parallel_loop3A_779, %parallel_loop3A_780] : memref<2x40x128xf32, #tpu.memory_space<vmem>> -> memref<1x40x128xf32, #tpu.memory_space<vmem>>
      %parallel_loop3A_782 = tpu.memref_squeeze %parallel_loop3A_781 : memref<1x40x128xf32, #tpu.memory_space<vmem>> -> memref<40x128xf32, #tpu.memory_space<vmem>>
      %parallel_loop3A_783 = arith.index_cast %parallel_loop3A_749 : i32 to index
      %parallel_loop3A_784 = arith.constant 16 : index
      %parallel_loop3A_785 = tpu.vector_load %parallel_loop3A_782[%parallel_loop3A_783, %parallel_loop3A_784] {strides = array<i32>} : memref<40x128xf32, #tpu.memory_space<vmem>>, vector<1x16xf32>,
      %parallel_loop3A_786 = vector.shape_cast %parallel_loop3A_785 : vector<1x16xf32> to vector<16xf32>
      %parallel_loop3A_787 = arith.constant 0 : i32
      %parallel_loop3A_788 = arith.constant 0 : i32
      %parallel_loop3A_789 = tpu.memref_slice %arg11[%rem3A_570, %parallel_loop3A_787, %parallel_loop3A_788] : memref<4x40x128xf32, #tpu.memory_space<vmem>> -> memref<1x40x128xf32, #tpu.memory_space<vmem>>
      %parallel_loop3A_790 = tpu.memref_squeeze %parallel_loop3A_789 : memref<1x40x128xf32, #tpu.memory_space<vmem>> -> memref<40x128xf32, #tpu.memory_space<vmem>>
      %parallel_loop3A_791 = arith.index_cast %parallel_loop3A_749 : i32 to index
      %parallel_loop3A_792 = arith.constant 16 : index
      %parallel_loop3A_793 = tpu.vector_load %parallel_loop3A_790[%parallel_loop3A_791, %parallel_loop3A_792] {strides = array<i32>} : memref<40x128xf32, #tpu.memory_space<vmem>>, vector<1x16xf32>,
      %parallel_loop3A_794 = vector.shape_cast %parallel_loop3A_793 : vector<1x16xf32> to vector<16xf32>
      %parallel_loop3A_795 = arith.addf %parallel_loop3A_786, %parallel_loop3A_794 : vector<16xf32>
      %parallel_loop3A_796 = arith.constant 0.000000e+00 : f32
      %parallel_loop3A_797 = vector.broadcast %parallel_loop3A_796 : f32 to vector<16xf32>
      %parallel_loop3A_798 = arith.maximumf %parallel_loop3A_795, %parallel_loop3A_797 : vector<16xf32>
      %parallel_loop3A_799 = arith.constant 0 : i32
      %parallel_loop3A_800 = arith.constant 0 : i32
      %parallel_loop3A_801 = tpu.memref_slice %arg11[%rem3A_570, %parallel_loop3A_799, %parallel_loop3A_800] : memref<4x40x128xf32, #tpu.memory_space<vmem>> -> memref<1x40x128xf32, #tpu.memory_space<vmem>>
      %parallel_loop3A_802 = tpu.memref_squeeze %parallel_loop3A_801 : memref<1x40x128xf32, #tpu.memory_space<vmem>> -> memref<40x128xf32, #tpu.memory_space<vmem>>
      %parallel_loop3A_803 = arith.index_cast %parallel_loop3A_749 : i32 to index
      %parallel_loop3A_804 = arith.constant 16 : index
      %parallel_loop3A_805 = tpu.vector_load %parallel_loop3A_802[%parallel_loop3A_803, %parallel_loop3A_804] {strides = array<i32>} : memref<40x128xf32, #tpu.memory_space<vmem>>, vector<1x16xf32>,
      %parallel_loop3A_806 = vector.shape_cast %parallel_loop3A_805 : vector<1x16xf32> to vector<16xf32>
      %parallel_loop3A_807 = vector.shape_cast %parallel_loop3A_798 : vector<16xf32> to vector<1x16xf32>
      tpu.vector_store %parallel_loop3A_802[%parallel_loop3A_803, %parallel_loop3A_804], %parallel_loop3A_807 {strides = array<i32>} : memref<40x128xf32, #tpu.memory_space<vmem>>, vector<1x16xf32>,
      %parallel_loop3A_808 = arith.constant 0 : i32
      %parallel_loop3A_809 = arith.constant 0 : i32
      %parallel_loop3A_810 = tpu.memref_slice %arg10[%rem3A_567, %parallel_loop3A_808, %parallel_loop3A_809] : memref<2x40x128xf32, #tpu.memory_space<vmem>> -> memref<1x40x128xf32, #tpu.memory_space<vmem>>
      %parallel_loop3A_811 = tpu.memref_squeeze %parallel_loop3A_810 : memref<1x40x128xf32, #tpu.memory_space<vmem>> -> memref<40x128xf32, #tpu.memory_space<vmem>>
      %parallel_loop3A_812 = arith.index_cast %parallel_loop3A_749 : i32 to index
      %parallel_loop3A_813 = arith.constant 32 : index
      %parallel_loop3A_814 = tpu.vector_load %parallel_loop3A_811[%parallel_loop3A_812, %parallel_loop3A_813] {strides = array<i32>} : memref<40x128xf32, #tpu.memory_space<vmem>>, vector<1x16xf32>,
      %parallel_loop3A_815 = vector.shape_cast %parallel_loop3A_814 : vector<1x16xf32> to vector<16xf32>
      %parallel_loop3A_816 = arith.constant 0 : i32
      %parallel_loop3A_817 = arith.constant 0 : i32
      %parallel_loop3A_818 = tpu.memref_slice %arg11[%rem3A_570, %parallel_loop3A_816, %parallel_loop3A_817] : memref<4x40x128xf32, #tpu.memory_space<vmem>> -> memref<1x40x128xf32, #tpu.memory_space<vmem>>
      %parallel_loop3A_819 = tpu.memref_squeeze %parallel_loop3A_818 : memref<1x40x128xf32, #tpu.memory_space<vmem>> -> memref<40x128xf32, #tpu.memory_space<vmem>>
      %parallel_loop3A_820 = arith.index_cast %parallel_loop3A_749 : i32 to index
      %parallel_loop3A_821 = arith.constant 32 : index
      %parallel_loop3A_822 = tpu.vector_load %parallel_loop3A_819[%parallel_loop3A_820, %parallel_loop3A_821] {strides = array<i32>} : memref<40x128xf32, #tpu.memory_space<vmem>>, vector<1x16xf32>,
      %parallel_loop3A_823 = vector.shape_cast %parallel_loop3A_822 : vector<1x16xf32> to vector<16xf32>
      %parallel_loop3A_824 = arith.addf %parallel_loop3A_815, %parallel_loop3A_823 : vector<16xf32>
      %parallel_loop3A_825 = arith.constant 0.000000e+00 : f32
      %parallel_loop3A_826 = vector.broadcast %parallel_loop3A_825 : f32 to vector<16xf32>
      %parallel_loop3A_827 = arith.maximumf %parallel_loop3A_824, %parallel_loop3A_826 : vector<16xf32>
      %parallel_loop3A_828 = arith.constant 0 : i32
      %parallel_loop3A_829 = arith.constant 0 : i32
      %parallel_loop3A_830 = tpu.memref_slice %arg11[%rem3A_570, %parallel_loop3A_828, %parallel_loop3A_829] : memref<4x40x128xf32, #tpu.memory_space<vmem>> -> memref<1x40x128xf32, #tpu.memory_space<vmem>>
      %parallel_loop3A_831 = tpu.memref_squeeze %parallel_loop3A_830 : memref<1x40x128xf32, #tpu.memory_space<vmem>> -> memref<40x128xf32, #tpu.memory_space<vmem>>
      %parallel_loop3A_832 = arith.index_cast %parallel_loop3A_749 : i32 to index
      %parallel_loop3A_833 = arith.constant 32 : index
      %parallel_loop3A_834 = tpu.vector_load %parallel_loop3A_831[%parallel_loop3A_832, %parallel_loop3A_833] {strides = array<i32>} : memref<40x128xf32, #tpu.memory_space<vmem>>, vector<1x16xf32>,
      %parallel_loop3A_835 = vector.shape_cast %parallel_loop3A_834 : vector<1x16xf32> to vector<16xf32>
      %parallel_loop3A_836 = vector.shape_cast %parallel_loop3A_827 : vector<16xf32> to vector<1x16xf32>
      tpu.vector_store %parallel_loop3A_831[%parallel_loop3A_832, %parallel_loop3A_833], %parallel_loop3A_836 {strides = array<i32>} : memref<40x128xf32, #tpu.memory_space<vmem>>, vector<1x16xf32>,
      %parallel_loop3A_837 = arith.constant 0 : i32
      %parallel_loop3A_838 = arith.constant 0 : i32
      %parallel_loop3A_839 = tpu.memref_slice %arg10[%rem3A_567, %parallel_loop3A_837, %parallel_loop3A_838] : memref<2x40x128xf32, #tpu.memory_space<vmem>> -> memref<1x40x128xf32, #tpu.memory_space<vmem>>
      %parallel_loop3A_840 = tpu.memref_squeeze %parallel_loop3A_839 : memref<1x40x128xf32, #tpu.memory_space<vmem>> -> memref<40x128xf32, #tpu.memory_space<vmem>>
      %parallel_loop3A_841 = arith.index_cast %parallel_loop3A_749 : i32 to index
      %parallel_loop3A_842 = arith.constant 48 : index
      %parallel_loop3A_843 = tpu.vector_load %parallel_loop3A_840[%parallel_loop3A_841, %parallel_loop3A_842] {strides = array<i32>} : memref<40x128xf32, #tpu.memory_space<vmem>>, vector<1x16xf32>,
      %parallel_loop3A_844 = vector.shape_cast %parallel_loop3A_843 : vector<1x16xf32> to vector<16xf32>
      %parallel_loop3A_845 = arith.constant 0 : i32
      %parallel_loop3A_846 = arith.constant 0 : i32
      %parallel_loop3A_847 = tpu.memref_slice %arg11[%rem3A_570, %parallel_loop3A_845, %parallel_loop3A_846] : memref<4x40x128xf32, #tpu.memory_space<vmem>> -> memref<1x40x128xf32, #tpu.memory_space<vmem>>
      %parallel_loop3A_848 = tpu.memref_squeeze %parallel_loop3A_847 : memref<1x40x128xf32, #tpu.memory_space<vmem>> -> memref<40x128xf32, #tpu.memory_space<vmem>>
      %parallel_loop3A_849 = arith.index_cast %parallel_loop3A_749 : i32 to index
      %parallel_loop3A_850 = arith.constant 48 : index
      %parallel_loop3A_851 = tpu.vector_load %parallel_loop3A_848[%parallel_loop3A_849, %parallel_loop3A_850] {strides = array<i32>} : memref<40x128xf32, #tpu.memory_space<vmem>>, vector<1x16xf32>,
      %parallel_loop3A_852 = vector.shape_cast %parallel_loop3A_851 : vector<1x16xf32> to vector<16xf32>
      %parallel_loop3A_853 = arith.addf %parallel_loop3A_844, %parallel_loop3A_852 : vector<16xf32>
      %parallel_loop3A_854 = arith.constant 0.000000e+00 : f32
      %parallel_loop3A_855 = vector.broadcast %parallel_loop3A_854 : f32 to vector<16xf32>
      %parallel_loop3A_856 = arith.maximumf %parallel_loop3A_853, %parallel_loop3A_855 : vector<16xf32>
      %parallel_loop3A_857 = arith.constant 0 : i32
      %parallel_loop3A_858 = arith.constant 0 : i32
      %parallel_loop3A_859 = tpu.memref_slice %arg11[%rem3A_570, %parallel_loop3A_857, %parallel_loop3A_858] : memref<4x40x128xf32, #tpu.memory_space<vmem>> -> memref<1x40x128xf32, #tpu.memory_space<vmem>>
      %parallel_loop3A_860 = tpu.memref_squeeze %parallel_loop3A_859 : memref<1x40x128xf32, #tpu.memory_space<vmem>> -> memref<40x128xf32, #tpu.memory_space<vmem>>
      %parallel_loop3A_861 = arith.index_cast %parallel_loop3A_749 : i32 to index
      %parallel_loop3A_862 = arith.constant 48 : index
      %parallel_loop3A_863 = tpu.vector_load %parallel_loop3A_860[%parallel_loop3A_861, %parallel_loop3A_862] {strides = array<i32>} : memref<40x128xf32, #tpu.memory_space<vmem>>, vector<1x16xf32>,
      %parallel_loop3A_864 = vector.shape_cast %parallel_loop3A_863 : vector<1x16xf32> to vector<16xf32>
      %parallel_loop3A_865 = vector.shape_cast %parallel_loop3A_856 : vector<16xf32> to vector<1x16xf32>
      tpu.vector_store %parallel_loop3A_860[%parallel_loop3A_861, %parallel_loop3A_862], %parallel_loop3A_865 {strides = array<i32>} : memref<40x128xf32, #tpu.memory_space<vmem>>, vector<1x16xf32>,
      %parallel_loop3A_866 = arith.constant 0 : i32
      %parallel_loop3A_867 = arith.constant 0 : i32
      %parallel_loop3A_868 = tpu.memref_slice %arg10[%rem3A_567, %parallel_loop3A_866, %parallel_loop3A_867] : memref<2x40x128xf32, #tpu.memory_space<vmem>> -> memref<1x40x128xf32, #tpu.memory_space<vmem>>
      %parallel_loop3A_869 = tpu.memref_squeeze %parallel_loop3A_868 : memref<1x40x128xf32, #tpu.memory_space<vmem>> -> memref<40x128xf32, #tpu.memory_space<vmem>>
      %parallel_loop3A_870 = arith.index_cast %parallel_loop3A_749 : i32 to index
      %parallel_loop3A_871 = arith.constant 64 : index
      %parallel_loop3A_872 = tpu.vector_load %parallel_loop3A_869[%parallel_loop3A_870, %parallel_loop3A_871] {strides = array<i32>} : memref<40x128xf32, #tpu.memory_space<vmem>>, vector<1x16xf32>,
      %parallel_loop3A_873 = vector.shape_cast %parallel_loop3A_872 : vector<1x16xf32> to vector<16xf32>
      %parallel_loop3A_874 = arith.constant 0 : i32
      %parallel_loop3A_875 = arith.constant 0 : i32
      %parallel_loop3A_876 = tpu.memref_slice %arg11[%rem3A_570, %parallel_loop3A_874, %parallel_loop3A_875] : memref<4x40x128xf32, #tpu.memory_space<vmem>> -> memref<1x40x128xf32, #tpu.memory_space<vmem>>
      %parallel_loop3A_877 = tpu.memref_squeeze %parallel_loop3A_876 : memref<1x40x128xf32, #tpu.memory_space<vmem>> -> memref<40x128xf32, #tpu.memory_space<vmem>>
      %parallel_loop3A_878 = arith.index_cast %parallel_loop3A_749 : i32 to index
      %parallel_loop3A_879 = arith.constant 64 : index
      %parallel_loop3A_880 = tpu.vector_load %parallel_loop3A_877[%parallel_loop3A_878, %parallel_loop3A_879] {strides = array<i32>} : memref<40x128xf32, #tpu.memory_space<vmem>>, vector<1x16xf32>,
      %parallel_loop3A_881 = vector.shape_cast %parallel_loop3A_880 : vector<1x16xf32> to vector<16xf32>
      %parallel_loop3A_882 = arith.addf %parallel_loop3A_873, %parallel_loop3A_881 : vector<16xf32>
      %parallel_loop3A_883 = arith.constant 0.000000e+00 : f32
      %parallel_loop3A_884 = vector.broadcast %parallel_loop3A_883 : f32 to vector<16xf32>
      %parallel_loop3A_885 = arith.maximumf %parallel_loop3A_882, %parallel_loop3A_884 : vector<16xf32>
      %parallel_loop3A_886 = arith.constant 0 : i32
      %parallel_loop3A_887 = arith.constant 0 : i32
      %parallel_loop3A_888 = tpu.memref_slice %arg11[%rem3A_570, %parallel_loop3A_886, %parallel_loop3A_887] : memref<4x40x128xf32, #tpu.memory_space<vmem>> -> memref<1x40x128xf32, #tpu.memory_space<vmem>>
      %parallel_loop3A_889 = tpu.memref_squeeze %parallel_loop3A_888 : memref<1x40x128xf32, #tpu.memory_space<vmem>> -> memref<40x128xf32, #tpu.memory_space<vmem>>
      %parallel_loop3A_890 = arith.index_cast %parallel_loop3A_749 : i32 to index
      %parallel_loop3A_891 = arith.constant 64 : index
      %parallel_loop3A_892 = tpu.vector_load %parallel_loop3A_889[%parallel_loop3A_890, %parallel_loop3A_891] {strides = array<i32>} : memref<40x128xf32, #tpu.memory_space<vmem>>, vector<1x16xf32>,
      %parallel_loop3A_893 = vector.shape_cast %parallel_loop3A_892 : vector<1x16xf32> to vector<16xf32>
      %parallel_loop3A_894 = vector.shape_cast %parallel_loop3A_885 : vector<16xf32> to vector<1x16xf32>
      tpu.vector_store %parallel_loop3A_889[%parallel_loop3A_890, %parallel_loop3A_891], %parallel_loop3A_894 {strides = array<i32>} : memref<40x128xf32, #tpu.memory_space<vmem>>, vector<1x16xf32>,
      %parallel_loop3A_895 = arith.constant 0 : i32
      %parallel_loop3A_896 = arith.constant 0 : i32
      %parallel_loop3A_897 = tpu.memref_slice %arg10[%rem3A_567, %parallel_loop3A_895, %parallel_loop3A_896] : memref<2x40x128xf32, #tpu.memory_space<vmem>> -> memref<1x40x128xf32, #tpu.memory_space<vmem>>
      %parallel_loop3A_898 = tpu.memref_squeeze %parallel_loop3A_897 : memref<1x40x128xf32, #tpu.memory_space<vmem>> -> memref<40x128xf32, #tpu.memory_space<vmem>>
      %parallel_loop3A_899 = arith.index_cast %parallel_loop3A_749 : i32 to index
      %parallel_loop3A_900 = arith.constant 80 : index
      %parallel_loop3A_901 = tpu.vector_load %parallel_loop3A_898[%parallel_loop3A_899, %parallel_loop3A_900] {strides = array<i32>} : memref<40x128xf32, #tpu.memory_space<vmem>>, vector<1x16xf32>,
      %parallel_loop3A_902 = vector.shape_cast %parallel_loop3A_901 : vector<1x16xf32> to vector<16xf32>
      %parallel_loop3A_903 = arith.constant 0 : i32
      %parallel_loop3A_904 = arith.constant 0 : i32
      %parallel_loop3A_905 = tpu.memref_slice %arg11[%rem3A_570, %parallel_loop3A_903, %parallel_loop3A_904] : memref<4x40x128xf32, #tpu.memory_space<vmem>> -> memref<1x40x128xf32, #tpu.memory_space<vmem>>
      %parallel_loop3A_906 = tpu.memref_squeeze %parallel_loop3A_905 : memref<1x40x128xf32, #tpu.memory_space<vmem>> -> memref<40x128xf32, #tpu.memory_space<vmem>>
      %parallel_loop3A_907 = arith.index_cast %parallel_loop3A_749 : i32 to index
      %parallel_loop3A_908 = arith.constant 80 : index
      %parallel_loop3A_909 = tpu.vector_load %parallel_loop3A_906[%parallel_loop3A_907, %parallel_loop3A_908] {strides = array<i32>} : memref<40x128xf32, #tpu.memory_space<vmem>>, vector<1x16xf32>,
      %parallel_loop3A_910 = vector.shape_cast %parallel_loop3A_909 : vector<1x16xf32> to vector<16xf32>
      %parallel_loop3A_911 = arith.addf %parallel_loop3A_902, %parallel_loop3A_910 : vector<16xf32>
      %parallel_loop3A_912 = arith.constant 0.000000e+00 : f32
      %parallel_loop3A_913 = vector.broadcast %parallel_loop3A_912 : f32 to vector<16xf32>
      %parallel_loop3A_914 = arith.maximumf %parallel_loop3A_911, %parallel_loop3A_913 : vector<16xf32>
      %parallel_loop3A_915 = arith.constant 0 : i32
      %parallel_loop3A_916 = arith.constant 0 : i32
      %parallel_loop3A_917 = tpu.memref_slice %arg11[%rem3A_570, %parallel_loop3A_915, %parallel_loop3A_916] : memref<4x40x128xf32, #tpu.memory_space<vmem>> -> memref<1x40x128xf32, #tpu.memory_space<vmem>>
      %parallel_loop3A_918 = tpu.memref_squeeze %parallel_loop3A_917 : memref<1x40x128xf32, #tpu.memory_space<vmem>> -> memref<40x128xf32, #tpu.memory_space<vmem>>
      %parallel_loop3A_919 = arith.index_cast %parallel_loop3A_749 : i32 to index
      %parallel_loop3A_920 = arith.constant 80 : index
      %parallel_loop3A_921 = tpu.vector_load %parallel_loop3A_918[%parallel_loop3A_919, %parallel_loop3A_920] {strides = array<i32>} : memref<40x128xf32, #tpu.memory_space<vmem>>, vector<1x16xf32>,
      %parallel_loop3A_922 = vector.shape_cast %parallel_loop3A_921 : vector<1x16xf32> to vector<16xf32>
      %parallel_loop3A_923 = vector.shape_cast %parallel_loop3A_914 : vector<16xf32> to vector<1x16xf32>
      tpu.vector_store %parallel_loop3A_918[%parallel_loop3A_919, %parallel_loop3A_920], %parallel_loop3A_923 {strides = array<i32>} : memref<40x128xf32, #tpu.memory_space<vmem>>, vector<1x16xf32>,
      %parallel_loop3A_924 = arith.constant 0 : i32
      %parallel_loop3A_925 = arith.constant 0 : i32
      %parallel_loop3A_926 = tpu.memref_slice %arg10[%rem3A_567, %parallel_loop3A_924, %parallel_loop3A_925] : memref<2x40x128xf32, #tpu.memory_space<vmem>> -> memref<1x40x128xf32, #tpu.memory_space<vmem>>
      %parallel_loop3A_927 = tpu.memref_squeeze %parallel_loop3A_926 : memref<1x40x128xf32, #tpu.memory_space<vmem>> -> memref<40x128xf32, #tpu.memory_space<vmem>>
      %parallel_loop3A_928 = arith.index_cast %parallel_loop3A_749 : i32 to index
      %parallel_loop3A_929 = arith.constant 96 : index
      %parallel_loop3A_930 = tpu.vector_load %parallel_loop3A_927[%parallel_loop3A_928, %parallel_loop3A_929] {strides = array<i32>} : memref<40x128xf32, #tpu.memory_space<vmem>>, vector<1x16xf32>,
      %parallel_loop3A_931 = vector.shape_cast %parallel_loop3A_930 : vector<1x16xf32> to vector<16xf32>
      %parallel_loop3A_932 = arith.constant 0 : i32
      %parallel_loop3A_933 = arith.constant 0 : i32
      %parallel_loop3A_934 = tpu.memref_slice %arg11[%rem3A_570, %parallel_loop3A_932, %parallel_loop3A_933] : memref<4x40x128xf32, #tpu.memory_space<vmem>> -> memref<1x40x128xf32, #tpu.memory_space<vmem>>
      %parallel_loop3A_935 = tpu.memref_squeeze %parallel_loop3A_934 : memref<1x40x128xf32, #tpu.memory_space<vmem>> -> memref<40x128xf32, #tpu.memory_space<vmem>>
      %parallel_loop3A_936 = arith.index_cast %parallel_loop3A_749 : i32 to index
      %parallel_loop3A_937 = arith.constant 96 : index
      %parallel_loop3A_938 = tpu.vector_load %parallel_loop3A_935[%parallel_loop3A_936, %parallel_loop3A_937] {strides = array<i32>} : memref<40x128xf32, #tpu.memory_space<vmem>>, vector<1x16xf32>,
      %parallel_loop3A_939 = vector.shape_cast %parallel_loop3A_938 : vector<1x16xf32> to vector<16xf32>
      %parallel_loop3A_940 = arith.addf %parallel_loop3A_931, %parallel_loop3A_939 : vector<16xf32>
      %parallel_loop3A_941 = arith.constant 0.000000e+00 : f32
      %parallel_loop3A_942 = vector.broadcast %parallel_loop3A_941 : f32 to vector<16xf32>
      %parallel_loop3A_943 = arith.maximumf %parallel_loop3A_940, %parallel_loop3A_942 : vector<16xf32>
      %parallel_loop3A_944 = arith.constant 0 : i32
      %parallel_loop3A_945 = arith.constant 0 : i32
      %parallel_loop3A_946 = tpu.memref_slice %arg11[%rem3A_570, %parallel_loop3A_944, %parallel_loop3A_945] : memref<4x40x128xf32, #tpu.memory_space<vmem>> -> memref<1x40x128xf32, #tpu.memory_space<vmem>>
      %parallel_loop3A_947 = tpu.memref_squeeze %parallel_loop3A_946 : memref<1x40x128xf32, #tpu.memory_space<vmem>> -> memref<40x128xf32, #tpu.memory_space<vmem>>
      %parallel_loop3A_948 = arith.index_cast %parallel_loop3A_749 : i32 to index
      %parallel_loop3A_949 = arith.constant 96 : index
      %parallel_loop3A_950 = tpu.vector_load %parallel_loop3A_947[%parallel_loop3A_948, %parallel_loop3A_949] {strides = array<i32>} : memref<40x128xf32, #tpu.memory_space<vmem>>, vector<1x16xf32>,
      %parallel_loop3A_951 = vector.shape_cast %parallel_loop3A_950 : vector<1x16xf32> to vector<16xf32>
      %parallel_loop3A_952 = vector.shape_cast %parallel_loop3A_943 : vector<16xf32> to vector<1x16xf32>
      tpu.vector_store %parallel_loop3A_947[%parallel_loop3A_948, %parallel_loop3A_949], %parallel_loop3A_952 {strides = array<i32>} : memref<40x128xf32, #tpu.memory_space<vmem>>, vector<1x16xf32>,
      %parallel_loop3A_953 = arith.constant 0 : i32
      %parallel_loop3A_954 = arith.constant 0 : i32
      %parallel_loop3A_955 = tpu.memref_slice %arg10[%rem3A_567, %parallel_loop3A_953, %parallel_loop3A_954] : memref<2x40x128xf32, #tpu.memory_space<vmem>> -> memref<1x40x128xf32, #tpu.memory_space<vmem>>
      %parallel_loop3A_956 = tpu.memref_squeeze %parallel_loop3A_955 : memref<1x40x128xf32, #tpu.memory_space<vmem>> -> memref<40x128xf32, #tpu.memory_space<vmem>>
      %parallel_loop3A_957 = arith.index_cast %parallel_loop3A_749 : i32 to index
      %parallel_loop3A_958 = arith.constant 112 : index
      %parallel_loop3A_959 = tpu.vector_load %parallel_loop3A_956[%parallel_loop3A_957, %parallel_loop3A_958] {strides = array<i32>} : memref<40x128xf32, #tpu.memory_space<vmem>>, vector<1x16xf32>,
      %parallel_loop3A_960 = vector.shape_cast %parallel_loop3A_959 : vector<1x16xf32> to vector<16xf32>
      %parallel_loop3A_961 = arith.constant 0 : i32
      %parallel_loop3A_962 = arith.constant 0 : i32
      %parallel_loop3A_963 = tpu.memref_slice %arg11[%rem3A_570, %parallel_loop3A_961, %parallel_loop3A_962] : memref<4x40x128xf32, #tpu.memory_space<vmem>> -> memref<1x40x128xf32, #tpu.memory_space<vmem>>
      %parallel_loop3A_964 = tpu.memref_squeeze %parallel_loop3A_963 : memref<1x40x128xf32, #tpu.memory_space<vmem>> -> memref<40x128xf32, #tpu.memory_space<vmem>>
      %parallel_loop3A_965 = arith.index_cast %parallel_loop3A_749 : i32 to index
      %parallel_loop3A_966 = arith.constant 112 : index
      %parallel_loop3A_967 = tpu.vector_load %parallel_loop3A_964[%parallel_loop3A_965, %parallel_loop3A_966] {strides = array<i32>} : memref<40x128xf32, #tpu.memory_space<vmem>>, vector<1x16xf32>,
      %parallel_loop3A_968 = vector.shape_cast %parallel_loop3A_967 : vector<1x16xf32> to vector<16xf32>
      %parallel_loop3A_969 = arith.addf %parallel_loop3A_960, %parallel_loop3A_968 : vector<16xf32>
      %parallel_loop3A_970 = arith.constant 0.000000e+00 : f32
      %parallel_loop3A_971 = vector.broadcast %parallel_loop3A_970 : f32 to vector<16xf32>
      %parallel_loop3A_972 = arith.maximumf %parallel_loop3A_969, %parallel_loop3A_971 : vector<16xf32>
      %parallel_loop3A_973 = arith.constant 0 : i32
      %parallel_loop3A_974 = arith.constant 0 : i32
      %parallel_loop3A_975 = tpu.memref_slice %arg11[%rem3A_570, %parallel_loop3A_973, %parallel_loop3A_974] : memref<4x40x128xf32, #tpu.memory_space<vmem>> -> memref<1x40x128xf32, #tpu.memory_space<vmem>>
      %parallel_loop3A_976 = tpu.memref_squeeze %parallel_loop3A_975 : memref<1x40x128xf32, #tpu.memory_space<vmem>> -> memref<40x128xf32, #tpu.memory_space<vmem>>
      %parallel_loop3A_977 = arith.index_cast %parallel_loop3A_749 : i32 to index
      %parallel_loop3A_978 = arith.constant 112 : index
      %parallel_loop3A_979 = tpu.vector_load %parallel_loop3A_976[%parallel_loop3A_977, %parallel_loop3A_978] {strides = array<i32>} : memref<40x128xf32, #tpu.memory_space<vmem>>, vector<1x16xf32>,
      %parallel_loop3A_980 = vector.shape_cast %parallel_loop3A_979 : vector<1x16xf32> to vector<16xf32>
      %parallel_loop3A_981 = vector.shape_cast %parallel_loop3A_972 : vector<16xf32> to vector<1x16xf32>
      tpu.vector_store %parallel_loop3A_976[%parallel_loop3A_977, %parallel_loop3A_978], %parallel_loop3A_981 {strides = array<i32>} : memref<40x128xf32, #tpu.memory_space<vmem>>, vector<1x16xf32>,
    } {sc.loop_unroll_factor = 4 : i64, sc.parallel_access}
    %rem3A_574 = arith.constant 248 : i32
    %rem3A_575 = arith.constant 4 : i32
    %rem3A_576 = arith.remsi %rem3A_574, %rem3A_575 : i32
    %rem3A_577 = arith.constant 248 : i32
    %rem3A_578 = arith.constant 5 : i32
    %rem3A_579 = arith.remsi %rem3A_577, %rem3A_578 : i32
    %rem3A_580 = arith.constant 248 : i32
    %rem3A_581 = arith.constant 4 : i32
    %rem3A_582 = arith.remsi %rem3A_580, %rem3A_581 : i32
    %dma_start3A_583 = arith.constant 0 : i32
    %dma_start3A_584 = arith.constant 0 : i32
    %dma_start3A_585 = tpu.memref_slice %arg11[%rem3A_576, %dma_start3A_583, %dma_start3A_584] : memref<4x40x128xf32, #tpu.memory_space<vmem>> -> memref<1x40x128xf32, #tpu.memory_space<vmem>>
    %dma_start3A_586 = tpu.memref_squeeze %dma_start3A_585 : memref<1x40x128xf32, #tpu.memory_space<vmem>> -> memref<40x128xf32, #tpu.memory_space<vmem>>
    %dma_start3A_587 = arith.constant 0 : i32
    %dma_start3A_588 = tpu.memref_slice %arg9[%rem3A_579, %dma_start3A_587] : memref<5x40xi32, #tpu.memory_space<vmem>> -> memref<1x40xi32, #tpu.memory_space<vmem>>
    %dma_start3A_589 = tpu.memref_squeeze %dma_start3A_588 : memref<1x40xi32, #tpu.memory_space<vmem>> -> memref<40xi32, #tpu.memory_space<vmem>>
    %dma_start3A_590 = arith.constant 0 : i32
    %dma_start3A_591 = arith.constant 0 : i32
    %dma_start3A_592 = tpu.memref_slice %arg7[%dma_start3A_590, %dma_start3A_591] : memref<10000x128xf32, #tpu.memory_space<vmem_shared>> -> memref<10000x128xf32, #tpu.memory_space<vmem_shared>>
    %dma_start3A_593 = tpu.memref_slice %arg14[%rem3A_582] : memref<4x!tpu.dma_semaphore, #tpu.memory_space<semaphore_mem>> -> memref<1x!tpu.dma_semaphore, #tpu.memory_space<semaphore_mem>>
    %dma_start3A_594 = tpu.memref_squeeze %dma_start3A_593 : memref<1x!tpu.dma_semaphore, #tpu.memory_space<semaphore_mem>> -> memref<!tpu.dma_semaphore, #tpu.memory_space<semaphore_mem>>
    tpu.enqueue_indirect_dma source(%dma_start3A_586 : memref<40x128xf32, #tpu.memory_space<vmem>>) target(%dma_start3A_592 : memref<10000x128xf32, #tpu.memory_space<vmem_shared>>) offsets(%dma_start3A_589 : memref<40xi32, #tpu.memory_space<vmem>>) semaphore(%dma_start3A_594 : memref<!tpu.dma_semaphore, #tpu.memory_space<semaphore_mem>>) {add = true}
    %rem3A_595 = arith.constant 246 : i32
    %rem3A_596 = arith.constant 4 : i32
    %rem3A_597 = arith.remsi %rem3A_595, %rem3A_596 : i32
    %rem3A_598 = arith.constant 246 : i32
    %rem3A_599 = arith.constant 4 : i32
    %rem3A_600 = arith.remsi %rem3A_598, %rem3A_599 : i32
    %dma_wait3A_601 = arith.constant 0 : i32
    %dma_wait3A_602 = arith.constant 0 : i32
    %dma_wait3A_603 = tpu.memref_slice %arg11[%rem3A_597, %dma_wait3A_601, %dma_wait3A_602] : memref<4x40x128xf32, #tpu.memory_space<vmem>> -> memref<1x40x128xf32, #tpu.memory_space<vmem>>
    %dma_wait3A_604 = tpu.memref_squeeze %dma_wait3A_603 : memref<1x40x128xf32, #tpu.memory_space<vmem>> -> memref<40x128xf32, #tpu.memory_space<vmem>>
    %dma_wait3A_605 = arith.constant 0 : i32
    %dma_wait3A_606 = tpu.memref_slice %arg5[%mul3A_2, %dma_wait3A_605] : memref<320000x128xf32, #tpu.memory_space<hbm>> -> memref<40x128xf32, #tpu.memory_space<hbm>>
    %dma_wait3A_607 = tpu.memref_slice %arg14[%rem3A_600] : memref<4x!tpu.dma_semaphore, #tpu.memory_space<semaphore_mem>> -> memref<1x!tpu.dma_semaphore, #tpu.memory_space<semaphore_mem>>
    %dma_wait3A_608 = tpu.memref_squeeze %dma_wait3A_607 : memref<1x!tpu.dma_semaphore, #tpu.memory_space<semaphore_mem>> -> memref<!tpu.dma_semaphore, #tpu.memory_space<semaphore_mem>>
    %dma_wait3A_609 = arith.constant 0 : i32
    %dma_wait3A_610 = arith.constant 0 : i32
    %dma_wait3A_611 = tpu.memref_slice %arg11[%rem3A_597, %dma_wait3A_609, %dma_wait3A_610] : memref<4x40x128xf32, #tpu.memory_space<vmem>> -> memref<1x40x128xf32, #tpu.memory_space<vmem>>
    %dma_wait3A_612 = tpu.memref_squeeze %dma_wait3A_611 : memref<1x40x128xf32, #tpu.memory_space<vmem>> -> memref<40x128xf32, #tpu.memory_space<vmem>>
    %dma_wait3A_613 = arith.constant 0 : i32
    %dma_wait3A_614 = tpu.memref_slice %arg5[%mul3A_2, %dma_wait3A_613] : memref<320000x128xf32, #tpu.memory_space<hbm>> -> memref<40x128xf32, #tpu.memory_space<hbm>>
    tpu.wait_dma2 semaphore(%dma_wait3A_608 : memref<!tpu.dma_semaphore, #tpu.memory_space<semaphore_mem>>) src(%dma_wait3A_614 : memref<40x128xf32, #tpu.memory_space<hbm>>) dst(%dma_wait3A_612 : memref<40x128xf32, #tpu.memory_space<vmem>>)
    %rem3A_615 = arith.constant 249 : i32
    %rem3A_616 = arith.constant 2 : i32
    %rem3A_617 = arith.remsi %rem3A_615, %rem3A_616 : i32
    %dma_wait3A_618 = arith.constant 0 : i32
    %dma_wait3A_619 = arith.constant 0 : i32
    %dma_wait3A_620 = tpu.memref_slice %arg10[%rem3A_617, %dma_wait3A_618, %dma_wait3A_619] : memref<2x40x128xf32, #tpu.memory_space<vmem>> -> memref<1x40x128xf32, #tpu.memory_space<vmem>>
    %dma_wait3A_621 = tpu.memref_squeeze %dma_wait3A_620 : memref<1x40x128xf32, #tpu.memory_space<vmem>> -> memref<40x128xf32, #tpu.memory_space<vmem>>
    %dma_wait3A_622 = arith.constant 0 : i32
    %dma_wait3A_623 = arith.constant 0 : i32
    %dma_wait3A_624 = tpu.memref_slice %arg2[%dma_wait3A_622, %dma_wait3A_623] : memref<10000x128xf32, #tpu.memory_space<hbm>> -> memref<40x128xf32, #tpu.memory_space<hbm>>
    %dma_wait3A_625 = tpu.memref_slice %arg13[%rem3A_617] : memref<2x!tpu.dma_semaphore, #tpu.memory_space<semaphore_mem>> -> memref<1x!tpu.dma_semaphore, #tpu.memory_space<semaphore_mem>>
    %dma_wait3A_626 = tpu.memref_squeeze %dma_wait3A_625 : memref<1x!tpu.dma_semaphore, #tpu.memory_space<semaphore_mem>> -> memref<!tpu.dma_semaphore, #tpu.memory_space<semaphore_mem>>
    %dma_wait3A_627 = arith.constant 0 : i32
    %dma_wait3A_628 = arith.constant 0 : i32
    %dma_wait3A_629 = tpu.memref_slice %arg10[%rem3A_617, %dma_wait3A_627, %dma_wait3A_628] : memref<2x40x128xf32, #tpu.memory_space<vmem>> -> memref<1x40x128xf32, #tpu.memory_space<vmem>>
    %dma_wait3A_630 = tpu.memref_squeeze %dma_wait3A_629 : memref<1x40x128xf32, #tpu.memory_space<vmem>> -> memref<40x128xf32, #tpu.memory_space<vmem>>
    %dma_wait3A_631 = arith.constant 0 : i32
    %dma_wait3A_632 = arith.constant 0 : i32
    %dma_wait3A_633 = tpu.memref_slice %arg2[%dma_wait3A_631, %dma_wait3A_632] : memref<10000x128xf32, #tpu.memory_space<hbm>> -> memref<40x128xf32, #tpu.memory_space<hbm>>
    tpu.wait_dma2 semaphore(%dma_wait3A_626 : memref<!tpu.dma_semaphore, #tpu.memory_space<semaphore_mem>>) src(%dma_wait3A_633 : memref<40x128xf32, #tpu.memory_space<hbm>>) dst(%dma_wait3A_630 : memref<40x128xf32, #tpu.memory_space<vmem>>)
    %rem3A_634 = arith.constant 249 : i32
    %rem3A_635 = arith.constant 4 : i32
    %rem3A_636 = arith.remsi %rem3A_634, %rem3A_635 : i32
    %dma_wait3A_637 = arith.constant 0 : i32
    %dma_wait3A_638 = arith.constant 0 : i32
    %dma_wait3A_639 = tpu.memref_slice %arg11[%rem3A_636, %dma_wait3A_637, %dma_wait3A_638] : memref<4x40x128xf32, #tpu.memory_space<vmem>> -> memref<1x40x128xf32, #tpu.memory_space<vmem>>
    %dma_wait3A_640 = tpu.memref_squeeze %dma_wait3A_639 : memref<1x40x128xf32, #tpu.memory_space<vmem>> -> memref<40x128xf32, #tpu.memory_space<vmem>>
    %dma_wait3A_641 = arith.constant 0 : i32
    %dma_wait3A_642 = tpu.memref_slice %arg5[%mul3A_2, %dma_wait3A_641] : memref<320000x128xf32, #tpu.memory_space<hbm>> -> memref<40x128xf32, #tpu.memory_space<hbm>>
    %dma_wait3A_643 = tpu.memref_slice %arg13[%rem3A_617] : memref<2x!tpu.dma_semaphore, #tpu.memory_space<semaphore_mem>> -> memref<1x!tpu.dma_semaphore, #tpu.memory_space<semaphore_mem>>
    %dma_wait3A_644 = tpu.memref_squeeze %dma_wait3A_643 : memref<1x!tpu.dma_semaphore, #tpu.memory_space<semaphore_mem>> -> memref<!tpu.dma_semaphore, #tpu.memory_space<semaphore_mem>>
    %dma_wait3A_645 = arith.constant 0 : i32
    %dma_wait3A_646 = arith.constant 0 : i32
    %dma_wait3A_647 = tpu.memref_slice %arg11[%rem3A_636, %dma_wait3A_645, %dma_wait3A_646] : memref<4x40x128xf32, #tpu.memory_space<vmem>> -> memref<1x40x128xf32, #tpu.memory_space<vmem>>
    %dma_wait3A_648 = tpu.memref_squeeze %dma_wait3A_647 : memref<1x40x128xf32, #tpu.memory_space<vmem>> -> memref<40x128xf32, #tpu.memory_space<vmem>>
    %dma_wait3A_649 = arith.constant 0 : i32
    %dma_wait3A_650 = tpu.memref_slice %arg5[%mul3A_2, %dma_wait3A_649] : memref<320000x128xf32, #tpu.memory_space<hbm>> -> memref<40x128xf32, #tpu.memory_space<hbm>>
    tpu.wait_dma2 semaphore(%dma_wait3A_644 : memref<!tpu.dma_semaphore, #tpu.memory_space<semaphore_mem>>) src(%dma_wait3A_650 : memref<40x128xf32, #tpu.memory_space<hbm>>) dst(%dma_wait3A_648 : memref<40x128xf32, #tpu.memory_space<vmem>>)
    %rem3A_651 = arith.constant 249 : i32
    %rem3A_652 = arith.constant 2 : i32
    %rem3A_653 = arith.remsi %rem3A_651, %rem3A_652 : i32
    %rem3A_654 = arith.constant 249 : i32
    %rem3A_655 = arith.constant 4 : i32
    %rem3A_656 = arith.remsi %rem3A_654, %rem3A_655 : i32
    %parallel_loop3A_657 = arith.constant 0 : i32
    %parallel_loop3A_658 = arith.constant 40 : i32
    %parallel_loop3A_659 = arith.constant 1 : i32
    scf.for %parallel_loop3A_749 = %parallel_loop3A_657 to %parallel_loop3A_658 step %parallel_loop3A_659  : i32 {
      %parallel_loop3A_750 = arith.constant 0 : i32
      %parallel_loop3A_751 = arith.constant 0 : i32
      %parallel_loop3A_752 = tpu.memref_slice %arg10[%rem3A_653, %parallel_loop3A_750, %parallel_loop3A_751] : memref<2x40x128xf32, #tpu.memory_space<vmem>> -> memref<1x40x128xf32, #tpu.memory_space<vmem>>
      %parallel_loop3A_753 = tpu.memref_squeeze %parallel_loop3A_752 : memref<1x40x128xf32, #tpu.memory_space<vmem>> -> memref<40x128xf32, #tpu.memory_space<vmem>>
      %parallel_loop3A_754 = arith.index_cast %parallel_loop3A_749 : i32 to index
      %parallel_loop3A_755 = arith.constant 0 : index
      %parallel_loop3A_756 = tpu.vector_load %parallel_loop3A_753[%parallel_loop3A_754, %parallel_loop3A_755] {strides = array<i32>} : memref<40x128xf32, #tpu.memory_space<vmem>>, vector<1x16xf32>,
      %parallel_loop3A_757 = vector.shape_cast %parallel_loop3A_756 : vector<1x16xf32> to vector<16xf32>
      %parallel_loop3A_758 = arith.constant 0 : i32
      %parallel_loop3A_759 = arith.constant 0 : i32
      %parallel_loop3A_760 = tpu.memref_slice %arg11[%rem3A_656, %parallel_loop3A_758, %parallel_loop3A_759] : memref<4x40x128xf32, #tpu.memory_space<vmem>> -> memref<1x40x128xf32, #tpu.memory_space<vmem>>
      %parallel_loop3A_761 = tpu.memref_squeeze %parallel_loop3A_760 : memref<1x40x128xf32, #tpu.memory_space<vmem>> -> memref<40x128xf32, #tpu.memory_space<vmem>>
      %parallel_loop3A_762 = arith.index_cast %parallel_loop3A_749 : i32 to index
      %parallel_loop3A_763 = arith.constant 0 : index
      %parallel_loop3A_764 = tpu.vector_load %parallel_loop3A_761[%parallel_loop3A_762, %parallel_loop3A_763] {strides = array<i32>} : memref<40x128xf32, #tpu.memory_space<vmem>>, vector<1x16xf32>,
      %parallel_loop3A_765 = vector.shape_cast %parallel_loop3A_764 : vector<1x16xf32> to vector<16xf32>
      %parallel_loop3A_766 = arith.addf %parallel_loop3A_757, %parallel_loop3A_765 : vector<16xf32>
      %parallel_loop3A_767 = arith.constant 0.000000e+00 : f32
      %parallel_loop3A_768 = vector.broadcast %parallel_loop3A_767 : f32 to vector<16xf32>
      %parallel_loop3A_769 = arith.maximumf %parallel_loop3A_766, %parallel_loop3A_768 : vector<16xf32>
      %parallel_loop3A_770 = arith.constant 0 : i32
      %parallel_loop3A_771 = arith.constant 0 : i32
      %parallel_loop3A_772 = tpu.memref_slice %arg11[%rem3A_656, %parallel_loop3A_770, %parallel_loop3A_771] : memref<4x40x128xf32, #tpu.memory_space<vmem>> -> memref<1x40x128xf32, #tpu.memory_space<vmem>>
      %parallel_loop3A_773 = tpu.memref_squeeze %parallel_loop3A_772 : memref<1x40x128xf32, #tpu.memory_space<vmem>> -> memref<40x128xf32, #tpu.memory_space<vmem>>
      %parallel_loop3A_774 = arith.index_cast %parallel_loop3A_749 : i32 to index
      %parallel_loop3A_775 = arith.constant 0 : index
      %parallel_loop3A_776 = tpu.vector_load %parallel_loop3A_773[%parallel_loop3A_774, %parallel_loop3A_775] {strides = array<i32>} : memref<40x128xf32, #tpu.memory_space<vmem>>, vector<1x16xf32>,
      %parallel_loop3A_777 = vector.shape_cast %parallel_loop3A_776 : vector<1x16xf32> to vector<16xf32>
      %parallel_loop3A_778 = vector.shape_cast %parallel_loop3A_769 : vector<16xf32> to vector<1x16xf32>
      tpu.vector_store %parallel_loop3A_773[%parallel_loop3A_774, %parallel_loop3A_775], %parallel_loop3A_778 {strides = array<i32>} : memref<40x128xf32, #tpu.memory_space<vmem>>, vector<1x16xf32>,
      %parallel_loop3A_779 = arith.constant 0 : i32
      %parallel_loop3A_780 = arith.constant 0 : i32
      %parallel_loop3A_781 = tpu.memref_slice %arg10[%rem3A_653, %parallel_loop3A_779, %parallel_loop3A_780] : memref<2x40x128xf32, #tpu.memory_space<vmem>> -> memref<1x40x128xf32, #tpu.memory_space<vmem>>
      %parallel_loop3A_782 = tpu.memref_squeeze %parallel_loop3A_781 : memref<1x40x128xf32, #tpu.memory_space<vmem>> -> memref<40x128xf32, #tpu.memory_space<vmem>>
      %parallel_loop3A_783 = arith.index_cast %parallel_loop3A_749 : i32 to index
      %parallel_loop3A_784 = arith.constant 16 : index
      %parallel_loop3A_785 = tpu.vector_load %parallel_loop3A_782[%parallel_loop3A_783, %parallel_loop3A_784] {strides = array<i32>} : memref<40x128xf32, #tpu.memory_space<vmem>>, vector<1x16xf32>,
      %parallel_loop3A_786 = vector.shape_cast %parallel_loop3A_785 : vector<1x16xf32> to vector<16xf32>
      %parallel_loop3A_787 = arith.constant 0 : i32
      %parallel_loop3A_788 = arith.constant 0 : i32
      %parallel_loop3A_789 = tpu.memref_slice %arg11[%rem3A_656, %parallel_loop3A_787, %parallel_loop3A_788] : memref<4x40x128xf32, #tpu.memory_space<vmem>> -> memref<1x40x128xf32, #tpu.memory_space<vmem>>
      %parallel_loop3A_790 = tpu.memref_squeeze %parallel_loop3A_789 : memref<1x40x128xf32, #tpu.memory_space<vmem>> -> memref<40x128xf32, #tpu.memory_space<vmem>>
      %parallel_loop3A_791 = arith.index_cast %parallel_loop3A_749 : i32 to index
      %parallel_loop3A_792 = arith.constant 16 : index
      %parallel_loop3A_793 = tpu.vector_load %parallel_loop3A_790[%parallel_loop3A_791, %parallel_loop3A_792] {strides = array<i32>} : memref<40x128xf32, #tpu.memory_space<vmem>>, vector<1x16xf32>,
      %parallel_loop3A_794 = vector.shape_cast %parallel_loop3A_793 : vector<1x16xf32> to vector<16xf32>
      %parallel_loop3A_795 = arith.addf %parallel_loop3A_786, %parallel_loop3A_794 : vector<16xf32>
      %parallel_loop3A_796 = arith.constant 0.000000e+00 : f32
      %parallel_loop3A_797 = vector.broadcast %parallel_loop3A_796 : f32 to vector<16xf32>
      %parallel_loop3A_798 = arith.maximumf %parallel_loop3A_795, %parallel_loop3A_797 : vector<16xf32>
      %parallel_loop3A_799 = arith.constant 0 : i32
      %parallel_loop3A_800 = arith.constant 0 : i32
      %parallel_loop3A_801 = tpu.memref_slice %arg11[%rem3A_656, %parallel_loop3A_799, %parallel_loop3A_800] : memref<4x40x128xf32, #tpu.memory_space<vmem>> -> memref<1x40x128xf32, #tpu.memory_space<vmem>>
      %parallel_loop3A_802 = tpu.memref_squeeze %parallel_loop3A_801 : memref<1x40x128xf32, #tpu.memory_space<vmem>> -> memref<40x128xf32, #tpu.memory_space<vmem>>
      %parallel_loop3A_803 = arith.index_cast %parallel_loop3A_749 : i32 to index
      %parallel_loop3A_804 = arith.constant 16 : index
      %parallel_loop3A_805 = tpu.vector_load %parallel_loop3A_802[%parallel_loop3A_803, %parallel_loop3A_804] {strides = array<i32>} : memref<40x128xf32, #tpu.memory_space<vmem>>, vector<1x16xf32>,
      %parallel_loop3A_806 = vector.shape_cast %parallel_loop3A_805 : vector<1x16xf32> to vector<16xf32>
      %parallel_loop3A_807 = vector.shape_cast %parallel_loop3A_798 : vector<16xf32> to vector<1x16xf32>
      tpu.vector_store %parallel_loop3A_802[%parallel_loop3A_803, %parallel_loop3A_804], %parallel_loop3A_807 {strides = array<i32>} : memref<40x128xf32, #tpu.memory_space<vmem>>, vector<1x16xf32>,
      %parallel_loop3A_808 = arith.constant 0 : i32
      %parallel_loop3A_809 = arith.constant 0 : i32
      %parallel_loop3A_810 = tpu.memref_slice %arg10[%rem3A_653, %parallel_loop3A_808, %parallel_loop3A_809] : memref<2x40x128xf32, #tpu.memory_space<vmem>> -> memref<1x40x128xf32, #tpu.memory_space<vmem>>
      %parallel_loop3A_811 = tpu.memref_squeeze %parallel_loop3A_810 : memref<1x40x128xf32, #tpu.memory_space<vmem>> -> memref<40x128xf32, #tpu.memory_space<vmem>>
      %parallel_loop3A_812 = arith.index_cast %parallel_loop3A_749 : i32 to index
      %parallel_loop3A_813 = arith.constant 32 : index
      %parallel_loop3A_814 = tpu.vector_load %parallel_loop3A_811[%parallel_loop3A_812, %parallel_loop3A_813] {strides = array<i32>} : memref<40x128xf32, #tpu.memory_space<vmem>>, vector<1x16xf32>,
      %parallel_loop3A_815 = vector.shape_cast %parallel_loop3A_814 : vector<1x16xf32> to vector<16xf32>
      %parallel_loop3A_816 = arith.constant 0 : i32
      %parallel_loop3A_817 = arith.constant 0 : i32
      %parallel_loop3A_818 = tpu.memref_slice %arg11[%rem3A_656, %parallel_loop3A_816, %parallel_loop3A_817] : memref<4x40x128xf32, #tpu.memory_space<vmem>> -> memref<1x40x128xf32, #tpu.memory_space<vmem>>
      %parallel_loop3A_819 = tpu.memref_squeeze %parallel_loop3A_818 : memref<1x40x128xf32, #tpu.memory_space<vmem>> -> memref<40x128xf32, #tpu.memory_space<vmem>>
      %parallel_loop3A_820 = arith.index_cast %parallel_loop3A_749 : i32 to index
      %parallel_loop3A_821 = arith.constant 32 : index
      %parallel_loop3A_822 = tpu.vector_load %parallel_loop3A_819[%parallel_loop3A_820, %parallel_loop3A_821] {strides = array<i32>} : memref<40x128xf32, #tpu.memory_space<vmem>>, vector<1x16xf32>,
      %parallel_loop3A_823 = vector.shape_cast %parallel_loop3A_822 : vector<1x16xf32> to vector<16xf32>
      %parallel_loop3A_824 = arith.addf %parallel_loop3A_815, %parallel_loop3A_823 : vector<16xf32>
      %parallel_loop3A_825 = arith.constant 0.000000e+00 : f32
      %parallel_loop3A_826 = vector.broadcast %parallel_loop3A_825 : f32 to vector<16xf32>
      %parallel_loop3A_827 = arith.maximumf %parallel_loop3A_824, %parallel_loop3A_826 : vector<16xf32>
      %parallel_loop3A_828 = arith.constant 0 : i32
      %parallel_loop3A_829 = arith.constant 0 : i32
      %parallel_loop3A_830 = tpu.memref_slice %arg11[%rem3A_656, %parallel_loop3A_828, %parallel_loop3A_829] : memref<4x40x128xf32, #tpu.memory_space<vmem>> -> memref<1x40x128xf32, #tpu.memory_space<vmem>>
      %parallel_loop3A_831 = tpu.memref_squeeze %parallel_loop3A_830 : memref<1x40x128xf32, #tpu.memory_space<vmem>> -> memref<40x128xf32, #tpu.memory_space<vmem>>
      %parallel_loop3A_832 = arith.index_cast %parallel_loop3A_749 : i32 to index
      %parallel_loop3A_833 = arith.constant 32 : index
      %parallel_loop3A_834 = tpu.vector_load %parallel_loop3A_831[%parallel_loop3A_832, %parallel_loop3A_833] {strides = array<i32>} : memref<40x128xf32, #tpu.memory_space<vmem>>, vector<1x16xf32>,
      %parallel_loop3A_835 = vector.shape_cast %parallel_loop3A_834 : vector<1x16xf32> to vector<16xf32>
      %parallel_loop3A_836 = vector.shape_cast %parallel_loop3A_827 : vector<16xf32> to vector<1x16xf32>
      tpu.vector_store %parallel_loop3A_831[%parallel_loop3A_832, %parallel_loop3A_833], %parallel_loop3A_836 {strides = array<i32>} : memref<40x128xf32, #tpu.memory_space<vmem>>, vector<1x16xf32>,
      %parallel_loop3A_837 = arith.constant 0 : i32
      %parallel_loop3A_838 = arith.constant 0 : i32
      %parallel_loop3A_839 = tpu.memref_slice %arg10[%rem3A_653, %parallel_loop3A_837, %parallel_loop3A_838] : memref<2x40x128xf32, #tpu.memory_space<vmem>> -> memref<1x40x128xf32, #tpu.memory_space<vmem>>
      %parallel_loop3A_840 = tpu.memref_squeeze %parallel_loop3A_839 : memref<1x40x128xf32, #tpu.memory_space<vmem>> -> memref<40x128xf32, #tpu.memory_space<vmem>>
      %parallel_loop3A_841 = arith.index_cast %parallel_loop3A_749 : i32 to index
      %parallel_loop3A_842 = arith.constant 48 : index
      %parallel_loop3A_843 = tpu.vector_load %parallel_loop3A_840[%parallel_loop3A_841, %parallel_loop3A_842] {strides = array<i32>} : memref<40x128xf32, #tpu.memory_space<vmem>>, vector<1x16xf32>,
      %parallel_loop3A_844 = vector.shape_cast %parallel_loop3A_843 : vector<1x16xf32> to vector<16xf32>
      %parallel_loop3A_845 = arith.constant 0 : i32
      %parallel_loop3A_846 = arith.constant 0 : i32
      %parallel_loop3A_847 = tpu.memref_slice %arg11[%rem3A_656, %parallel_loop3A_845, %parallel_loop3A_846] : memref<4x40x128xf32, #tpu.memory_space<vmem>> -> memref<1x40x128xf32, #tpu.memory_space<vmem>>
      %parallel_loop3A_848 = tpu.memref_squeeze %parallel_loop3A_847 : memref<1x40x128xf32, #tpu.memory_space<vmem>> -> memref<40x128xf32, #tpu.memory_space<vmem>>
      %parallel_loop3A_849 = arith.index_cast %parallel_loop3A_749 : i32 to index
      %parallel_loop3A_850 = arith.constant 48 : index
      %parallel_loop3A_851 = tpu.vector_load %parallel_loop3A_848[%parallel_loop3A_849, %parallel_loop3A_850] {strides = array<i32>} : memref<40x128xf32, #tpu.memory_space<vmem>>, vector<1x16xf32>,
      %parallel_loop3A_852 = vector.shape_cast %parallel_loop3A_851 : vector<1x16xf32> to vector<16xf32>
      %parallel_loop3A_853 = arith.addf %parallel_loop3A_844, %parallel_loop3A_852 : vector<16xf32>
      %parallel_loop3A_854 = arith.constant 0.000000e+00 : f32
      %parallel_loop3A_855 = vector.broadcast %parallel_loop3A_854 : f32 to vector<16xf32>
      %parallel_loop3A_856 = arith.maximumf %parallel_loop3A_853, %parallel_loop3A_855 : vector<16xf32>
      %parallel_loop3A_857 = arith.constant 0 : i32
      %parallel_loop3A_858 = arith.constant 0 : i32
      %parallel_loop3A_859 = tpu.memref_slice %arg11[%rem3A_656, %parallel_loop3A_857, %parallel_loop3A_858] : memref<4x40x128xf32, #tpu.memory_space<vmem>> -> memref<1x40x128xf32, #tpu.memory_space<vmem>>
      %parallel_loop3A_860 = tpu.memref_squeeze %parallel_loop3A_859 : memref<1x40x128xf32, #tpu.memory_space<vmem>> -> memref<40x128xf32, #tpu.memory_space<vmem>>
      %parallel_loop3A_861 = arith.index_cast %parallel_loop3A_749 : i32 to index
      %parallel_loop3A_862 = arith.constant 48 : index
      %parallel_loop3A_863 = tpu.vector_load %parallel_loop3A_860[%parallel_loop3A_861, %parallel_loop3A_862] {strides = array<i32>} : memref<40x128xf32, #tpu.memory_space<vmem>>, vector<1x16xf32>,
      %parallel_loop3A_864 = vector.shape_cast %parallel_loop3A_863 : vector<1x16xf32> to vector<16xf32>
      %parallel_loop3A_865 = vector.shape_cast %parallel_loop3A_856 : vector<16xf32> to vector<1x16xf32>
      tpu.vector_store %parallel_loop3A_860[%parallel_loop3A_861, %parallel_loop3A_862], %parallel_loop3A_865 {strides = array<i32>} : memref<40x128xf32, #tpu.memory_space<vmem>>, vector<1x16xf32>,
      %parallel_loop3A_866 = arith.constant 0 : i32
      %parallel_loop3A_867 = arith.constant 0 : i32
      %parallel_loop3A_868 = tpu.memref_slice %arg10[%rem3A_653, %parallel_loop3A_866, %parallel_loop3A_867] : memref<2x40x128xf32, #tpu.memory_space<vmem>> -> memref<1x40x128xf32, #tpu.memory_space<vmem>>
      %parallel_loop3A_869 = tpu.memref_squeeze %parallel_loop3A_868 : memref<1x40x128xf32, #tpu.memory_space<vmem>> -> memref<40x128xf32, #tpu.memory_space<vmem>>
      %parallel_loop3A_870 = arith.index_cast %parallel_loop3A_749 : i32 to index
      %parallel_loop3A_871 = arith.constant 64 : index
      %parallel_loop3A_872 = tpu.vector_load %parallel_loop3A_869[%parallel_loop3A_870, %parallel_loop3A_871] {strides = array<i32>} : memref<40x128xf32, #tpu.memory_space<vmem>>, vector<1x16xf32>,
      %parallel_loop3A_873 = vector.shape_cast %parallel_loop3A_872 : vector<1x16xf32> to vector<16xf32>
      %parallel_loop3A_874 = arith.constant 0 : i32
      %parallel_loop3A_875 = arith.constant 0 : i32
      %parallel_loop3A_876 = tpu.memref_slice %arg11[%rem3A_656, %parallel_loop3A_874, %parallel_loop3A_875] : memref<4x40x128xf32, #tpu.memory_space<vmem>> -> memref<1x40x128xf32, #tpu.memory_space<vmem>>
      %parallel_loop3A_877 = tpu.memref_squeeze %parallel_loop3A_876 : memref<1x40x128xf32, #tpu.memory_space<vmem>> -> memref<40x128xf32, #tpu.memory_space<vmem>>
      %parallel_loop3A_878 = arith.index_cast %parallel_loop3A_749 : i32 to index
      %parallel_loop3A_879 = arith.constant 64 : index
      %parallel_loop3A_880 = tpu.vector_load %parallel_loop3A_877[%parallel_loop3A_878, %parallel_loop3A_879] {strides = array<i32>} : memref<40x128xf32, #tpu.memory_space<vmem>>, vector<1x16xf32>,
      %parallel_loop3A_881 = vector.shape_cast %parallel_loop3A_880 : vector<1x16xf32> to vector<16xf32>
      %parallel_loop3A_882 = arith.addf %parallel_loop3A_873, %parallel_loop3A_881 : vector<16xf32>
      %parallel_loop3A_883 = arith.constant 0.000000e+00 : f32
      %parallel_loop3A_884 = vector.broadcast %parallel_loop3A_883 : f32 to vector<16xf32>
      %parallel_loop3A_885 = arith.maximumf %parallel_loop3A_882, %parallel_loop3A_884 : vector<16xf32>
      %parallel_loop3A_886 = arith.constant 0 : i32
      %parallel_loop3A_887 = arith.constant 0 : i32
      %parallel_loop3A_888 = tpu.memref_slice %arg11[%rem3A_656, %parallel_loop3A_886, %parallel_loop3A_887] : memref<4x40x128xf32, #tpu.memory_space<vmem>> -> memref<1x40x128xf32, #tpu.memory_space<vmem>>
      %parallel_loop3A_889 = tpu.memref_squeeze %parallel_loop3A_888 : memref<1x40x128xf32, #tpu.memory_space<vmem>> -> memref<40x128xf32, #tpu.memory_space<vmem>>
      %parallel_loop3A_890 = arith.index_cast %parallel_loop3A_749 : i32 to index
      %parallel_loop3A_891 = arith.constant 64 : index
      %parallel_loop3A_892 = tpu.vector_load %parallel_loop3A_889[%parallel_loop3A_890, %parallel_loop3A_891] {strides = array<i32>} : memref<40x128xf32, #tpu.memory_space<vmem>>, vector<1x16xf32>,
      %parallel_loop3A_893 = vector.shape_cast %parallel_loop3A_892 : vector<1x16xf32> to vector<16xf32>
      %parallel_loop3A_894 = vector.shape_cast %parallel_loop3A_885 : vector<16xf32> to vector<1x16xf32>
      tpu.vector_store %parallel_loop3A_889[%parallel_loop3A_890, %parallel_loop3A_891], %parallel_loop3A_894 {strides = array<i32>} : memref<40x128xf32, #tpu.memory_space<vmem>>, vector<1x16xf32>,
      %parallel_loop3A_895 = arith.constant 0 : i32
      %parallel_loop3A_896 = arith.constant 0 : i32
      %parallel_loop3A_897 = tpu.memref_slice %arg10[%rem3A_653, %parallel_loop3A_895, %parallel_loop3A_896] : memref<2x40x128xf32, #tpu.memory_space<vmem>> -> memref<1x40x128xf32, #tpu.memory_space<vmem>>
      %parallel_loop3A_898 = tpu.memref_squeeze %parallel_loop3A_897 : memref<1x40x128xf32, #tpu.memory_space<vmem>> -> memref<40x128xf32, #tpu.memory_space<vmem>>
      %parallel_loop3A_899 = arith.index_cast %parallel_loop3A_749 : i32 to index
      %parallel_loop3A_900 = arith.constant 80 : index
      %parallel_loop3A_901 = tpu.vector_load %parallel_loop3A_898[%parallel_loop3A_899, %parallel_loop3A_900] {strides = array<i32>} : memref<40x128xf32, #tpu.memory_space<vmem>>, vector<1x16xf32>,
      %parallel_loop3A_902 = vector.shape_cast %parallel_loop3A_901 : vector<1x16xf32> to vector<16xf32>
      %parallel_loop3A_903 = arith.constant 0 : i32
      %parallel_loop3A_904 = arith.constant 0 : i32
      %parallel_loop3A_905 = tpu.memref_slice %arg11[%rem3A_656, %parallel_loop3A_903, %parallel_loop3A_904] : memref<4x40x128xf32, #tpu.memory_space<vmem>> -> memref<1x40x128xf32, #tpu.memory_space<vmem>>
      %parallel_loop3A_906 = tpu.memref_squeeze %parallel_loop3A_905 : memref<1x40x128xf32, #tpu.memory_space<vmem>> -> memref<40x128xf32, #tpu.memory_space<vmem>>
      %parallel_loop3A_907 = arith.index_cast %parallel_loop3A_749 : i32 to index
      %parallel_loop3A_908 = arith.constant 80 : index
      %parallel_loop3A_909 = tpu.vector_load %parallel_loop3A_906[%parallel_loop3A_907, %parallel_loop3A_908] {strides = array<i32>} : memref<40x128xf32, #tpu.memory_space<vmem>>, vector<1x16xf32>,
      %parallel_loop3A_910 = vector.shape_cast %parallel_loop3A_909 : vector<1x16xf32> to vector<16xf32>
      %parallel_loop3A_911 = arith.addf %parallel_loop3A_902, %parallel_loop3A_910 : vector<16xf32>
      %parallel_loop3A_912 = arith.constant 0.000000e+00 : f32
      %parallel_loop3A_913 = vector.broadcast %parallel_loop3A_912 : f32 to vector<16xf32>
      %parallel_loop3A_914 = arith.maximumf %parallel_loop3A_911, %parallel_loop3A_913 : vector<16xf32>
      %parallel_loop3A_915 = arith.constant 0 : i32
      %parallel_loop3A_916 = arith.constant 0 : i32
      %parallel_loop3A_917 = tpu.memref_slice %arg11[%rem3A_656, %parallel_loop3A_915, %parallel_loop3A_916] : memref<4x40x128xf32, #tpu.memory_space<vmem>> -> memref<1x40x128xf32, #tpu.memory_space<vmem>>
      %parallel_loop3A_918 = tpu.memref_squeeze %parallel_loop3A_917 : memref<1x40x128xf32, #tpu.memory_space<vmem>> -> memref<40x128xf32, #tpu.memory_space<vmem>>
      %parallel_loop3A_919 = arith.index_cast %parallel_loop3A_749 : i32 to index
      %parallel_loop3A_920 = arith.constant 80 : index
      %parallel_loop3A_921 = tpu.vector_load %parallel_loop3A_918[%parallel_loop3A_919, %parallel_loop3A_920] {strides = array<i32>} : memref<40x128xf32, #tpu.memory_space<vmem>>, vector<1x16xf32>,
      %parallel_loop3A_922 = vector.shape_cast %parallel_loop3A_921 : vector<1x16xf32> to vector<16xf32>
      %parallel_loop3A_923 = vector.shape_cast %parallel_loop3A_914 : vector<16xf32> to vector<1x16xf32>
      tpu.vector_store %parallel_loop3A_918[%parallel_loop3A_919, %parallel_loop3A_920], %parallel_loop3A_923 {strides = array<i32>} : memref<40x128xf32, #tpu.memory_space<vmem>>, vector<1x16xf32>,
      %parallel_loop3A_924 = arith.constant 0 : i32
      %parallel_loop3A_925 = arith.constant 0 : i32
      %parallel_loop3A_926 = tpu.memref_slice %arg10[%rem3A_653, %parallel_loop3A_924, %parallel_loop3A_925] : memref<2x40x128xf32, #tpu.memory_space<vmem>> -> memref<1x40x128xf32, #tpu.memory_space<vmem>>
      %parallel_loop3A_927 = tpu.memref_squeeze %parallel_loop3A_926 : memref<1x40x128xf32, #tpu.memory_space<vmem>> -> memref<40x128xf32, #tpu.memory_space<vmem>>
      %parallel_loop3A_928 = arith.index_cast %parallel_loop3A_749 : i32 to index
      %parallel_loop3A_929 = arith.constant 96 : index
      %parallel_loop3A_930 = tpu.vector_load %parallel_loop3A_927[%parallel_loop3A_928, %parallel_loop3A_929] {strides = array<i32>} : memref<40x128xf32, #tpu.memory_space<vmem>>, vector<1x16xf32>,
      %parallel_loop3A_931 = vector.shape_cast %parallel_loop3A_930 : vector<1x16xf32> to vector<16xf32>
      %parallel_loop3A_932 = arith.constant 0 : i32
      %parallel_loop3A_933 = arith.constant 0 : i32
      %parallel_loop3A_934 = tpu.memref_slice %arg11[%rem3A_656, %parallel_loop3A_932, %parallel_loop3A_933] : memref<4x40x128xf32, #tpu.memory_space<vmem>> -> memref<1x40x128xf32, #tpu.memory_space<vmem>>
      %parallel_loop3A_935 = tpu.memref_squeeze %parallel_loop3A_934 : memref<1x40x128xf32, #tpu.memory_space<vmem>> -> memref<40x128xf32, #tpu.memory_space<vmem>>
      %parallel_loop3A_936 = arith.index_cast %parallel_loop3A_749 : i32 to index
      %parallel_loop3A_937 = arith.constant 96 : index
      %parallel_loop3A_938 = tpu.vector_load %parallel_loop3A_935[%parallel_loop3A_936, %parallel_loop3A_937] {strides = array<i32>} : memref<40x128xf32, #tpu.memory_space<vmem>>, vector<1x16xf32>,
      %parallel_loop3A_939 = vector.shape_cast %parallel_loop3A_938 : vector<1x16xf32> to vector<16xf32>
      %parallel_loop3A_940 = arith.addf %parallel_loop3A_931, %parallel_loop3A_939 : vector<16xf32>
      %parallel_loop3A_941 = arith.constant 0.000000e+00 : f32
      %parallel_loop3A_942 = vector.broadcast %parallel_loop3A_941 : f32 to vector<16xf32>
      %parallel_loop3A_943 = arith.maximumf %parallel_loop3A_940, %parallel_loop3A_942 : vector<16xf32>
      %parallel_loop3A_944 = arith.constant 0 : i32
      %parallel_loop3A_945 = arith.constant 0 : i32
      %parallel_loop3A_946 = tpu.memref_slice %arg11[%rem3A_656, %parallel_loop3A_944, %parallel_loop3A_945] : memref<4x40x128xf32, #tpu.memory_space<vmem>> -> memref<1x40x128xf32, #tpu.memory_space<vmem>>
      %parallel_loop3A_947 = tpu.memref_squeeze %parallel_loop3A_946 : memref<1x40x128xf32, #tpu.memory_space<vmem>> -> memref<40x128xf32, #tpu.memory_space<vmem>>
      %parallel_loop3A_948 = arith.index_cast %parallel_loop3A_749 : i32 to index
      %parallel_loop3A_949 = arith.constant 96 : index
      %parallel_loop3A_950 = tpu.vector_load %parallel_loop3A_947[%parallel_loop3A_948, %parallel_loop3A_949] {strides = array<i32>} : memref<40x128xf32, #tpu.memory_space<vmem>>, vector<1x16xf32>,
      %parallel_loop3A_951 = vector.shape_cast %parallel_loop3A_950 : vector<1x16xf32> to vector<16xf32>
      %parallel_loop3A_952 = vector.shape_cast %parallel_loop3A_943 : vector<16xf32> to vector<1x16xf32>
      tpu.vector_store %parallel_loop3A_947[%parallel_loop3A_948, %parallel_loop3A_949], %parallel_loop3A_952 {strides = array<i32>} : memref<40x128xf32, #tpu.memory_space<vmem>>, vector<1x16xf32>,
      %parallel_loop3A_953 = arith.constant 0 : i32
      %parallel_loop3A_954 = arith.constant 0 : i32
      %parallel_loop3A_955 = tpu.memref_slice %arg10[%rem3A_653, %parallel_loop3A_953, %parallel_loop3A_954] : memref<2x40x128xf32, #tpu.memory_space<vmem>> -> memref<1x40x128xf32, #tpu.memory_space<vmem>>
      %parallel_loop3A_956 = tpu.memref_squeeze %parallel_loop3A_955 : memref<1x40x128xf32, #tpu.memory_space<vmem>> -> memref<40x128xf32, #tpu.memory_space<vmem>>
      %parallel_loop3A_957 = arith.index_cast %parallel_loop3A_749 : i32 to index
      %parallel_loop3A_958 = arith.constant 112 : index
      %parallel_loop3A_959 = tpu.vector_load %parallel_loop3A_956[%parallel_loop3A_957, %parallel_loop3A_958] {strides = array<i32>} : memref<40x128xf32, #tpu.memory_space<vmem>>, vector<1x16xf32>,
      %parallel_loop3A_960 = vector.shape_cast %parallel_loop3A_959 : vector<1x16xf32> to vector<16xf32>
      %parallel_loop3A_961 = arith.constant 0 : i32
      %parallel_loop3A_962 = arith.constant 0 : i32
      %parallel_loop3A_963 = tpu.memref_slice %arg11[%rem3A_656, %parallel_loop3A_961, %parallel_loop3A_962] : memref<4x40x128xf32, #tpu.memory_space<vmem>> -> memref<1x40x128xf32, #tpu.memory_space<vmem>>
      %parallel_loop3A_964 = tpu.memref_squeeze %parallel_loop3A_963 : memref<1x40x128xf32, #tpu.memory_space<vmem>> -> memref<40x128xf32, #tpu.memory_space<vmem>>
      %parallel_loop3A_965 = arith.index_cast %parallel_loop3A_749 : i32 to index
      %parallel_loop3A_966 = arith.constant 112 : index
      %parallel_loop3A_967 = tpu.vector_load %parallel_loop3A_964[%parallel_loop3A_965, %parallel_loop3A_966] {strides = array<i32>} : memref<40x128xf32, #tpu.memory_space<vmem>>, vector<1x16xf32>,
      %parallel_loop3A_968 = vector.shape_cast %parallel_loop3A_967 : vector<1x16xf32> to vector<16xf32>
      %parallel_loop3A_969 = arith.addf %parallel_loop3A_960, %parallel_loop3A_968 : vector<16xf32>
      %parallel_loop3A_970 = arith.constant 0.000000e+00 : f32
      %parallel_loop3A_971 = vector.broadcast %parallel_loop3A_970 : f32 to vector<16xf32>
      %parallel_loop3A_972 = arith.maximumf %parallel_loop3A_969, %parallel_loop3A_971 : vector<16xf32>
      %parallel_loop3A_973 = arith.constant 0 : i32
      %parallel_loop3A_974 = arith.constant 0 : i32
      %parallel_loop3A_975 = tpu.memref_slice %arg11[%rem3A_656, %parallel_loop3A_973, %parallel_loop3A_974] : memref<4x40x128xf32, #tpu.memory_space<vmem>> -> memref<1x40x128xf32, #tpu.memory_space<vmem>>
      %parallel_loop3A_976 = tpu.memref_squeeze %parallel_loop3A_975 : memref<1x40x128xf32, #tpu.memory_space<vmem>> -> memref<40x128xf32, #tpu.memory_space<vmem>>
      %parallel_loop3A_977 = arith.index_cast %parallel_loop3A_749 : i32 to index
      %parallel_loop3A_978 = arith.constant 112 : index
      %parallel_loop3A_979 = tpu.vector_load %parallel_loop3A_976[%parallel_loop3A_977, %parallel_loop3A_978] {strides = array<i32>} : memref<40x128xf32, #tpu.memory_space<vmem>>, vector<1x16xf32>,
      %parallel_loop3A_980 = vector.shape_cast %parallel_loop3A_979 : vector<1x16xf32> to vector<16xf32>
      %parallel_loop3A_981 = vector.shape_cast %parallel_loop3A_972 : vector<16xf32> to vector<1x16xf32>
      tpu.vector_store %parallel_loop3A_976[%parallel_loop3A_977, %parallel_loop3A_978], %parallel_loop3A_981 {strides = array<i32>} : memref<40x128xf32, #tpu.memory_space<vmem>>, vector<1x16xf32>,
    } {sc.loop_unroll_factor = 4 : i64, sc.parallel_access}
    %rem3A_660 = arith.constant 249 : i32
    %rem3A_661 = arith.constant 4 : i32
    %rem3A_662 = arith.remsi %rem3A_660, %rem3A_661 : i32
    %rem3A_663 = arith.constant 249 : i32
    %rem3A_664 = arith.constant 5 : i32
    %rem3A_665 = arith.remsi %rem3A_663, %rem3A_664 : i32
    %rem3A_666 = arith.constant 249 : i32
    %rem3A_667 = arith.constant 4 : i32
    %rem3A_668 = arith.remsi %rem3A_666, %rem3A_667 : i32
    %dma_start3A_669 = arith.constant 0 : i32
    %dma_start3A_670 = arith.constant 0 : i32
    %dma_start3A_671 = tpu.memref_slice %arg11[%rem3A_662, %dma_start3A_669, %dma_start3A_670] : memref<4x40x128xf32, #tpu.memory_space<vmem>> -> memref<1x40x128xf32, #tpu.memory_space<vmem>>
    %dma_start3A_672 = tpu.memref_squeeze %dma_start3A_671 : memref<1x40x128xf32, #tpu.memory_space<vmem>> -> memref<40x128xf32, #tpu.memory_space<vmem>>
    %dma_start3A_673 = arith.constant 0 : i32
    %dma_start3A_674 = tpu.memref_slice %arg9[%rem3A_665, %dma_start3A_673] : memref<5x40xi32, #tpu.memory_space<vmem>> -> memref<1x40xi32, #tpu.memory_space<vmem>>
    %dma_start3A_675 = tpu.memref_squeeze %dma_start3A_674 : memref<1x40xi32, #tpu.memory_space<vmem>> -> memref<40xi32, #tpu.memory_space<vmem>>
    %dma_start3A_676 = arith.constant 0 : i32
    %dma_start3A_677 = arith.constant 0 : i32
    %dma_start3A_678 = tpu.memref_slice %arg7[%dma_start3A_676, %dma_start3A_677] : memref<10000x128xf32, #tpu.memory_space<vmem_shared>> -> memref<10000x128xf32, #tpu.memory_space<vmem_shared>>
    %dma_start3A_679 = tpu.memref_slice %arg14[%rem3A_668] : memref<4x!tpu.dma_semaphore, #tpu.memory_space<semaphore_mem>> -> memref<1x!tpu.dma_semaphore, #tpu.memory_space<semaphore_mem>>
    %dma_start3A_680 = tpu.memref_squeeze %dma_start3A_679 : memref<1x!tpu.dma_semaphore, #tpu.memory_space<semaphore_mem>> -> memref<!tpu.dma_semaphore, #tpu.memory_space<semaphore_mem>>
    tpu.enqueue_indirect_dma source(%dma_start3A_672 : memref<40x128xf32, #tpu.memory_space<vmem>>) target(%dma_start3A_678 : memref<10000x128xf32, #tpu.memory_space<vmem_shared>>) offsets(%dma_start3A_675 : memref<40xi32, #tpu.memory_space<vmem>>) semaphore(%dma_start3A_680 : memref<!tpu.dma_semaphore, #tpu.memory_space<semaphore_mem>>) {add = true}
    %rem3A_681 = arith.constant 247 : i32
    %rem3A_682 = arith.constant 4 : i32
    %rem3A_683 = arith.remsi %rem3A_681, %rem3A_682 : i32
    %rem3A_684 = arith.constant 247 : i32
    %rem3A_685 = arith.constant 4 : i32
    %rem3A_686 = arith.remsi %rem3A_684, %rem3A_685 : i32
    %dma_wait3A_687 = arith.constant 0 : i32
    %dma_wait3A_688 = arith.constant 0 : i32
    %dma_wait3A_689 = tpu.memref_slice %arg11[%rem3A_683, %dma_wait3A_687, %dma_wait3A_688] : memref<4x40x128xf32, #tpu.memory_space<vmem>> -> memref<1x40x128xf32, #tpu.memory_space<vmem>>
    %dma_wait3A_690 = tpu.memref_squeeze %dma_wait3A_689 : memref<1x40x128xf32, #tpu.memory_space<vmem>> -> memref<40x128xf32, #tpu.memory_space<vmem>>
    %dma_wait3A_691 = arith.constant 0 : i32
    %dma_wait3A_692 = tpu.memref_slice %arg5[%mul3A_2, %dma_wait3A_691] : memref<320000x128xf32, #tpu.memory_space<hbm>> -> memref<40x128xf32, #tpu.memory_space<hbm>>
    %dma_wait3A_693 = tpu.memref_slice %arg14[%rem3A_686] : memref<4x!tpu.dma_semaphore, #tpu.memory_space<semaphore_mem>> -> memref<1x!tpu.dma_semaphore, #tpu.memory_space<semaphore_mem>>
    %dma_wait3A_694 = tpu.memref_squeeze %dma_wait3A_693 : memref<1x!tpu.dma_semaphore, #tpu.memory_space<semaphore_mem>> -> memref<!tpu.dma_semaphore, #tpu.memory_space<semaphore_mem>>
    %dma_wait3A_695 = arith.constant 0 : i32
    %dma_wait3A_696 = arith.constant 0 : i32
    %dma_wait3A_697 = tpu.memref_slice %arg11[%rem3A_683, %dma_wait3A_695, %dma_wait3A_696] : memref<4x40x128xf32, #tpu.memory_space<vmem>> -> memref<1x40x128xf32, #tpu.memory_space<vmem>>
    %dma_wait3A_698 = tpu.memref_squeeze %dma_wait3A_697 : memref<1x40x128xf32, #tpu.memory_space<vmem>> -> memref<40x128xf32, #tpu.memory_space<vmem>>
    %dma_wait3A_699 = arith.constant 0 : i32
    %dma_wait3A_700 = tpu.memref_slice %arg5[%mul3A_2, %dma_wait3A_699] : memref<320000x128xf32, #tpu.memory_space<hbm>> -> memref<40x128xf32, #tpu.memory_space<hbm>>
    tpu.wait_dma2 semaphore(%dma_wait3A_694 : memref<!tpu.dma_semaphore, #tpu.memory_space<semaphore_mem>>) src(%dma_wait3A_700 : memref<40x128xf32, #tpu.memory_space<hbm>>) dst(%dma_wait3A_698 : memref<40x128xf32, #tpu.memory_space<vmem>>)
    %rem3A_701 = arith.constant 248 : i32
    %rem3A_702 = arith.constant 4 : i32
    %rem3A_703 = arith.remsi %rem3A_701, %rem3A_702 : i32
    %rem3A_704 = arith.constant 248 : i32
    %rem3A_705 = arith.constant 4 : i32
    %rem3A_706 = arith.remsi %rem3A_704, %rem3A_705 : i32
    %dma_wait3A_707 = arith.constant 0 : i32
    %dma_wait3A_708 = arith.constant 0 : i32
    %dma_wait3A_709 = tpu.memref_slice %arg11[%rem3A_703, %dma_wait3A_707, %dma_wait3A_708] : memref<4x40x128xf32, #tpu.memory_space<vmem>> -> memref<1x40x128xf32, #tpu.memory_space<vmem>>
    %dma_wait3A_710 = tpu.memref_squeeze %dma_wait3A_709 : memref<1x40x128xf32, #tpu.memory_space<vmem>> -> memref<40x128xf32, #tpu.memory_space<vmem>>
    %dma_wait3A_711 = arith.constant 0 : i32
    %dma_wait3A_712 = tpu.memref_slice %arg5[%mul3A_2, %dma_wait3A_711] : memref<320000x128xf32, #tpu.memory_space<hbm>> -> memref<40x128xf32, #tpu.memory_space<hbm>>
    %dma_wait3A_713 = tpu.memref_slice %arg14[%rem3A_706] : memref<4x!tpu.dma_semaphore, #tpu.memory_space<semaphore_mem>> -> memref<1x!tpu.dma_semaphore, #tpu.memory_space<semaphore_mem>>
    %dma_wait3A_714 = tpu.memref_squeeze %dma_wait3A_713 : memref<1x!tpu.dma_semaphore, #tpu.memory_space<semaphore_mem>> -> memref<!tpu.dma_semaphore, #tpu.memory_space<semaphore_mem>>
    %dma_wait3A_715 = arith.constant 0 : i32
    %dma_wait3A_716 = arith.constant 0 : i32
    %dma_wait3A_717 = tpu.memref_slice %arg11[%rem3A_703, %dma_wait3A_715, %dma_wait3A_716] : memref<4x40x128xf32, #tpu.memory_space<vmem>> -> memref<1x40x128xf32, #tpu.memory_space<vmem>>
    %dma_wait3A_718 = tpu.memref_squeeze %dma_wait3A_717 : memref<1x40x128xf32, #tpu.memory_space<vmem>> -> memref<40x128xf32, #tpu.memory_space<vmem>>
    %dma_wait3A_719 = arith.constant 0 : i32
    %dma_wait3A_720 = tpu.memref_slice %arg5[%mul3A_2, %dma_wait3A_719] : memref<320000x128xf32, #tpu.memory_space<hbm>> -> memref<40x128xf32, #tpu.memory_space<hbm>>
    tpu.wait_dma2 semaphore(%dma_wait3A_714 : memref<!tpu.dma_semaphore, #tpu.memory_space<semaphore_mem>>) src(%dma_wait3A_720 : memref<40x128xf32, #tpu.memory_space<hbm>>) dst(%dma_wait3A_718 : memref<40x128xf32, #tpu.memory_space<vmem>>)
    %rem3A_721 = arith.constant 249 : i32
    %rem3A_722 = arith.constant 4 : i32
    %rem3A_723 = arith.remsi %rem3A_721, %rem3A_722 : i32
    %rem3A_724 = arith.constant 249 : i32
    %rem3A_725 = arith.constant 4 : i32
    %rem3A_726 = arith.remsi %rem3A_724, %rem3A_725 : i32
    %dma_wait3A_727 = arith.constant 0 : i32
    %dma_wait3A_728 = arith.constant 0 : i32
    %dma_wait3A_729 = tpu.memref_slice %arg11[%rem3A_723, %dma_wait3A_727, %dma_wait3A_728] : memref<4x40x128xf32, #tpu.memory_space<vmem>> -> memref<1x40x128xf32, #tpu.memory_space<vmem>>
    %dma_wait3A_730 = tpu.memref_squeeze %dma_wait3A_729 : memref<1x40x128xf32, #tpu.memory_space<vmem>> -> memref<40x128xf32, #tpu.memory_space<vmem>>
    %dma_wait3A_731 = arith.constant 0 : i32
    %dma_wait3A_732 = tpu.memref_slice %arg5[%mul3A_2, %dma_wait3A_731] : memref<320000x128xf32, #tpu.memory_space<hbm>> -> memref<40x128xf32, #tpu.memory_space<hbm>>
    %dma_wait3A_733 = tpu.memref_slice %arg14[%rem3A_726] : memref<4x!tpu.dma_semaphore, #tpu.memory_space<semaphore_mem>> -> memref<1x!tpu.dma_semaphore, #tpu.memory_space<semaphore_mem>>
    %dma_wait3A_734 = tpu.memref_squeeze %dma_wait3A_733 : memref<1x!tpu.dma_semaphore, #tpu.memory_space<semaphore_mem>> -> memref<!tpu.dma_semaphore, #tpu.memory_space<semaphore_mem>>
    %dma_wait3A_735 = arith.constant 0 : i32
    %dma_wait3A_736 = arith.constant 0 : i32
    %dma_wait3A_737 = tpu.memref_slice %arg11[%rem3A_723, %dma_wait3A_735, %dma_wait3A_736] : memref<4x40x128xf32, #tpu.memory_space<vmem>> -> memref<1x40x128xf32, #tpu.memory_space<vmem>>
    %dma_wait3A_738 = tpu.memref_squeeze %dma_wait3A_737 : memref<1x40x128xf32, #tpu.memory_space<vmem>> -> memref<40x128xf32, #tpu.memory_space<vmem>>
    %dma_wait3A_739 = arith.constant 0 : i32
    %dma_wait3A_740 = tpu.memref_slice %arg5[%mul3A_2, %dma_wait3A_739] : memref<320000x128xf32, #tpu.memory_space<hbm>> -> memref<40x128xf32, #tpu.memory_space<hbm>>
    tpu.wait_dma2 semaphore(%dma_wait3A_734 : memref<!tpu.dma_semaphore, #tpu.memory_space<semaphore_mem>>) src(%dma_wait3A_740 : memref<40x128xf32, #tpu.memory_space<hbm>>) dst(%dma_wait3A_738 : memref<40x128xf32, #tpu.memory_space<vmem>>)
    %barrier3A_741 = arith.constant 0 : index
    tpu.barrier barrier_id(%barrier3A_741)
    %lt3A = arith.constant 15 : i32
    %lt3A_742 = arith.cmpi slt, %arg1, %lt3A : i32
    %convert_element_type3A = arith.extui %lt3A_742 : i1 to i32
    %cond3A = arith.constant 0 : i32
    %cond3A_743 = arith.cmpi ne, %convert_element_type3A, %cond3A : i32
    scf.if %cond3A_743 {
      %mul3A_749 = arith.constant 640 : i32
      %mul3A_750 = arith.muli %arg1, %mul3A_749 : i32
      %mul3A_751 = arith.constant 10000 : i32
      %mul3A_752 = arith.muli %arg0, %mul3A_751 : i32
      %mul3A_753 = arith.constant 640 : i32
      %mul3A_754 = arith.muli %arg1, %mul3A_753 : i32
      %add3A_755 = arith.addi %mul3A_752, %mul3A_754 : i32
      "tpu.region"() ({
        %run_scoped3A = tpu.sem_alloc : memref<!tpu.dma_semaphore, #tpu.memory_space<semaphore_mem>>
        %dma_start3A_756 = arith.constant 0 : i32
        %dma_start3A_757 = tpu.memref_slice %arg6[%add3A_755, %dma_start3A_756] : memref<20000x128xf32, #tpu.memory_space<hbm>> -> memref<640x128xf32, #tpu.memory_space<hbm>>
        %dma_start3A_758 = arith.constant 0 : i32
        %dma_start3A_759 = tpu.memref_slice %arg7[%mul3A_750, %dma_start3A_758] : memref<10000x128xf32, #tpu.memory_space<vmem_shared>> -> memref<640x128xf32, #tpu.memory_space<vmem_shared>>
        tpu.enqueue_dma source(%dma_start3A_759 : memref<640x128xf32, #tpu.memory_space<vmem_shared>>) target(%dma_start3A_757 : memref<640x128xf32, #tpu.memory_space<hbm>>) target_semaphore(%run_scoped3A : memref<!tpu.dma_semaphore, #tpu.memory_space<semaphore_mem>>)
        %dma_wait3A_760 = arith.constant 0 : i32
        %dma_wait3A_761 = tpu.memref_slice %arg6[%add3A_755, %dma_wait3A_760] : memref<20000x128xf32, #tpu.memory_space<hbm>> -> memref<640x128xf32, #tpu.memory_space<hbm>>
        %dma_wait3A_762 = arith.constant 0 : i32
        %dma_wait3A_763 = tpu.memref_slice %arg7[%mul3A_750, %dma_wait3A_762] : memref<10000x128xf32, #tpu.memory_space<vmem_shared>> -> memref<640x128xf32, #tpu.memory_space<vmem_shared>>
        tpu.wait_dma2 semaphore(%run_scoped3A : memref<!tpu.dma_semaphore, #tpu.memory_space<semaphore_mem>>) src(%dma_wait3A_763 : memref<640x128xf32, #tpu.memory_space<vmem_shared>>) dst(%dma_wait3A_761 : memref<640x128xf32, #tpu.memory_space<hbm>>)
        tpu.yield
      }) : () -> ()
    } else {
    }
    %eq3A_744 = arith.constant 15 : i32
    %eq3A_745 = arith.cmpi eq, %arg1, %eq3A_744 : i32
    %convert_element_type3A_746 = arith.extui %eq3A_745 : i1 to i32
    %cond3A_747 = arith.constant 0 : i32
    %cond3A_748 = arith.cmpi ne, %convert_element_type3A_746, %cond3A_747 : i32
    scf.if %cond3A_748 {
      %mul3A_749 = arith.constant 10000 : i32
      %mul3A_750 = arith.muli %arg0, %mul3A_749 : i32
      %add3A_751 = arith.constant 9600 : i32
      %add3A_752 = arith.addi %mul3A_750, %add3A_751 : i32
      "tpu.region"() ({
        %run_scoped3A = tpu.sem_alloc : memref<!tpu.dma_semaphore, #tpu.memory_space<semaphore_mem>>
        %dma_start3A_753 = arith.constant 0 : i32
        %dma_start3A_754 = tpu.memref_slice %arg6[%add3A_752, %dma_start3A_753] : memref<20000x128xf32, #tpu.memory_space<hbm>> -> memref<400x128xf32, #tpu.memory_space<hbm>>
        %dma_start3A_755 = arith.constant 9600 : i32
        %dma_start3A_756 = arith.constant 0 : i32
        %dma_start3A_757 = tpu.memref_slice %arg7[%dma_start3A_755, %dma_start3A_756] : memref<10000x128xf32, #tpu.memory_space<vmem_shared>> -> memref<400x128xf32, #tpu.memory_space<vmem_shared>>
        tpu.enqueue_dma source(%dma_start3A_757 : memref<400x128xf32, #tpu.memory_space<vmem_shared>>) target(%dma_start3A_754 : memref<400x128xf32, #tpu.memory_space<hbm>>) target_semaphore(%run_scoped3A : memref<!tpu.dma_semaphore, #tpu.memory_space<semaphore_mem>>)
        %dma_wait3A_758 = arith.constant 0 : i32
        %dma_wait3A_759 = tpu.memref_slice %arg6[%add3A_752, %dma_wait3A_758] : memref<20000x128xf32, #tpu.memory_space<hbm>> -> memref<400x128xf32, #tpu.memory_space<hbm>>
        %dma_wait3A_760 = arith.constant 9600 : i32
        %dma_wait3A_761 = arith.constant 0 : i32
        %dma_wait3A_762 = tpu.memref_slice %arg7[%dma_wait3A_760, %dma_wait3A_761] : memref<10000x128xf32, #tpu.memory_space<vmem_shared>> -> memref<400x128xf32, #tpu.memory_space<vmem_shared>>
        tpu.wait_dma2 semaphore(%run_scoped3A : memref<!tpu.dma_semaphore, #tpu.memory_space<semaphore_mem>>) src(%dma_wait3A_762 : memref<400x128xf32, #tpu.memory_space<vmem_shared>>) dst(%dma_wait3A_759 : memref<400x128xf32, #tpu.memory_space<hbm>>)
        tpu.yield
      }) : () -> ()
    } else {
    }
    return
  }
}

module attributes {stable_mosaic.version = 14 : i64} {
  func.func @_mlp_body(%arg0: i32, %arg1: memref<1xf32, #tpu.memory_space<smem>>, %arg2: memref<2000x128xf32, #tpu.memory_space<vmem>>, %arg3: memref<2000x128xf32, #tpu.memory_space<vmem>>, %arg4: memref<2000x128xf32, #tpu.memory_space<vmem>>, %arg5: memref<128x128xf32, #tpu.memory_space<vmem>>, %arg6: memref<1x128xf32, #tpu.memory_space<vmem>>, %arg7: memref<128x128xf32, #tpu.memory_space<vmem>>, %arg8: memref<1x128xf32, #tpu.memory_space<vmem>>, %arg9: memref<2000x128xf32, #tpu.memory_space<vmem>>) attributes {dimension_semantics = [#tpu.dimension_semantics<arbitrary>], iteration_bounds = array<i64: 5>, scalar_prefetch = 0 : i64, scratch_operands = 0 : i64, tpu.core_type = #tpu.core_type<tc>, window_params = [{transform_indices = @transform_0, window_bounds = array<i64: 1>}, {transform_indices = @transform_1, window_bounds = array<i64: 2000, 128>}, {transform_indices = @transform_2, window_bounds = array<i64: 2000, 128>}, {transform_indices = @transform_3, window_bounds = array<i64: 2000, 128>}, {pipeline_mode = #tpu.pipeline_mode<synchronous>, transform_indices = @transform_4, window_bounds = array<i64: 128, 128>}, {pipeline_mode = #tpu.pipeline_mode<synchronous>, transform_indices = @transform_5, window_bounds = array<i64: 1, 128>}, {pipeline_mode = #tpu.pipeline_mode<synchronous>, transform_indices = @transform_6, window_bounds = array<i64: 128, 128>}, {pipeline_mode = #tpu.pipeline_mode<synchronous>, transform_indices = @transform_7, window_bounds = array<i64: 1, 128>}, {transform_indices = @transform_8, window_bounds = array<i64: 2000, 128>}]} {
    %get3A = arith.constant 0 : index
    %get3A_0 = memref.load %arg1[%get3A] : memref<1xf32, #tpu.memory_space<smem>>
    %add3A = arith.constant 1.000000e+00 : f32
    %add3A_1 = arith.addf %add3A, %get3A_0 : f32
    %get3A_2 = arith.constant 0 : index
    %get3A_3 = arith.constant 0 : index
    %get3A_4 = vector.load %arg2[%get3A_2, %get3A_3] : memref<2000x128xf32, #tpu.memory_space<vmem>>, vector<2000x128xf32>
    %mul3A = vector.broadcast %add3A_1 : f32 to vector<2000x128xf32>
    %mul3A_5 = arith.mulf %mul3A, %get3A_4 : vector<2000x128xf32>
    %get3A_6 = arith.constant 0 : index
    %get3A_7 = arith.constant 0 : index
    %get3A_8 = vector.load %arg3[%get3A_6, %get3A_7] : memref<2000x128xf32, #tpu.memory_space<vmem>>, vector<2000x128xf32>
    %add3A_9 = arith.addf %mul3A_5, %get3A_8 : vector<2000x128xf32>
    %get3A_10 = arith.constant 0 : index
    %get3A_11 = arith.constant 0 : index
    %get3A_12 = vector.load %arg4[%get3A_10, %get3A_11] : memref<2000x128xf32, #tpu.memory_space<vmem>>, vector<2000x128xf32>
    %add3A_13 = arith.addf %add3A_9, %get3A_12 : vector<2000x128xf32>
    %get3A_14 = arith.constant 0 : index
    %get3A_15 = arith.constant 0 : index
    %get3A_16 = vector.load %arg5[%get3A_14, %get3A_15] : memref<128x128xf32, #tpu.memory_space<vmem>>, vector<128x128xf32>
    %dot_general3A = arith.constant dense<0.000000e+00> : vector<2000x128xf32>
    %dot_general3A_17 = tpu.matmul %add3A_13, %get3A_16, %dot_general3A {dimension_numbers = #tpu.dot_dimension_numbers<[1], [0], [0], [1], [0, 0, 1, 1], [], []>, transpose_lhs_hint = false} : vector<2000x128xf32>, vector<128x128xf32>, vector<2000x128xf32> -> vector<2000x128xf32>
    %get3A_18 = arith.constant 0 : index
    %get3A_19 = arith.constant 0 : index
    %get3A_20 = vector.load %arg6[%get3A_18, %get3A_19] : memref<1x128xf32, #tpu.memory_space<vmem>>, vector<1x128xf32>
    %add3A_21 = vector.broadcast %get3A_20 : vector<1x128xf32> to vector<2000x128xf32>
    %add3A_22 = arith.addf %dot_general3A_17, %add3A_21 : vector<2000x128xf32>
    %max3A = arith.constant 0.000000e+00 : f32
    %max3A_23 = vector.broadcast %max3A : f32 to vector<2000x128xf32>
    %max3A_24 = arith.maximumf %add3A_22, %max3A_23 : vector<2000x128xf32>
    %get3A_25 = arith.constant 0 : index
    %get3A_26 = arith.constant 0 : index
    %get3A_27 = vector.load %arg7[%get3A_25, %get3A_26] : memref<128x128xf32, #tpu.memory_space<vmem>>, vector<128x128xf32>
    %dot_general3A_28 = arith.constant dense<0.000000e+00> : vector<2000x128xf32>
    %dot_general3A_29 = tpu.matmul %max3A_24, %get3A_27, %dot_general3A_28 {dimension_numbers = #tpu.dot_dimension_numbers<[1], [0], [0], [1], [0, 0, 1, 1], [], []>, transpose_lhs_hint = false} : vector<2000x128xf32>, vector<128x128xf32>, vector<2000x128xf32> -> vector<2000x128xf32>
    %get3A_30 = arith.constant 0 : index
    %get3A_31 = arith.constant 0 : index
    %get3A_32 = vector.load %arg8[%get3A_30, %get3A_31] : memref<1x128xf32, #tpu.memory_space<vmem>>, vector<1x128xf32>
    %add3A_33 = vector.broadcast %get3A_32 : vector<1x128xf32> to vector<2000x128xf32>
    %add3A_34 = arith.addf %dot_general3A_29, %add3A_33 : vector<2000x128xf32>
    %swap3A = arith.constant 0 : index
    %swap3A_35 = arith.constant 0 : index
    %swap3A_36 = vector.load %arg9[%swap3A, %swap3A_35] : memref<2000x128xf32, #tpu.memory_space<vmem>>, vector<2000x128xf32>
    tpu.vector_store %arg9[%swap3A, %swap3A_35], %add3A_34 {strides = array<i32>} : memref<2000x128xf32, #tpu.memory_space<vmem>>, vector<2000x128xf32>,
    return
  }
  func.func @transform_0(%arg0: i32) -> i32 {
    %c0_i32 = arith.constant 0 : i32
    %c0_i32_0 = arith.constant 0 : i32
    return %c0_i32 : i32
  }
  func.func @transform_1(%arg0: i32) -> (i32, i32) {
    %c0_i32 = arith.constant 0 : i32
    %c0_i32_0 = arith.constant 0 : i32
    return %arg0, %c0_i32 : i32, i32
  }
  func.func @transform_2(%arg0: i32) -> (i32, i32) {
    %c0_i32 = arith.constant 0 : i32
    %c0_i32_0 = arith.constant 0 : i32
    return %arg0, %c0_i32 : i32, i32
  }
  func.func @transform_3(%arg0: i32) -> (i32, i32) {
    %add3A = arith.constant 5 : i32
    %add3A_0 = arith.addi %arg0, %add3A : i32
    %c0_i32 = arith.constant 0 : i32
    %c0_i32_1 = arith.constant 0 : i32
    return %add3A_0, %c0_i32 : i32, i32
  }
  func.func @transform_4(%arg0: i32) -> (i32, i32) {
    %c0_i32 = arith.constant 0 : i32
    %c0_i32_0 = arith.constant 0 : i32
    %c0_i32_1 = arith.constant 0 : i32
    return %c0_i32, %c0_i32_0 : i32, i32
  }
  func.func @transform_5(%arg0: i32) -> (i32, i32) {
    %c0_i32 = arith.constant 0 : i32
    %c0_i32_0 = arith.constant 0 : i32
    %c0_i32_1 = arith.constant 0 : i32
    return %c0_i32, %c0_i32_0 : i32, i32
  }
  func.func @transform_6(%arg0: i32) -> (i32, i32) {
    %c0_i32 = arith.constant 0 : i32
    %c0_i32_0 = arith.constant 0 : i32
    %c0_i32_1 = arith.constant 0 : i32
    return %c0_i32, %c0_i32_0 : i32, i32
  }
  func.func @transform_7(%arg0: i32) -> (i32, i32) {
    %c0_i32 = arith.constant 0 : i32
    %c0_i32_0 = arith.constant 0 : i32
    %c0_i32_1 = arith.constant 0 : i32
    return %c0_i32, %c0_i32_0 : i32, i32
  }
  func.func @transform_8(%arg0: i32) -> (i32, i32) {
    %c0_i32 = arith.constant 0 : i32
    %c0_i32_0 = arith.constant 0 : i32
    return %arg0, %c0_i32 : i32, i32
  }
}

</mosaic_0001>

<sc_bundles>
// kernel: kernel.4.cloned.1.call-start
scs
__scs_entry_jumppad:
0x0: {  	(pc) =	sbr.rel $0x88, $3  }
0x1: {  	(tag) =	ssettag $0x0;
	lr =	simm.s32 $0x1  }
0x2: {  	[smem:$0x3F99] =	sst lr;
	_ =	strace $0xD0000000  }
0x3: {  	_ = 	snop  }
0x4: {  	_ = 	snop  }
0x5: {  	_ = 	snop  }
0x6: {  	_ = 	snop  }
0x7: {  	_ = 	snop  }
__scs_overlays_trampoline_lowered:
0x8: {  	[smem:$0x3FA8] =	sst s0  }
0x9: {  	[smem:$0x3FA9] =	sst s1  }
0xa: {  	[smem:$0x3FAA] =	sst s2  }
0xb: {  	[smem:$0x3FAB] =	sst s3  }
0xc: {  	[smem:$0x3FAC] =	sst s4  }
0xd: {  	[smem:$0x3FAD] =	sst s5  }
0xe: {  	[smem:$0x3FAE] =	sst s6  }
0xf: {  	[smem:$0x3FAF] =	sst s7  }
0x10: {  	[smem:$0x3FB0] =	sst s8  }
0x11: {  	[smem:$0x3FB1] =	sst s9;
	s0 =	simm.s32 @!p0 $0x0  }
0x12: {  	s1 =	sld [smem:$0x3F97];
	s0 =	simm.s32 @p0 $0x1  }
0x13: {  	[smem:$0x3FB2] =	sst s0;
	s0 =	simm.s32 @!p1 $0x0  }
0x14: {  	s2 =	sld [smem:$0x3F96];
	s0 =	simm.s32 @p1 $0x1  }
0x15: {  	[smem:$0x3FB3] =	sst s0;
	s0 =	simm.s32 @!p2 $0x0  }
0x16: {  	s3 =	sld [smem:$0x3FDB];
	s0 =	simm.s32 @p2 $0x1  }
0x17: {  	s4 =	simm.s32 $0x1BF5;
	[smem:$0x3FB5] =	sst s0  }
0x18: {  	s0 =	sld [smem:$0x3F98];
	_ =	swait.ge [sflag:s4], $0x0  }
0x19: {  	s7 =	sld [smem:$0x3F99]  }
0x1a: {  	s8 =	sadd.s32 $0xFFFFE003, lr  }
0x1b: {  	s9 =	sadd.s32 $0xFFFFFEF7, lr;
	s5 =	simm.s32 $0xFFFFFFFF;
	p2 =	slt.u32 s8, $0xFFFFF086  }
0x1c: {  	p1 =	slt.u32 s9, $0xF7A;
	s5 =	simm.s32 @!p2 $0x0  }
0x1d: {  	s5 =	simm.s32 @p1 $0x1;
	p0 =	seq.s32 s7, s2  }
0x1e: {  	s7 =	smul.u32 @!p0 $0xF7A, s2;
	p2 =	seq.s32 @!p0 s5, $0x0  }
0x1f: {  	s9 =	smul.u32 $0xF7A, s1;
	s8 =	simm.s32 @!p0 $0x1BF5;
	p2 =	por !p2, p0  }
0x20: {  	[sflag:s8] =	ssyncset.s32 @!p0 $0xFFFFF086;
	s6 =	sadd.s32 @!p0 s3, s7;
	s7 =	simm.s32 @!p0 $0x108  }
0x21: {  	s3 =	sadd.s32 s3, s9;
	s6 =	sadd.s32 @!p0 $0x88, s6;
	s7 =	simm.s32 @p2 $0x1082  }
0x22: {  	[simem:s7], [sflag:s8] =	dma.local @!p0 [hbm:s6], $0xF7A  }
0x23: {  	s9 =	sor.u32 $0xD0000000, s2;
	s6 =	simm.s32 $0x108;
	_ =	swait.ge @!p0 [sflag:s8], $0x0  }
0x24: {  	s3 =	sadd.s32 $0x88, s3;
	s6 =	simm.s32 @!p1 $0x1082;
	[sflag:s4] =	ssyncset.s32 $0xFFFFF086  }
0x25: {  	[simem:s6], [sflag:s4] =	dma.local [hbm:s3], $0xF7A  }
0x26: {  	[smem:$0x3F99] =	sst s1;
	(tag) =	ssettag s2;
	_ =	strace s9  }
0x27: {  	s1 =	sld [smem:$0x3FA9]  }
0x28: {  	s2 =	sld [smem:$0x3FAA]  }
0x29: {  	s4 =	sld [smem:$0x3FAC]  }
0x2a: {  	p0 =	seq.s32 s5, $0x0;
	s5 =	sld [smem:$0x3FAD]  }
0x2b: {  	s6 =	sld [smem:$0x3FAE]  }
0x2c: {  	s7 =	sld [smem:$0x3FAF]  }
0x2d: {  	s3 =	simm.s32 $0x108;
	s8 =	sld [smem:$0x3FB0]  }
0x2e: {  	s3 =	simm.s32 @!p0 $0x1082;
	s9 =	sld [smem:$0x3FB1]  }
0x2f: {  	lr =	sadd.s32 s0, s3;
	s0 =	sld [smem:$0x3FA8]  }
0x30: {  	s3 =	sld [smem:$0x3FAB]  }
0x31: {  	[smem:$0x3FB4] =	sst s10  }
0x32: {  	s10 =	sld [smem:$0x3FB2];
	_ =	sdelay $0x3  }
0x33: {  	p0 =	seq.s32 s10, $0x1;
	s10 =	sld [smem:$0x3FB4];
	_ =	sdelay $0x3  }
0x34: {  	[smem:$0x3FB4] =	sst s10  }
0x35: {  	s10 =	sld [smem:$0x3FB3];
	_ =	sdelay $0x3  }
0x36: {  	p1 =	seq.s32 s10, $0x1;
	s10 =	sld [smem:$0x3FB4];
	_ =	sdelay $0x3  }
0x37: {  	[smem:$0x3FB4] =	sst s10  }
0x38: {  	s10 =	sld [smem:$0x3FB5]  }
0x39: {  	_ = 	snop;
	(pc) =	sbr.ind lr, $3  }
0x3a: {  	_ = 	snop  }
0x3b: {  	_ = 	snop  }
0x3c: {  	p2 =	seq.s32 s10, $0x1;
	s10 =	sld [smem:$0x3FB4]  }
0x3d: {  	_ =	shalt  }
0x3e: {  	_ =	shalt  }
0x3f: {  	_ =	shalt  }
0x40: {  	_ =	shalt  }
0x41: {  	_ =	shalt  }
0x42: {  	_ =	shalt  }
0x43: {  	_ =	shalt  }
0x44: {  	_ =	shalt  }
0x45: {  	_ =	shalt  }
0x46: {  	_ =	shalt  }
0x47: {  	_ =	shalt  }
0x48: {  	_ =	shalt  }
0x49: {  	_ =	shalt  }
0x4a: {  	_ =	shalt  }
0x4b: {  	_ =	shalt  }
0x4c: {  	_ =	shalt  }
0x4d: {  	_ =	shalt  }
0x4e: {  	_ =	shalt  }
0x4f: {  	_ =	shalt  }
0x50: {  	_ =	shalt  }
0x51: {  	_ =	shalt  }
0x52: {  	_ =	shalt  }
0x53: {  	_ =	shalt  }
0x54: {  	_ =	shalt  }
0x55: {  	_ =	shalt  }
0x56: {  	_ =	shalt  }
0x57: {  	_ =	shalt  }
0x58: {  	_ =	shalt  }
0x59: {  	_ =	shalt  }
0x5a: {  	_ =	shalt  }
0x5b: {  	_ =	shalt  }
0x5c: {  	_ =	shalt  }
0x5d: {  	_ =	shalt  }
0x5e: {  	_ =	shalt  }
0x5f: {  	_ =	shalt  }
0x60: {  	_ =	shalt  }
0x61: {  	_ =	shalt  }
0x62: {  	_ =	shalt  }
0x63: {  	_ =	shalt  }
0x64: {  	_ =	shalt  }
0x65: {  	_ =	shalt  }
0x66: {  	_ =	shalt  }
0x67: {  	_ =	shalt  }
0x68: {  	_ =	shalt  }
0x69: {  	_ =	shalt  }
0x6a: {  	_ =	shalt  }
0x6b: {  	_ =	shalt  }
0x6c: {  	_ =	shalt  }
0x6d: {  	_ =	shalt  }
0x6e: {  	_ =	shalt  }
0x6f: {  	_ =	shalt  }
0x70: {  	_ =	shalt  }
0x71: {  	_ =	shalt  }
0x72: {  	_ =	shalt  }
0x73: {  	_ =	shalt  }
0x74: {  	_ =	shalt  }
0x75: {  	_ =	shalt  }
0x76: {  	_ =	shalt  }
0x77: {  	_ =	shalt  }
0x78: {  	_ =	shalt  }
0x79: {  	_ =	shalt  }
0x7a: {  	_ =	shalt  }
0x7b: {  	_ =	shalt  }
0x7c: {  	_ =	shalt  }
0x7d: {  	_ =	shalt  }
0x7e: {  	_ =	shalt  }
0x7f: {  	_ =	shalt  }
0x80: {  	_ =	shalt  }
0x81: {  	_ =	shalt  }
0x82: {  	_ =	shalt  }
0x83: {  	_ =	shalt  }
0x84: {  	_ =	shalt  }
0x85: {  	_ =	shalt  }
0x86: {  	_ =	shalt  }
0x87: {  	_ =	shalt  }
.Lfunc_end0:
.L_simem_size_0:
called_computation_lowered:
.L_overlay_start_0:
0x88: {  	s2 =	sld [smem:$0x3FD9]  }
0x89: {  	s3 =	sld [smem:$0x3FFE];
	_ =	sdelay $0x1  }
0x8a: {  	s1 =	srdreg.scid  }
0x8b: {  	s0 =	sand.u32 $0x1, s1  }
0x8c: {  	s17 =	sshll.u32 s0, $0xA;
	s2 =	sadd.s32 s3, s2  }
0x8d: {  	s2 =	sadd.s32 s2, s17  }
0x8e: {  	[smem:$0x3FC0] =	sst s2  }
0x8f: {  	_ = 	snop  }
0x90: {  	s2 =	sld [smem:$0x3FC9]  }
0x91: {  	s18 =	sld [smem:$0x3FC7]  }
0x92: {  	s4 =	sld [smem:$0x3FD0];
	(tm) =	ssettm $0x1  }
0x93: {  	s5 =	sld [smem:$0x3FFB];
	_ =	sdelay $0x3  }
0x94: {  	_ =	strace s5  }
0x95: {  	s5 =	sld [smem:$0x3FFC];
	_ =	sdelay $0x3  }
0x96: {  	_ =	strace s5  }
0x97: {  	s5 =	sld [smem:$0x3FFD];
	_ =	sdelay $0x3  }
0x98: {  	_ =	strace s5  }
0x99: {  	_ =	strace $0x8FFFFFFF  }
0x9a: {  	s19 =	sld [smem:$0x3FDB];
	_ =	sdelay $0x1  }
0x9b: {  	s6 =	simm.s32 $_scs_section_size  }
0x9c: {  	s7 =	simm.s32 $_size__tile_overlayer_lowered;
	s8 =	simm.s32 $_tile_overlayer_lowered  }
0x9d: {  	s22 =	simm.s32 $0x1BFF;
	s21 =	sshll.u32 s8, $0x1;
	s5 =	sadd.s32 s6, s19  }
0x9e: {  	s9 =	simm.s32 $0x0;
	s20 =	sshll.u32 s7, $0x1;
	s7 =	sadd.s32 s21, s5  }
0x9f: {  	[timem:s9], [sflag:s22] =	dma.local [hbm:s7], s20  }
0xa0: {  	_ =	swait.ge [sflag:s22], s20  }
0xa1: {  	s6 =	ssub.s32 $0x0, s20;
	[sflag:s22] =	ssyncset.done $0x0  }
0xa2: {  	[sflag:s22] =	ssyncadd.s32 s6;
	_ =	sdelay $0x1  }
0xa3: {  	s23 =	simm.s32 $0x1B8B  }
0xa4: {  	_ =	swait.ge [sflag:s23], $0x1  }
0xa5: {  	[sflag:s23] =	ssyncset.done $0x0  }
0xa6: {  	s25 =	simm.s32 $0x1B8E;
	s24 =	sld [smem:$0x3FFE];
	[sflag:s23] =	ssyncadd.s32 $0xFFFFFFFF  }
0xa7: {  	s26 =	simm.s32 $execute0_lowered;
	[smem:$0x3FD2] =	sst s25  }
0xa8: {  	s7 =	sshll.u32 s26, $0x1;
	_ =	strace $0x80000046;
	[dreg:$0x1] =	wrdreg $0xFFFFFFFF  }
0xa9: {  	s28 =	simm.s32 $_size_execute0_lowered;
	s5 =	sadd.s32 s5, s7;
	[dreg:$0x0] =	wrdreg $0x0  }
0xaa: {  	s7 =	sshll.u32 s28, $0x1;
	[dreg:$0x2] =	wrdreg s5  }
0xab: {  	[dreg:$0x3] =	wrdreg s7  }
0xac: {  	[dreg:$0x4] =	wrdreg $0xC0  }
0xad: {  	_ =	task [dreg:s9], $0x5FFFF  }
0xae: {  	[dreg:$0x1] =	wrdreg $0xFFFFFFFF  }
0xaf: {  	[dreg:$0x0] =	wrdreg $0x60  }
0xb0: {  	[dreg:$0x2] =	wrdreg s2  }
0xb1: {  	[dreg:$0x3] =	wrdreg s24  }
0xb2: {  	[dreg:$0x4] =	wrdreg s4  }
0xb3: {  	[dreg:$0x5] =	wrdreg s18  }
0xb4: {  	[dreg:$0x6] =	wrdreg $0x0  }
0xb5: {  	[dreg:$0x7] =	wrdreg $0x9  }
0xb6: {  	_ =	task.clear_ibuf [dreg:s9], $0x8FFFF;
	_ =	strace $0x90000046  }
0xb7: {  	s29 =	simm.s32 $0x9;
	_ =	strace $0x80000048  }
0xb8: {  	_ =	swait.ge [sflag:s29], $0x1  }
0xb9: {  	[sflag:s29] =	ssyncadd.s32 $0xFFFFFFFF  }
0xba: {  	_ =	strace $0x90000048  }
0xbb: {  	_ =	sfence  }
0xbc: {  	s30 =	sld [smem:$0x0];
	_ =	sdelay $0x2  }
0xbd: {  	s31 =	sshll.u32 s1, $0xD;
	s1 =	sshrl.u32 s1, $0x2  }
0xbe: {  	s3 =	sand.u32 $0x4000, s31;
	s1 =	sadd.s32 s1, s30  }
0xbf: {  	s0 =	sor.u32 s3, s0;
	s1 =	sshll.u32 s1, $0x11  }
0xc0: {  	s0 =	sor.u32 s1, s0  }
0xc1: {  	s0 =	sadd.s32 $0x8F2B, s0  }
0xc2: {  	[sflag:s0] =	ssyncadd.remote.s32 $0x1  }
0xc3: {  	_ =	sfence.sel $0xFFFF  }
0xc4: {  	[dreg:$0x0] =	wrdreg $0xFFFFFFFF;
	(pc) =	sbr.abs _section_cstart, $3  }
0xc5: {  	[dreg:$0x1] =	wrdreg $0xFFFFFFFF  }
0xc6: {  	_ =	task.clear_ibuf [dreg:s9], $0x2FFFF;
	_ =	strace $0x9FFFFFFF  }
0xc7: {  	(tm) =	ssettm $0x7FFFFFFF  }
tec
execute0_lowered:
.L_overlay_start_1:
0x0: {  	(tag) =	ssettag $0x1  }
0x1: {  	s0 =	rddreg [dreg:$0x0]  }
0x2: {  	s3 =	rddreg [dreg:$0x1]  }
0x3: {  	s1 =	srdreg.scid;
	s2 =	rddreg [dreg:$0x2]  }
0x4: {  	s15 =	stileid.u32;
	s4 =	rddreg [dreg:$0x3];
	s7 =	simm.s32 $0x0  }
0x5: {  	s28 =	simm.s32 $0x8;
	s29 =	simm.s32 $0x1;
	s31 =	simm.s32 $0x2  }
0x6: {  	s30 =	simm.s32 $0x0;
	s1 =	sand.u32 $0x1, s1;
	s19 =	smul.u32 $0x50000, s15  }
0x7: {  	[smem:$0x7FF] =	sst s7;
	s5 =	sshll.u32 s1, $0x4;
	s21 =	smul.u32 $0x27100, s1  }
0x8: {  	s9 =	ssub.s32 $0x2, s1;
	s1 =	smul.u32 $0x138800, s1;
	s8 =	sor.u32 s15, s5  }
0x9: {  	p0 =	seq.s32 s15, $0xF;
	s5 =	rddreg [dreg:$0x4];
	s6 =	smul.u32 $0x2710, s8  }
0xa: {  	_ =	strace $0x80000047;
	s12 =	sshrl.u32 s9, $0x1;
	s14 =	smul.u32 $0x27100, s8  }
0xb: {  	s12 =	ssub.s32 s9, s12;
	s9 =	simm.s32 $0xA;
	s8 =	smul.u32 $0x138800, s8  }
0xc: {  	s1 =	sshrl.u32 s1, $0x3;
	s9 =	simm.s32 @!p0 $0x10;
	s10 =	sshrl.u32 s6, $0x3  }
0xd: {  	s23 =	sadd.s32 $0x28, s6;
	s25 =	sadd.s32 $0x50, s6;
	s26 =	sadd.s32 s4, s14  }
0xe: {  	s18 =	sadd.s32 $0x78, s6;
	s8 =	sshrl.u32 s8, $0x3;
	s11 =	sadd.s32 s10, s3  }
0xf: {  	s3 =	sadd.s32 $0xA600, s3;
	s13 =	sshrl.u32 s23, $0x3;
	s16 =	sadd.s32 s2, s10  }
0x10: {  	[dreg:$0x9] =	wrdreg s26;
	s14 =	sshrl.u32 s25, $0x3;
	s10 =	sshll.u32 s25, $0x4  }
0x11: {  	s20 =	sshrl.u32 s18, $0x3;
	s8 =	sadd.s32 s4, s8;
	s26 =	smax.u32 s12, $0x1  }
0x12: {  	s12 =	simm.s32 $0x3;
	s22 =	sadd.s32 $0x800, s11;
	[dreg:$0x7] =	wrdreg s16  }
0x13: {  	s24 =	sadd.s32 s2, s13;
	s11 =	sshll.u32 s23, $0x4;
	[dreg:$0x13] =	wrdreg s26  }
0x14: {  	s17 =	sadd.s32 s2, s14;
	s10 =	sadd.s32 s4, s10;
	[dreg:$0x6] =	wrdreg s22  }
0x15: {  	s23 =	sadd.s32 $0x14, s16;
	s8 =	sadd.s32 $0x26E80, s8;
	[dreg:$0x8] =	wrdreg s24  }
0x16: {  	s1 =	sadd.s32 s3, s1;
	s16 =	simm.s32 $0x13880;
	[dreg:$0xb] =	wrdreg s17  }
0x17: {  	s26 =	simm.s32 $0x18C00;
	s13 =	simm.s32 $0x5;
	[dreg:$0xc] =	wrdreg s10  }
0x18: {  	s14 =	simm.s32 $0x7;
	s11 =	sadd.s32 s4, s11;
	[dreg:$0xf] =	wrdreg s23  }
0x19: {  	s10 =	sadd.s32 s2, s20;
	s22 =	smul.u32 $0x2800, s15;
	[dreg:$0x10] =	wrdreg s8  }
0x1a: {  	s24 =	sshrl.u32 s19, $0x2;
	s1 =	sadd.s32 $0x25800, s1;
	[dreg:$0xa] =	wrdreg s11  }
0x1b: {  	s23 =	simm.s32 $0x16400;
	s8 =	simm.s32 $0x1A000;
	[dreg:$0xd] =	wrdreg s10  }
0x1c: {  	s11 =	sshll.u32 s18, $0x4;
	s20 =	sadd.s32 s24, s5;
	[dreg:$0x12] =	wrdreg s1  }
0x1d: {  	s24 =	simm.s32 $0x17800;
	s11 =	sadd.s32 s4, s11;
	s10 =	sadd.s32 s22, s21  }
0x1e: {  	s21 =	simm.s32 $0x16000;
	s22 =	simm.s32 $0x16080;
	[dreg:$0xe] =	wrdreg s11  }
0x1f: {  	s25 =	sadd.s32 s3, s10;
	s3 =	sadd.s32 $0x12C000, s5;
	s11 =	simm.s32 $0x4  }
0x20: {  	[dreg:$0x11] =	wrdreg s25;
	s1 =	sshrl.u32 @p0 s3, $0x3;
	s3 =	simm.s32 $0x28  }
0x21: {  	v0 =	vimm.f32 $0.0e+00;
	s25 =	simm.s32 $0x16100;
	[dreg:$0x14] =	wrdreg s1;
	s1 =	simm.s32 $0x6  }
.LBB2_1:
0x22: {  	s10 =	rddreg [dreg:$0x6]  }
0x23: {  	[tilespmem:s16], [sflag:$0x1] =	stream.linear.gather [hbm4b:s10+s7], $0x2710, $0x38;
	[tilespmem:$0x1DC00] =	vst v63  }
0x24: {  	s10 =	simm.s32 $0x18C80  }
0x25: {  	[tilespmem:s10+$0xFFFFFF80] =	vst v0  }
0x26: {  	[tilespmem:s10+$0x70] =	vst v0  }
0x27: {  	[tilespmem:s10+$0x60] =	vst v0  }
0x28: {  	[tilespmem:s10+$0x50] =	vst v0  }
0x29: {  	[tilespmem:s10+$0x40] =	vst v0  }
0x2a: {  	[tilespmem:s10+$0x30] =	vst v0  }
0x2b: {  	[tilespmem:s10+$0x20] =	vst v0  }
0x2c: {  	[tilespmem:s10+$0x10] =	vst v0  }
0x2d: {  	[tilespmem:s10+$0x0] =	vst v0  }
0x2e: {  	[tilespmem:s10+$0xFFFFFFF0] =	vst v0  }
0x2f: {  	[tilespmem:s10+$0xFFFFFFE0] =	vst v0  }
0x30: {  	[tilespmem:s10+$0xFFFFFFD0] =	vst v0  }
0x31: {  	[tilespmem:s10+$0xFFFFFFC0] =	vst v0  }
0x32: {  	[tilespmem:s10+$0xFFFFFFB0] =	vst v0  }
0x33: {  	s15 =	simm.s32 $0x0;
	[tilespmem:s10+$0xFFFFFFA0] =	vst v0  }
.LBB2_2:
0x34: {  	s15 =	sadd.s32 $0x2, s15;
	[tilespmem:s10+$0xFFFFFF90] =	vst v0;
	s10 =	sadd.s32 $0x100, s10  }
0x35: {  	[tilespmem:s10+$0xFFFFFF80] =	vst v0;
	p1 =	slt.u32 s15, $0x26  }
0x36: {  	[tilespmem:s10+$0x70] =	vst v0  }
0x37: {  	[tilespmem:s10+$0x60] =	vst v0  }
0x38: {  	[tilespmem:s10+$0x50] =	vst v0  }
0x39: {  	[tilespmem:s10+$0x40] =	vst v0  }
0x3a: {  	[tilespmem:s10+$0x30] =	vst v0  }
0x3b: {  	[tilespmem:s10+$0x20] =	vst v0  }
0x3c: {  	[tilespmem:s10+$0x10] =	vst v0  }
0x3d: {  	[tilespmem:s10+$0x0] =	vst v0  }
0x3e: {  	[tilespmem:s10+$0xFFFFFFF0] =	vst v0  }
.Ltmp0:
0x3f: {  	[tilespmem:s10+$0xFFFFFFE0] =	vst v0;
	(pc) =	sbr.rel @p1 .LBB2_2-.Ltmp0, $4  }
0x40: {  	[tilespmem:s10+$0xFFFFFFD0] =	vst v0  }
0x41: {  	[tilespmem:s10+$0xFFFFFFC0] =	vst v0  }
0x42: {  	[tilespmem:s10+$0xFFFFFFB0] =	vst v0  }
0x43: {  	[tilespmem:s10+$0xFFFFFFA0] =	vst v0  }
0x44: {  	p1 =	sne.s32 s9, $0x1  }
.Ltmp1:
0x45: {  	_ = 	snop;
	(pc) =	sbr.rel @!p1 .LBB2_5-.Ltmp1, $4  }
0x46: {  	[tilespmem:s10+$0xFFFFFF90] =	vst v0  }
0x47: {  	[spmem:s20] =	stream.linear.scatter [tilespmem:s26], [sflag:$0x8], $0x1400, $0x38;
	[tilespmem:$0x1DC00] =	vst v63  }
0x48: {  	_ =	swait.ge [sflag:s28], $0x1400  }
0x49: {  	s10 =	sadd.s32 $0xFFFFFFFF, s9;
	s15 =	smov.u32 s20;
	[sflag:s28] =	ssyncset.done $0x0  }
.LBB2_4:
0x4a: {  	p1 =	sne.s32 s10, $0x1;
	[sflag:s28] =	ssyncadd.s32 $0xFFFFEC00;
	s15 =	sadd.s32 $0x1400, s15  }
.Ltmp2:
0x4b: {  	s10 =	sadd.s32 $0xFFFFFFFF, s10;
	(pc) =	sbr.rel @p1 .LBB2_4-.Ltmp2, $4  }
0x4c: {  	_ = 	snop  }
0x4d: {  	[spmem:s15] =	stream.linear.scatter [tilespmem:s26], [sflag:$0x8], $0x1400, $0x38;
	[tilespmem:$0x1DC00] =	vst v63  }
0x4e: {  	_ =	swait.ge [sflag:s28], $0x1400  }
0x4f: {  	[sflag:s28] =	ssyncset.done $0x0  }
.LBB2_5:
0x50: {  	[sflag:s28] =	ssyncadd.s32 $0xFFFFEC00  }
0x51: {  	_ =	swait.ge [sflag:s29], $0x2710  }
0x52: {  	[sflag:s29] =	ssyncset.done $0x0  }
0x53: {  	[sflag:s29] =	ssyncadd.s32 $0xFFFFD8F0  }
0x54: {  	[bflag:$0x0] =	sbarrier.arrive $0xFFFF  }
0x55: {  	s10 =	rddreg [dreg:$0x7]  }
0x56: {  	[tilespmem:s21], [sflag:$0x1] =	stream.linear.gather [hbm4b:s10+s7], $0x28, $0x38;
	[tilespmem:$0x1DC00] =	vst v63  }
0x57: {  	s15 =	rddreg [dreg:$0x8]  }
0x58: {  	[tilespmem:s22], [sflag:$0x1] =	stream.linear.gather [hbm4b:s15+s7], $0x28, $0x38;
	[tilespmem:$0x1DC00] =	vst v63  }
0x59: {  	_ =	swait.ge [sflag:s29], $0x28  }
0x5a: {  	[sflag:s29] =	ssyncset.done $0x0  }
0x5b: {  	[sflag:s29] =	ssyncadd.s32 $0xFFFFFFD8  }
0x5c: {  	[tilespmem:s23], [sflag:$0x2] =	stream.indirect.gather [hbm4b:s0+s3], $0x80, s16, s3, $0xb8;
	[tilespmem:$0x1DC00] =	vst v63  }
0x5d: {  	s16 =	rddreg [dreg:$0x9]  }
0x5e: {  	[tilespmem:s26], [sflag:$0x2] =	stream.linear.gather [hbm4b:s16+s7], $0x1400, $0x38;
	[tilespmem:$0x1DC00] =	vst v63  }
0x5f: {  	_ =	swait.ge [sflag:s29], $0x28  }
0x60: {  	[sflag:s29] =	ssyncset.done $0x0  }
0x61: {  	s17 =	simm.s32 $0x138A8;
	[sflag:s29] =	ssyncadd.s32 $0xFFFFFFD8  }
0x62: {  	[tilespmem:s24], [sflag:$0x3] =	stream.indirect.gather [hbm4b:s0+s3], $0x80, s17, s3, $0xb8;
	[tilespmem:$0x1DC00] =	vst v63  }
0x63: {  	s18 =	rddreg [dreg:$0xa]  }
0x64: {  	[tilespmem:s8], [sflag:$0x3] =	stream.linear.gather [hbm4b:s18+s7], $0x1400, $0x38;
	[tilespmem:$0x1DC00] =	vst v63  }
0x65: {  	s19 =	rddreg [dreg:$0xb]  }
0x66: {  	[tilespmem:s25], [sflag:$0x1] =	stream.linear.gather [hbm4b:s19+s7], $0x28, $0x38;
	[tilespmem:$0x1DC00] =	vst v63  }
0x67: {  	_ =	swait.ge [sflag:s31], $0x1400  }
0x68: {  	[sflag:s31] =	ssyncset.done $0x0  }
0x69: {  	[sflag:s31] =	ssyncadd.s32 $0xFFFFEC00  }
0x6a: {  	_ =	swait.ge [sflag:s31], $0x1400  }
0x6b: {  	[sflag:s31] =	ssyncset.done $0x0  }
0x6c: {  	s15 =	simm.s32 $0x16500;
	[sflag:s31] =	ssyncadd.s32 $0xFFFFEC00  }
0x6d: {  	s16 =	simm.s32 $0x18D00;
	v1 =	vld [tilespmem:s15+$0x80]  }
0x6e: {  	v2 =	vld [tilespmem:s16+$0x80]  }
0x6f: {  	v3 =	vld [tilespmem:s16+$0xFFFFFF00]  }
0x70: {  	v4 =	vld [tilespmem:s15+$0xFFFFFF80]  }
0x71: {  	v5 =	vld [tilespmem:s16+$0xFFFFFF80]  }
0x72: {  	v6 =	vld [tilespmem:s16+$0x0]  }
0x73: {  	v1 =	vadd.f32 v2, v1;
	v2 =	vld [tilespmem:s15+$0x0]  }
0x74: {  	v7 =	vld [tilespmem:s15+$0xFFFFFF00]  }
0x75: {  	v1 =	vmax.f32 v1, $0.0e+00  }
0x76: {  	v4 =	vadd.f32 v5, v4;
	[tilespmem:s16+$0x80] =	vst v1;
	v1 =	vld [tilespmem:s16+$0x90]  }
0x77: {  	v8 =	vld [tilespmem:s15+$0x90]  }
0x78: {  	v9 =	vld [tilespmem:s16+$0xFFFFFF90];
	v4 =	vmax.f32 v4, $0.0e+00;
	v2 =	vadd.f32 v6, v2  }
0x79: {  	v5 =	vld [tilespmem:s16+$0xFFFFFF10];
	v3 =	vadd.f32 v3, v7;
	[tilespmem:s16+$0xFFFFFF80] =	vst v4  }
0x7a: {  	v6 =	vld [tilespmem:s15+$0xFFFFFF90];
	v2 =	vmax.f32 v2, $0.0e+00  }
0x7b: {  	v3 =	vmax.f32 v3, $0.0e+00;
	v4 =	vld [tilespmem:s16+$0x10];
	[tilespmem:s16+$0x0] =	vst v2  }
0x7c: {  	[tilespmem:s16+$0xFFFFFF00] =	vst v3;
	v1 =	vadd.f32 v1, v8;
	v2 =	vld [tilespmem:s15+$0x10]  }
0x7d: {  	v3 =	vld [tilespmem:s15+$0xFFFFFF10]  }
0x7e: {  	v1 =	vmax.f32 v1, $0.0e+00  }
0x7f: {  	v6 =	vadd.f32 v9, v6;
	[tilespmem:s16+$0x90] =	vst v1;
	v1 =	vld [tilespmem:s16+$0xA0]  }
0x80: {  	v8 =	vld [tilespmem:s15+$0xA0]  }
0x81: {  	v7 =	vld [tilespmem:s16+$0xFFFFFF20];
	v6 =	vmax.f32 v6, $0.0e+00;
	v2 =	vadd.f32 v4, v2  }
0x82: {  	v3 =	vadd.f32 v5, v3;
	v9 =	vld [tilespmem:s16+$0xFFFFFFA0];
	[tilespmem:s16+$0xFFFFFF90] =	vst v6  }
0x83: {  	v5 =	vld [tilespmem:s15+$0xFFFFFFA0];
	v2 =	vmax.f32 v2, $0.0e+00  }
0x84: {  	v3 =	vmax.f32 v3, $0.0e+00;
	v4 =	vld [tilespmem:s16+$0x20];
	[tilespmem:s16+$0x10] =	vst v2  }
0x85: {  	[tilespmem:s16+$0xFFFFFF10] =	vst v3;
	v1 =	vadd.f32 v1, v8;
	v2 =	vld [tilespmem:s15+$0x20]  }
0x86: {  	v3 =	vld [tilespmem:s15+$0xFFFFFF20]  }
0x87: {  	v1 =	vmax.f32 v1, $0.0e+00  }
0x88: {  	v5 =	vadd.f32 v9, v5;
	[tilespmem:s16+$0xA0] =	vst v1;
	v1 =	vld [tilespmem:s16+$0xB0]  }
0x89: {  	v8 =	vld [tilespmem:s15+$0xB0]  }
0x8a: {  	v10 =	vld [tilespmem:s16+$0x30];
	v5 =	vmax.f32 v5, $0.0e+00;
	v2 =	vadd.f32 v4, v2  }
0x8b: {  	v3 =	vadd.f32 v7, v3;
	v9 =	vld [tilespmem:s16+$0xFFFFFFB0];
	[tilespmem:s16+$0xFFFFFFA0] =	vst v5  }
0x8c: {  	v4 =	vld [tilespmem:s15+$0xFFFFFFB0];
	v2 =	vmax.f32 v2, $0.0e+00  }
0x8d: {  	v6 =	vld [tilespmem:s16+$0xFFFFFF30];
	[tilespmem:s16+$0x20] =	vst v2;
	v2 =	vmax.f32 v3, $0.0e+00  }
0x8e: {  	v1 =	vadd.f32 v1, v8;
	[tilespmem:s16+$0xFFFFFF20] =	vst v2;
	v2 =	vld [tilespmem:s15+$0x30]  }
0x8f: {  	v7 =	vld [tilespmem:s15+$0xFFFFFF30]  }
0x90: {  	v11 =	vld [tilespmem:s16+$0xFFFFFF40];
	v1 =	vmax.f32 v1, $0.0e+00  }
0x91: {  	v4 =	vadd.f32 v9, v4;
	[tilespmem:s16+$0xB0] =	vst v1;
	v1 =	vld [tilespmem:s16+$0xC0]  }
0x92: {  	v8 =	vld [tilespmem:s15+$0xC0]  }
0x93: {  	v12 =	vld [tilespmem:s16+$0xFFFFFFD0];
	v4 =	vmax.f32 v4, $0.0e+00;
	v2 =	vadd.f32 v10, v2  }
0x94: {  	v5 =	vld [tilespmem:s16+$0xFFFFFFC0];
	[tilespmem:s16+$0xFFFFFFB0] =	vst v4;
	v6 =	vadd.f32 v6, v7  }
0x95: {  	v7 =	vld [tilespmem:s15+$0xFFFFFFC0];
	v2 =	vmax.f32 v2, $0.0e+00  }
0x96: {  	v3 =	vld [tilespmem:s16+$0x40];
	[tilespmem:s16+$0x30] =	vst v2;
	v2 =	vmax.f32 v6, $0.0e+00  }
0x97: {  	v1 =	vadd.f32 v1, v8;
	v6 =	vld [tilespmem:s15+$0x40];
	[tilespmem:s16+$0xFFFFFF30] =	vst v2  }
0x98: {  	v2 =	vld [tilespmem:s15+$0xFFFFFF40]  }
0x99: {  	v9 =	vld [tilespmem:s16+$0xFFFFFF50];
	v1 =	vmax.f32 v1, $0.0e+00  }
0x9a: {  	[tilespmem:s16+$0xC0] =	vst v1;
	v1 =	vadd.f32 v5, v7;
	v7 =	vld [tilespmem:s16+$0xD0]  }
0x9b: {  	v8 =	vld [tilespmem:s15+$0xD0]  }
0x9c: {  	v4 =	vld [tilespmem:s16+$0xFFFFFF60];
	v1 =	vmax.f32 v1, $0.0e+00;
	v3 =	vadd.f32 v3, v6  }
0x9d: {  	v10 =	vld [tilespmem:s16+$0x50];
	[tilespmem:s16+$0xFFFFFFC0] =	vst v1;
	v1 =	vadd.f32 v11, v2  }
0x9e: {  	v2 =	vld [tilespmem:s15+$0xFFFFFFD0];
	v3 =	vmax.f32 v3, $0.0e+00  }
0x9f: {  	v5 =	vld [tilespmem:s16+$0xFFFFFFE0];
	[tilespmem:s16+$0x40] =	vst v3;
	v1 =	vmax.f32 v1, $0.0e+00  }
0xa0: {  	v3 =	vld [tilespmem:s15+$0x50];
	v7 =	vadd.f32 v7, v8;
	[tilespmem:s16+$0xFFFFFF40] =	vst v1  }
0xa1: {  	v1 =	vld [tilespmem:s15+$0xFFFFFF50]  }
0xa2: {  	v6 =	vld [tilespmem:s16+$0x60];
	v7 =	vmax.f32 v7, $0.0e+00  }
0xa3: {  	v2 =	vadd.f32 v12, v2;
	[tilespmem:s16+$0xD0] =	vst v7;
	v7 =	vld [tilespmem:s16+$0xE0]  }
0xa4: {  	v11 =	vld [tilespmem:s15+$0xE0]  }
0xa5: {  	v2 =	vmax.f32 v2, $0.0e+00;
	v8 =	vadd.f32 v10, v3;
	v3 =	vld [tilespmem:s16+$0xFFFFFF70]  }
0xa6: {  	[tilespmem:s16+$0xFFFFFFD0] =	vst v2;
	v1 =	vadd.f32 v9, v1;
	v2 =	vld [tilespmem:s16+$0xFFFFFFF0]  }
0xa7: {  	v9 =	vmax.f32 v8, $0.0e+00;
	v8 =	vld [tilespmem:s15+$0xFFFFFFE0]  }
0xa8: {  	[tilespmem:s16+$0x50] =	vst v9;
	v9 =	vmax.f32 v1, $0.0e+00;
	v1 =	vld [tilespmem:s16+$0x70]  }
0xa9: {  	[tilespmem:s16+$0xFFFFFF50] =	vst v9;
	v9 =	vld [tilespmem:s15+$0x60];
	v7 =	vadd.f32 v7, v11  }
0xaa: {  	v10 =	vld [tilespmem:s15+$0xFFFFFF60]  }
0xab: {  	s17 =	simm.s32 $0x18D00;
	s18 =	simm.s32 $0x0;
	s19 =	simm.s32 $0x16700;
	v11 =	vmax.f32 v7, $0.0e+00;
	v7 =	vld [tilespmem:s16+$0xF0]  }
.LBB2_6:
0xac: {  	v12 =	vld [tilespmem:s19+$0x80];
	v5 =	vadd.f32 v5, v8;
	[tilespmem:s16+$0xE0] =	vst v11  }
0xad: {  	s16 =	sadd.s32 $0x200, s16;
	v8 =	vld [tilespmem:s15+$0xF0]  }
0xae: {  	s18 =	sadd.s32 $0x4, s18;
	v11 =	vld [tilespmem:s16+$0x80];
	v5 =	vmax.f32 v5, $0.0e+00;
	v6 =	vadd.f32 v6, v9  }
0xaf: {  	p1 =	slt.u32 s18, $0x24;
	v9 =	vld [tilespmem:s16+$0xFFFFFF00];
	v4 =	vadd.f32 v4, v10;
	[tilespmem:s17+$0xFFFFFFE0] =	vst v5  }
0xb0: {  	v5 =	vld [tilespmem:s19+$0xFFFFFF80];
	v6 =	vmax.f32 v6, $0.0e+00  }
0xb1: {  	v10 =	vld [tilespmem:s16+$0xFFFFFF80];
	v4 =	vmax.f32 v4, $0.0e+00;
	[tilespmem:s17+$0x60] =	vst v6  }
0xb2: {  	v6 =	vld [tilespmem:s19+$0x0];
	[tilespmem:s17+$0xFFFFFF60] =	vst v4;
	v4 =	vadd.f32 v7, v8  }
0xb3: {  	v7 =	vld [tilespmem:s16+$0x0];
	v8 =	vadd.f32 v11, v12  }
0xb4: {  	v11 =	vld [tilespmem:s19+$0xFFFFFF00];
	v4 =	vmax.f32 v4, $0.0e+00  }
0xb5: {  	v12 =	vld [tilespmem:s16+$0xFFFFFF10];
	v8 =	vmax.f32 v8, $0.0e+00;
	[tilespmem:s17+$0xF0] =	vst v4  }
0xb6: {  	v4 =	vadd.f32 v10, v5;
	[tilespmem:s16+$0x80] =	vst v8;
	v5 =	vld [tilespmem:s16+$0x90]  }
0xb7: {  	v8 =	vld [tilespmem:s19+$0x90]  }
0xb8: {  	v4 =	vmax.f32 v4, $0.0e+00;
	v10 =	vld [tilespmem:s16+$0xFFFFFF90];
	v6 =	vadd.f32 v7, v6  }
0xb9: {  	v7 =	vadd.f32 v9, v11;
	[tilespmem:s16+$0xFFFFFF80] =	vst v4;
	v4 =	vld [tilespmem:s16+$0x10]  }
0xba: {  	v9 =	vld [tilespmem:s19+$0xFFFFFF90];
	v6 =	vmax.f32 v6, $0.0e+00  }
0xbb: {  	v7 =	vmax.f32 v7, $0.0e+00;
	v11 =	vld [tilespmem:s16+$0xFFFFFF20];
	[tilespmem:s16+$0x0] =	vst v6  }
0xbc: {  	[tilespmem:s16+$0xFFFFFF00] =	vst v7;
	v6 =	vld [tilespmem:s19+$0x10];
	v5 =	vadd.f32 v5, v8  }
0xbd: {  	v7 =	vld [tilespmem:s19+$0xFFFFFF10]  }
0xbe: {  	v8 =	vld [tilespmem:s16+$0xFFFFFFA0];
	v5 =	vmax.f32 v5, $0.0e+00  }
0xbf: {  	v9 =	vadd.f32 v10, v9;
	[tilespmem:s16+$0x90] =	vst v5;
	v5 =	vld [tilespmem:s16+$0xA0]  }
0xc0: {  	v10 =	vld [tilespmem:s19+$0xA0]  }
0xc1: {  	v9 =	vmax.f32 v9, $0.0e+00;
	v4 =	vadd.f32 v4, v6;
	v6 =	vld [tilespmem:s16+$0x20]  }
0xc2: {  	v7 =	vadd.f32 v12, v7;
	v12 =	vld [tilespmem:s16+$0xFFFFFF30];
	[tilespmem:s16+$0xFFFFFF90] =	vst v9  }
0xc3: {  	v9 =	vld [tilespmem:s19+$0xFFFFFFA0];
	v4 =	vmax.f32 v4, $0.0e+00  }
0xc4: {  	v7 =	vmax.f32 v7, $0.0e+00;
	v13 =	vld [tilespmem:s16+$0xFFFFFFB0];
	[tilespmem:s16+$0x10] =	vst v4  }
0xc5: {  	[tilespmem:s16+$0xFFFFFF10] =	vst v7;
	v4 =	vld [tilespmem:s19+$0x20];
	v5 =	vadd.f32 v5, v10  }
0xc6: {  	v7 =	vld [tilespmem:s19+$0xFFFFFF20]  }
0xc7: {  	v10 =	vld [tilespmem:s16+$0x30];
	v5 =	vmax.f32 v5, $0.0e+00  }
0xc8: {  	v8 =	vadd.f32 v8, v9;
	[tilespmem:s16+$0xA0] =	vst v5;
	v5 =	vld [tilespmem:s16+$0xB0]  }
0xc9: {  	v9 =	vld [tilespmem:s19+$0xB0]  }
0xca: {  	v14 =	vld [tilespmem:s16+$0xFFFFFF40];
	v8 =	vmax.f32 v8, $0.0e+00;
	v4 =	vadd.f32 v6, v4  }
0xcb: {  	v6 =	vadd.f32 v11, v7;
	[tilespmem:s16+$0xFFFFFFA0] =	vst v8;
	v7 =	vld [tilespmem:s16+$0xFFFFFFC0]  }
0xcc: {  	v8 =	vld [tilespmem:s19+$0xFFFFFFB0];
	v4 =	vmax.f32 v4, $0.0e+00  }
0xcd: {  	v6 =	vmax.f32 v6, $0.0e+00;
	[tilespmem:s16+$0x20] =	vst v4;
	v11 =	vld [tilespmem:s16+$0x40]  }
0xce: {  	[tilespmem:s16+$0xFFFFFF20] =	vst v6;
	v4 =	vld [tilespmem:s19+$0x30];
	v5 =	vadd.f32 v5, v9  }
0xcf: {  	v6 =	vld [tilespmem:s19+$0xFFFFFF30]  }
0xd0: {  	v9 =	vld [tilespmem:s16+$0xFFFFFF50];
	v5 =	vmax.f32 v5, $0.0e+00  }
0xd1: {  	v8 =	vadd.f32 v13, v8;
	[tilespmem:s16+$0xB0] =	vst v5;
	v5 =	vld [tilespmem:s16+$0xC0]  }
0xd2: {  	v13 =	vld [tilespmem:s19+$0xC0]  }
0xd3: {  	v8 =	vmax.f32 v8, $0.0e+00;
	v15 =	vld [tilespmem:s16+$0xFFFFFFD0];
	v4 =	vadd.f32 v10, v4  }
0xd4: {  	v6 =	vadd.f32 v12, v6;
	[tilespmem:s16+$0xFFFFFFB0] =	vst v8;
	v8 =	vld [tilespmem:s16+$0x50]  }
0xd5: {  	v10 =	vld [tilespmem:s19+$0xFFFFFFC0];
	v12 =	vmax.f32 v4, $0.0e+00  }
0xd6: {  	v6 =	vmax.f32 v6, $0.0e+00;
	v4 =	vld [tilespmem:s16+$0xFFFFFF60];
	[tilespmem:s16+$0x30] =	vst v12  }
0xd7: {  	[tilespmem:s16+$0xFFFFFF30] =	vst v6;
	v6 =	vld [tilespmem:s19+$0x40];
	v12 =	vadd.f32 v5, v13  }
0xd8: {  	v13 =	vld [tilespmem:s19+$0xFFFFFF40]  }
0xd9: {  	v5 =	vld [tilespmem:s16+$0xFFFFFFE0];
	v12 =	vmax.f32 v12, $0.0e+00  }
0xda: {  	v7 =	vadd.f32 v7, v10;
	[tilespmem:s16+$0xC0] =	vst v12;
	v10 =	vld [tilespmem:s16+$0xD0]  }
0xdb: {  	v12 =	vld [tilespmem:s19+$0xD0]  }
0xdc: {  	v7 =	vmax.f32 v7, $0.0e+00;
	v11 =	vadd.f32 v11, v6;
	v6 =	vld [tilespmem:s16+$0x60]  }
0xdd: {  	v13 =	vadd.f32 v14, v13;
	[tilespmem:s16+$0xFFFFFFC0] =	vst v7;
	v7 =	vld [tilespmem:s15+$0xFFFFFF70]  }
0xde: {  	v14 =	vld [tilespmem:s19+$0xFFFFFFD0];
	v11 =	vmax.f32 v11, $0.0e+00  }
0xdf: {  	v13 =	vmax.f32 v13, $0.0e+00;
	[tilespmem:s16+$0x40] =	vst v11;
	v11 =	vld [tilespmem:s15+$0xFFFFFFF0]  }
0xe0: {  	[tilespmem:s16+$0xFFFFFF40] =	vst v13;
	v13 =	vld [tilespmem:s19+$0x50];
	v10 =	vadd.f32 v10, v12  }
0xe1: {  	v12 =	vld [tilespmem:s19+$0xFFFFFF50]  }
0xe2: {  	v10 =	vmax.f32 v10, $0.0e+00;
	v3 =	vadd.f32 v3, v7;
	v7 =	vld [tilespmem:s15+$0x70];
	s15 =	smov.u32 s19  }
0xe3: {  	v14 =	vadd.f32 v15, v14;
	[tilespmem:s16+$0xD0] =	vst v10;
	v10 =	vld [tilespmem:s16+$0xE0]  }
0xe4: {  	v15 =	vld [tilespmem:s19+$0xE0];
	v16 =	vmax.f32 v3, $0.0e+00;
	v11 =	vadd.f32 v2, v11  }
0xe5: {  	v3 =	vld [tilespmem:s16+$0xFFFFFF70];
	v2 =	vmax.f32 v14, $0.0e+00;
	v13 =	vadd.f32 v8, v13;
	[tilespmem:s17+$0xFFFFFF70] =	vst v16  }
0xe6: {  	v9 =	vadd.f32 v9, v12;
	[tilespmem:s16+$0xFFFFFFD0] =	vst v2;
	v2 =	vld [tilespmem:s16+$0xFFFFFFF0];
	v11 =	vmax.f32 v11, $0.0e+00  }
.Ltmp3:
0xe7: {  	v8 =	vld [tilespmem:s19+$0xFFFFFFE0];
	v12 =	vmax.f32 v13, $0.0e+00;
	[tilespmem:s17+$0xFFFFFFF0] =	vst v11;
	v7 =	vadd.f32 v1, v7;
	(pc) =	sbr.rel @p1 .LBB2_6-.Ltmp3, $4  }
0xe8: {  	v9 =	vmax.f32 v9, $0.0e+00;
	[tilespmem:s16+$0x50] =	vst v12;
	v1 =	vld [tilespmem:s16+$0x70]  }
0xe9: {  	[tilespmem:s16+$0xFFFFFF50] =	vst v9;
	v9 =	vld [tilespmem:s19+$0x60];
	v11 =	vadd.f32 v10, v15;
	v7 =	vmax.f32 v7, $0.0e+00  }
0xea: {  	v10 =	vld [tilespmem:s19+$0xFFFFFF60];
	[tilespmem:s17+$0x70] =	vst v7;
	s17 =	smov.u32 s16  }
0xeb: {  	s19 =	sadd.s32 $0x200, s19;
	v11 =	vmax.f32 v11, $0.0e+00;
	v7 =	vld [tilespmem:s16+$0xF0]  }
0xec: {  	_ =	sdelay $0x2  }
0xed: {  	v4 =	vadd.f32 v4, v10  }
0xee: {  	v5 =	vadd.f32 v5, v8  }
0xef: {  	[tilespmem:s16+$0xE0] =	vst v11;
	v6 =	vadd.f32 v6, v9;
	v4 =	vmax.f32 v4, $0.0e+00  }
0xf0: {  	v8 =	vld [tilespmem:s15+$0xF0];
	v5 =	vmax.f32 v5, $0.0e+00;
	[tilespmem:s17+$0xFFFFFF60] =	vst v4  }
0xf1: {  	[tilespmem:s17+$0xFFFFFFE0] =	vst v5;
	v4 =	vmax.f32 v6, $0.0e+00;
	v5 =	vld [tilespmem:s15+$0xFFFFFF70]  }
0xf2: {  	[tilespmem:s17+$0x60] =	vst v4;
	v4 =	vld [tilespmem:s15+$0xFFFFFFF0]  }
0xf3: {  	v6 =	vld [tilespmem:s15+$0x70];
	_ =	sdelay $0x1  }
0xf4: {  	v7 =	vadd.f32 v7, v8  }
0xf5: {  	v3 =	vadd.f32 v3, v5  }
0xf6: {  	v5 =	vmax.f32 v7, $0.0e+00;
	v2 =	vadd.f32 v2, v4  }
0xf7: {  	[tilespmem:s17+$0xF0] =	vst v5;
	v1 =	vadd.f32 v1, v6;
	v3 =	vmax.f32 v3, $0.0e+00  }
0xf8: {  	v2 =	vmax.f32 v2, $0.0e+00;
	[tilespmem:s17+$0xFFFFFF70] =	vst v3  }
0xf9: {  	[tilespmem:s17+$0xFFFFFFF0] =	vst v2;
	v1 =	vmax.f32 v1, $0.0e+00  }
0xfa: {  	[tilespmem:s17+$0x70] =	vst v1  }
0xfb: {  	[spmem:s5] =	stream.indirect.scatter.add.f32 [tilespmem:s26], [sflag:$0x4], $0x80, s21, s3, $0xb8;
	[tilespmem:$0x1DC00] =	vst v63  }
0xfc: {  	_ =	swait.ge [sflag:s29], $0x28  }
0xfd: {  	[sflag:s29] =	ssyncset.done $0x0  }
0xfe: {  	s10 =	simm.s32 $0x138D0;
	[sflag:s29] =	ssyncadd.s32 $0xFFFFFFD8  }
0xff: {  	[tilespmem:s23], [sflag:$0x2] =	stream.indirect.gather [hbm4b:s0+s3], $0x80, s10, s3, $0xb8;
	[tilespmem:$0x1DC00] =	vst v63  }
0x100: {  	s19 =	simm.s32 $0x1B400;
	s18 =	rddreg [dreg:$0xc]  }
0x101: {  	[tilespmem:s19], [sflag:$0x2] =	stream.linear.gather [hbm4b:s18+s7], $0x1400, $0x38;
	[tilespmem:$0x1DC00] =	vst v63  }
0x102: {  	s21 =	rddreg [dreg:$0xd];
	s23 =	simm.s32 $0x16180  }
0x103: {  	[tilespmem:s23], [sflag:$0x1] =	stream.linear.gather [hbm4b:s21+s7], $0x28, $0x38;
	[tilespmem:$0x1DC00] =	vst v63  }
0x104: {  	_ =	swait.ge [sflag:s12], $0x1400  }
0x105: {  	[sflag:s12] =	ssyncset.done $0x0  }
0x106: {  	[sflag:s12] =	ssyncadd.s32 $0xFFFFEC00  }
0x107: {  	_ =	swait.ge [sflag:s12], $0x1400  }
0x108: {  	[sflag:s12] =	ssyncset.done $0x0  }
0x109: {  	s15 =	simm.s32 $0x179F0;
	[sflag:s12] =	ssyncadd.s32 $0xFFFFEC00  }
0x10a: {  	s16 =	simm.s32 $0x1A1F0;
	v1 =	vld [tilespmem:s15+$0xFFFFFF90]  }
0x10b: {  	v2 =	vld [tilespmem:s16+$0xFFFFFF90]  }
0x10c: {  	v3 =	vld [tilespmem:s16+$0xFFFFFE10]  }
0x10d: {  	v4 =	vld [tilespmem:s15+$0xFFFFFE90]  }
0x10e: {  	v5 =	vld [tilespmem:s16+$0xFFFFFE90]  }
0x10f: {  	v6 =	vld [tilespmem:s16+$0xFFFFFF10]  }
0x110: {  	v1 =	vadd.f32 v2, v1;
	v2 =	vld [tilespmem:s15+$0xFFFFFF10]  }
0x111: {  	v7 =	vld [tilespmem:s15+$0xFFFFFE10]  }
0x112: {  	v1 =	vmax.f32 v1, $0.0e+00  }
0x113: {  	v4 =	vadd.f32 v5, v4;
	[tilespmem:s16+$0xFFFFFF90] =	vst v1;
	v1 =	vld [tilespmem:s16+$0xFFFFFFA0]  }
0x114: {  	v8 =	vld [tilespmem:s15+$0xFFFFFFA0]  }
0x115: {  	v9 =	vld [tilespmem:s16+$0xFFFFFEA0];
	v4 =	vmax.f32 v4, $0.0e+00;
	v2 =	vadd.f32 v6, v2  }
0x116: {  	v5 =	vld [tilespmem:s16+$0xFFFFFE20];
	v3 =	vadd.f32 v3, v7;
	[tilespmem:s16+$0xFFFFFE90] =	vst v4  }
0x117: {  	v6 =	vld [tilespmem:s15+$0xFFFFFEA0];
	v2 =	vmax.f32 v2, $0.0e+00  }
0x118: {  	v3 =	vmax.f32 v3, $0.0e+00;
	v4 =	vld [tilespmem:s16+$0xFFFFFF20];
	[tilespmem:s16+$0xFFFFFF10] =	vst v2  }
0x119: {  	[tilespmem:s16+$0xFFFFFE10] =	vst v3;
	v1 =	vadd.f32 v1, v8;
	v2 =	vld [tilespmem:s15+$0xFFFFFF20]  }
0x11a: {  	v3 =	vld [tilespmem:s15+$0xFFFFFE20]  }
0x11b: {  	v1 =	vmax.f32 v1, $0.0e+00  }
0x11c: {  	v6 =	vadd.f32 v9, v6;
	[tilespmem:s16+$0xFFFFFFA0] =	vst v1;
	v1 =	vld [tilespmem:s16+$0xFFFFFFB0]  }
0x11d: {  	v8 =	vld [tilespmem:s15+$0xFFFFFFB0]  }
0x11e: {  	v7 =	vld [tilespmem:s16+$0xFFFFFE30];
	v6 =	vmax.f32 v6, $0.0e+00;
	v2 =	vadd.f32 v4, v2  }
0x11f: {  	v3 =	vadd.f32 v5, v3;
	v9 =	vld [tilespmem:s16+$0xFFFFFEB0];
	[tilespmem:s16+$0xFFFFFEA0] =	vst v6  }
0x120: {  	v5 =	vld [tilespmem:s15+$0xFFFFFEB0];
	v2 =	vmax.f32 v2, $0.0e+00  }
0x121: {  	v3 =	vmax.f32 v3, $0.0e+00;
	v4 =	vld [tilespmem:s16+$0xFFFFFF30];
	[tilespmem:s16+$0xFFFFFF20] =	vst v2  }
0x122: {  	[tilespmem:s16+$0xFFFFFE20] =	vst v3;
	v1 =	vadd.f32 v1, v8;
	v2 =	vld [tilespmem:s15+$0xFFFFFF30]  }
0x123: {  	v3 =	vld [tilespmem:s15+$0xFFFFFE30]  }
0x124: {  	v1 =	vmax.f32 v1, $0.0e+00  }
0x125: {  	v5 =	vadd.f32 v9, v5;
	[tilespmem:s16+$0xFFFFFFB0] =	vst v1;
	v1 =	vld [tilespmem:s16+$0xFFFFFFC0]  }
0x126: {  	v8 =	vld [tilespmem:s15+$0xFFFFFFC0]  }
0x127: {  	v10 =	vld [tilespmem:s16+$0xFFFFFF40];
	v5 =	vmax.f32 v5, $0.0e+00;
	v2 =	vadd.f32 v4, v2  }
0x128: {  	v3 =	vadd.f32 v7, v3;
	v9 =	vld [tilespmem:s16+$0xFFFFFEC0];
	[tilespmem:s16+$0xFFFFFEB0] =	vst v5  }
0x129: {  	v4 =	vld [tilespmem:s15+$0xFFFFFEC0];
	v2 =	vmax.f32 v2, $0.0e+00  }
0x12a: {  	v6 =	vld [tilespmem:s16+$0xFFFFFE40];
	[tilespmem:s16+$0xFFFFFF30] =	vst v2;
	v2 =	vmax.f32 v3, $0.0e+00  }
0x12b: {  	v1 =	vadd.f32 v1, v8;
	[tilespmem:s16+$0xFFFFFE30] =	vst v2;
	v2 =	vld [tilespmem:s15+$0xFFFFFF40]  }
0x12c: {  	v7 =	vld [tilespmem:s15+$0xFFFFFE40]  }
0x12d: {  	v11 =	vld [tilespmem:s16+$0xFFFFFE50];
	v1 =	vmax.f32 v1, $0.0e+00  }
0x12e: {  	v4 =	vadd.f32 v9, v4;
	[tilespmem:s16+$0xFFFFFFC0] =	vst v1;
	v1 =	vld [tilespmem:s16+$0xFFFFFFD0]  }
0x12f: {  	v8 =	vld [tilespmem:s15+$0xFFFFFFD0]  }
0x130: {  	v12 =	vld [tilespmem:s16+$0xFFFFFEE0];
	v4 =	vmax.f32 v4, $0.0e+00;
	v2 =	vadd.f32 v10, v2  }
0x131: {  	v5 =	vld [tilespmem:s16+$0xFFFFFED0];
	[tilespmem:s16+$0xFFFFFEC0] =	vst v4;
	v6 =	vadd.f32 v6, v7  }
0x132: {  	v7 =	vld [tilespmem:s15+$0xFFFFFED0];
	v2 =	vmax.f32 v2, $0.0e+00  }
0x133: {  	v3 =	vld [tilespmem:s16+$0xFFFFFF50];
	[tilespmem:s16+$0xFFFFFF40] =	vst v2;
	v2 =	vmax.f32 v6, $0.0e+00  }
0x134: {  	v1 =	vadd.f32 v1, v8;
	v6 =	vld [tilespmem:s15+$0xFFFFFF50];
	[tilespmem:s16+$0xFFFFFE40] =	vst v2  }
0x135: {  	v2 =	vld [tilespmem:s15+$0xFFFFFE50]  }
0x136: {  	v9 =	vld [tilespmem:s16+$0xFFFFFE60];
	v1 =	vmax.f32 v1, $0.0e+00  }
0x137: {  	[tilespmem:s16+$0xFFFFFFD0] =	vst v1;
	v1 =	vadd.f32 v5, v7;
	v7 =	vld [tilespmem:s16+$0xFFFFFFE0]  }
0x138: {  	v8 =	vld [tilespmem:s15+$0xFFFFFFE0]  }
0x139: {  	v4 =	vld [tilespmem:s16+$0xFFFFFE70];
	v1 =	vmax.f32 v1, $0.0e+00;
	v3 =	vadd.f32 v3, v6  }
0x13a: {  	v10 =	vld [tilespmem:s16+$0xFFFFFF60];
	[tilespmem:s16+$0xFFFFFED0] =	vst v1;
	v1 =	vadd.f32 v11, v2  }
0x13b: {  	v2 =	vld [tilespmem:s15+$0xFFFFFEE0];
	v3 =	vmax.f32 v3, $0.0e+00  }
0x13c: {  	v5 =	vld [tilespmem:s16+$0xFFFFFEF0];
	[tilespmem:s16+$0xFFFFFF50] =	vst v3;
	v1 =	vmax.f32 v1, $0.0e+00  }
0x13d: {  	v3 =	vld [tilespmem:s15+$0xFFFFFF60];
	v7 =	vadd.f32 v7, v8;
	[tilespmem:s16+$0xFFFFFE50] =	vst v1  }
0x13e: {  	v1 =	vld [tilespmem:s15+$0xFFFFFE60]  }
0x13f: {  	v6 =	vld [tilespmem:s16+$0xFFFFFF70];
	v7 =	vmax.f32 v7, $0.0e+00  }
0x140: {  	v2 =	vadd.f32 v12, v2;
	[tilespmem:s16+$0xFFFFFFE0] =	vst v7;
	v7 =	vld [tilespmem:s16+$0xFFFFFFF0]  }
0x141: {  	v11 =	vld [tilespmem:s15+$0xFFFFFFF0]  }
0x142: {  	v2 =	vmax.f32 v2, $0.0e+00;
	v8 =	vadd.f32 v10, v3;
	v3 =	vld [tilespmem:s16+$0xFFFFFE80]  }
0x143: {  	[tilespmem:s16+$0xFFFFFEE0] =	vst v2;
	v1 =	vadd.f32 v9, v1;
	v2 =	vld [tilespmem:s16+$0xFFFFFF00]  }
0x144: {  	v9 =	vmax.f32 v8, $0.0e+00;
	v8 =	vld [tilespmem:s15+$0xFFFFFEF0]  }
0x145: {  	[tilespmem:s16+$0xFFFFFF60] =	vst v9;
	v9 =	vmax.f32 v1, $0.0e+00;
	v1 =	vld [tilespmem:s16+$0xFFFFFF80]  }
0x146: {  	[tilespmem:s16+$0xFFFFFE60] =	vst v9;
	v9 =	vld [tilespmem:s15+$0xFFFFFF70];
	v7 =	vadd.f32 v7, v11  }
0x147: {  	v10 =	vld [tilespmem:s15+$0xFFFFFE70]  }
0x148: {  	s17 =	simm.s32 $0x1A1F0;
	s18 =	simm.s32 $0x0;
	s19 =	simm.s32 $0x17BF0;
	v11 =	vmax.f32 v7, $0.0e+00;
	v7 =	vld [tilespmem:s16+$0x0]  }
.LBB2_8:
0x149: {  	v12 =	vld [tilespmem:s19+$0xFFFFFF90];
	v5 =	vadd.f32 v5, v8;
	[tilespmem:s16+$0xFFFFFFF0] =	vst v11  }
0x14a: {  	s16 =	sadd.s32 $0x200, s16;
	v8 =	vld [tilespmem:s15+$0x0]  }
0x14b: {  	s18 =	sadd.s32 $0x4, s18;
	v11 =	vld [tilespmem:s16+$0xFFFFFF90];
	v5 =	vmax.f32 v5, $0.0e+00;
	v6 =	vadd.f32 v6, v9  }
0x14c: {  	p1 =	slt.u32 s18, $0x24;
	v9 =	vld [tilespmem:s16+$0xFFFFFE10];
	v4 =	vadd.f32 v4, v10;
	[tilespmem:s17+$0xFFFFFEF0] =	vst v5  }
0x14d: {  	v5 =	vld [tilespmem:s19+$0xFFFFFE90];
	v6 =	vmax.f32 v6, $0.0e+00  }
0x14e: {  	v10 =	vld [tilespmem:s16+$0xFFFFFE90];
	v4 =	vmax.f32 v4, $0.0e+00;
	[tilespmem:s17+$0xFFFFFF70] =	vst v6  }
0x14f: {  	v6 =	vld [tilespmem:s19+$0xFFFFFF10];
	[tilespmem:s17+$0xFFFFFE70] =	vst v4;
	v4 =	vadd.f32 v7, v8  }
0x150: {  	v7 =	vld [tilespmem:s16+$0xFFFFFF10];
	v8 =	vadd.f32 v11, v12  }
0x151: {  	v11 =	vld [tilespmem:s19+$0xFFFFFE10];
	v4 =	vmax.f32 v4, $0.0e+00  }
0x152: {  	v12 =	vld [tilespmem:s16+$0xFFFFFE20];
	v8 =	vmax.f32 v8, $0.0e+00;
	[tilespmem:s17+$0x0] =	vst v4  }
0x153: {  	v4 =	vadd.f32 v10, v5;
	[tilespmem:s16+$0xFFFFFF90] =	vst v8;
	v5 =	vld [tilespmem:s16+$0xFFFFFFA0]  }
0x154: {  	v8 =	vld [tilespmem:s19+$0xFFFFFFA0]  }
0x155: {  	v4 =	vmax.f32 v4, $0.0e+00;
	v10 =	vld [tilespmem:s16+$0xFFFFFEA0];
	v6 =	vadd.f32 v7, v6  }
0x156: {  	v7 =	vadd.f32 v9, v11;
	[tilespmem:s16+$0xFFFFFE90] =	vst v4;
	v4 =	vld [tilespmem:s16+$0xFFFFFF20]  }
0x157: {  	v9 =	vld [tilespmem:s19+$0xFFFFFEA0];
	v6 =	vmax.f32 v6, $0.0e+00  }
0x158: {  	v7 =	vmax.f32 v7, $0.0e+00;
	v11 =	vld [tilespmem:s16+$0xFFFFFE30];
	[tilespmem:s16+$0xFFFFFF10] =	vst v6  }
0x159: {  	[tilespmem:s16+$0xFFFFFE10] =	vst v7;
	v6 =	vld [tilespmem:s19+$0xFFFFFF20];
	v5 =	vadd.f32 v5, v8  }
0x15a: {  	v7 =	vld [tilespmem:s19+$0xFFFFFE20]  }
0x15b: {  	v8 =	vld [tilespmem:s16+$0xFFFFFEB0];
	v5 =	vmax.f32 v5, $0.0e+00  }
0x15c: {  	v9 =	vadd.f32 v10, v9;
	[tilespmem:s16+$0xFFFFFFA0] =	vst v5;
	v5 =	vld [tilespmem:s16+$0xFFFFFFB0]  }
0x15d: {  	v10 =	vld [tilespmem:s19+$0xFFFFFFB0]  }
0x15e: {  	v9 =	vmax.f32 v9, $0.0e+00;
	v4 =	vadd.f32 v4, v6;
	v6 =	vld [tilespmem:s16+$0xFFFFFF30]  }
0x15f: {  	v7 =	vadd.f32 v12, v7;
	v12 =	vld [tilespmem:s16+$0xFFFFFE40];
	[tilespmem:s16+$0xFFFFFEA0] =	vst v9  }
0x160: {  	v9 =	vld [tilespmem:s19+$0xFFFFFEB0];
	v4 =	vmax.f32 v4, $0.0e+00  }
0x161: {  	v7 =	vmax.f32 v7, $0.0e+00;
	v13 =	vld [tilespmem:s16+$0xFFFFFEC0];
	[tilespmem:s16+$0xFFFFFF20] =	vst v4  }
0x162: {  	[tilespmem:s16+$0xFFFFFE20] =	vst v7;
	v4 =	vld [tilespmem:s19+$0xFFFFFF30];
	v5 =	vadd.f32 v5, v10  }
0x163: {  	v7 =	vld [tilespmem:s19+$0xFFFFFE30]  }
0x164: {  	v10 =	vld [tilespmem:s16+$0xFFFFFF40];
	v5 =	vmax.f32 v5, $0.0e+00  }
0x165: {  	v8 =	vadd.f32 v8, v9;
	[tilespmem:s16+$0xFFFFFFB0] =	vst v5;
	v5 =	vld [tilespmem:s16+$0xFFFFFFC0]  }
0x166: {  	v9 =	vld [tilespmem:s19+$0xFFFFFFC0]  }
0x167: {  	v14 =	vld [tilespmem:s16+$0xFFFFFE50];
	v8 =	vmax.f32 v8, $0.0e+00;
	v4 =	vadd.f32 v6, v4  }
0x168: {  	v6 =	vadd.f32 v11, v7;
	[tilespmem:s16+$0xFFFFFEB0] =	vst v8;
	v7 =	vld [tilespmem:s16+$0xFFFFFED0]  }
0x169: {  	v8 =	vld [tilespmem:s19+$0xFFFFFEC0];
	v4 =	vmax.f32 v4, $0.0e+00  }
0x16a: {  	v6 =	vmax.f32 v6, $0.0e+00;
	[tilespmem:s16+$0xFFFFFF30] =	vst v4;
	v11 =	vld [tilespmem:s16+$0xFFFFFF50]  }
0x16b: {  	[tilespmem:s16+$0xFFFFFE30] =	vst v6;
	v4 =	vld [tilespmem:s19+$0xFFFFFF40];
	v5 =	vadd.f32 v5, v9  }
0x16c: {  	v6 =	vld [tilespmem:s19+$0xFFFFFE40]  }
0x16d: {  	v9 =	vld [tilespmem:s16+$0xFFFFFE60];
	v5 =	vmax.f32 v5, $0.0e+00  }
0x16e: {  	v8 =	vadd.f32 v13, v8;
	[tilespmem:s16+$0xFFFFFFC0] =	vst v5;
	v5 =	vld [tilespmem:s16+$0xFFFFFFD0]  }
0x16f: {  	v13 =	vld [tilespmem:s19+$0xFFFFFFD0]  }
0x170: {  	v8 =	vmax.f32 v8, $0.0e+00;
	v15 =	vld [tilespmem:s16+$0xFFFFFEE0];
	v4 =	vadd.f32 v10, v4  }
0x171: {  	v6 =	vadd.f32 v12, v6;
	[tilespmem:s16+$0xFFFFFEC0] =	vst v8;
	v8 =	vld [tilespmem:s16+$0xFFFFFF60]  }
0x172: {  	v10 =	vld [tilespmem:s19+$0xFFFFFED0];
	v12 =	vmax.f32 v4, $0.0e+00  }
0x173: {  	v6 =	vmax.f32 v6, $0.0e+00;
	v4 =	vld [tilespmem:s16+$0xFFFFFE70];
	[tilespmem:s16+$0xFFFFFF40] =	vst v12  }
0x174: {  	[tilespmem:s16+$0xFFFFFE40] =	vst v6;
	v6 =	vld [tilespmem:s19+$0xFFFFFF50];
	v12 =	vadd.f32 v5, v13  }
0x175: {  	v13 =	vld [tilespmem:s19+$0xFFFFFE50]  }
0x176: {  	v5 =	vld [tilespmem:s16+$0xFFFFFEF0];
	v12 =	vmax.f32 v12, $0.0e+00  }
0x177: {  	v7 =	vadd.f32 v7, v10;
	[tilespmem:s16+$0xFFFFFFD0] =	vst v12;
	v10 =	vld [tilespmem:s16+$0xFFFFFFE0]  }
0x178: {  	v12 =	vld [tilespmem:s19+$0xFFFFFFE0]  }
0x179: {  	v7 =	vmax.f32 v7, $0.0e+00;
	v11 =	vadd.f32 v11, v6;
	v6 =	vld [tilespmem:s16+$0xFFFFFF70]  }
0x17a: {  	v13 =	vadd.f32 v14, v13;
	[tilespmem:s16+$0xFFFFFED0] =	vst v7;
	v7 =	vld [tilespmem:s15+$0xFFFFFE80]  }
0x17b: {  	v14 =	vld [tilespmem:s19+$0xFFFFFEE0];
	v11 =	vmax.f32 v11, $0.0e+00  }
0x17c: {  	v13 =	vmax.f32 v13, $0.0e+00;
	[tilespmem:s16+$0xFFFFFF50] =	vst v11;
	v11 =	vld [tilespmem:s15+$0xFFFFFF00]  }
0x17d: {  	[tilespmem:s16+$0xFFFFFE50] =	vst v13;
	v13 =	vld [tilespmem:s19+$0xFFFFFF60];
	v10 =	vadd.f32 v10, v12  }
0x17e: {  	v12 =	vld [tilespmem:s19+$0xFFFFFE60]  }
0x17f: {  	v10 =	vmax.f32 v10, $0.0e+00;
	v3 =	vadd.f32 v3, v7;
	v7 =	vld [tilespmem:s15+$0xFFFFFF80];
	s15 =	smov.u32 s19  }
0x180: {  	v14 =	vadd.f32 v15, v14;
	[tilespmem:s16+$0xFFFFFFE0] =	vst v10;
	v10 =	vld [tilespmem:s16+$0xFFFFFFF0]  }
0x181: {  	v15 =	vld [tilespmem:s19+$0xFFFFFFF0];
	v16 =	vmax.f32 v3, $0.0e+00;
	v11 =	vadd.f32 v2, v11  }
0x182: {  	v3 =	vld [tilespmem:s16+$0xFFFFFE80];
	v2 =	vmax.f32 v14, $0.0e+00;
	v13 =	vadd.f32 v8, v13;
	[tilespmem:s17+$0xFFFFFE80] =	vst v16  }
0x183: {  	v9 =	vadd.f32 v9, v12;
	[tilespmem:s16+$0xFFFFFEE0] =	vst v2;
	v2 =	vld [tilespmem:s16+$0xFFFFFF00];
	v11 =	vmax.f32 v11, $0.0e+00  }
.Ltmp4:
0x184: {  	v8 =	vld [tilespmem:s19+$0xFFFFFEF0];
	v12 =	vmax.f32 v13, $0.0e+00;
	[tilespmem:s17+$0xFFFFFF00] =	vst v11;
	v7 =	vadd.f32 v1, v7;
	(pc) =	sbr.rel @p1 .LBB2_8-.Ltmp4, $4  }
0x185: {  	v9 =	vmax.f32 v9, $0.0e+00;
	[tilespmem:s16+$0xFFFFFF60] =	vst v12;
	v1 =	vld [tilespmem:s16+$0xFFFFFF80]  }
0x186: {  	[tilespmem:s16+$0xFFFFFE60] =	vst v9;
	v9 =	vld [tilespmem:s19+$0xFFFFFF70];
	v11 =	vadd.f32 v10, v15;
	v7 =	vmax.f32 v7, $0.0e+00  }
0x187: {  	v10 =	vld [tilespmem:s19+$0xFFFFFE70];
	[tilespmem:s17+$0xFFFFFF80] =	vst v7;
	s17 =	smov.u32 s16  }
0x188: {  	s19 =	sadd.s32 $0x200, s19;
	v11 =	vmax.f32 v11, $0.0e+00;
	v7 =	vld [tilespmem:s16+$0x0]  }
0x189: {  	_ =	sdelay $0x2  }
0x18a: {  	v4 =	vadd.f32 v4, v10  }
0x18b: {  	v5 =	vadd.f32 v5, v8  }
0x18c: {  	[tilespmem:s16+$0xFFFFFFF0] =	vst v11;
	v6 =	vadd.f32 v6, v9;
	v4 =	vmax.f32 v4, $0.0e+00  }
0x18d: {  	v8 =	vld [tilespmem:s15+$0x0];
	v5 =	vmax.f32 v5, $0.0e+00;
	[tilespmem:s17+$0xFFFFFE70] =	vst v4  }
0x18e: {  	[tilespmem:s17+$0xFFFFFEF0] =	vst v5;
	v4 =	vmax.f32 v6, $0.0e+00;
	v5 =	vld [tilespmem:s15+$0xFFFFFE80]  }
0x18f: {  	[tilespmem:s17+$0xFFFFFF70] =	vst v4;
	v4 =	vld [tilespmem:s15+$0xFFFFFF00]  }
0x190: {  	v6 =	vld [tilespmem:s15+$0xFFFFFF80];
	_ =	sdelay $0x1  }
0x191: {  	v7 =	vadd.f32 v7, v8  }
0x192: {  	v3 =	vadd.f32 v3, v5  }
0x193: {  	v5 =	vmax.f32 v7, $0.0e+00;
	v2 =	vadd.f32 v2, v4  }
0x194: {  	[tilespmem:s17+$0x0] =	vst v5;
	v1 =	vadd.f32 v1, v6;
	v3 =	vmax.f32 v3, $0.0e+00  }
0x195: {  	v2 =	vmax.f32 v2, $0.0e+00;
	[tilespmem:s17+$0xFFFFFE80] =	vst v3  }
0x196: {  	[tilespmem:s17+$0xFFFFFF00] =	vst v2;
	v1 =	vmax.f32 v1, $0.0e+00  }
0x197: {  	[tilespmem:s17+$0xFFFFFF80] =	vst v1  }
0x198: {  	[spmem:s5] =	stream.indirect.scatter.add.f32 [tilespmem:s8], [sflag:$0x5], $0x80, s22, s3, $0xb8;
	[tilespmem:$0x1DC00] =	vst v63  }
0x199: {  	_ =	swait.ge [sflag:s29], $0x28  }
0x19a: {  	[sflag:s29] =	ssyncset.done $0x0  }
0x19b: {  	s10 =	simm.s32 $0x138F8;
	[sflag:s29] =	ssyncadd.s32 $0xFFFFFFD8  }
0x19c: {  	[tilespmem:s24], [sflag:$0x3] =	stream.indirect.gather [hbm4b:s0+s3], $0x80, s10, s3, $0xb8;
	[tilespmem:$0x1DC00] =	vst v63  }
0x19d: {  	s21 =	simm.s32 $0x1C800;
	s19 =	rddreg [dreg:$0xe]  }
0x19e: {  	[tilespmem:s21], [sflag:$0x3] =	stream.linear.gather [hbm4b:s19+s7], $0x1400, $0x38;
	[tilespmem:$0x1DC00] =	vst v63  }
0x19f: {  	s23 =	simm.s32 $0x16200;
	s22 =	rddreg [dreg:$0xf]  }
0x1a0: {  	[tilespmem:s23], [sflag:$0x1] =	stream.linear.gather [hbm4b:s22+s7], $0x28, $0x38;
	[tilespmem:$0x1DC00] =	vst v63  }
0x1a1: {  	_ =	swait.ge [sflag:s31], $0x1400  }
0x1a2: {  	[sflag:s31] =	ssyncset.done $0x0  }
0x1a3: {  	[sflag:s31] =	ssyncadd.s32 $0xFFFFEC00  }
0x1a4: {  	_ =	swait.ge [sflag:s31], $0x1400  }
0x1a5: {  	[sflag:s31] =	ssyncset.done $0x0  }
0x1a6: {  	s15 =	simm.s32 $0x16500;
	[sflag:s31] =	ssyncadd.s32 $0xFFFFEC00  }
0x1a7: {  	s16 =	simm.s32 $0x1B5F0;
	v1 =	vld [tilespmem:s15+$0x80]  }
0x1a8: {  	v2 =	vld [tilespmem:s16+$0xFFFFFF90]  }
0x1a9: {  	v3 =	vld [tilespmem:s16+$0xFFFFFE10]  }
0x1aa: {  	v4 =	vld [tilespmem:s15+$0xFFFFFF80]  }
0x1ab: {  	v5 =	vld [tilespmem:s16+$0xFFFFFE90]  }
0x1ac: {  	v6 =	vld [tilespmem:s16+$0xFFFFFF10]  }
0x1ad: {  	v1 =	vadd.f32 v2, v1;
	v2 =	vld [tilespmem:s15+$0x0]  }
0x1ae: {  	v7 =	vld [tilespmem:s15+$0xFFFFFF00]  }
0x1af: {  	v1 =	vmax.f32 v1, $0.0e+00  }
0x1b0: {  	v4 =	vadd.f32 v5, v4;
	[tilespmem:s16+$0xFFFFFF90] =	vst v1;
	v1 =	vld [tilespmem:s16+$0xFFFFFFA0]  }
0x1b1: {  	v8 =	vld [tilespmem:s15+$0x90]  }
0x1b2: {  	v9 =	vld [tilespmem:s16+$0xFFFFFEA0];
	v4 =	vmax.f32 v4, $0.0e+00;
	v2 =	vadd.f32 v6, v2  }
0x1b3: {  	v5 =	vld [tilespmem:s16+$0xFFFFFE20];
	v3 =	vadd.f32 v3, v7;
	[tilespmem:s16+$0xFFFFFE90] =	vst v4  }
0x1b4: {  	v6 =	vld [tilespmem:s15+$0xFFFFFF90];
	v2 =	vmax.f32 v2, $0.0e+00  }
0x1b5: {  	v3 =	vmax.f32 v3, $0.0e+00;
	v4 =	vld [tilespmem:s16+$0xFFFFFF20];
	[tilespmem:s16+$0xFFFFFF10] =	vst v2  }
0x1b6: {  	[tilespmem:s16+$0xFFFFFE10] =	vst v3;
	v1 =	vadd.f32 v1, v8;
	v2 =	vld [tilespmem:s15+$0x10]  }
0x1b7: {  	v3 =	vld [tilespmem:s15+$0xFFFFFF10]  }
0x1b8: {  	v1 =	vmax.f32 v1, $0.0e+00  }
0x1b9: {  	v6 =	vadd.f32 v9, v6;
	[tilespmem:s16+$0xFFFFFFA0] =	vst v1;
	v1 =	vld [tilespmem:s16+$0xFFFFFFB0]  }
0x1ba: {  	v8 =	vld [tilespmem:s15+$0xA0]  }
0x1bb: {  	v7 =	vld [tilespmem:s16+$0xFFFFFE30];
	v6 =	vmax.f32 v6, $0.0e+00;
	v2 =	vadd.f32 v4, v2  }
0x1bc: {  	v3 =	vadd.f32 v5, v3;
	v9 =	vld [tilespmem:s16+$0xFFFFFEB0];
	[tilespmem:s16+$0xFFFFFEA0] =	vst v6  }
0x1bd: {  	v5 =	vld [tilespmem:s15+$0xFFFFFFA0];
	v2 =	vmax.f32 v2, $0.0e+00  }
0x1be: {  	v3 =	vmax.f32 v3, $0.0e+00;
	v4 =	vld [tilespmem:s16+$0xFFFFFF30];
	[tilespmem:s16+$0xFFFFFF20] =	vst v2  }
0x1bf: {  	[tilespmem:s16+$0xFFFFFE20] =	vst v3;
	v1 =	vadd.f32 v1, v8;
	v2 =	vld [tilespmem:s15+$0x20]  }
0x1c0: {  	v3 =	vld [tilespmem:s15+$0xFFFFFF20]  }
0x1c1: {  	v1 =	vmax.f32 v1, $0.0e+00  }
0x1c2: {  	v5 =	vadd.f32 v9, v5;
	[tilespmem:s16+$0xFFFFFFB0] =	vst v1;
	v1 =	vld [tilespmem:s16+$0xFFFFFFC0]  }
0x1c3: {  	v8 =	vld [tilespmem:s15+$0xB0]  }
0x1c4: {  	v10 =	vld [tilespmem:s16+$0xFFFFFF40];
	v5 =	vmax.f32 v5, $0.0e+00;
	v2 =	vadd.f32 v4, v2  }
0x1c5: {  	v3 =	vadd.f32 v7, v3;
	v9 =	vld [tilespmem:s16+$0xFFFFFEC0];
	[tilespmem:s16+$0xFFFFFEB0] =	vst v5  }
0x1c6: {  	v4 =	vld [tilespmem:s15+$0xFFFFFFB0];
	v2 =	vmax.f32 v2, $0.0e+00  }
0x1c7: {  	v6 =	vld [tilespmem:s16+$0xFFFFFE40];
	[tilespmem:s16+$0xFFFFFF30] =	vst v2;
	v2 =	vmax.f32 v3, $0.0e+00  }
0x1c8: {  	v1 =	vadd.f32 v1, v8;
	[tilespmem:s16+$0xFFFFFE30] =	vst v2;
	v2 =	vld [tilespmem:s15+$0x30]  }
0x1c9: {  	v7 =	vld [tilespmem:s15+$0xFFFFFF30]  }
0x1ca: {  	v11 =	vld [tilespmem:s16+$0xFFFFFE50];
	v1 =	vmax.f32 v1, $0.0e+00  }
0x1cb: {  	v4 =	vadd.f32 v9, v4;
	[tilespmem:s16+$0xFFFFFFC0] =	vst v1;
	v1 =	vld [tilespmem:s16+$0xFFFFFFD0]  }
0x1cc: {  	v8 =	vld [tilespmem:s15+$0xC0]  }
0x1cd: {  	v12 =	vld [tilespmem:s16+$0xFFFFFEE0];
	v4 =	vmax.f32 v4, $0.0e+00;
	v2 =	vadd.f32 v10, v2  }
0x1ce: {  	v5 =	vld [tilespmem:s16+$0xFFFFFED0];
	[tilespmem:s16+$0xFFFFFEC0] =	vst v4;
	v6 =	vadd.f32 v6, v7  }
0x1cf: {  	v7 =	vld [tilespmem:s15+$0xFFFFFFC0];
	v2 =	vmax.f32 v2, $0.0e+00  }
0x1d0: {  	v3 =	vld [tilespmem:s16+$0xFFFFFF50];
	[tilespmem:s16+$0xFFFFFF40] =	vst v2;
	v2 =	vmax.f32 v6, $0.0e+00  }
0x1d1: {  	v1 =	vadd.f32 v1, v8;
	v6 =	vld [tilespmem:s15+$0x40];
	[tilespmem:s16+$0xFFFFFE40] =	vst v2  }
0x1d2: {  	v2 =	vld [tilespmem:s15+$0xFFFFFF40]  }
0x1d3: {  	v9 =	vld [tilespmem:s16+$0xFFFFFE60];
	v1 =	vmax.f32 v1, $0.0e+00  }
0x1d4: {  	[tilespmem:s16+$0xFFFFFFD0] =	vst v1;
	v1 =	vadd.f32 v5, v7;
	v7 =	vld [tilespmem:s16+$0xFFFFFFE0]  }
0x1d5: {  	v8 =	vld [tilespmem:s15+$0xD0]  }
0x1d6: {  	v4 =	vld [tilespmem:s16+$0xFFFFFE70];
	v1 =	vmax.f32 v1, $0.0e+00;
	v3 =	vadd.f32 v3, v6  }
0x1d7: {  	v10 =	vld [tilespmem:s16+$0xFFFFFF60];
	[tilespmem:s16+$0xFFFFFED0] =	vst v1;
	v1 =	vadd.f32 v11, v2  }
0x1d8: {  	v2 =	vld [tilespmem:s15+$0xFFFFFFD0];
	v3 =	vmax.f32 v3, $0.0e+00  }
0x1d9: {  	v5 =	vld [tilespmem:s16+$0xFFFFFEF0];
	[tilespmem:s16+$0xFFFFFF50] =	vst v3;
	v1 =	vmax.f32 v1, $0.0e+00  }
0x1da: {  	v3 =	vld [tilespmem:s15+$0x50];
	v7 =	vadd.f32 v7, v8;
	[tilespmem:s16+$0xFFFFFE50] =	vst v1  }
0x1db: {  	v1 =	vld [tilespmem:s15+$0xFFFFFF50]  }
0x1dc: {  	v6 =	vld [tilespmem:s16+$0xFFFFFF70];
	v7 =	vmax.f32 v7, $0.0e+00  }
0x1dd: {  	v2 =	vadd.f32 v12, v2;
	[tilespmem:s16+$0xFFFFFFE0] =	vst v7;
	v7 =	vld [tilespmem:s16+$0xFFFFFFF0]  }
0x1de: {  	v11 =	vld [tilespmem:s15+$0xE0]  }
0x1df: {  	v2 =	vmax.f32 v2, $0.0e+00;
	v8 =	vadd.f32 v10, v3;
	v3 =	vld [tilespmem:s16+$0xFFFFFE80]  }
0x1e0: {  	[tilespmem:s16+$0xFFFFFEE0] =	vst v2;
	v1 =	vadd.f32 v9, v1;
	v2 =	vld [tilespmem:s16+$0xFFFFFF00]  }
0x1e1: {  	v9 =	vmax.f32 v8, $0.0e+00;
	v8 =	vld [tilespmem:s15+$0xFFFFFFE0]  }
0x1e2: {  	[tilespmem:s16+$0xFFFFFF60] =	vst v9;
	v9 =	vmax.f32 v1, $0.0e+00;
	v1 =	vld [tilespmem:s16+$0xFFFFFF80]  }
0x1e3: {  	[tilespmem:s16+$0xFFFFFE60] =	vst v9;
	v9 =	vld [tilespmem:s15+$0x60];
	v7 =	vadd.f32 v7, v11  }
0x1e4: {  	v10 =	vld [tilespmem:s15+$0xFFFFFF60]  }
0x1e5: {  	s18 =	simm.s32 $0x0;
	s17 =	simm.s32 $0x1B5F0;
	s19 =	simm.s32 $0x16700;
	v11 =	vmax.f32 v7, $0.0e+00;
	v7 =	vld [tilespmem:s16+$0x0]  }
.LBB2_10:
0x1e6: {  	v12 =	vld [tilespmem:s19+$0x80];
	v5 =	vadd.f32 v5, v8;
	[tilespmem:s16+$0xFFFFFFF0] =	vst v11  }
0x1e7: {  	s16 =	sadd.s32 $0x200, s16;
	v8 =	vld [tilespmem:s15+$0xF0]  }
0x1e8: {  	s18 =	sadd.s32 $0x4, s18;
	v11 =	vld [tilespmem:s16+$0xFFFFFF90];
	v5 =	vmax.f32 v5, $0.0e+00;
	v6 =	vadd.f32 v6, v9  }
0x1e9: {  	p1 =	slt.u32 s18, $0x24;
	v9 =	vld [tilespmem:s16+$0xFFFFFE10];
	v4 =	vadd.f32 v4, v10;
	[tilespmem:s17+$0xFFFFFEF0] =	vst v5  }
0x1ea: {  	v5 =	vld [tilespmem:s19+$0xFFFFFF80];
	v6 =	vmax.f32 v6, $0.0e+00  }
0x1eb: {  	v10 =	vld [tilespmem:s16+$0xFFFFFE90];
	v4 =	vmax.f32 v4, $0.0e+00;
	[tilespmem:s17+$0xFFFFFF70] =	vst v6  }
0x1ec: {  	v6 =	vld [tilespmem:s19+$0x0];
	[tilespmem:s17+$0xFFFFFE70] =	vst v4;
	v4 =	vadd.f32 v7, v8  }
0x1ed: {  	v7 =	vld [tilespmem:s16+$0xFFFFFF10];
	v8 =	vadd.f32 v11, v12  }
0x1ee: {  	v11 =	vld [tilespmem:s19+$0xFFFFFF00];
	v4 =	vmax.f32 v4, $0.0e+00  }
0x1ef: {  	v12 =	vld [tilespmem:s16+$0xFFFFFE20];
	v8 =	vmax.f32 v8, $0.0e+00;
	[tilespmem:s17+$0x0] =	vst v4  }
0x1f0: {  	v4 =	vadd.f32 v10, v5;
	[tilespmem:s16+$0xFFFFFF90] =	vst v8;
	v5 =	vld [tilespmem:s16+$0xFFFFFFA0]  }
0x1f1: {  	v8 =	vld [tilespmem:s19+$0x90]  }
0x1f2: {  	v4 =	vmax.f32 v4, $0.0e+00;
	v10 =	vld [tilespmem:s16+$0xFFFFFEA0];
	v6 =	vadd.f32 v7, v6  }
0x1f3: {  	v7 =	vadd.f32 v9, v11;
	[tilespmem:s16+$0xFFFFFE90] =	vst v4;
	v4 =	vld [tilespmem:s16+$0xFFFFFF20]  }
0x1f4: {  	v9 =	vld [tilespmem:s19+$0xFFFFFF90];
	v6 =	vmax.f32 v6, $0.0e+00  }
0x1f5: {  	v7 =	vmax.f32 v7, $0.0e+00;
	v11 =	vld [tilespmem:s16+$0xFFFFFE30];
	[tilespmem:s16+$0xFFFFFF10] =	vst v6  }
0x1f6: {  	[tilespmem:s16+$0xFFFFFE10] =	vst v7;
	v6 =	vld [tilespmem:s19+$0x10];
	v5 =	vadd.f32 v5, v8  }
0x1f7: {  	v7 =	vld [tilespmem:s19+$0xFFFFFF10]  }
0x1f8: {  	v8 =	vld [tilespmem:s16+$0xFFFFFEB0];
	v5 =	vmax.f32 v5, $0.0e+00  }
0x1f9: {  	v9 =	vadd.f32 v10, v9;
	[tilespmem:s16+$0xFFFFFFA0] =	vst v5;
	v5 =	vld [tilespmem:s16+$0xFFFFFFB0]  }
0x1fa: {  	v10 =	vld [tilespmem:s19+$0xA0]  }
0x1fb: {  	v9 =	vmax.f32 v9, $0.0e+00;
	v4 =	vadd.f32 v4, v6;
	v6 =	vld [tilespmem:s16+$0xFFFFFF30]  }
0x1fc: {  	v7 =	vadd.f32 v12, v7;
	v12 =	vld [tilespmem:s16+$0xFFFFFE40];
	[tilespmem:s16+$0xFFFFFEA0] =	vst v9  }
0x1fd: {  	v9 =	vld [tilespmem:s19+$0xFFFFFFA0];
	v4 =	vmax.f32 v4, $0.0e+00  }
0x1fe: {  	v7 =	vmax.f32 v7, $0.0e+00;
	v13 =	vld [tilespmem:s16+$0xFFFFFEC0];
	[tilespmem:s16+$0xFFFFFF20] =	vst v4  }
0x1ff: {  	[tilespmem:s16+$0xFFFFFE20] =	vst v7;
	v4 =	vld [tilespmem:s19+$0x20];
	v5 =	vadd.f32 v5, v10  }
0x200: {  	v7 =	vld [tilespmem:s19+$0xFFFFFF20]  }
0x201: {  	v10 =	vld [tilespmem:s16+$0xFFFFFF40];
	v5 =	vmax.f32 v5, $0.0e+00  }
0x202: {  	v8 =	vadd.f32 v8, v9;
	[tilespmem:s16+$0xFFFFFFB0] =	vst v5;
	v5 =	vld [tilespmem:s16+$0xFFFFFFC0]  }
0x203: {  	v9 =	vld [tilespmem:s19+$0xB0]  }
0x204: {  	v14 =	vld [tilespmem:s16+$0xFFFFFE50];
	v8 =	vmax.f32 v8, $0.0e+00;
	v4 =	vadd.f32 v6, v4  }
0x205: {  	v6 =	vadd.f32 v11, v7;
	[tilespmem:s16+$0xFFFFFEB0] =	vst v8;
	v7 =	vld [tilespmem:s16+$0xFFFFFED0]  }
0x206: {  	v8 =	vld [tilespmem:s19+$0xFFFFFFB0];
	v4 =	vmax.f32 v4, $0.0e+00  }
0x207: {  	v6 =	vmax.f32 v6, $0.0e+00;
	[tilespmem:s16+$0xFFFFFF30] =	vst v4;
	v11 =	vld [tilespmem:s16+$0xFFFFFF50]  }
0x208: {  	[tilespmem:s16+$0xFFFFFE30] =	vst v6;
	v4 =	vld [tilespmem:s19+$0x30];
	v5 =	vadd.f32 v5, v9  }
0x209: {  	v6 =	vld [tilespmem:s19+$0xFFFFFF30]  }
0x20a: {  	v9 =	vld [tilespmem:s16+$0xFFFFFE60];
	v5 =	vmax.f32 v5, $0.0e+00  }
0x20b: {  	v8 =	vadd.f32 v13, v8;
	[tilespmem:s16+$0xFFFFFFC0] =	vst v5;
	v5 =	vld [tilespmem:s16+$0xFFFFFFD0]  }
0x20c: {  	v13 =	vld [tilespmem:s19+$0xC0]  }
0x20d: {  	v8 =	vmax.f32 v8, $0.0e+00;
	v15 =	vld [tilespmem:s16+$0xFFFFFEE0];
	v4 =	vadd.f32 v10, v4  }
0x20e: {  	v6 =	vadd.f32 v12, v6;
	[tilespmem:s16+$0xFFFFFEC0] =	vst v8;
	v8 =	vld [tilespmem:s16+$0xFFFFFF60]  }
0x20f: {  	v10 =	vld [tilespmem:s19+$0xFFFFFFC0];
	v12 =	vmax.f32 v4, $0.0e+00  }
0x210: {  	v6 =	vmax.f32 v6, $0.0e+00;
	v4 =	vld [tilespmem:s16+$0xFFFFFE70];
	[tilespmem:s16+$0xFFFFFF40] =	vst v12  }
0x211: {  	[tilespmem:s16+$0xFFFFFE40] =	vst v6;
	v6 =	vld [tilespmem:s19+$0x40];
	v12 =	vadd.f32 v5, v13  }
0x212: {  	v13 =	vld [tilespmem:s19+$0xFFFFFF40]  }
0x213: {  	v5 =	vld [tilespmem:s16+$0xFFFFFEF0];
	v12 =	vmax.f32 v12, $0.0e+00  }
0x214: {  	v7 =	vadd.f32 v7, v10;
	[tilespmem:s16+$0xFFFFFFD0] =	vst v12;
	v10 =	vld [tilespmem:s16+$0xFFFFFFE0]  }
0x215: {  	v12 =	vld [tilespmem:s19+$0xD0]  }
0x216: {  	v7 =	vmax.f32 v7, $0.0e+00;
	v11 =	vadd.f32 v11, v6;
	v6 =	vld [tilespmem:s16+$0xFFFFFF70]  }
0x217: {  	v13 =	vadd.f32 v14, v13;
	[tilespmem:s16+$0xFFFFFED0] =	vst v7;
	v7 =	vld [tilespmem:s15+$0xFFFFFF70]  }
0x218: {  	v14 =	vld [tilespmem:s19+$0xFFFFFFD0];
	v11 =	vmax.f32 v11, $0.0e+00  }
0x219: {  	v13 =	vmax.f32 v13, $0.0e+00;
	[tilespmem:s16+$0xFFFFFF50] =	vst v11;
	v11 =	vld [tilespmem:s15+$0xFFFFFFF0]  }
0x21a: {  	[tilespmem:s16+$0xFFFFFE50] =	vst v13;
	v13 =	vld [tilespmem:s19+$0x50];
	v10 =	vadd.f32 v10, v12  }
0x21b: {  	v12 =	vld [tilespmem:s19+$0xFFFFFF50]  }
0x21c: {  	v10 =	vmax.f32 v10, $0.0e+00;
	v3 =	vadd.f32 v3, v7;
	v7 =	vld [tilespmem:s15+$0x70];
	s15 =	smov.u32 s19  }
0x21d: {  	v14 =	vadd.f32 v15, v14;
	[tilespmem:s16+$0xFFFFFFE0] =	vst v10;
	v10 =	vld [tilespmem:s16+$0xFFFFFFF0]  }
0x21e: {  	v15 =	vld [tilespmem:s19+$0xE0];
	v16 =	vmax.f32 v3, $0.0e+00;
	v11 =	vadd.f32 v2, v11  }
0x21f: {  	v3 =	vld [tilespmem:s16+$0xFFFFFE80];
	v2 =	vmax.f32 v14, $0.0e+00;
	v13 =	vadd.f32 v8, v13;
	[tilespmem:s17+$0xFFFFFE80] =	vst v16  }
0x220: {  	v9 =	vadd.f32 v9, v12;
	[tilespmem:s16+$0xFFFFFEE0] =	vst v2;
	v2 =	vld [tilespmem:s16+$0xFFFFFF00];
	v11 =	vmax.f32 v11, $0.0e+00  }
.Ltmp5:
0x221: {  	v8 =	vld [tilespmem:s19+$0xFFFFFFE0];
	v12 =	vmax.f32 v13, $0.0e+00;
	[tilespmem:s17+$0xFFFFFF00] =	vst v11;
	v7 =	vadd.f32 v1, v7;
	(pc) =	sbr.rel @p1 .LBB2_10-.Ltmp5, $4  }
0x222: {  	v9 =	vmax.f32 v9, $0.0e+00;
	[tilespmem:s16+$0xFFFFFF60] =	vst v12;
	v1 =	vld [tilespmem:s16+$0xFFFFFF80]  }
0x223: {  	[tilespmem:s16+$0xFFFFFE60] =	vst v9;
	v9 =	vld [tilespmem:s19+$0x60];
	v11 =	vadd.f32 v10, v15;
	v7 =	vmax.f32 v7, $0.0e+00  }
0x224: {  	v10 =	vld [tilespmem:s19+$0xFFFFFF60];
	[tilespmem:s17+$0xFFFFFF80] =	vst v7;
	s17 =	smov.u32 s16  }
0x225: {  	s19 =	sadd.s32 $0x200, s19;
	v11 =	vmax.f32 v11, $0.0e+00;
	v7 =	vld [tilespmem:s16+$0x0]  }
0x226: {  	_ = 	snop  }
0x227: {  	v5 =	vadd.f32 v5, v8  }
0x228: {  	v6 =	vadd.f32 v6, v9  }
0x229: {  	[tilespmem:s16+$0xFFFFFFF0] =	vst v11;
	v5 =	vmax.f32 v5, $0.0e+00;
	v4 =	vadd.f32 v4, v10  }
0x22a: {  	v58 =	vld [tilespmem:s15+$0xF0];
	[tilespmem:s17+$0xFFFFFEF0] =	vst v5;
	v59 =	vmax.f32 v6, $0.0e+00  }
0x22b: {  	v61 =	vld [tilespmem:s15+$0xFFFFFFF0];
	v4 =	vmax.f32 v4, $0.0e+00;
	[tilespmem:s17+$0xFFFFFF70] =	vst v59  }
0x22c: {  	[tilespmem:s17+$0xFFFFFE70] =	vst v4;
	v62 =	vld [tilespmem:s15+$0x70]  }
0x22d: {  	v60 =	vld [tilespmem:s15+$0xFFFFFF70];
	_ =	sdelay $0x1  }
0x22e: {  	v7 =	vadd.f32 v7, v58  }
0x22f: {  	v2 =	vadd.f32 v2, v61  }
0x230: {  	v63 =	vmax.f32 v7, $0.0e+00;
	v1 =	vadd.f32 v1, v62  }
0x231: {  	[tilespmem:s17+$0x0] =	vst v63;
	v2 =	vmax.f32 v2, $0.0e+00;
	v3 =	vadd.f32 v3, v60  }
0x232: {  	[tilespmem:s17+$0xFFFFFF00] =	vst v2;
	v1 =	vmax.f32 v1, $0.0e+00  }
0x233: {  	s10 =	simm.s32 $0x1B400;
	v3 =	vmax.f32 v3, $0.0e+00;
	[tilespmem:s17+$0xFFFFFF80] =	vst v1  }
0x234: {  	s16 =	simm.s32 $0x3;
	p1 =	por $0x1, $0x1;
	s15 =	simm.s32 $0x3;
	[tilespmem:s17+$0xFFFFFE80] =	vst v3  }
0x235: {  	[spmem:s5] =	stream.indirect.scatter.add.f32 [tilespmem:s10], [sflag:$0x6], $0x80, s25, s3, $0xb8;
	[tilespmem:$0x1DC00] =	vst v63  }
.LBB2_12:
0x236: {  	s10 =	sadd.s32 $0xFFFFFFFD, s16  }
0x237: {  	s17 =	sshll.u32 s10, $0x10  }
0x238: {  	s17 =	sshra.s32 s17, $0x1F  }
0x239: {  	s17 =	sand.u32 $0x3, s17  }
0x23a: {  	s17 =	sadd.s32 s17, s10  }
0x23b: {  	s17 =	sand.u32 $0xFFFC, s17  }
0x23c: {  	_ =	swait.ge [sflag:s29], $0x28;
	s10 =	ssub.s32 s10, s17  }
0x23d: {  	s21 =	smul.u32 $0x28, s16;
	s17 =	sadd.s32 $0x1, s16;
	s10 =	sshll.u32 s10, $0x10  }
0x23e: {  	[sflag:s29] =	ssyncset.done $0x0;
	s18 =	sand.u32 $0x1, s17;
	s10 =	sshra.s32 s10, $0x10  }
0x23f: {  	[sflag:s29] =	ssyncadd.s32 $0xFFFFFFD8;
	s19 =	smul.u32 $0x5000, s18;
	s10 =	sadd.s32 $0x4, s10  }
0x240: {  	s25 =	sadd.s32 $0x2, s16;
	s22 =	sadd.s32 $0x138A8, s21;
	_ =	swait.ge [sflag:s10], $0x1400  }
0x241: {  	s23 =	sand.u32 $0x3, s17;
	s19 =	sshrl.u32 s19, $0x2;
	[sflag:s10] =	ssyncset.done $0x0  }
0x242: {  	s18 =	sor.u32 $0x2, s18;
	[sflag:s10] =	ssyncadd.s32 $0xFFFFEC00;
	s10 =	sadd.s32 $0x16400, s19  }
0x243: {  	[tilespmem:s10], [sflag:s18] =	stream.indirect.gather [hbm4b:s0+s3], $0x80, s22, s3, $0xb8;
	[tilespmem:$0x1DC00] =	vst v63  }
0x244: {  	s10 =	smul.u32 $0x5000, s23;
	s22 =	sand.u32 $0xFF, s25  }
0x245: {  	s21 =	sadd.s32 s6, s21;
	s22 =	smul.u32 $0xCD, s22  }
0x246: {  	s23 =	sshll.u32 s21, $0x4  }
0x247: {  	s23 =	sadd.s32 s4, s23;
	s10 =	sshrl.u32 s10, $0x2;
	s22 =	sshrl.u32 s22, $0xA  }
0x248: {  	s23 =	sadd.s32 $0x280, s23;
	s10 =	sadd.s32 $0x18C00, s10;
	s22 =	smul.u32 $0x5, s22  }
0x249: {  	[tilespmem:s10], [sflag:s18] =	stream.linear.gather [hbm4b:s23+s7], $0x1400, $0x38;
	[tilespmem:$0x1DC00] =	vst v63  }
0x24a: {  	s19 =	ssub.s32 s25, s22  }
0x24b: {  	s21 =	sadd.s32 $0x50, s21;
	s10 =	sand.u32 $0x3F, s19  }
0x24c: {  	s18 =	sshrl.u32 s21, $0x3;
	s10 =	sshll.u32 s10, $0x7  }
0x24d: {  	s18 =	sadd.s32 s2, s18;
	s22 =	sand.u32 $0x1, s16;
	s10 =	sor.u32 $0x16000, s10  }
0x24e: {  	[tilespmem:s10], [sflag:$0x1] =	stream.linear.gather [hbm4b:s18+s7], $0x28, $0x38;
	[tilespmem:$0x1DC00] =	vst v63  }
0x24f: {  	s10 =	sor.u32 $0x2, s22  }
0x250: {  	s18 =	simm.s32 $0x1;
	_ =	swait.ge [sflag:s10], $0x1400  }
0x251: {  	s18 =	simm.s32 @!p1 $0x0;
	[sflag:s10] =	ssyncset.done $0x0  }
0x252: {  	s23 =	sand.u32 $0x3, s15;
	s18 =	smul.u32 $0x5000, s18;
	[sflag:s10] =	ssyncadd.s32 $0xFFFFEC00  }
0x253: {  	s19 =	smul.u32 $0x5000, s23;
	_ =	swait.ge [sflag:s10], $0x1400  }
0x254: {  	s18 =	sshrl.u32 s18, $0x2;
	[sflag:s10] =	ssyncset.done $0x0  }
0x255: {  	s19 =	sshrl.u32 s19, $0x2;
	s18 =	sadd.s32 $0x16500, s18;
	[sflag:s10] =	ssyncadd.s32 $0xFFFFEC00  }
0x256: {  	s19 =	sadd.s32 $0x18D00, s19;
	v1 =	vld [tilespmem:s18+$0x80]  }
0x257: {  	v2 =	vld [tilespmem:s19+$0x80]  }
0x258: {  	v3 =	vld [tilespmem:s19+$0xFFFFFF00]  }
0x259: {  	v4 =	vld [tilespmem:s18+$0xFFFFFF80]  }
0x25a: {  	v5 =	vld [tilespmem:s19+$0xFFFFFF80]  }
0x25b: {  	v6 =	vld [tilespmem:s19+$0x0]  }
0x25c: {  	v1 =	vadd.f32 v2, v1;
	v2 =	vld [tilespmem:s18+$0x0]  }
0x25d: {  	v7 =	vld [tilespmem:s18+$0xFFFFFF00]  }
0x25e: {  	v1 =	vmax.f32 v1, $0.0e+00  }
0x25f: {  	v4 =	vadd.f32 v5, v4;
	[tilespmem:s19+$0x80] =	vst v1;
	v1 =	vld [tilespmem:s19+$0x90]  }
0x260: {  	v8 =	vld [tilespmem:s18+$0x90]  }
0x261: {  	v9 =	vld [tilespmem:s19+$0xFFFFFF90];
	v4 =	vmax.f32 v4, $0.0e+00;
	v2 =	vadd.f32 v6, v2  }
0x262: {  	v5 =	vld [tilespmem:s19+$0xFFFFFF10];
	v3 =	vadd.f32 v3, v7;
	[tilespmem:s19+$0xFFFFFF80] =	vst v4  }
0x263: {  	v6 =	vld [tilespmem:s18+$0xFFFFFF90];
	v2 =	vmax.f32 v2, $0.0e+00  }
0x264: {  	v3 =	vmax.f32 v3, $0.0e+00;
	v4 =	vld [tilespmem:s19+$0x10];
	[tilespmem:s19+$0x0] =	vst v2  }
0x265: {  	[tilespmem:s19+$0xFFFFFF00] =	vst v3;
	v1 =	vadd.f32 v1, v8;
	v2 =	vld [tilespmem:s18+$0x10]  }
0x266: {  	v3 =	vld [tilespmem:s18+$0xFFFFFF10]  }
0x267: {  	v1 =	vmax.f32 v1, $0.0e+00  }
0x268: {  	v6 =	vadd.f32 v9, v6;
	[tilespmem:s19+$0x90] =	vst v1;
	v1 =	vld [tilespmem:s19+$0xA0]  }
0x269: {  	v8 =	vld [tilespmem:s18+$0xA0]  }
0x26a: {  	v7 =	vld [tilespmem:s19+$0xFFFFFF20];
	v6 =	vmax.f32 v6, $0.0e+00;
	v2 =	vadd.f32 v4, v2  }
0x26b: {  	v3 =	vadd.f32 v5, v3;
	v9 =	vld [tilespmem:s19+$0xFFFFFFA0];
	[tilespmem:s19+$0xFFFFFF90] =	vst v6  }
0x26c: {  	v5 =	vld [tilespmem:s18+$0xFFFFFFA0];
	v2 =	vmax.f32 v2, $0.0e+00  }
0x26d: {  	v3 =	vmax.f32 v3, $0.0e+00;
	v4 =	vld [tilespmem:s19+$0x20];
	[tilespmem:s19+$0x10] =	vst v2  }
0x26e: {  	[tilespmem:s19+$0xFFFFFF10] =	vst v3;
	v1 =	vadd.f32 v1, v8;
	v2 =	vld [tilespmem:s18+$0x20]  }
0x26f: {  	v3 =	vld [tilespmem:s18+$0xFFFFFF20]  }
0x270: {  	v1 =	vmax.f32 v1, $0.0e+00  }
0x271: {  	v5 =	vadd.f32 v9, v5;
	[tilespmem:s19+$0xA0] =	vst v1;
	v1 =	vld [tilespmem:s19+$0xB0]  }
0x272: {  	v8 =	vld [tilespmem:s18+$0xB0]  }
0x273: {  	v10 =	vld [tilespmem:s19+$0x30];
	v5 =	vmax.f32 v5, $0.0e+00;
	v2 =	vadd.f32 v4, v2  }
0x274: {  	v3 =	vadd.f32 v7, v3;
	v9 =	vld [tilespmem:s19+$0xFFFFFFB0];
	[tilespmem:s19+$0xFFFFFFA0] =	vst v5  }
0x275: {  	v4 =	vld [tilespmem:s18+$0xFFFFFFB0];
	v2 =	vmax.f32 v2, $0.0e+00  }
0x276: {  	v6 =	vld [tilespmem:s19+$0xFFFFFF30];
	[tilespmem:s19+$0x20] =	vst v2;
	v2 =	vmax.f32 v3, $0.0e+00  }
0x277: {  	v1 =	vadd.f32 v1, v8;
	[tilespmem:s19+$0xFFFFFF20] =	vst v2;
	v2 =	vld [tilespmem:s18+$0x30]  }
0x278: {  	v7 =	vld [tilespmem:s18+$0xFFFFFF30]  }
0x279: {  	v11 =	vld [tilespmem:s19+$0xFFFFFF40];
	v1 =	vmax.f32 v1, $0.0e+00  }
0x27a: {  	v4 =	vadd.f32 v9, v4;
	[tilespmem:s19+$0xB0] =	vst v1;
	v1 =	vld [tilespmem:s19+$0xC0]  }
0x27b: {  	v8 =	vld [tilespmem:s18+$0xC0]  }
0x27c: {  	v12 =	vld [tilespmem:s19+$0xFFFFFFD0];
	v4 =	vmax.f32 v4, $0.0e+00;
	v2 =	vadd.f32 v10, v2  }
0x27d: {  	v5 =	vld [tilespmem:s19+$0xFFFFFFC0];
	[tilespmem:s19+$0xFFFFFFB0] =	vst v4;
	v6 =	vadd.f32 v6, v7  }
0x27e: {  	v7 =	vld [tilespmem:s18+$0xFFFFFFC0];
	v2 =	vmax.f32 v2, $0.0e+00  }
0x27f: {  	v3 =	vld [tilespmem:s19+$0x40];
	[tilespmem:s19+$0x30] =	vst v2;
	v2 =	vmax.f32 v6, $0.0e+00  }
0x280: {  	v1 =	vadd.f32 v1, v8;
	v6 =	vld [tilespmem:s18+$0x40];
	[tilespmem:s19+$0xFFFFFF30] =	vst v2  }
0x281: {  	v2 =	vld [tilespmem:s18+$0xFFFFFF40]  }
0x282: {  	v9 =	vld [tilespmem:s19+$0xFFFFFF50];
	v1 =	vmax.f32 v1, $0.0e+00  }
0x283: {  	[tilespmem:s19+$0xC0] =	vst v1;
	v1 =	vadd.f32 v5, v7;
	v7 =	vld [tilespmem:s19+$0xD0]  }
0x284: {  	v8 =	vld [tilespmem:s18+$0xD0]  }
0x285: {  	v4 =	vld [tilespmem:s19+$0xFFFFFF60];
	v1 =	vmax.f32 v1, $0.0e+00;
	v3 =	vadd.f32 v3, v6  }
0x286: {  	v10 =	vld [tilespmem:s19+$0x50];
	[tilespmem:s19+$0xFFFFFFC0] =	vst v1;
	v1 =	vadd.f32 v11, v2  }
0x287: {  	v2 =	vld [tilespmem:s18+$0xFFFFFFD0];
	v3 =	vmax.f32 v3, $0.0e+00  }
0x288: {  	v5 =	vld [tilespmem:s19+$0xFFFFFFE0];
	[tilespmem:s19+$0x40] =	vst v3;
	v1 =	vmax.f32 v1, $0.0e+00  }
0x289: {  	v3 =	vld [tilespmem:s18+$0x50];
	v7 =	vadd.f32 v7, v8;
	[tilespmem:s19+$0xFFFFFF40] =	vst v1  }
0x28a: {  	v1 =	vld [tilespmem:s18+$0xFFFFFF50]  }
0x28b: {  	v6 =	vld [tilespmem:s19+$0x60];
	v7 =	vmax.f32 v7, $0.0e+00  }
0x28c: {  	v2 =	vadd.f32 v12, v2;
	[tilespmem:s19+$0xD0] =	vst v7;
	v7 =	vld [tilespmem:s19+$0xE0]  }
0x28d: {  	v11 =	vld [tilespmem:s18+$0xE0]  }
0x28e: {  	v2 =	vmax.f32 v2, $0.0e+00;
	v8 =	vadd.f32 v10, v3;
	v3 =	vld [tilespmem:s19+$0xFFFFFF70]  }
0x28f: {  	[tilespmem:s19+$0xFFFFFFD0] =	vst v2;
	v1 =	vadd.f32 v9, v1;
	v2 =	vld [tilespmem:s19+$0xFFFFFFF0]  }
0x290: {  	s21 =	sand.u32 $0x3, s16;
	v9 =	vmax.f32 v8, $0.0e+00;
	v8 =	vld [tilespmem:s18+$0xFFFFFFE0]  }
0x291: {  	s25 =	smul.u32 $0x5000, s21;
	[tilespmem:s19+$0x50] =	vst v9;
	v9 =	vmax.f32 v1, $0.0e+00;
	v1 =	vld [tilespmem:s19+$0x70]  }
0x292: {  	[tilespmem:s19+$0xFFFFFF50] =	vst v9;
	v9 =	vld [tilespmem:s18+$0x60];
	v7 =	vadd.f32 v7, v11  }
0x293: {  	s23 =	smov.u32 s19;
	s10 =	sshrl.u32 s25, $0x2;
	v10 =	vld [tilespmem:s18+$0xFFFFFF60]  }
0x294: {  	s25 =	simm.s32 $0x0;
	s22 =	sadd.s32 $0x18C00, s10;
	s10 =	sadd.s32 $0x200, s18;
	v11 =	vmax.f32 v7, $0.0e+00;
	v7 =	vld [tilespmem:s19+$0xF0]  }
.LBB2_13:
0x295: {  	v12 =	vld [tilespmem:s10+$0x80];
	v5 =	vadd.f32 v5, v8;
	[tilespmem:s19+$0xE0] =	vst v11  }
0x296: {  	s19 =	sadd.s32 $0x200, s19;
	v8 =	vld [tilespmem:s18+$0xF0]  }
0x297: {  	s25 =	sadd.s32 $0x4, s25;
	v11 =	vld [tilespmem:s19+$0x80];
	v5 =	vmax.f32 v5, $0.0e+00;
	v6 =	vadd.f32 v6, v9  }
0x298: {  	p2 =	slt.u32 s25, $0x24;
	v9 =	vld [tilespmem:s19+$0xFFFFFF00];
	v4 =	vadd.f32 v4, v10;
	[tilespmem:s23+$0xFFFFFFE0] =	vst v5  }
0x299: {  	v5 =	vld [tilespmem:s10+$0xFFFFFF80];
	v6 =	vmax.f32 v6, $0.0e+00  }
0x29a: {  	v10 =	vld [tilespmem:s19+$0xFFFFFF80];
	v4 =	vmax.f32 v4, $0.0e+00;
	[tilespmem:s23+$0x60] =	vst v6  }
0x29b: {  	v6 =	vld [tilespmem:s10+$0x0];
	[tilespmem:s23+$0xFFFFFF60] =	vst v4;
	v4 =	vadd.f32 v7, v8  }
0x29c: {  	v7 =	vld [tilespmem:s19+$0x0];
	v8 =	vadd.f32 v11, v12  }
0x29d: {  	v11 =	vld [tilespmem:s10+$0xFFFFFF00];
	v4 =	vmax.f32 v4, $0.0e+00  }
0x29e: {  	v12 =	vld [tilespmem:s19+$0xFFFFFF10];
	v8 =	vmax.f32 v8, $0.0e+00;
	[tilespmem:s23+$0xF0] =	vst v4  }
0x29f: {  	v4 =	vadd.f32 v10, v5;
	[tilespmem:s19+$0x80] =	vst v8;
	v5 =	vld [tilespmem:s19+$0x90]  }
0x2a0: {  	v8 =	vld [tilespmem:s10+$0x90]  }
0x2a1: {  	v4 =	vmax.f32 v4, $0.0e+00;
	v10 =	vld [tilespmem:s19+$0xFFFFFF90];
	v6 =	vadd.f32 v7, v6  }
0x2a2: {  	v7 =	vadd.f32 v9, v11;
	[tilespmem:s19+$0xFFFFFF80] =	vst v4;
	v4 =	vld [tilespmem:s19+$0x10]  }
0x2a3: {  	v9 =	vld [tilespmem:s10+$0xFFFFFF90];
	v6 =	vmax.f32 v6, $0.0e+00  }
0x2a4: {  	v7 =	vmax.f32 v7, $0.0e+00;
	v11 =	vld [tilespmem:s19+$0xFFFFFF20];
	[tilespmem:s19+$0x0] =	vst v6  }
0x2a5: {  	[tilespmem:s19+$0xFFFFFF00] =	vst v7;
	v6 =	vld [tilespmem:s10+$0x10];
	v5 =	vadd.f32 v5, v8  }
0x2a6: {  	v7 =	vld [tilespmem:s10+$0xFFFFFF10]  }
0x2a7: {  	v8 =	vld [tilespmem:s19+$0xFFFFFFA0];
	v5 =	vmax.f32 v5, $0.0e+00  }
0x2a8: {  	v9 =	vadd.f32 v10, v9;
	[tilespmem:s19+$0x90] =	vst v5;
	v5 =	vld [tilespmem:s19+$0xA0]  }
0x2a9: {  	v10 =	vld [tilespmem:s10+$0xA0]  }
0x2aa: {  	v9 =	vmax.f32 v9, $0.0e+00;
	v4 =	vadd.f32 v4, v6;
	v6 =	vld [tilespmem:s19+$0x20]  }
0x2ab: {  	v7 =	vadd.f32 v12, v7;
	v12 =	vld [tilespmem:s19+$0xFFFFFF30];
	[tilespmem:s19+$0xFFFFFF90] =	vst v9  }
0x2ac: {  	v9 =	vld [tilespmem:s10+$0xFFFFFFA0];
	v4 =	vmax.f32 v4, $0.0e+00  }
0x2ad: {  	v7 =	vmax.f32 v7, $0.0e+00;
	v13 =	vld [tilespmem:s19+$0xFFFFFFB0];
	[tilespmem:s19+$0x10] =	vst v4  }
0x2ae: {  	[tilespmem:s19+$0xFFFFFF10] =	vst v7;
	v4 =	vld [tilespmem:s10+$0x20];
	v5 =	vadd.f32 v5, v10  }
0x2af: {  	v7 =	vld [tilespmem:s10+$0xFFFFFF20]  }
0x2b0: {  	v10 =	vld [tilespmem:s19+$0x30];
	v5 =	vmax.f32 v5, $0.0e+00  }
0x2b1: {  	v8 =	vadd.f32 v8, v9;
	[tilespmem:s19+$0xA0] =	vst v5;
	v5 =	vld [tilespmem:s19+$0xB0]  }
0x2b2: {  	v9 =	vld [tilespmem:s10+$0xB0]  }
0x2b3: {  	v14 =	vld [tilespmem:s19+$0xFFFFFF40];
	v8 =	vmax.f32 v8, $0.0e+00;
	v4 =	vadd.f32 v6, v4  }
0x2b4: {  	v6 =	vadd.f32 v11, v7;
	[tilespmem:s19+$0xFFFFFFA0] =	vst v8;
	v7 =	vld [tilespmem:s19+$0xFFFFFFC0]  }
0x2b5: {  	v8 =	vld [tilespmem:s10+$0xFFFFFFB0];
	v4 =	vmax.f32 v4, $0.0e+00  }
0x2b6: {  	v6 =	vmax.f32 v6, $0.0e+00;
	[tilespmem:s19+$0x20] =	vst v4;
	v11 =	vld [tilespmem:s19+$0x40]  }
0x2b7: {  	[tilespmem:s19+$0xFFFFFF20] =	vst v6;
	v4 =	vld [tilespmem:s10+$0x30];
	v5 =	vadd.f32 v5, v9  }
0x2b8: {  	v6 =	vld [tilespmem:s10+$0xFFFFFF30]  }
0x2b9: {  	v9 =	vld [tilespmem:s19+$0xFFFFFF50];
	v5 =	vmax.f32 v5, $0.0e+00  }
0x2ba: {  	v8 =	vadd.f32 v13, v8;
	[tilespmem:s19+$0xB0] =	vst v5;
	v5 =	vld [tilespmem:s19+$0xC0]  }
0x2bb: {  	v13 =	vld [tilespmem:s10+$0xC0]  }
0x2bc: {  	v8 =	vmax.f32 v8, $0.0e+00;
	v15 =	vld [tilespmem:s19+$0xFFFFFFD0];
	v4 =	vadd.f32 v10, v4  }
0x2bd: {  	v6 =	vadd.f32 v12, v6;
	[tilespmem:s19+$0xFFFFFFB0] =	vst v8;
	v8 =	vld [tilespmem:s19+$0x50]  }
0x2be: {  	v10 =	vld [tilespmem:s10+$0xFFFFFFC0];
	v12 =	vmax.f32 v4, $0.0e+00  }
0x2bf: {  	v6 =	vmax.f32 v6, $0.0e+00;
	v4 =	vld [tilespmem:s19+$0xFFFFFF60];
	[tilespmem:s19+$0x30] =	vst v12  }
0x2c0: {  	[tilespmem:s19+$0xFFFFFF30] =	vst v6;
	v6 =	vld [tilespmem:s10+$0x40];
	v12 =	vadd.f32 v5, v13  }
0x2c1: {  	v13 =	vld [tilespmem:s10+$0xFFFFFF40]  }
0x2c2: {  	v5 =	vld [tilespmem:s19+$0xFFFFFFE0];
	v12 =	vmax.f32 v12, $0.0e+00  }
0x2c3: {  	v7 =	vadd.f32 v7, v10;
	[tilespmem:s19+$0xC0] =	vst v12;
	v10 =	vld [tilespmem:s19+$0xD0]  }
0x2c4: {  	v12 =	vld [tilespmem:s10+$0xD0]  }
0x2c5: {  	v7 =	vmax.f32 v7, $0.0e+00;
	v11 =	vadd.f32 v11, v6;
	v6 =	vld [tilespmem:s19+$0x60]  }
0x2c6: {  	v13 =	vadd.f32 v14, v13;
	[tilespmem:s19+$0xFFFFFFC0] =	vst v7;
	v7 =	vld [tilespmem:s18+$0xFFFFFF70]  }
0x2c7: {  	v14 =	vld [tilespmem:s10+$0xFFFFFFD0];
	v11 =	vmax.f32 v11, $0.0e+00  }
0x2c8: {  	v13 =	vmax.f32 v13, $0.0e+00;
	[tilespmem:s19+$0x40] =	vst v11;
	v11 =	vld [tilespmem:s18+$0xFFFFFFF0]  }
0x2c9: {  	[tilespmem:s19+$0xFFFFFF40] =	vst v13;
	v13 =	vld [tilespmem:s10+$0x50];
	v10 =	vadd.f32 v10, v12  }
0x2ca: {  	v12 =	vld [tilespmem:s10+$0xFFFFFF50]  }
0x2cb: {  	v10 =	vmax.f32 v10, $0.0e+00;
	v3 =	vadd.f32 v3, v7;
	v7 =	vld [tilespmem:s18+$0x70];
	s18 =	smov.u32 s10  }
0x2cc: {  	v14 =	vadd.f32 v15, v14;
	[tilespmem:s19+$0xD0] =	vst v10;
	v10 =	vld [tilespmem:s19+$0xE0]  }
0x2cd: {  	v15 =	vld [tilespmem:s10+$0xE0];
	v16 =	vmax.f32 v3, $0.0e+00;
	v11 =	vadd.f32 v2, v11  }
0x2ce: {  	v3 =	vld [tilespmem:s19+$0xFFFFFF70];
	v2 =	vmax.f32 v14, $0.0e+00;
	v13 =	vadd.f32 v8, v13;
	[tilespmem:s23+$0xFFFFFF70] =	vst v16  }
0x2cf: {  	v9 =	vadd.f32 v9, v12;
	[tilespmem:s19+$0xFFFFFFD0] =	vst v2;
	v2 =	vld [tilespmem:s19+$0xFFFFFFF0];
	v11 =	vmax.f32 v11, $0.0e+00  }
.Ltmp6:
0x2d0: {  	v8 =	vld [tilespmem:s10+$0xFFFFFFE0];
	v12 =	vmax.f32 v13, $0.0e+00;
	[tilespmem:s23+$0xFFFFFFF0] =	vst v11;
	v7 =	vadd.f32 v1, v7;
	(pc) =	sbr.rel @p2 .LBB2_13-.Ltmp6, $4  }
0x2d1: {  	v9 =	vmax.f32 v9, $0.0e+00;
	[tilespmem:s19+$0x50] =	vst v12;
	v1 =	vld [tilespmem:s19+$0x70]  }
0x2d2: {  	[tilespmem:s19+$0xFFFFFF50] =	vst v9;
	v9 =	vld [tilespmem:s10+$0x60];
	v11 =	vadd.f32 v10, v15;
	v7 =	vmax.f32 v7, $0.0e+00  }
0x2d3: {  	v10 =	vld [tilespmem:s10+$0xFFFFFF60];
	[tilespmem:s23+$0x70] =	vst v7;
	s23 =	smov.u32 s19  }
0x2d4: {  	s10 =	sadd.s32 $0x200, s10;
	v11 =	vmax.f32 v11, $0.0e+00;
	v7 =	vld [tilespmem:s19+$0xF0]  }
0x2d5: {  	_ = 	snop  }
0x2d6: {  	v5 =	vadd.f32 v5, v8  }
0x2d7: {  	v6 =	vadd.f32 v6, v9  }
0x2d8: {  	[tilespmem:s19+$0xE0] =	vst v11;
	v5 =	vmax.f32 v5, $0.0e+00;
	v4 =	vadd.f32 v4, v10  }
0x2d9: {  	v58 =	vld [tilespmem:s18+$0xF0];
	[tilespmem:s23+$0xFFFFFFE0] =	vst v5;
	v59 =	vmax.f32 v6, $0.0e+00  }
0x2da: {  	v61 =	vld [tilespmem:s18+$0xFFFFFFF0];
	v4 =	vmax.f32 v4, $0.0e+00;
	[tilespmem:s23+$0x60] =	vst v59  }
0x2db: {  	[tilespmem:s23+$0xFFFFFF60] =	vst v4;
	v62 =	vld [tilespmem:s18+$0x70]  }
0x2dc: {  	v60 =	vld [tilespmem:s18+$0xFFFFFF70]  }
0x2dd: {  	s10 =	smulhi.u32 $0xCCCCCCCD, s16  }
0x2de: {  	v7 =	vadd.f32 v7, v58  }
0x2df: {  	s10 =	sshrl.u32 s10, $0x2;
	v2 =	vadd.f32 v2, v61  }
0x2e0: {  	p2 =	sne.s32 s17, $0xF8;
	s10 =	smul.u32 $0x5, s10;
	v63 =	vmax.f32 v7, $0.0e+00;
	v1 =	vadd.f32 v1, v62  }
.Ltmp7:
0x2e1: {  	[tilespmem:s23+$0xF0] =	vst v63;
	v2 =	vmax.f32 v2, $0.0e+00;
	v3 =	vadd.f32 v3, v60;
	(pc) =	sbr.rel @p2 .LBB2_12-.Ltmp7, $4  }
0x2e2: {  	s10 =	ssub.s32 s16, s10;
	[tilespmem:s23+$0xFFFFFFF0] =	vst v2;
	v1 =	vmax.f32 v1, $0.0e+00  }
0x2e3: {  	s25 =	sor.u32 $0x4, s21;
	p1 =	por !p1, !p1;
	s10 =	sshll.u32 s10, $0x7;
	v3 =	vmax.f32 v3, $0.0e+00;
	[tilespmem:s23+$0x70] =	vst v1  }
0x2e4: {  	s15 =	sadd.s32 $0x1, s15;
	s16 =	smov.u32 s17;
	s10 =	sor.u32 $0x16000, s10;
	[tilespmem:s23+$0xFFFFFF70] =	vst v3  }
0x2e5: {  	[spmem:s5] =	stream.indirect.scatter.add.f32 [tilespmem:s22], [sflag:s25], $0x80, s10, s3, $0xb8;
	[tilespmem:$0x1DC00] =	vst v63  }
0x2e6: {  	_ =	swait.ge [sflag:s29], $0x28  }
0x2e7: {  	[sflag:s29] =	ssyncset.done $0x0  }
0x2e8: {  	[sflag:s29] =	ssyncadd.s32 $0xFFFFFFD8  }
0x2e9: {  	_ =	swait.ge [sflag:s13], $0x1400  }
0x2ea: {  	[sflag:s13] =	ssyncset.done $0x0  }
0x2eb: {  	s10 =	simm.s32 $0x15F68;
	[sflag:s13] =	ssyncadd.s32 $0xFFFFEC00  }
0x2ec: {  	[tilespmem:s24], [sflag:$0x3] =	stream.indirect.gather [hbm4b:s0+s3], $0x80, s10, s3, $0xb8;
	[tilespmem:$0x1DC00] =	vst v63  }
0x2ed: {  	s25 =	rddreg [dreg:$0x10]  }
0x2ee: {  	[tilespmem:s8], [sflag:$0x3] =	stream.linear.gather [hbm4b:s25+s7], $0x1400, $0x38;
	[tilespmem:$0x1DC00] =	vst v63  }
0x2ef: {  	_ =	swait.ge [sflag:s31], $0x1400  }
0x2f0: {  	[sflag:s31] =	ssyncset.done $0x0  }
0x2f1: {  	[sflag:s31] =	ssyncadd.s32 $0xFFFFEC00  }
0x2f2: {  	_ =	swait.ge [sflag:s31], $0x1400  }
0x2f3: {  	[sflag:s31] =	ssyncset.done $0x0  }
0x2f4: {  	s15 =	simm.s32 $0x16500;
	[sflag:s31] =	ssyncadd.s32 $0xFFFFEC00  }
0x2f5: {  	s16 =	simm.s32 $0x18D00;
	v1 =	vld [tilespmem:s15+$0x80]  }
0x2f6: {  	v2 =	vld [tilespmem:s16+$0x80]  }
0x2f7: {  	v3 =	vld [tilespmem:s16+$0xFFFFFF00]  }
0x2f8: {  	v4 =	vld [tilespmem:s15+$0xFFFFFF80]  }
0x2f9: {  	v5 =	vld [tilespmem:s16+$0xFFFFFF80]  }
0x2fa: {  	v6 =	vld [tilespmem:s16+$0x0]  }
0x2fb: {  	v1 =	vadd.f32 v2, v1;
	v2 =	vld [tilespmem:s15+$0x0]  }
0x2fc: {  	v7 =	vld [tilespmem:s15+$0xFFFFFF00]  }
0x2fd: {  	v1 =	vmax.f32 v1, $0.0e+00  }
0x2fe: {  	v4 =	vadd.f32 v5, v4;
	[tilespmem:s16+$0x80] =	vst v1;
	v1 =	vld [tilespmem:s16+$0x90]  }
0x2ff: {  	v8 =	vld [tilespmem:s15+$0x90]  }
0x300: {  	v9 =	vld [tilespmem:s16+$0xFFFFFF90];
	v4 =	vmax.f32 v4, $0.0e+00;
	v2 =	vadd.f32 v6, v2  }
0x301: {  	v5 =	vld [tilespmem:s16+$0xFFFFFF10];
	v3 =	vadd.f32 v3, v7;
	[tilespmem:s16+$0xFFFFFF80] =	vst v4  }
0x302: {  	v6 =	vld [tilespmem:s15+$0xFFFFFF90];
	v2 =	vmax.f32 v2, $0.0e+00  }
0x303: {  	v3 =	vmax.f32 v3, $0.0e+00;
	v4 =	vld [tilespmem:s16+$0x10];
	[tilespmem:s16+$0x0] =	vst v2  }
0x304: {  	[tilespmem:s16+$0xFFFFFF00] =	vst v3;
	v1 =	vadd.f32 v1, v8;
	v2 =	vld [tilespmem:s15+$0x10]  }
0x305: {  	v3 =	vld [tilespmem:s15+$0xFFFFFF10]  }
0x306: {  	v1 =	vmax.f32 v1, $0.0e+00  }
0x307: {  	v6 =	vadd.f32 v9, v6;
	[tilespmem:s16+$0x90] =	vst v1;
	v1 =	vld [tilespmem:s16+$0xA0]  }
0x308: {  	v8 =	vld [tilespmem:s15+$0xA0]  }
0x309: {  	v7 =	vld [tilespmem:s16+$0xFFFFFF20];
	v6 =	vmax.f32 v6, $0.0e+00;
	v2 =	vadd.f32 v4, v2  }
0x30a: {  	v3 =	vadd.f32 v5, v3;
	v9 =	vld [tilespmem:s16+$0xFFFFFFA0];
	[tilespmem:s16+$0xFFFFFF90] =	vst v6  }
0x30b: {  	v5 =	vld [tilespmem:s15+$0xFFFFFFA0];
	v2 =	vmax.f32 v2, $0.0e+00  }
0x30c: {  	v3 =	vmax.f32 v3, $0.0e+00;
	v4 =	vld [tilespmem:s16+$0x20];
	[tilespmem:s16+$0x10] =	vst v2  }
0x30d: {  	[tilespmem:s16+$0xFFFFFF10] =	vst v3;
	v1 =	vadd.f32 v1, v8;
	v2 =	vld [tilespmem:s15+$0x20]  }
0x30e: {  	v3 =	vld [tilespmem:s15+$0xFFFFFF20]  }
0x30f: {  	v1 =	vmax.f32 v1, $0.0e+00  }
0x310: {  	v5 =	vadd.f32 v9, v5;
	[tilespmem:s16+$0xA0] =	vst v1;
	v1 =	vld [tilespmem:s16+$0xB0]  }
0x311: {  	v8 =	vld [tilespmem:s15+$0xB0]  }
0x312: {  	v10 =	vld [tilespmem:s16+$0x30];
	v5 =	vmax.f32 v5, $0.0e+00;
	v2 =	vadd.f32 v4, v2  }
0x313: {  	v3 =	vadd.f32 v7, v3;
	v9 =	vld [tilespmem:s16+$0xFFFFFFB0];
	[tilespmem:s16+$0xFFFFFFA0] =	vst v5  }
0x314: {  	v4 =	vld [tilespmem:s15+$0xFFFFFFB0];
	v2 =	vmax.f32 v2, $0.0e+00  }
0x315: {  	v6 =	vld [tilespmem:s16+$0xFFFFFF30];
	[tilespmem:s16+$0x20] =	vst v2;
	v2 =	vmax.f32 v3, $0.0e+00  }
0x316: {  	v1 =	vadd.f32 v1, v8;
	[tilespmem:s16+$0xFFFFFF20] =	vst v2;
	v2 =	vld [tilespmem:s15+$0x30]  }
0x317: {  	v7 =	vld [tilespmem:s15+$0xFFFFFF30]  }
0x318: {  	v11 =	vld [tilespmem:s16+$0xFFFFFF40];
	v1 =	vmax.f32 v1, $0.0e+00  }
0x319: {  	v4 =	vadd.f32 v9, v4;
	[tilespmem:s16+$0xB0] =	vst v1;
	v1 =	vld [tilespmem:s16+$0xC0]  }
0x31a: {  	v8 =	vld [tilespmem:s15+$0xC0]  }
0x31b: {  	v12 =	vld [tilespmem:s16+$0xFFFFFFD0];
	v4 =	vmax.f32 v4, $0.0e+00;
	v2 =	vadd.f32 v10, v2  }
0x31c: {  	v5 =	vld [tilespmem:s16+$0xFFFFFFC0];
	[tilespmem:s16+$0xFFFFFFB0] =	vst v4;
	v6 =	vadd.f32 v6, v7  }
0x31d: {  	v7 =	vld [tilespmem:s15+$0xFFFFFFC0];
	v2 =	vmax.f32 v2, $0.0e+00  }
0x31e: {  	v3 =	vld [tilespmem:s16+$0x40];
	[tilespmem:s16+$0x30] =	vst v2;
	v2 =	vmax.f32 v6, $0.0e+00  }
0x31f: {  	v1 =	vadd.f32 v1, v8;
	v6 =	vld [tilespmem:s15+$0x40];
	[tilespmem:s16+$0xFFFFFF30] =	vst v2  }
0x320: {  	v2 =	vld [tilespmem:s15+$0xFFFFFF40]  }
0x321: {  	v9 =	vld [tilespmem:s16+$0xFFFFFF50];
	v1 =	vmax.f32 v1, $0.0e+00  }
0x322: {  	[tilespmem:s16+$0xC0] =	vst v1;
	v1 =	vadd.f32 v5, v7;
	v7 =	vld [tilespmem:s16+$0xD0]  }
0x323: {  	v8 =	vld [tilespmem:s15+$0xD0]  }
0x324: {  	v4 =	vld [tilespmem:s16+$0xFFFFFF60];
	v1 =	vmax.f32 v1, $0.0e+00;
	v3 =	vadd.f32 v3, v6  }
0x325: {  	v10 =	vld [tilespmem:s16+$0x50];
	[tilespmem:s16+$0xFFFFFFC0] =	vst v1;
	v1 =	vadd.f32 v11, v2  }
0x326: {  	v2 =	vld [tilespmem:s15+$0xFFFFFFD0];
	v3 =	vmax.f32 v3, $0.0e+00  }
0x327: {  	v5 =	vld [tilespmem:s16+$0xFFFFFFE0];
	[tilespmem:s16+$0x40] =	vst v3;
	v1 =	vmax.f32 v1, $0.0e+00  }
0x328: {  	v3 =	vld [tilespmem:s15+$0x50];
	v7 =	vadd.f32 v7, v8;
	[tilespmem:s16+$0xFFFFFF40] =	vst v1  }
0x329: {  	v1 =	vld [tilespmem:s15+$0xFFFFFF50]  }
0x32a: {  	v6 =	vld [tilespmem:s16+$0x60];
	v7 =	vmax.f32 v7, $0.0e+00  }
0x32b: {  	v2 =	vadd.f32 v12, v2;
	[tilespmem:s16+$0xD0] =	vst v7;
	v7 =	vld [tilespmem:s16+$0xE0]  }
0x32c: {  	v11 =	vld [tilespmem:s15+$0xE0]  }
0x32d: {  	v2 =	vmax.f32 v2, $0.0e+00;
	v8 =	vadd.f32 v10, v3;
	v3 =	vld [tilespmem:s16+$0xFFFFFF70]  }
0x32e: {  	[tilespmem:s16+$0xFFFFFFD0] =	vst v2;
	v1 =	vadd.f32 v9, v1;
	v2 =	vld [tilespmem:s16+$0xFFFFFFF0]  }
0x32f: {  	v9 =	vmax.f32 v8, $0.0e+00;
	v8 =	vld [tilespmem:s15+$0xFFFFFFE0]  }
0x330: {  	[tilespmem:s16+$0x50] =	vst v9;
	v9 =	vmax.f32 v1, $0.0e+00;
	v1 =	vld [tilespmem:s16+$0x70]  }
0x331: {  	[tilespmem:s16+$0xFFFFFF50] =	vst v9;
	v9 =	vld [tilespmem:s15+$0x60];
	v7 =	vadd.f32 v7, v11  }
0x332: {  	v10 =	vld [tilespmem:s15+$0xFFFFFF60]  }
0x333: {  	s18 =	simm.s32 $0x0;
	s17 =	simm.s32 $0x18D00;
	s10 =	simm.s32 $0x16700;
	v11 =	vmax.f32 v7, $0.0e+00;
	v7 =	vld [tilespmem:s16+$0xF0]  }
.LBB2_16:
0x334: {  	v12 =	vld [tilespmem:s10+$0x80];
	v5 =	vadd.f32 v5, v8;
	[tilespmem:s16+$0xE0] =	vst v11  }
0x335: {  	s16 =	sadd.s32 $0x200, s16;
	v8 =	vld [tilespmem:s15+$0xF0]  }
0x336: {  	s18 =	sadd.s32 $0x4, s18;
	v11 =	vld [tilespmem:s16+$0x80];
	v5 =	vmax.f32 v5, $0.0e+00;
	v6 =	vadd.f32 v6, v9  }
0x337: {  	p1 =	slt.u32 s18, $0x24;
	v9 =	vld [tilespmem:s16+$0xFFFFFF00];
	v4 =	vadd.f32 v4, v10;
	[tilespmem:s17+$0xFFFFFFE0] =	vst v5  }
0x338: {  	v5 =	vld [tilespmem:s10+$0xFFFFFF80];
	v6 =	vmax.f32 v6, $0.0e+00  }
0x339: {  	v10 =	vld [tilespmem:s16+$0xFFFFFF80];
	v4 =	vmax.f32 v4, $0.0e+00;
	[tilespmem:s17+$0x60] =	vst v6  }
0x33a: {  	v6 =	vld [tilespmem:s10+$0x0];
	[tilespmem:s17+$0xFFFFFF60] =	vst v4;
	v4 =	vadd.f32 v7, v8  }
0x33b: {  	v7 =	vld [tilespmem:s16+$0x0];
	v8 =	vadd.f32 v11, v12  }
0x33c: {  	v11 =	vld [tilespmem:s10+$0xFFFFFF00];
	v4 =	vmax.f32 v4, $0.0e+00  }
0x33d: {  	v12 =	vld [tilespmem:s16+$0xFFFFFF10];
	v8 =	vmax.f32 v8, $0.0e+00;
	[tilespmem:s17+$0xF0] =	vst v4  }
0x33e: {  	v4 =	vadd.f32 v10, v5;
	[tilespmem:s16+$0x80] =	vst v8;
	v5 =	vld [tilespmem:s16+$0x90]  }
0x33f: {  	v8 =	vld [tilespmem:s10+$0x90]  }
0x340: {  	v4 =	vmax.f32 v4, $0.0e+00;
	v10 =	vld [tilespmem:s16+$0xFFFFFF90];
	v6 =	vadd.f32 v7, v6  }
0x341: {  	v7 =	vadd.f32 v9, v11;
	[tilespmem:s16+$0xFFFFFF80] =	vst v4;
	v4 =	vld [tilespmem:s16+$0x10]  }
0x342: {  	v9 =	vld [tilespmem:s10+$0xFFFFFF90];
	v6 =	vmax.f32 v6, $0.0e+00  }
0x343: {  	v7 =	vmax.f32 v7, $0.0e+00;
	v11 =	vld [tilespmem:s16+$0xFFFFFF20];
	[tilespmem:s16+$0x0] =	vst v6  }
0x344: {  	[tilespmem:s16+$0xFFFFFF00] =	vst v7;
	v6 =	vld [tilespmem:s10+$0x10];
	v5 =	vadd.f32 v5, v8  }
0x345: {  	v7 =	vld [tilespmem:s10+$0xFFFFFF10]  }
0x346: {  	v8 =	vld [tilespmem:s16+$0xFFFFFFA0];
	v5 =	vmax.f32 v5, $0.0e+00  }
0x347: {  	v9 =	vadd.f32 v10, v9;
	[tilespmem:s16+$0x90] =	vst v5;
	v5 =	vld [tilespmem:s16+$0xA0]  }
0x348: {  	v10 =	vld [tilespmem:s10+$0xA0]  }
0x349: {  	v9 =	vmax.f32 v9, $0.0e+00;
	v4 =	vadd.f32 v4, v6;
	v6 =	vld [tilespmem:s16+$0x20]  }
0x34a: {  	v7 =	vadd.f32 v12, v7;
	v12 =	vld [tilespmem:s16+$0xFFFFFF30];
	[tilespmem:s16+$0xFFFFFF90] =	vst v9  }
0x34b: {  	v9 =	vld [tilespmem:s10+$0xFFFFFFA0];
	v4 =	vmax.f32 v4, $0.0e+00  }
0x34c: {  	v7 =	vmax.f32 v7, $0.0e+00;
	v13 =	vld [tilespmem:s16+$0xFFFFFFB0];
	[tilespmem:s16+$0x10] =	vst v4  }
0x34d: {  	[tilespmem:s16+$0xFFFFFF10] =	vst v7;
	v4 =	vld [tilespmem:s10+$0x20];
	v5 =	vadd.f32 v5, v10  }
0x34e: {  	v7 =	vld [tilespmem:s10+$0xFFFFFF20]  }
0x34f: {  	v10 =	vld [tilespmem:s16+$0x30];
	v5 =	vmax.f32 v5, $0.0e+00  }
0x350: {  	v8 =	vadd.f32 v8, v9;
	[tilespmem:s16+$0xA0] =	vst v5;
	v5 =	vld [tilespmem:s16+$0xB0]  }
0x351: {  	v9 =	vld [tilespmem:s10+$0xB0]  }
0x352: {  	v14 =	vld [tilespmem:s16+$0xFFFFFF40];
	v8 =	vmax.f32 v8, $0.0e+00;
	v4 =	vadd.f32 v6, v4  }
0x353: {  	v6 =	vadd.f32 v11, v7;
	[tilespmem:s16+$0xFFFFFFA0] =	vst v8;
	v7 =	vld [tilespmem:s16+$0xFFFFFFC0]  }
0x354: {  	v8 =	vld [tilespmem:s10+$0xFFFFFFB0];
	v4 =	vmax.f32 v4, $0.0e+00  }
0x355: {  	v6 =	vmax.f32 v6, $0.0e+00;
	[tilespmem:s16+$0x20] =	vst v4;
	v11 =	vld [tilespmem:s16+$0x40]  }
0x356: {  	[tilespmem:s16+$0xFFFFFF20] =	vst v6;
	v4 =	vld [tilespmem:s10+$0x30];
	v5 =	vadd.f32 v5, v9  }
0x357: {  	v6 =	vld [tilespmem:s10+$0xFFFFFF30]  }
0x358: {  	v9 =	vld [tilespmem:s16+$0xFFFFFF50];
	v5 =	vmax.f32 v5, $0.0e+00  }
0x359: {  	v8 =	vadd.f32 v13, v8;
	[tilespmem:s16+$0xB0] =	vst v5;
	v5 =	vld [tilespmem:s16+$0xC0]  }
0x35a: {  	v13 =	vld [tilespmem:s10+$0xC0]  }
0x35b: {  	v8 =	vmax.f32 v8, $0.0e+00;
	v15 =	vld [tilespmem:s16+$0xFFFFFFD0];
	v4 =	vadd.f32 v10, v4  }
0x35c: {  	v6 =	vadd.f32 v12, v6;
	[tilespmem:s16+$0xFFFFFFB0] =	vst v8;
	v8 =	vld [tilespmem:s16+$0x50]  }
0x35d: {  	v10 =	vld [tilespmem:s10+$0xFFFFFFC0];
	v12 =	vmax.f32 v4, $0.0e+00  }
0x35e: {  	v6 =	vmax.f32 v6, $0.0e+00;
	v4 =	vld [tilespmem:s16+$0xFFFFFF60];
	[tilespmem:s16+$0x30] =	vst v12  }
0x35f: {  	[tilespmem:s16+$0xFFFFFF30] =	vst v6;
	v6 =	vld [tilespmem:s10+$0x40];
	v12 =	vadd.f32 v5, v13  }
0x360: {  	v13 =	vld [tilespmem:s10+$0xFFFFFF40]  }
0x361: {  	v5 =	vld [tilespmem:s16+$0xFFFFFFE0];
	v12 =	vmax.f32 v12, $0.0e+00  }
0x362: {  	v7 =	vadd.f32 v7, v10;
	[tilespmem:s16+$0xC0] =	vst v12;
	v10 =	vld [tilespmem:s16+$0xD0]  }
0x363: {  	v12 =	vld [tilespmem:s10+$0xD0]  }
0x364: {  	v7 =	vmax.f32 v7, $0.0e+00;
	v11 =	vadd.f32 v11, v6;
	v6 =	vld [tilespmem:s16+$0x60]  }
0x365: {  	v13 =	vadd.f32 v14, v13;
	[tilespmem:s16+$0xFFFFFFC0] =	vst v7;
	v7 =	vld [tilespmem:s15+$0xFFFFFF70]  }
0x366: {  	v14 =	vld [tilespmem:s10+$0xFFFFFFD0];
	v11 =	vmax.f32 v11, $0.0e+00  }
0x367: {  	v13 =	vmax.f32 v13, $0.0e+00;
	[tilespmem:s16+$0x40] =	vst v11;
	v11 =	vld [tilespmem:s15+$0xFFFFFFF0]  }
0x368: {  	[tilespmem:s16+$0xFFFFFF40] =	vst v13;
	v13 =	vld [tilespmem:s10+$0x50];
	v10 =	vadd.f32 v10, v12  }
0x369: {  	v12 =	vld [tilespmem:s10+$0xFFFFFF50]  }
0x36a: {  	v10 =	vmax.f32 v10, $0.0e+00;
	v3 =	vadd.f32 v3, v7;
	v7 =	vld [tilespmem:s15+$0x70];
	s15 =	smov.u32 s10  }
0x36b: {  	v14 =	vadd.f32 v15, v14;
	[tilespmem:s16+$0xD0] =	vst v10;
	v10 =	vld [tilespmem:s16+$0xE0]  }
0x36c: {  	v15 =	vld [tilespmem:s10+$0xE0];
	v16 =	vmax.f32 v3, $0.0e+00;
	v11 =	vadd.f32 v2, v11  }
0x36d: {  	v3 =	vld [tilespmem:s16+$0xFFFFFF70];
	v2 =	vmax.f32 v14, $0.0e+00;
	v13 =	vadd.f32 v8, v13;
	[tilespmem:s17+$0xFFFFFF70] =	vst v16  }
0x36e: {  	v9 =	vadd.f32 v9, v12;
	[tilespmem:s16+$0xFFFFFFD0] =	vst v2;
	v2 =	vld [tilespmem:s16+$0xFFFFFFF0];
	v11 =	vmax.f32 v11, $0.0e+00  }
.Ltmp8:
0x36f: {  	v8 =	vld [tilespmem:s10+$0xFFFFFFE0];
	v12 =	vmax.f32 v13, $0.0e+00;
	[tilespmem:s17+$0xFFFFFFF0] =	vst v11;
	v7 =	vadd.f32 v1, v7;
	(pc) =	sbr.rel @p1 .LBB2_16-.Ltmp8, $4  }
0x370: {  	v9 =	vmax.f32 v9, $0.0e+00;
	[tilespmem:s16+$0x50] =	vst v12;
	v1 =	vld [tilespmem:s16+$0x70]  }
0x371: {  	[tilespmem:s16+$0xFFFFFF50] =	vst v9;
	v9 =	vld [tilespmem:s10+$0x60];
	v11 =	vadd.f32 v10, v15;
	v7 =	vmax.f32 v7, $0.0e+00  }
0x372: {  	v10 =	vld [tilespmem:s10+$0xFFFFFF60];
	[tilespmem:s17+$0x70] =	vst v7;
	s17 =	smov.u32 s16  }
0x373: {  	s10 =	sadd.s32 $0x200, s10;
	v11 =	vmax.f32 v11, $0.0e+00;
	v7 =	vld [tilespmem:s16+$0xF0]  }
0x374: {  	_ =	sdelay $0x2  }
0x375: {  	v4 =	vadd.f32 v4, v10  }
0x376: {  	v5 =	vadd.f32 v5, v8  }
0x377: {  	[tilespmem:s16+$0xE0] =	vst v11;
	v6 =	vadd.f32 v6, v9;
	v4 =	vmax.f32 v4, $0.0e+00  }
0x378: {  	v8 =	vld [tilespmem:s15+$0xF0];
	v5 =	vmax.f32 v5, $0.0e+00;
	[tilespmem:s17+$0xFFFFFF60] =	vst v4  }
0x379: {  	[tilespmem:s17+$0xFFFFFFE0] =	vst v5;
	v4 =	vmax.f32 v6, $0.0e+00;
	v5 =	vld [tilespmem:s15+$0xFFFFFF70]  }
0x37a: {  	[tilespmem:s17+$0x60] =	vst v4;
	v4 =	vld [tilespmem:s15+$0xFFFFFFF0]  }
0x37b: {  	v6 =	vld [tilespmem:s15+$0x70];
	_ =	sdelay $0x1  }
0x37c: {  	v7 =	vadd.f32 v7, v8  }
0x37d: {  	v3 =	vadd.f32 v3, v5  }
0x37e: {  	v5 =	vmax.f32 v7, $0.0e+00;
	v2 =	vadd.f32 v2, v4  }
0x37f: {  	[tilespmem:s17+$0xF0] =	vst v5;
	v1 =	vadd.f32 v1, v6;
	v3 =	vmax.f32 v3, $0.0e+00  }
0x380: {  	v2 =	vmax.f32 v2, $0.0e+00;
	[tilespmem:s17+$0xFFFFFF70] =	vst v3  }
0x381: {  	[tilespmem:s17+$0xFFFFFFF0] =	vst v2;
	v1 =	vmax.f32 v1, $0.0e+00  }
0x382: {  	s10 =	simm.s32 $0x16180;
	[tilespmem:s17+$0x70] =	vst v1  }
0x383: {  	[spmem:s5] =	stream.indirect.scatter.add.f32 [tilespmem:s26], [sflag:$0x4], $0x80, s10, s3, $0xb8;
	[tilespmem:$0x1DC00] =	vst v63  }
0x384: {  	_ =	swait.ge [sflag:s1], $0x1400  }
0x385: {  	[sflag:s1] =	ssyncset.done $0x0  }
0x386: {  	[sflag:s1] =	ssyncadd.s32 $0xFFFFEC00  }
0x387: {  	_ =	swait.ge [sflag:s12], $0x1400  }
0x388: {  	[sflag:s12] =	ssyncset.done $0x0  }
0x389: {  	[sflag:s12] =	ssyncadd.s32 $0xFFFFEC00  }
0x38a: {  	_ =	swait.ge [sflag:s12], $0x1400  }
0x38b: {  	[sflag:s12] =	ssyncset.done $0x0  }
0x38c: {  	s15 =	simm.s32 $0x179F0;
	[sflag:s12] =	ssyncadd.s32 $0xFFFFEC00  }
0x38d: {  	s16 =	simm.s32 $0x1A1F0;
	v1 =	vld [tilespmem:s15+$0xFFFFFF90]  }
0x38e: {  	v2 =	vld [tilespmem:s16+$0xFFFFFF90]  }
0x38f: {  	v3 =	vld [tilespmem:s16+$0xFFFFFE10]  }
0x390: {  	v4 =	vld [tilespmem:s15+$0xFFFFFE90]  }
0x391: {  	v5 =	vld [tilespmem:s16+$0xFFFFFE90]  }
0x392: {  	v6 =	vld [tilespmem:s16+$0xFFFFFF10]  }
0x393: {  	v1 =	vadd.f32 v2, v1;
	v2 =	vld [tilespmem:s15+$0xFFFFFF10]  }
0x394: {  	v7 =	vld [tilespmem:s15+$0xFFFFFE10]  }
0x395: {  	v1 =	vmax.f32 v1, $0.0e+00  }
0x396: {  	v4 =	vadd.f32 v5, v4;
	[tilespmem:s16+$0xFFFFFF90] =	vst v1;
	v1 =	vld [tilespmem:s16+$0xFFFFFFA0]  }
0x397: {  	v8 =	vld [tilespmem:s15+$0xFFFFFFA0]  }
0x398: {  	v9 =	vld [tilespmem:s16+$0xFFFFFEA0];
	v4 =	vmax.f32 v4, $0.0e+00;
	v2 =	vadd.f32 v6, v2  }
0x399: {  	v5 =	vld [tilespmem:s16+$0xFFFFFE20];
	v3 =	vadd.f32 v3, v7;
	[tilespmem:s16+$0xFFFFFE90] =	vst v4  }
0x39a: {  	v6 =	vld [tilespmem:s15+$0xFFFFFEA0];
	v2 =	vmax.f32 v2, $0.0e+00  }
0x39b: {  	v3 =	vmax.f32 v3, $0.0e+00;
	v4 =	vld [tilespmem:s16+$0xFFFFFF20];
	[tilespmem:s16+$0xFFFFFF10] =	vst v2  }
0x39c: {  	[tilespmem:s16+$0xFFFFFE10] =	vst v3;
	v1 =	vadd.f32 v1, v8;
	v2 =	vld [tilespmem:s15+$0xFFFFFF20]  }
0x39d: {  	v3 =	vld [tilespmem:s15+$0xFFFFFE20]  }
0x39e: {  	v1 =	vmax.f32 v1, $0.0e+00  }
0x39f: {  	v6 =	vadd.f32 v9, v6;
	[tilespmem:s16+$0xFFFFFFA0] =	vst v1;
	v1 =	vld [tilespmem:s16+$0xFFFFFFB0]  }
0x3a0: {  	v8 =	vld [tilespmem:s15+$0xFFFFFFB0]  }
0x3a1: {  	v7 =	vld [tilespmem:s16+$0xFFFFFE30];
	v6 =	vmax.f32 v6, $0.0e+00;
	v2 =	vadd.f32 v4, v2  }
0x3a2: {  	v3 =	vadd.f32 v5, v3;
	v9 =	vld [tilespmem:s16+$0xFFFFFEB0];
	[tilespmem:s16+$0xFFFFFEA0] =	vst v6  }
0x3a3: {  	v5 =	vld [tilespmem:s15+$0xFFFFFEB0];
	v2 =	vmax.f32 v2, $0.0e+00  }
0x3a4: {  	v3 =	vmax.f32 v3, $0.0e+00;
	v4 =	vld [tilespmem:s16+$0xFFFFFF30];
	[tilespmem:s16+$0xFFFFFF20] =	vst v2  }
0x3a5: {  	[tilespmem:s16+$0xFFFFFE20] =	vst v3;
	v1 =	vadd.f32 v1, v8;
	v2 =	vld [tilespmem:s15+$0xFFFFFF30]  }
0x3a6: {  	v3 =	vld [tilespmem:s15+$0xFFFFFE30]  }
0x3a7: {  	v1 =	vmax.f32 v1, $0.0e+00  }
0x3a8: {  	v5 =	vadd.f32 v9, v5;
	[tilespmem:s16+$0xFFFFFFB0] =	vst v1;
	v1 =	vld [tilespmem:s16+$0xFFFFFFC0]  }
0x3a9: {  	v8 =	vld [tilespmem:s15+$0xFFFFFFC0]  }
0x3aa: {  	v10 =	vld [tilespmem:s16+$0xFFFFFF40];
	v5 =	vmax.f32 v5, $0.0e+00;
	v2 =	vadd.f32 v4, v2  }
0x3ab: {  	v3 =	vadd.f32 v7, v3;
	v9 =	vld [tilespmem:s16+$0xFFFFFEC0];
	[tilespmem:s16+$0xFFFFFEB0] =	vst v5  }
0x3ac: {  	v4 =	vld [tilespmem:s15+$0xFFFFFEC0];
	v2 =	vmax.f32 v2, $0.0e+00  }
0x3ad: {  	v6 =	vld [tilespmem:s16+$0xFFFFFE40];
	[tilespmem:s16+$0xFFFFFF30] =	vst v2;
	v2 =	vmax.f32 v3, $0.0e+00  }
0x3ae: {  	v1 =	vadd.f32 v1, v8;
	[tilespmem:s16+$0xFFFFFE30] =	vst v2;
	v2 =	vld [tilespmem:s15+$0xFFFFFF40]  }
0x3af: {  	v7 =	vld [tilespmem:s15+$0xFFFFFE40]  }
0x3b0: {  	v11 =	vld [tilespmem:s16+$0xFFFFFE50];
	v1 =	vmax.f32 v1, $0.0e+00  }
0x3b1: {  	v4 =	vadd.f32 v9, v4;
	[tilespmem:s16+$0xFFFFFFC0] =	vst v1;
	v1 =	vld [tilespmem:s16+$0xFFFFFFD0]  }
0x3b2: {  	v8 =	vld [tilespmem:s15+$0xFFFFFFD0]  }
0x3b3: {  	v12 =	vld [tilespmem:s16+$0xFFFFFEE0];
	v4 =	vmax.f32 v4, $0.0e+00;
	v2 =	vadd.f32 v10, v2  }
0x3b4: {  	v5 =	vld [tilespmem:s16+$0xFFFFFED0];
	[tilespmem:s16+$0xFFFFFEC0] =	vst v4;
	v6 =	vadd.f32 v6, v7  }
0x3b5: {  	v7 =	vld [tilespmem:s15+$0xFFFFFED0];
	v2 =	vmax.f32 v2, $0.0e+00  }
0x3b6: {  	v3 =	vld [tilespmem:s16+$0xFFFFFF50];
	[tilespmem:s16+$0xFFFFFF40] =	vst v2;
	v2 =	vmax.f32 v6, $0.0e+00  }
0x3b7: {  	v1 =	vadd.f32 v1, v8;
	v6 =	vld [tilespmem:s15+$0xFFFFFF50];
	[tilespmem:s16+$0xFFFFFE40] =	vst v2  }
0x3b8: {  	v2 =	vld [tilespmem:s15+$0xFFFFFE50]  }
0x3b9: {  	v9 =	vld [tilespmem:s16+$0xFFFFFE60];
	v1 =	vmax.f32 v1, $0.0e+00  }
0x3ba: {  	[tilespmem:s16+$0xFFFFFFD0] =	vst v1;
	v1 =	vadd.f32 v5, v7;
	v7 =	vld [tilespmem:s16+$0xFFFFFFE0]  }
0x3bb: {  	v8 =	vld [tilespmem:s15+$0xFFFFFFE0]  }
0x3bc: {  	v4 =	vld [tilespmem:s16+$0xFFFFFE70];
	v1 =	vmax.f32 v1, $0.0e+00;
	v3 =	vadd.f32 v3, v6  }
0x3bd: {  	v10 =	vld [tilespmem:s16+$0xFFFFFF60];
	[tilespmem:s16+$0xFFFFFED0] =	vst v1;
	v1 =	vadd.f32 v11, v2  }
0x3be: {  	v2 =	vld [tilespmem:s15+$0xFFFFFEE0];
	v3 =	vmax.f32 v3, $0.0e+00  }
0x3bf: {  	v5 =	vld [tilespmem:s16+$0xFFFFFEF0];
	[tilespmem:s16+$0xFFFFFF50] =	vst v3;
	v1 =	vmax.f32 v1, $0.0e+00  }
0x3c0: {  	v3 =	vld [tilespmem:s15+$0xFFFFFF60];
	v7 =	vadd.f32 v7, v8;
	[tilespmem:s16+$0xFFFFFE50] =	vst v1  }
0x3c1: {  	v1 =	vld [tilespmem:s15+$0xFFFFFE60]  }
0x3c2: {  	v6 =	vld [tilespmem:s16+$0xFFFFFF70];
	v7 =	vmax.f32 v7, $0.0e+00  }
0x3c3: {  	v2 =	vadd.f32 v12, v2;
	[tilespmem:s16+$0xFFFFFFE0] =	vst v7;
	v7 =	vld [tilespmem:s16+$0xFFFFFFF0]  }
0x3c4: {  	v11 =	vld [tilespmem:s15+$0xFFFFFFF0]  }
0x3c5: {  	v2 =	vmax.f32 v2, $0.0e+00;
	v8 =	vadd.f32 v10, v3;
	v3 =	vld [tilespmem:s16+$0xFFFFFE80]  }
0x3c6: {  	[tilespmem:s16+$0xFFFFFEE0] =	vst v2;
	v1 =	vadd.f32 v9, v1;
	v2 =	vld [tilespmem:s16+$0xFFFFFF00]  }
0x3c7: {  	v9 =	vmax.f32 v8, $0.0e+00;
	v8 =	vld [tilespmem:s15+$0xFFFFFEF0]  }
0x3c8: {  	[tilespmem:s16+$0xFFFFFF60] =	vst v9;
	v9 =	vmax.f32 v1, $0.0e+00;
	v1 =	vld [tilespmem:s16+$0xFFFFFF80]  }
0x3c9: {  	[tilespmem:s16+$0xFFFFFE60] =	vst v9;
	v9 =	vld [tilespmem:s15+$0xFFFFFF70];
	v7 =	vadd.f32 v7, v11  }
0x3ca: {  	s18 =	simm.s32 $0x0;
	s21 =	simm.s32 $0x16000;
	s22 =	simm.s32 $0x16080;
	v10 =	vld [tilespmem:s15+$0xFFFFFE70]  }
0x3cb: {  	s23 =	simm.s32 $0x16400;
	s17 =	simm.s32 $0x1A1F0;
	s10 =	simm.s32 $0x17BF0;
	v11 =	vmax.f32 v7, $0.0e+00;
	v7 =	vld [tilespmem:s16+$0x0]  }
.LBB2_18:
0x3cc: {  	v12 =	vld [tilespmem:s10+$0xFFFFFF90];
	v5 =	vadd.f32 v5, v8;
	[tilespmem:s16+$0xFFFFFFF0] =	vst v11  }
0x3cd: {  	s16 =	sadd.s32 $0x200, s16;
	v8 =	vld [tilespmem:s15+$0x0]  }
0x3ce: {  	s18 =	sadd.s32 $0x4, s18;
	v11 =	vld [tilespmem:s16+$0xFFFFFF90];
	v5 =	vmax.f32 v5, $0.0e+00;
	v6 =	vadd.f32 v6, v9  }
0x3cf: {  	p1 =	slt.u32 s18, $0x24;
	v9 =	vld [tilespmem:s16+$0xFFFFFE10];
	v4 =	vadd.f32 v4, v10;
	[tilespmem:s17+$0xFFFFFEF0] =	vst v5  }
0x3d0: {  	v5 =	vld [tilespmem:s10+$0xFFFFFE90];
	v6 =	vmax.f32 v6, $0.0e+00  }
0x3d1: {  	v10 =	vld [tilespmem:s16+$0xFFFFFE90];
	v4 =	vmax.f32 v4, $0.0e+00;
	[tilespmem:s17+$0xFFFFFF70] =	vst v6  }
0x3d2: {  	v6 =	vld [tilespmem:s10+$0xFFFFFF10];
	[tilespmem:s17+$0xFFFFFE70] =	vst v4;
	v4 =	vadd.f32 v7, v8  }
0x3d3: {  	v7 =	vld [tilespmem:s16+$0xFFFFFF10];
	v8 =	vadd.f32 v11, v12  }
0x3d4: {  	v11 =	vld [tilespmem:s10+$0xFFFFFE10];
	v4 =	vmax.f32 v4, $0.0e+00  }
0x3d5: {  	v12 =	vld [tilespmem:s16+$0xFFFFFE20];
	v8 =	vmax.f32 v8, $0.0e+00;
	[tilespmem:s17+$0x0] =	vst v4  }
0x3d6: {  	v4 =	vadd.f32 v10, v5;
	[tilespmem:s16+$0xFFFFFF90] =	vst v8;
	v5 =	vld [tilespmem:s16+$0xFFFFFFA0]  }
0x3d7: {  	v8 =	vld [tilespmem:s10+$0xFFFFFFA0]  }
0x3d8: {  	v4 =	vmax.f32 v4, $0.0e+00;
	v10 =	vld [tilespmem:s16+$0xFFFFFEA0];
	v6 =	vadd.f32 v7, v6  }
0x3d9: {  	v7 =	vadd.f32 v9, v11;
	[tilespmem:s16+$0xFFFFFE90] =	vst v4;
	v4 =	vld [tilespmem:s16+$0xFFFFFF20]  }
0x3da: {  	v9 =	vld [tilespmem:s10+$0xFFFFFEA0];
	v6 =	vmax.f32 v6, $0.0e+00  }
0x3db: {  	v7 =	vmax.f32 v7, $0.0e+00;
	v11 =	vld [tilespmem:s16+$0xFFFFFE30];
	[tilespmem:s16+$0xFFFFFF10] =	vst v6  }
0x3dc: {  	[tilespmem:s16+$0xFFFFFE10] =	vst v7;
	v6 =	vld [tilespmem:s10+$0xFFFFFF20];
	v5 =	vadd.f32 v5, v8  }
0x3dd: {  	v7 =	vld [tilespmem:s10+$0xFFFFFE20]  }
0x3de: {  	v8 =	vld [tilespmem:s16+$0xFFFFFEB0];
	v5 =	vmax.f32 v5, $0.0e+00  }
0x3df: {  	v9 =	vadd.f32 v10, v9;
	[tilespmem:s16+$0xFFFFFFA0] =	vst v5;
	v5 =	vld [tilespmem:s16+$0xFFFFFFB0]  }
0x3e0: {  	v10 =	vld [tilespmem:s10+$0xFFFFFFB0]  }
0x3e1: {  	v9 =	vmax.f32 v9, $0.0e+00;
	v4 =	vadd.f32 v4, v6;
	v6 =	vld [tilespmem:s16+$0xFFFFFF30]  }
0x3e2: {  	v7 =	vadd.f32 v12, v7;
	v12 =	vld [tilespmem:s16+$0xFFFFFE40];
	[tilespmem:s16+$0xFFFFFEA0] =	vst v9  }
0x3e3: {  	v9 =	vld [tilespmem:s10+$0xFFFFFEB0];
	v4 =	vmax.f32 v4, $0.0e+00  }
0x3e4: {  	v7 =	vmax.f32 v7, $0.0e+00;
	v13 =	vld [tilespmem:s16+$0xFFFFFEC0];
	[tilespmem:s16+$0xFFFFFF20] =	vst v4  }
0x3e5: {  	[tilespmem:s16+$0xFFFFFE20] =	vst v7;
	v4 =	vld [tilespmem:s10+$0xFFFFFF30];
	v5 =	vadd.f32 v5, v10  }
0x3e6: {  	v7 =	vld [tilespmem:s10+$0xFFFFFE30]  }
0x3e7: {  	v10 =	vld [tilespmem:s16+$0xFFFFFF40];
	v5 =	vmax.f32 v5, $0.0e+00  }
0x3e8: {  	v8 =	vadd.f32 v8, v9;
	[tilespmem:s16+$0xFFFFFFB0] =	vst v5;
	v5 =	vld [tilespmem:s16+$0xFFFFFFC0]  }
0x3e9: {  	v9 =	vld [tilespmem:s10+$0xFFFFFFC0]  }
0x3ea: {  	v14 =	vld [tilespmem:s16+$0xFFFFFE50];
	v8 =	vmax.f32 v8, $0.0e+00;
	v4 =	vadd.f32 v6, v4  }
0x3eb: {  	v6 =	vadd.f32 v11, v7;
	[tilespmem:s16+$0xFFFFFEB0] =	vst v8;
	v7 =	vld [tilespmem:s16+$0xFFFFFED0]  }
0x3ec: {  	v8 =	vld [tilespmem:s10+$0xFFFFFEC0];
	v4 =	vmax.f32 v4, $0.0e+00  }
0x3ed: {  	v6 =	vmax.f32 v6, $0.0e+00;
	[tilespmem:s16+$0xFFFFFF30] =	vst v4;
	v11 =	vld [tilespmem:s16+$0xFFFFFF50]  }
0x3ee: {  	[tilespmem:s16+$0xFFFFFE30] =	vst v6;
	v4 =	vld [tilespmem:s10+$0xFFFFFF40];
	v5 =	vadd.f32 v5, v9  }
0x3ef: {  	v6 =	vld [tilespmem:s10+$0xFFFFFE40]  }
0x3f0: {  	v9 =	vld [tilespmem:s16+$0xFFFFFE60];
	v5 =	vmax.f32 v5, $0.0e+00  }
0x3f1: {  	v8 =	vadd.f32 v13, v8;
	[tilespmem:s16+$0xFFFFFFC0] =	vst v5;
	v5 =	vld [tilespmem:s16+$0xFFFFFFD0]  }
0x3f2: {  	v13 =	vld [tilespmem:s10+$0xFFFFFFD0]  }
0x3f3: {  	v8 =	vmax.f32 v8, $0.0e+00;
	v15 =	vld [tilespmem:s16+$0xFFFFFEE0];
	v4 =	vadd.f32 v10, v4  }
0x3f4: {  	v6 =	vadd.f32 v12, v6;
	[tilespmem:s16+$0xFFFFFEC0] =	vst v8;
	v8 =	vld [tilespmem:s16+$0xFFFFFF60]  }
0x3f5: {  	v10 =	vld [tilespmem:s10+$0xFFFFFED0];
	v12 =	vmax.f32 v4, $0.0e+00  }
0x3f6: {  	v6 =	vmax.f32 v6, $0.0e+00;
	v4 =	vld [tilespmem:s16+$0xFFFFFE70];
	[tilespmem:s16+$0xFFFFFF40] =	vst v12  }
0x3f7: {  	[tilespmem:s16+$0xFFFFFE40] =	vst v6;
	v6 =	vld [tilespmem:s10+$0xFFFFFF50];
	v12 =	vadd.f32 v5, v13  }
0x3f8: {  	v13 =	vld [tilespmem:s10+$0xFFFFFE50]  }
0x3f9: {  	v5 =	vld [tilespmem:s16+$0xFFFFFEF0];
	v12 =	vmax.f32 v12, $0.0e+00  }
0x3fa: {  	v7 =	vadd.f32 v7, v10;
	[tilespmem:s16+$0xFFFFFFD0] =	vst v12;
	v10 =	vld [tilespmem:s16+$0xFFFFFFE0]  }
0x3fb: {  	v12 =	vld [tilespmem:s10+$0xFFFFFFE0]  }
0x3fc: {  	v7 =	vmax.f32 v7, $0.0e+00;
	v11 =	vadd.f32 v11, v6;
	v6 =	vld [tilespmem:s16+$0xFFFFFF70]  }
0x3fd: {  	v13 =	vadd.f32 v14, v13;
	[tilespmem:s16+$0xFFFFFED0] =	vst v7;
	v7 =	vld [tilespmem:s15+$0xFFFFFE80]  }
0x3fe: {  	v14 =	vld [tilespmem:s10+$0xFFFFFEE0];
	v11 =	vmax.f32 v11, $0.0e+00  }
0x3ff: {  	v13 =	vmax.f32 v13, $0.0e+00;
	[tilespmem:s16+$0xFFFFFF50] =	vst v11;
	v11 =	vld [tilespmem:s15+$0xFFFFFF00]  }
0x400: {  	[tilespmem:s16+$0xFFFFFE50] =	vst v13;
	v13 =	vld [tilespmem:s10+$0xFFFFFF60];
	v10 =	vadd.f32 v10, v12  }
0x401: {  	v12 =	vld [tilespmem:s10+$0xFFFFFE60]  }
0x402: {  	v10 =	vmax.f32 v10, $0.0e+00;
	v3 =	vadd.f32 v3, v7;
	v7 =	vld [tilespmem:s15+$0xFFFFFF80];
	s15 =	smov.u32 s10  }
0x403: {  	v14 =	vadd.f32 v15, v14;
	[tilespmem:s16+$0xFFFFFFE0] =	vst v10;
	v10 =	vld [tilespmem:s16+$0xFFFFFFF0]  }
0x404: {  	v15 =	vld [tilespmem:s10+$0xFFFFFFF0];
	v16 =	vmax.f32 v3, $0.0e+00;
	v11 =	vadd.f32 v2, v11  }
0x405: {  	v3 =	vld [tilespmem:s16+$0xFFFFFE80];
	v2 =	vmax.f32 v14, $0.0e+00;
	v13 =	vadd.f32 v8, v13;
	[tilespmem:s17+$0xFFFFFE80] =	vst v16  }
0x406: {  	v9 =	vadd.f32 v9, v12;
	[tilespmem:s16+$0xFFFFFEE0] =	vst v2;
	v2 =	vld [tilespmem:s16+$0xFFFFFF00];
	v11 =	vmax.f32 v11, $0.0e+00  }
.Ltmp9:
0x407: {  	v8 =	vld [tilespmem:s10+$0xFFFFFEF0];
	v12 =	vmax.f32 v13, $0.0e+00;
	[tilespmem:s17+$0xFFFFFF00] =	vst v11;
	v7 =	vadd.f32 v1, v7;
	(pc) =	sbr.rel @p1 .LBB2_18-.Ltmp9, $4  }
0x408: {  	v9 =	vmax.f32 v9, $0.0e+00;
	[tilespmem:s16+$0xFFFFFF60] =	vst v12;
	v1 =	vld [tilespmem:s16+$0xFFFFFF80]  }
0x409: {  	[tilespmem:s16+$0xFFFFFE60] =	vst v9;
	v9 =	vld [tilespmem:s10+$0xFFFFFF70];
	v11 =	vadd.f32 v10, v15;
	v7 =	vmax.f32 v7, $0.0e+00  }
0x40a: {  	v10 =	vld [tilespmem:s10+$0xFFFFFE70];
	[tilespmem:s17+$0xFFFFFF80] =	vst v7;
	s17 =	smov.u32 s16  }
0x40b: {  	s10 =	sadd.s32 $0x200, s10;
	v11 =	vmax.f32 v11, $0.0e+00;
	v7 =	vld [tilespmem:s16+$0x0]  }
0x40c: {  	_ = 	snop  }
0x40d: {  	v5 =	vadd.f32 v5, v8  }
0x40e: {  	v6 =	vadd.f32 v6, v9  }
0x40f: {  	[tilespmem:s16+$0xFFFFFFF0] =	vst v11;
	v5 =	vmax.f32 v5, $0.0e+00;
	v4 =	vadd.f32 v4, v10  }
0x410: {  	v58 =	vld [tilespmem:s15+$0x0];
	[tilespmem:s17+$0xFFFFFEF0] =	vst v5;
	v59 =	vmax.f32 v6, $0.0e+00  }
0x411: {  	v61 =	vld [tilespmem:s15+$0xFFFFFF00];
	v4 =	vmax.f32 v4, $0.0e+00;
	[tilespmem:s17+$0xFFFFFF70] =	vst v59  }
0x412: {  	[tilespmem:s17+$0xFFFFFE70] =	vst v4;
	v62 =	vld [tilespmem:s15+$0xFFFFFF80]  }
0x413: {  	v60 =	vld [tilespmem:s15+$0xFFFFFE80];
	_ =	sdelay $0x1  }
0x414: {  	v7 =	vadd.f32 v7, v58  }
0x415: {  	v2 =	vadd.f32 v2, v61  }
0x416: {  	v63 =	vmax.f32 v7, $0.0e+00;
	v1 =	vadd.f32 v1, v62  }
0x417: {  	[tilespmem:s17+$0x0] =	vst v63;
	v2 =	vmax.f32 v2, $0.0e+00;
	v3 =	vadd.f32 v3, v60  }
0x418: {  	[tilespmem:s17+$0xFFFFFF00] =	vst v2;
	v1 =	vmax.f32 v1, $0.0e+00  }
0x419: {  	v3 =	vmax.f32 v3, $0.0e+00;
	[tilespmem:s17+$0xFFFFFF80] =	vst v1  }
0x41a: {  	s10 =	simm.s32 $0x16200;
	[tilespmem:s17+$0xFFFFFE80] =	vst v3  }
0x41b: {  	[spmem:s5] =	stream.indirect.scatter.add.f32 [tilespmem:s8], [sflag:$0x5], $0x80, s10, s3, $0xb8;
	[tilespmem:$0x1DC00] =	vst v63  }
0x41c: {  	_ =	swait.ge [sflag:s14], $0x1400  }
0x41d: {  	[sflag:s14] =	ssyncset.done $0x0  }
0x41e: {  	[sflag:s14] =	ssyncadd.s32 $0xFFFFEC00  }
0x41f: {  	_ =	swait.ge [sflag:s11], $0x1400  }
0x420: {  	[sflag:s11] =	ssyncset.done $0x0  }
0x421: {  	[sflag:s11] =	ssyncadd.s32 $0xFFFFEC00  }
0x422: {  	_ =	swait.ge [sflag:s13], $0x1400  }
0x423: {  	[sflag:s13] =	ssyncset.done $0x0  }
0x424: {  	[sflag:s13] =	ssyncadd.s32 $0xFFFFEC00  }
0x425: {  	[bflag:$0x0] =	sbarrier.arrive $0xFFFF  }
0x426: {  	s15 =	rddreg [dreg:$0x12]  }
0x427: {  	s10 =	simm.s32 @p0 $0x1FC8;
	s16 =	rddreg [dreg:$0x14]  }
0x428: {  	[hbm:s15], [sflag:s10] =	dma.local @p0 [spmem:s16], $0x1900  }
0x429: {  	s10 =	simm.s32 @p0 $0x8  }
0x42a: {  	s15 =	stileid.u32;
	_ =	swait.ge @p0 [sflag:s10], $0x1900  }
0x42b: {  	s15 =	sshll.u32 @!p0 s15, $0x6;
	[sflag:s10] =	ssyncset.done @p0 $0x0;
	s16 =	rddreg [dreg:$0x11]  }
0x42c: {  	[sflag:s10] =	ssyncadd.s32 @p0 $0xFFFFE700;
	s10 =	sor.u32 @!p0 $0x1C08, s15;
	s15 =	sshrl.u32 @!p0 s20, $0x3  }
0x42d: {  	[hbm:s16], [sflag:s10] =	dma.local @!p0 [spmem:s15], $0x2800  }
0x42e: {  	s10 =	simm.s32 @!p0 $0x8  }
0x42f: {  	_ =	swait.ge @!p0 [sflag:s10], $0x2800  }
0x430: {  	s30 =	sadd.s32 $0x1, s30;
	s25 =	rddreg [dreg:$0x13]  }
0x431: {  	p1 =	sne.s32 s30, s25  }
.Ltmp10:
0x432: {  	_ = 	snop;
	(pc) =	sbr.rel @p1 .LBB2_1-.Ltmp10, $3  }
0x433: {  	_ =	sdelay $0x1  }
0x434: {  	[sflag:s10] =	ssyncset.done @!p0 $0x0  }
0x435: {  	s16 =	simm.s32 $0x13880;
	[sflag:s10] =	ssyncadd.s32 @!p0 $0xFFFFD800;
	s25 =	simm.s32 $0x16100  }
0x436: {  	_ =	sfence.sel $0x180000  }
0x437: {  	[bflag:$0x0] =	sbarrier.arrive $0xFFFF  }
0x438: {  	_ =	strace $0x90000047  }
0x439: {  	s0 =	stileid.u32;
	[bflag:$0x2] =	sbarrier.arrive $0xFFFF  }
0x43a: {  	p0 =	sne.s32 s0, $0x0;
	s0 =	rddreg [dreg:$0x5]  }
0x43b: {  	s0 =	sadd.s32 @!p0 $0x100000, s0  }
0x43c: {  	[sflag:s0] =	ssyncadd.tile.s32 @!p0 $0x1;
	_ =	shalt  }
.Lfunc_end2:
_tile_overlayer_lowered:
.L_overlay_start_2:
0x43d: {  	(tag) =	ssettag $0x2  }
0x43e: {  	s0 =	rddreg [dreg:$0x0];
	s2 =	stileid.u32  }
0x43f: {  	s1 =	rddreg [dreg:$0x1];
	p0 =	sne.s32 s2, $0x0  }
0x440: {  	s3 =	rddreg [dreg:$0x2];
	[bflag:$0x3] =	sbarrier.arrive $0xFFFF;
	s2 =	simm.s32 @!p0 $0x1C08  }
0x441: {  	[timem:s3], [sflag:s2] =	dma.local @!p0 [hbm:s0], s1  }
0x442: {  	s0 =	simm.s32 @!p0 $0x8  }
0x443: {  	_ =	swait.ge @!p0 [sflag:s0], s1  }
0x444: {  	s1 =	ssub.s32 @!p0 $0x0, s1;
	[sflag:s0] =	ssyncset.done @!p0 $0x0  }
0x445: {  	[sflag:s0] =	ssyncadd.s32 @!p0 s1  }
0x446: {  	[bflag:$0x3] =	sbarrier.arrive $0xFFFF  }
0x447: {  	_ =	shalt  }

</sc_bundles>
